<compile_context>
chip_gen: v7x
topology: tpu7x:2x2x1
jax: 0.10.2.dev20260603
libtpu: 0.0.44.dev20260713+nightly
codegen_flags: <defaults>
</compile_context>

<pallas_src>
import functools

import jax
import jax.numpy as jnp
from jax import lax
from jax.experimental import pallas as pl
from jax.experimental.pallas import tpu as pltpu
from jax.experimental.pallas import tpu_sc as plsc

D = 64
L = 200
B = 4096
NC, NS = 2, 16
NW = NC * NS
R = B // NW
LP = 208
NV = LP // 16


def _sc_body(x_hbm, w_hbm, b_hbm, table_hbm, out_hbm,
             idx_v, w_v, b_v, rows0, rows1, rows2, rows3, out_v,
             sem0, sem1, sem2, sem3):
    cid = lax.axis_index("c")
    sid = lax.axis_index("s")
    wid = sid * NC + cid
    base = wid * R

    pltpu.sync_copy(w_hbm, w_v)
    pltpu.sync_copy(b_hbm, b_v)
    pltpu.sync_copy(x_hbm.at[pl.ds(base, R)], idx_v)

    b_vec = b_v[pl.ds(0, 16)]
    lanes = lax.broadcasted_iota(jnp.int32, (16,), 0)

    def allreduce16(v):
        dnums = lax.GatherDimensionNumbers(
            offset_dims=(), collapsed_slice_dims=(0,), start_index_map=(0,))
        for k in (1, 2, 4, 8):
            perm = jnp.bitwise_xor(lanes, k)
            v = v + lax.gather(v, perm[:, None], dnums, slice_sizes=(1,),
                               mode=lax.GatherScatterMode.PROMISE_IN_BOUNDS)
        return v

    def fire(r, rows_buf, sem):
        for c in range(NV):
            vec = idx_v[r, pl.ds(c * 16, 16)]
            pltpu.make_async_copy(
                table_hbm.at[vec], rows_buf.at[pl.ds(c * 16, 16)], sem).start()

    def drain(r, rows_buf, sem):
        for c in range(NV):
            vec = idx_v[r, pl.ds(c * 16, 16)]
            pltpu.make_async_copy(
                table_hbm.at[vec], rows_buf.at[pl.ds(c * 16, 16)], sem).wait()

    def compute(rows_buf):
        def body_i(i, accs):
            a = list(accs)
            for k in range(4):
                rv = rows_buf[i, pl.ds(k * 16, 16)]
                wv = w_v[i, pl.ds(k * 16, 16)]
                a[k] = a[k] + rv * wv
            return tuple(a)

        init = tuple(jnp.zeros((16,), jnp.float32) for _ in range(4))
        a0, a1, a2, a3 = lax.fori_loop(0, LP, body_i, init)
        tot = (a0 + a1) + (a2 + a3)
        return allreduce16(tot) + b_vec

    bufs = (rows0, rows1, rows2, rows3)
    sems = (sem0, sem1, sem2, sem3)
    NB = 4
    for p in range(NB):
        fire(p, bufs[p], sems[p])

    def loop_body(t, vec):
        g = t * NB
        for p in range(NB):
            r = g + p
            drain(r, bufs[p], sems[p])
            s = compute(bufs[p])
            fire(lax.min(r + NB, R - 1), bufs[p], sems[p])
            vec = jnp.where(lanes == (r % 16), s, vec)

        @pl.when(t % (16 // NB) == (16 // NB) - 1)
        def _():
            out_v[pl.ds(g + NB - 16, 16)] = vec

        return vec

    lax.fori_loop(0, R // NB, loop_body, jnp.zeros((16,), jnp.float32))

    for p in range(NB):
        drain(R - 1, bufs[p], sems[p])

    pltpu.sync_copy(out_v, out_hbm.at[pl.ds(base, R)])


@functools.partial(jax.jit, static_argnames=())
def kernel(x, table, W, b):
    x2 = jnp.pad(x.astype(jnp.int32), ((0, 0), (0, LP - L)))
    w2 = jnp.pad(W.reshape(L, D).astype(jnp.float32), ((0, LP - L), (0, 0)))
    b16 = jnp.broadcast_to(b.astype(jnp.float32), (16,))

    mesh = plsc.VectorSubcoreMesh(core_axis_name="c", subcore_axis_name="s")
    call = functools.partial(
        pl.kernel,
        mesh=mesh,
        out_type=jax.ShapeDtypeStruct((B,), jnp.float32),
        compiler_params=pltpu.CompilerParams(use_tc_tiling_on_sc=False),
        scratch_types=[
            pltpu.VMEM((R, LP), jnp.int32),
            pltpu.VMEM((LP, D), jnp.float32),
            pltpu.VMEM((16,), jnp.float32),
            pltpu.VMEM((LP, D), jnp.float32),
            pltpu.VMEM((LP, D), jnp.float32),
            pltpu.VMEM((LP, D), jnp.float32),
            pltpu.VMEM((LP, D), jnp.float32),
            pltpu.VMEM((R,), jnp.float32),
            pltpu.SemaphoreType.DMA,
            pltpu.SemaphoreType.DMA,
            pltpu.SemaphoreType.DMA,
            pltpu.SemaphoreType.DMA,
        ],
    )(_sc_body)
    return call(x2, w2, b16, table)

# --- scband reference (transcript-rebuilt; emitter-appended) ---
"""Pipeline reference for scband-glo-ve-embedding-net-33217277068001 (READ-ONLY COPY).

The authoritative reference and input builder live on the scoring server;
editing this copy changes nothing except your own understanding.
"""

import jax, jax.numpy as jnp
import numpy as np

VOCAB = 1000000
EMBED_DIM = 64
SEQ_LEN = 200
BATCH = 4096

def setup_inputs(seed: int = 0) -> dict:
    key = jax.random.key(seed)
    k1, k2, k3 = jax.random.split(key, 3)
    x = jax.random.randint(k1, (BATCH, SEQ_LEN), 0, VOCAB, dtype=jnp.int64 if jax.config.jax_enable_x64 else jnp.int32)
    table = jax.random.normal(k2, (VOCAB, EMBED_DIM), dtype=jnp.float32) * 0.1
    W = jax.random.normal(k3, (1, SEQ_LEN * EMBED_DIM), dtype=jnp.float32) * (1.0 / np.sqrt(SEQ_LEN * EMBED_DIM))
    b = jnp.zeros((1,), dtype=jnp.float32)
    return {"x": x, "table": table, "W": W, "b": b}

def reference(x, table, W, b):
    # nn.Embedding lookup -> gather rows of the table
    embedded = jnp.take(table, x, axis=0)              # [B, L, D]
    flatten = embedded.reshape(-1, SEQ_LEN * EMBED_DIM)  # [B, L*D]
    out = flatten @ W.T + b                             # [B, 1]
    return jnp.squeeze(out, axis=-1)                    # [B]

if __name__ == "__main__":
    import jax
    _d = setup_inputs()
    print(jax.jit(kernel)(*tuple(_d.values())))

</pallas_src>

<mosaic_0001>
#map = affine_map<(d0, d1) -> (0, 0)>
#map1 = affine_map<(d0, d1) -> (0)>
module attributes {stable_mosaic.version = 14 : i64} {
  func.func @_sc_body(%arg0: i32, %arg1: i32, %arg2: memref<4096x208xi32, #tpu.memory_space<hbm>>, %arg3: memref<208x64xf32, #tpu.memory_space<hbm>>, %arg4: memref<16xf32, #tpu.memory_space<hbm>>, %arg5: memref<1000000x64xf32, #tpu.memory_space<hbm>>, %arg6: memref<4096xf32, #tpu.memory_space<hbm>>, %arg7: memref<128x208xi32, #tpu.memory_space<vmem>>, %arg8: memref<208x64xf32, #tpu.memory_space<vmem>>, %arg9: memref<16xf32, #tpu.memory_space<vmem>>, %arg10: memref<208x64xf32, #tpu.memory_space<vmem>>, %arg11: memref<208x64xf32, #tpu.memory_space<vmem>>, %arg12: memref<208x64xf32, #tpu.memory_space<vmem>>, %arg13: memref<208x64xf32, #tpu.memory_space<vmem>>, %arg14: memref<128xf32, #tpu.memory_space<vmem>>, %arg15: memref<!tpu.dma_semaphore, #tpu.memory_space<semaphore_mem>>, %arg16: memref<!tpu.dma_semaphore, #tpu.memory_space<semaphore_mem>>, %arg17: memref<!tpu.dma_semaphore, #tpu.memory_space<semaphore_mem>>, %arg18: memref<!tpu.dma_semaphore, #tpu.memory_space<semaphore_mem>>) attributes {dimension_semantics = [#tpu.dimension_semantics<core_parallel>, #tpu.dimension_semantics<subcore_parallel>], iteration_bounds = array<i64: 2, 16>, scalar_prefetch = 0 : i64, scratch_operands = 12 : i64, tpu.core_type = #tpu.core_type<sc_vector_subcore>, window_params = [{transform_indices = #map}, {transform_indices = #map}, {transform_indices = #map1}, {transform_indices = #map}, {transform_indices = #map1}]} {
    %mul3A = arith.constant 2 : i32
    %mul3A_0 = arith.muli %arg1, %mul3A : i32
    %add3A = arith.addi %mul3A_0, %arg0 : i32
    %mul3A_1 = arith.constant 128 : i32
    %mul3A_2 = arith.muli %add3A, %mul3A_1 : i32
    "tpu.region"() ({
      %run_scoped3A = tpu.sem_alloc : memref<!tpu.dma_semaphore, #tpu.memory_space<semaphore_mem>>
      tpu.enqueue_dma source(%arg3 : memref<208x64xf32, #tpu.memory_space<hbm>>) target(%arg8 : memref<208x64xf32, #tpu.memory_space<vmem>>) target_semaphore(%run_scoped3A : memref<!tpu.dma_semaphore, #tpu.memory_space<semaphore_mem>>)
      tpu.wait_dma2 semaphore(%run_scoped3A : memref<!tpu.dma_semaphore, #tpu.memory_space<semaphore_mem>>) src(%arg3 : memref<208x64xf32, #tpu.memory_space<hbm>>) dst(%arg8 : memref<208x64xf32, #tpu.memory_space<vmem>>)
      tpu.yield
    }) : () -> ()
    "tpu.region"() ({
      %run_scoped3A = tpu.sem_alloc : memref<!tpu.dma_semaphore, #tpu.memory_space<semaphore_mem>>
      tpu.enqueue_dma source(%arg4 : memref<16xf32, #tpu.memory_space<hbm>>) target(%arg9 : memref<16xf32, #tpu.memory_space<vmem>>) target_semaphore(%run_scoped3A : memref<!tpu.dma_semaphore, #tpu.memory_space<semaphore_mem>>)
      tpu.wait_dma2 semaphore(%run_scoped3A : memref<!tpu.dma_semaphore, #tpu.memory_space<semaphore_mem>>) src(%arg4 : memref<16xf32, #tpu.memory_space<hbm>>) dst(%arg9 : memref<16xf32, #tpu.memory_space<vmem>>)
      tpu.yield
    }) : () -> ()
    "tpu.region"() ({
      %run_scoped3A = tpu.sem_alloc : memref<!tpu.dma_semaphore, #tpu.memory_space<semaphore_mem>>
      %dma_start3A_1153 = arith.constant 0 : i32
      %dma_start3A_1154 = tpu.memref_slice %arg2[%mul3A_2, %dma_start3A_1153] : memref<4096x208xi32, #tpu.memory_space<hbm>> -> memref<128x208xi32, #tpu.memory_space<hbm>>
      %dma_start3A_1155 = arith.constant 0 : i32
      %dma_start3A_1156 = tpu.memref_slice %arg2[%mul3A_2, %dma_start3A_1155] : memref<4096x208xi32, #tpu.memory_space<hbm>> -> memref<128x208xi32, #tpu.memory_space<hbm>>
      tpu.enqueue_dma source(%dma_start3A_1156 : memref<128x208xi32, #tpu.memory_space<hbm>>) target(%arg7 : memref<128x208xi32, #tpu.memory_space<vmem>>) target_semaphore(%run_scoped3A : memref<!tpu.dma_semaphore, #tpu.memory_space<semaphore_mem>>)
      %dma_wait3A_1157 = arith.constant 0 : i32
      %dma_wait3A_1158 = tpu.memref_slice %arg2[%mul3A_2, %dma_wait3A_1157] : memref<4096x208xi32, #tpu.memory_space<hbm>> -> memref<128x208xi32, #tpu.memory_space<hbm>>
      %dma_wait3A_1159 = arith.constant 0 : i32
      %dma_wait3A_1160 = tpu.memref_slice %arg2[%mul3A_2, %dma_wait3A_1159] : memref<4096x208xi32, #tpu.memory_space<hbm>> -> memref<128x208xi32, #tpu.memory_space<hbm>>
      tpu.wait_dma2 semaphore(%run_scoped3A : memref<!tpu.dma_semaphore, #tpu.memory_space<semaphore_mem>>) src(%dma_wait3A_1160 : memref<128x208xi32, #tpu.memory_space<hbm>>) dst(%arg7 : memref<128x208xi32, #tpu.memory_space<vmem>>)
      tpu.yield
    }) : () -> ()
    %get3A = arith.constant 0 : index
    %get3A_3 = tpu.vector_load %arg9[%get3A] {strides = array<i32>} : memref<16xf32, #tpu.memory_space<vmem>>, vector<16xf32>,
    %get3A_4 = vector.shape_cast %get3A_3 : vector<16xf32> to vector<16xf32>
    %iota3A = tpu.iota {dimensions = array<i32: 0>} : vector<16xi32>
    %get3A_5 = arith.constant 0 : i32
    %get3A_6 = arith.index_cast %get3A_5 : i32 to index
    %get3A_7 = arith.constant 0 : index
    %get3A_8 = tpu.vector_load %arg7[%get3A_6, %get3A_7] {strides = array<i32>} : memref<128x208xi32, #tpu.memory_space<vmem>>, vector<1x16xi32>,
    %get3A_9 = vector.shape_cast %get3A_8 : vector<1x16xi32> to vector<16xi32>
    %dma_start3A = arith.constant 0 : i32
    %dma_start3A_10 = arith.constant 0 : i32
    %dma_start3A_11 = tpu.memref_slice %arg10[%dma_start3A, %dma_start3A_10] : memref<208x64xf32, #tpu.memory_space<vmem>> -> memref<16x64xf32, #tpu.memory_space<vmem>>
    %dma_start3A_12 = arith.constant 0 : i32
    %dma_start3A_13 = arith.constant 0 : i32
    %dma_start3A_14 = tpu.memref_slice %arg5[%dma_start3A_12, %dma_start3A_13] : memref<1000000x64xf32, #tpu.memory_space<hbm>> -> memref<1000000x64xf32, #tpu.memory_space<hbm>>
    tpu.enqueue_indirect_dma source(%dma_start3A_14 : memref<1000000x64xf32, #tpu.memory_space<hbm>>) target(%dma_start3A_11 : memref<16x64xf32, #tpu.memory_space<vmem>>) offsets(%get3A_9 : vector<16xi32>) semaphore(%arg15 : memref<!tpu.dma_semaphore, #tpu.memory_space<semaphore_mem>>)
    %get3A_15 = arith.constant 0 : i32
    %get3A_16 = arith.index_cast %get3A_15 : i32 to index
    %get3A_17 = arith.constant 16 : index
    %get3A_18 = tpu.vector_load %arg7[%get3A_16, %get3A_17] {strides = array<i32>} : memref<128x208xi32, #tpu.memory_space<vmem>>, vector<1x16xi32>,
    %get3A_19 = vector.shape_cast %get3A_18 : vector<1x16xi32> to vector<16xi32>
    %dma_start3A_20 = arith.constant 16 : i32
    %dma_start3A_21 = arith.constant 0 : i32
    %dma_start3A_22 = tpu.memref_slice %arg10[%dma_start3A_20, %dma_start3A_21] : memref<208x64xf32, #tpu.memory_space<vmem>> -> memref<16x64xf32, #tpu.memory_space<vmem>>
    %dma_start3A_23 = arith.constant 0 : i32
    %dma_start3A_24 = arith.constant 0 : i32
    %dma_start3A_25 = tpu.memref_slice %arg5[%dma_start3A_23, %dma_start3A_24] : memref<1000000x64xf32, #tpu.memory_space<hbm>> -> memref<1000000x64xf32, #tpu.memory_space<hbm>>
    tpu.enqueue_indirect_dma source(%dma_start3A_25 : memref<1000000x64xf32, #tpu.memory_space<hbm>>) target(%dma_start3A_22 : memref<16x64xf32, #tpu.memory_space<vmem>>) offsets(%get3A_19 : vector<16xi32>) semaphore(%arg15 : memref<!tpu.dma_semaphore, #tpu.memory_space<semaphore_mem>>)
    %get3A_26 = arith.constant 0 : i32
    %get3A_27 = arith.index_cast %get3A_26 : i32 to index
    %get3A_28 = arith.constant 32 : index
    %get3A_29 = tpu.vector_load %arg7[%get3A_27, %get3A_28] {strides = array<i32>} : memref<128x208xi32, #tpu.memory_space<vmem>>, vector<1x16xi32>,
    %get3A_30 = vector.shape_cast %get3A_29 : vector<1x16xi32> to vector<16xi32>
    %dma_start3A_31 = arith.constant 32 : i32
    %dma_start3A_32 = arith.constant 0 : i32
    %dma_start3A_33 = tpu.memref_slice %arg10[%dma_start3A_31, %dma_start3A_32] : memref<208x64xf32, #tpu.memory_space<vmem>> -> memref<16x64xf32, #tpu.memory_space<vmem>>
    %dma_start3A_34 = arith.constant 0 : i32
    %dma_start3A_35 = arith.constant 0 : i32
    %dma_start3A_36 = tpu.memref_slice %arg5[%dma_start3A_34, %dma_start3A_35] : memref<1000000x64xf32, #tpu.memory_space<hbm>> -> memref<1000000x64xf32, #tpu.memory_space<hbm>>
    tpu.enqueue_indirect_dma source(%dma_start3A_36 : memref<1000000x64xf32, #tpu.memory_space<hbm>>) target(%dma_start3A_33 : memref<16x64xf32, #tpu.memory_space<vmem>>) offsets(%get3A_30 : vector<16xi32>) semaphore(%arg15 : memref<!tpu.dma_semaphore, #tpu.memory_space<semaphore_mem>>)
    %get3A_37 = arith.constant 0 : i32
    %get3A_38 = arith.index_cast %get3A_37 : i32 to index
    %get3A_39 = arith.constant 48 : index
    %get3A_40 = tpu.vector_load %arg7[%get3A_38, %get3A_39] {strides = array<i32>} : memref<128x208xi32, #tpu.memory_space<vmem>>, vector<1x16xi32>,
    %get3A_41 = vector.shape_cast %get3A_40 : vector<1x16xi32> to vector<16xi32>
    %dma_start3A_42 = arith.constant 48 : i32
    %dma_start3A_43 = arith.constant 0 : i32
    %dma_start3A_44 = tpu.memref_slice %arg10[%dma_start3A_42, %dma_start3A_43] : memref<208x64xf32, #tpu.memory_space<vmem>> -> memref<16x64xf32, #tpu.memory_space<vmem>>
    %dma_start3A_45 = arith.constant 0 : i32
    %dma_start3A_46 = arith.constant 0 : i32
    %dma_start3A_47 = tpu.memref_slice %arg5[%dma_start3A_45, %dma_start3A_46] : memref<1000000x64xf32, #tpu.memory_space<hbm>> -> memref<1000000x64xf32, #tpu.memory_space<hbm>>
    tpu.enqueue_indirect_dma source(%dma_start3A_47 : memref<1000000x64xf32, #tpu.memory_space<hbm>>) target(%dma_start3A_44 : memref<16x64xf32, #tpu.memory_space<vmem>>) offsets(%get3A_41 : vector<16xi32>) semaphore(%arg15 : memref<!tpu.dma_semaphore, #tpu.memory_space<semaphore_mem>>)
    %get3A_48 = arith.constant 0 : i32
    %get3A_49 = arith.index_cast %get3A_48 : i32 to index
    %get3A_50 = arith.constant 64 : index
    %get3A_51 = tpu.vector_load %arg7[%get3A_49, %get3A_50] {strides = array<i32>} : memref<128x208xi32, #tpu.memory_space<vmem>>, vector<1x16xi32>,
    %get3A_52 = vector.shape_cast %get3A_51 : vector<1x16xi32> to vector<16xi32>
    %dma_start3A_53 = arith.constant 64 : i32
    %dma_start3A_54 = arith.constant 0 : i32
    %dma_start3A_55 = tpu.memref_slice %arg10[%dma_start3A_53, %dma_start3A_54] : memref<208x64xf32, #tpu.memory_space<vmem>> -> memref<16x64xf32, #tpu.memory_space<vmem>>
    %dma_start3A_56 = arith.constant 0 : i32
    %dma_start3A_57 = arith.constant 0 : i32
    %dma_start3A_58 = tpu.memref_slice %arg5[%dma_start3A_56, %dma_start3A_57] : memref<1000000x64xf32, #tpu.memory_space<hbm>> -> memref<1000000x64xf32, #tpu.memory_space<hbm>>
    tpu.enqueue_indirect_dma source(%dma_start3A_58 : memref<1000000x64xf32, #tpu.memory_space<hbm>>) target(%dma_start3A_55 : memref<16x64xf32, #tpu.memory_space<vmem>>) offsets(%get3A_52 : vector<16xi32>) semaphore(%arg15 : memref<!tpu.dma_semaphore, #tpu.memory_space<semaphore_mem>>)
    %get3A_59 = arith.constant 0 : i32
    %get3A_60 = arith.index_cast %get3A_59 : i32 to index
    %get3A_61 = arith.constant 80 : index
    %get3A_62 = tpu.vector_load %arg7[%get3A_60, %get3A_61] {strides = array<i32>} : memref<128x208xi32, #tpu.memory_space<vmem>>, vector<1x16xi32>,
    %get3A_63 = vector.shape_cast %get3A_62 : vector<1x16xi32> to vector<16xi32>
    %dma_start3A_64 = arith.constant 80 : i32
    %dma_start3A_65 = arith.constant 0 : i32
    %dma_start3A_66 = tpu.memref_slice %arg10[%dma_start3A_64, %dma_start3A_65] : memref<208x64xf32, #tpu.memory_space<vmem>> -> memref<16x64xf32, #tpu.memory_space<vmem>>
    %dma_start3A_67 = arith.constant 0 : i32
    %dma_start3A_68 = arith.constant 0 : i32
    %dma_start3A_69 = tpu.memref_slice %arg5[%dma_start3A_67, %dma_start3A_68] : memref<1000000x64xf32, #tpu.memory_space<hbm>> -> memref<1000000x64xf32, #tpu.memory_space<hbm>>
    tpu.enqueue_indirect_dma source(%dma_start3A_69 : memref<1000000x64xf32, #tpu.memory_space<hbm>>) target(%dma_start3A_66 : memref<16x64xf32, #tpu.memory_space<vmem>>) offsets(%get3A_63 : vector<16xi32>) semaphore(%arg15 : memref<!tpu.dma_semaphore, #tpu.memory_space<semaphore_mem>>)
    %get3A_70 = arith.constant 0 : i32
    %get3A_71 = arith.index_cast %get3A_70 : i32 to index
    %get3A_72 = arith.constant 96 : index
    %get3A_73 = tpu.vector_load %arg7[%get3A_71, %get3A_72] {strides = array<i32>} : memref<128x208xi32, #tpu.memory_space<vmem>>, vector<1x16xi32>,
    %get3A_74 = vector.shape_cast %get3A_73 : vector<1x16xi32> to vector<16xi32>
    %dma_start3A_75 = arith.constant 96 : i32
    %dma_start3A_76 = arith.constant 0 : i32
    %dma_start3A_77 = tpu.memref_slice %arg10[%dma_start3A_75, %dma_start3A_76] : memref<208x64xf32, #tpu.memory_space<vmem>> -> memref<16x64xf32, #tpu.memory_space<vmem>>
    %dma_start3A_78 = arith.constant 0 : i32
    %dma_start3A_79 = arith.constant 0 : i32
    %dma_start3A_80 = tpu.memref_slice %arg5[%dma_start3A_78, %dma_start3A_79] : memref<1000000x64xf32, #tpu.memory_space<hbm>> -> memref<1000000x64xf32, #tpu.memory_space<hbm>>
    tpu.enqueue_indirect_dma source(%dma_start3A_80 : memref<1000000x64xf32, #tpu.memory_space<hbm>>) target(%dma_start3A_77 : memref<16x64xf32, #tpu.memory_space<vmem>>) offsets(%get3A_74 : vector<16xi32>) semaphore(%arg15 : memref<!tpu.dma_semaphore, #tpu.memory_space<semaphore_mem>>)
    %get3A_81 = arith.constant 0 : i32
    %get3A_82 = arith.index_cast %get3A_81 : i32 to index
    %get3A_83 = arith.constant 112 : index
    %get3A_84 = tpu.vector_load %arg7[%get3A_82, %get3A_83] {strides = array<i32>} : memref<128x208xi32, #tpu.memory_space<vmem>>, vector<1x16xi32>,
    %get3A_85 = vector.shape_cast %get3A_84 : vector<1x16xi32> to vector<16xi32>
    %dma_start3A_86 = arith.constant 112 : i32
    %dma_start3A_87 = arith.constant 0 : i32
    %dma_start3A_88 = tpu.memref_slice %arg10[%dma_start3A_86, %dma_start3A_87] : memref<208x64xf32, #tpu.memory_space<vmem>> -> memref<16x64xf32, #tpu.memory_space<vmem>>
    %dma_start3A_89 = arith.constant 0 : i32
    %dma_start3A_90 = arith.constant 0 : i32
    %dma_start3A_91 = tpu.memref_slice %arg5[%dma_start3A_89, %dma_start3A_90] : memref<1000000x64xf32, #tpu.memory_space<hbm>> -> memref<1000000x64xf32, #tpu.memory_space<hbm>>
    tpu.enqueue_indirect_dma source(%dma_start3A_91 : memref<1000000x64xf32, #tpu.memory_space<hbm>>) target(%dma_start3A_88 : memref<16x64xf32, #tpu.memory_space<vmem>>) offsets(%get3A_85 : vector<16xi32>) semaphore(%arg15 : memref<!tpu.dma_semaphore, #tpu.memory_space<semaphore_mem>>)
    %get3A_92 = arith.constant 0 : i32
    %get3A_93 = arith.index_cast %get3A_92 : i32 to index
    %get3A_94 = arith.constant 128 : index
    %get3A_95 = tpu.vector_load %arg7[%get3A_93, %get3A_94] {strides = array<i32>} : memref<128x208xi32, #tpu.memory_space<vmem>>, vector<1x16xi32>,
    %get3A_96 = vector.shape_cast %get3A_95 : vector<1x16xi32> to vector<16xi32>
    %dma_start3A_97 = arith.constant 128 : i32
    %dma_start3A_98 = arith.constant 0 : i32
    %dma_start3A_99 = tpu.memref_slice %arg10[%dma_start3A_97, %dma_start3A_98] : memref<208x64xf32, #tpu.memory_space<vmem>> -> memref<16x64xf32, #tpu.memory_space<vmem>>
    %dma_start3A_100 = arith.constant 0 : i32
    %dma_start3A_101 = arith.constant 0 : i32
    %dma_start3A_102 = tpu.memref_slice %arg5[%dma_start3A_100, %dma_start3A_101] : memref<1000000x64xf32, #tpu.memory_space<hbm>> -> memref<1000000x64xf32, #tpu.memory_space<hbm>>
    tpu.enqueue_indirect_dma source(%dma_start3A_102 : memref<1000000x64xf32, #tpu.memory_space<hbm>>) target(%dma_start3A_99 : memref<16x64xf32, #tpu.memory_space<vmem>>) offsets(%get3A_96 : vector<16xi32>) semaphore(%arg15 : memref<!tpu.dma_semaphore, #tpu.memory_space<semaphore_mem>>)
    %get3A_103 = arith.constant 0 : i32
    %get3A_104 = arith.index_cast %get3A_103 : i32 to index
    %get3A_105 = arith.constant 144 : index
    %get3A_106 = tpu.vector_load %arg7[%get3A_104, %get3A_105] {strides = array<i32>} : memref<128x208xi32, #tpu.memory_space<vmem>>, vector<1x16xi32>,
    %get3A_107 = vector.shape_cast %get3A_106 : vector<1x16xi32> to vector<16xi32>
    %dma_start3A_108 = arith.constant 144 : i32
    %dma_start3A_109 = arith.constant 0 : i32
    %dma_start3A_110 = tpu.memref_slice %arg10[%dma_start3A_108, %dma_start3A_109] : memref<208x64xf32, #tpu.memory_space<vmem>> -> memref<16x64xf32, #tpu.memory_space<vmem>>
    %dma_start3A_111 = arith.constant 0 : i32
    %dma_start3A_112 = arith.constant 0 : i32
    %dma_start3A_113 = tpu.memref_slice %arg5[%dma_start3A_111, %dma_start3A_112] : memref<1000000x64xf32, #tpu.memory_space<hbm>> -> memref<1000000x64xf32, #tpu.memory_space<hbm>>
    tpu.enqueue_indirect_dma source(%dma_start3A_113 : memref<1000000x64xf32, #tpu.memory_space<hbm>>) target(%dma_start3A_110 : memref<16x64xf32, #tpu.memory_space<vmem>>) offsets(%get3A_107 : vector<16xi32>) semaphore(%arg15 : memref<!tpu.dma_semaphore, #tpu.memory_space<semaphore_mem>>)
    %get3A_114 = arith.constant 0 : i32
    %get3A_115 = arith.index_cast %get3A_114 : i32 to index
    %get3A_116 = arith.constant 160 : index
    %get3A_117 = tpu.vector_load %arg7[%get3A_115, %get3A_116] {strides = array<i32>} : memref<128x208xi32, #tpu.memory_space<vmem>>, vector<1x16xi32>,
    %get3A_118 = vector.shape_cast %get3A_117 : vector<1x16xi32> to vector<16xi32>
    %dma_start3A_119 = arith.constant 160 : i32
    %dma_start3A_120 = arith.constant 0 : i32
    %dma_start3A_121 = tpu.memref_slice %arg10[%dma_start3A_119, %dma_start3A_120] : memref<208x64xf32, #tpu.memory_space<vmem>> -> memref<16x64xf32, #tpu.memory_space<vmem>>
    %dma_start3A_122 = arith.constant 0 : i32
    %dma_start3A_123 = arith.constant 0 : i32
    %dma_start3A_124 = tpu.memref_slice %arg5[%dma_start3A_122, %dma_start3A_123] : memref<1000000x64xf32, #tpu.memory_space<hbm>> -> memref<1000000x64xf32, #tpu.memory_space<hbm>>
    tpu.enqueue_indirect_dma source(%dma_start3A_124 : memref<1000000x64xf32, #tpu.memory_space<hbm>>) target(%dma_start3A_121 : memref<16x64xf32, #tpu.memory_space<vmem>>) offsets(%get3A_118 : vector<16xi32>) semaphore(%arg15 : memref<!tpu.dma_semaphore, #tpu.memory_space<semaphore_mem>>)
    %get3A_125 = arith.constant 0 : i32
    %get3A_126 = arith.index_cast %get3A_125 : i32 to index
    %get3A_127 = arith.constant 176 : index
    %get3A_128 = tpu.vector_load %arg7[%get3A_126, %get3A_127] {strides = array<i32>} : memref<128x208xi32, #tpu.memory_space<vmem>>, vector<1x16xi32>,
    %get3A_129 = vector.shape_cast %get3A_128 : vector<1x16xi32> to vector<16xi32>
    %dma_start3A_130 = arith.constant 176 : i32
    %dma_start3A_131 = arith.constant 0 : i32
    %dma_start3A_132 = tpu.memref_slice %arg10[%dma_start3A_130, %dma_start3A_131] : memref<208x64xf32, #tpu.memory_space<vmem>> -> memref<16x64xf32, #tpu.memory_space<vmem>>
    %dma_start3A_133 = arith.constant 0 : i32
    %dma_start3A_134 = arith.constant 0 : i32
    %dma_start3A_135 = tpu.memref_slice %arg5[%dma_start3A_133, %dma_start3A_134] : memref<1000000x64xf32, #tpu.memory_space<hbm>> -> memref<1000000x64xf32, #tpu.memory_space<hbm>>
    tpu.enqueue_indirect_dma source(%dma_start3A_135 : memref<1000000x64xf32, #tpu.memory_space<hbm>>) target(%dma_start3A_132 : memref<16x64xf32, #tpu.memory_space<vmem>>) offsets(%get3A_129 : vector<16xi32>) semaphore(%arg15 : memref<!tpu.dma_semaphore, #tpu.memory_space<semaphore_mem>>)
    %get3A_136 = arith.constant 0 : i32
    %get3A_137 = arith.index_cast %get3A_136 : i32 to index
    %get3A_138 = arith.constant 192 : index
    %get3A_139 = tpu.vector_load %arg7[%get3A_137, %get3A_138] {strides = array<i32>} : memref<128x208xi32, #tpu.memory_space<vmem>>, vector<1x16xi32>,
    %get3A_140 = vector.shape_cast %get3A_139 : vector<1x16xi32> to vector<16xi32>
    %dma_start3A_141 = arith.constant 192 : i32
    %dma_start3A_142 = arith.constant 0 : i32
    %dma_start3A_143 = tpu.memref_slice %arg10[%dma_start3A_141, %dma_start3A_142] : memref<208x64xf32, #tpu.memory_space<vmem>> -> memref<16x64xf32, #tpu.memory_space<vmem>>
    %dma_start3A_144 = arith.constant 0 : i32
    %dma_start3A_145 = arith.constant 0 : i32
    %dma_start3A_146 = tpu.memref_slice %arg5[%dma_start3A_144, %dma_start3A_145] : memref<1000000x64xf32, #tpu.memory_space<hbm>> -> memref<1000000x64xf32, #tpu.memory_space<hbm>>
    tpu.enqueue_indirect_dma source(%dma_start3A_146 : memref<1000000x64xf32, #tpu.memory_space<hbm>>) target(%dma_start3A_143 : memref<16x64xf32, #tpu.memory_space<vmem>>) offsets(%get3A_140 : vector<16xi32>) semaphore(%arg15 : memref<!tpu.dma_semaphore, #tpu.memory_space<semaphore_mem>>)
    %get3A_147 = arith.constant 1 : i32
    %get3A_148 = arith.index_cast %get3A_147 : i32 to index
    %get3A_149 = arith.constant 0 : index
    %get3A_150 = tpu.vector_load %arg7[%get3A_148, %get3A_149] {strides = array<i32>} : memref<128x208xi32, #tpu.memory_space<vmem>>, vector<1x16xi32>,
    %get3A_151 = vector.shape_cast %get3A_150 : vector<1x16xi32> to vector<16xi32>
    %dma_start3A_152 = arith.constant 0 : i32
    %dma_start3A_153 = arith.constant 0 : i32
    %dma_start3A_154 = tpu.memref_slice %arg11[%dma_start3A_152, %dma_start3A_153] : memref<208x64xf32, #tpu.memory_space<vmem>> -> memref<16x64xf32, #tpu.memory_space<vmem>>
    %dma_start3A_155 = arith.constant 0 : i32
    %dma_start3A_156 = arith.constant 0 : i32
    %dma_start3A_157 = tpu.memref_slice %arg5[%dma_start3A_155, %dma_start3A_156] : memref<1000000x64xf32, #tpu.memory_space<hbm>> -> memref<1000000x64xf32, #tpu.memory_space<hbm>>
    tpu.enqueue_indirect_dma source(%dma_start3A_157 : memref<1000000x64xf32, #tpu.memory_space<hbm>>) target(%dma_start3A_154 : memref<16x64xf32, #tpu.memory_space<vmem>>) offsets(%get3A_151 : vector<16xi32>) semaphore(%arg16 : memref<!tpu.dma_semaphore, #tpu.memory_space<semaphore_mem>>)
    %get3A_158 = arith.constant 1 : i32
    %get3A_159 = arith.index_cast %get3A_158 : i32 to index
    %get3A_160 = arith.constant 16 : index
    %get3A_161 = tpu.vector_load %arg7[%get3A_159, %get3A_160] {strides = array<i32>} : memref<128x208xi32, #tpu.memory_space<vmem>>, vector<1x16xi32>,
    %get3A_162 = vector.shape_cast %get3A_161 : vector<1x16xi32> to vector<16xi32>
    %dma_start3A_163 = arith.constant 16 : i32
    %dma_start3A_164 = arith.constant 0 : i32
    %dma_start3A_165 = tpu.memref_slice %arg11[%dma_start3A_163, %dma_start3A_164] : memref<208x64xf32, #tpu.memory_space<vmem>> -> memref<16x64xf32, #tpu.memory_space<vmem>>
    %dma_start3A_166 = arith.constant 0 : i32
    %dma_start3A_167 = arith.constant 0 : i32
    %dma_start3A_168 = tpu.memref_slice %arg5[%dma_start3A_166, %dma_start3A_167] : memref<1000000x64xf32, #tpu.memory_space<hbm>> -> memref<1000000x64xf32, #tpu.memory_space<hbm>>
    tpu.enqueue_indirect_dma source(%dma_start3A_168 : memref<1000000x64xf32, #tpu.memory_space<hbm>>) target(%dma_start3A_165 : memref<16x64xf32, #tpu.memory_space<vmem>>) offsets(%get3A_162 : vector<16xi32>) semaphore(%arg16 : memref<!tpu.dma_semaphore, #tpu.memory_space<semaphore_mem>>)
    %get3A_169 = arith.constant 1 : i32
    %get3A_170 = arith.index_cast %get3A_169 : i32 to index
    %get3A_171 = arith.constant 32 : index
    %get3A_172 = tpu.vector_load %arg7[%get3A_170, %get3A_171] {strides = array<i32>} : memref<128x208xi32, #tpu.memory_space<vmem>>, vector<1x16xi32>,
    %get3A_173 = vector.shape_cast %get3A_172 : vector<1x16xi32> to vector<16xi32>
    %dma_start3A_174 = arith.constant 32 : i32
    %dma_start3A_175 = arith.constant 0 : i32
    %dma_start3A_176 = tpu.memref_slice %arg11[%dma_start3A_174, %dma_start3A_175] : memref<208x64xf32, #tpu.memory_space<vmem>> -> memref<16x64xf32, #tpu.memory_space<vmem>>
    %dma_start3A_177 = arith.constant 0 : i32
    %dma_start3A_178 = arith.constant 0 : i32
    %dma_start3A_179 = tpu.memref_slice %arg5[%dma_start3A_177, %dma_start3A_178] : memref<1000000x64xf32, #tpu.memory_space<hbm>> -> memref<1000000x64xf32, #tpu.memory_space<hbm>>
    tpu.enqueue_indirect_dma source(%dma_start3A_179 : memref<1000000x64xf32, #tpu.memory_space<hbm>>) target(%dma_start3A_176 : memref<16x64xf32, #tpu.memory_space<vmem>>) offsets(%get3A_173 : vector<16xi32>) semaphore(%arg16 : memref<!tpu.dma_semaphore, #tpu.memory_space<semaphore_mem>>)
    %get3A_180 = arith.constant 1 : i32
    %get3A_181 = arith.index_cast %get3A_180 : i32 to index
    %get3A_182 = arith.constant 48 : index
    %get3A_183 = tpu.vector_load %arg7[%get3A_181, %get3A_182] {strides = array<i32>} : memref<128x208xi32, #tpu.memory_space<vmem>>, vector<1x16xi32>,
    %get3A_184 = vector.shape_cast %get3A_183 : vector<1x16xi32> to vector<16xi32>
    %dma_start3A_185 = arith.constant 48 : i32
    %dma_start3A_186 = arith.constant 0 : i32
    %dma_start3A_187 = tpu.memref_slice %arg11[%dma_start3A_185, %dma_start3A_186] : memref<208x64xf32, #tpu.memory_space<vmem>> -> memref<16x64xf32, #tpu.memory_space<vmem>>
    %dma_start3A_188 = arith.constant 0 : i32
    %dma_start3A_189 = arith.constant 0 : i32
    %dma_start3A_190 = tpu.memref_slice %arg5[%dma_start3A_188, %dma_start3A_189] : memref<1000000x64xf32, #tpu.memory_space<hbm>> -> memref<1000000x64xf32, #tpu.memory_space<hbm>>
    tpu.enqueue_indirect_dma source(%dma_start3A_190 : memref<1000000x64xf32, #tpu.memory_space<hbm>>) target(%dma_start3A_187 : memref<16x64xf32, #tpu.memory_space<vmem>>) offsets(%get3A_184 : vector<16xi32>) semaphore(%arg16 : memref<!tpu.dma_semaphore, #tpu.memory_space<semaphore_mem>>)
    %get3A_191 = arith.constant 1 : i32
    %get3A_192 = arith.index_cast %get3A_191 : i32 to index
    %get3A_193 = arith.constant 64 : index
    %get3A_194 = tpu.vector_load %arg7[%get3A_192, %get3A_193] {strides = array<i32>} : memref<128x208xi32, #tpu.memory_space<vmem>>, vector<1x16xi32>,
    %get3A_195 = vector.shape_cast %get3A_194 : vector<1x16xi32> to vector<16xi32>
    %dma_start3A_196 = arith.constant 64 : i32
    %dma_start3A_197 = arith.constant 0 : i32
    %dma_start3A_198 = tpu.memref_slice %arg11[%dma_start3A_196, %dma_start3A_197] : memref<208x64xf32, #tpu.memory_space<vmem>> -> memref<16x64xf32, #tpu.memory_space<vmem>>
    %dma_start3A_199 = arith.constant 0 : i32
    %dma_start3A_200 = arith.constant 0 : i32
    %dma_start3A_201 = tpu.memref_slice %arg5[%dma_start3A_199, %dma_start3A_200] : memref<1000000x64xf32, #tpu.memory_space<hbm>> -> memref<1000000x64xf32, #tpu.memory_space<hbm>>
    tpu.enqueue_indirect_dma source(%dma_start3A_201 : memref<1000000x64xf32, #tpu.memory_space<hbm>>) target(%dma_start3A_198 : memref<16x64xf32, #tpu.memory_space<vmem>>) offsets(%get3A_195 : vector<16xi32>) semaphore(%arg16 : memref<!tpu.dma_semaphore, #tpu.memory_space<semaphore_mem>>)
    %get3A_202 = arith.constant 1 : i32
    %get3A_203 = arith.index_cast %get3A_202 : i32 to index
    %get3A_204 = arith.constant 80 : index
    %get3A_205 = tpu.vector_load %arg7[%get3A_203, %get3A_204] {strides = array<i32>} : memref<128x208xi32, #tpu.memory_space<vmem>>, vector<1x16xi32>,
    %get3A_206 = vector.shape_cast %get3A_205 : vector<1x16xi32> to vector<16xi32>
    %dma_start3A_207 = arith.constant 80 : i32
    %dma_start3A_208 = arith.constant 0 : i32
    %dma_start3A_209 = tpu.memref_slice %arg11[%dma_start3A_207, %dma_start3A_208] : memref<208x64xf32, #tpu.memory_space<vmem>> -> memref<16x64xf32, #tpu.memory_space<vmem>>
    %dma_start3A_210 = arith.constant 0 : i32
    %dma_start3A_211 = arith.constant 0 : i32
    %dma_start3A_212 = tpu.memref_slice %arg5[%dma_start3A_210, %dma_start3A_211] : memref<1000000x64xf32, #tpu.memory_space<hbm>> -> memref<1000000x64xf32, #tpu.memory_space<hbm>>
    tpu.enqueue_indirect_dma source(%dma_start3A_212 : memref<1000000x64xf32, #tpu.memory_space<hbm>>) target(%dma_start3A_209 : memref<16x64xf32, #tpu.memory_space<vmem>>) offsets(%get3A_206 : vector<16xi32>) semaphore(%arg16 : memref<!tpu.dma_semaphore, #tpu.memory_space<semaphore_mem>>)
    %get3A_213 = arith.constant 1 : i32
    %get3A_214 = arith.index_cast %get3A_213 : i32 to index
    %get3A_215 = arith.constant 96 : index
    %get3A_216 = tpu.vector_load %arg7[%get3A_214, %get3A_215] {strides = array<i32>} : memref<128x208xi32, #tpu.memory_space<vmem>>, vector<1x16xi32>,
    %get3A_217 = vector.shape_cast %get3A_216 : vector<1x16xi32> to vector<16xi32>
    %dma_start3A_218 = arith.constant 96 : i32
    %dma_start3A_219 = arith.constant 0 : i32
    %dma_start3A_220 = tpu.memref_slice %arg11[%dma_start3A_218, %dma_start3A_219] : memref<208x64xf32, #tpu.memory_space<vmem>> -> memref<16x64xf32, #tpu.memory_space<vmem>>
    %dma_start3A_221 = arith.constant 0 : i32
    %dma_start3A_222 = arith.constant 0 : i32
    %dma_start3A_223 = tpu.memref_slice %arg5[%dma_start3A_221, %dma_start3A_222] : memref<1000000x64xf32, #tpu.memory_space<hbm>> -> memref<1000000x64xf32, #tpu.memory_space<hbm>>
    tpu.enqueue_indirect_dma source(%dma_start3A_223 : memref<1000000x64xf32, #tpu.memory_space<hbm>>) target(%dma_start3A_220 : memref<16x64xf32, #tpu.memory_space<vmem>>) offsets(%get3A_217 : vector<16xi32>) semaphore(%arg16 : memref<!tpu.dma_semaphore, #tpu.memory_space<semaphore_mem>>)
    %get3A_224 = arith.constant 1 : i32
    %get3A_225 = arith.index_cast %get3A_224 : i32 to index
    %get3A_226 = arith.constant 112 : index
    %get3A_227 = tpu.vector_load %arg7[%get3A_225, %get3A_226] {strides = array<i32>} : memref<128x208xi32, #tpu.memory_space<vmem>>, vector<1x16xi32>,
    %get3A_228 = vector.shape_cast %get3A_227 : vector<1x16xi32> to vector<16xi32>
    %dma_start3A_229 = arith.constant 112 : i32
    %dma_start3A_230 = arith.constant 0 : i32
    %dma_start3A_231 = tpu.memref_slice %arg11[%dma_start3A_229, %dma_start3A_230] : memref<208x64xf32, #tpu.memory_space<vmem>> -> memref<16x64xf32, #tpu.memory_space<vmem>>
    %dma_start3A_232 = arith.constant 0 : i32
    %dma_start3A_233 = arith.constant 0 : i32
    %dma_start3A_234 = tpu.memref_slice %arg5[%dma_start3A_232, %dma_start3A_233] : memref<1000000x64xf32, #tpu.memory_space<hbm>> -> memref<1000000x64xf32, #tpu.memory_space<hbm>>
    tpu.enqueue_indirect_dma source(%dma_start3A_234 : memref<1000000x64xf32, #tpu.memory_space<hbm>>) target(%dma_start3A_231 : memref<16x64xf32, #tpu.memory_space<vmem>>) offsets(%get3A_228 : vector<16xi32>) semaphore(%arg16 : memref<!tpu.dma_semaphore, #tpu.memory_space<semaphore_mem>>)
    %get3A_235 = arith.constant 1 : i32
    %get3A_236 = arith.index_cast %get3A_235 : i32 to index
    %get3A_237 = arith.constant 128 : index
    %get3A_238 = tpu.vector_load %arg7[%get3A_236, %get3A_237] {strides = array<i32>} : memref<128x208xi32, #tpu.memory_space<vmem>>, vector<1x16xi32>,
    %get3A_239 = vector.shape_cast %get3A_238 : vector<1x16xi32> to vector<16xi32>
    %dma_start3A_240 = arith.constant 128 : i32
    %dma_start3A_241 = arith.constant 0 : i32
    %dma_start3A_242 = tpu.memref_slice %arg11[%dma_start3A_240, %dma_start3A_241] : memref<208x64xf32, #tpu.memory_space<vmem>> -> memref<16x64xf32, #tpu.memory_space<vmem>>
    %dma_start3A_243 = arith.constant 0 : i32
    %dma_start3A_244 = arith.constant 0 : i32
    %dma_start3A_245 = tpu.memref_slice %arg5[%dma_start3A_243, %dma_start3A_244] : memref<1000000x64xf32, #tpu.memory_space<hbm>> -> memref<1000000x64xf32, #tpu.memory_space<hbm>>
    tpu.enqueue_indirect_dma source(%dma_start3A_245 : memref<1000000x64xf32, #tpu.memory_space<hbm>>) target(%dma_start3A_242 : memref<16x64xf32, #tpu.memory_space<vmem>>) offsets(%get3A_239 : vector<16xi32>) semaphore(%arg16 : memref<!tpu.dma_semaphore, #tpu.memory_space<semaphore_mem>>)
    %get3A_246 = arith.constant 1 : i32
    %get3A_247 = arith.index_cast %get3A_246 : i32 to index
    %get3A_248 = arith.constant 144 : index
    %get3A_249 = tpu.vector_load %arg7[%get3A_247, %get3A_248] {strides = array<i32>} : memref<128x208xi32, #tpu.memory_space<vmem>>, vector<1x16xi32>,
    %get3A_250 = vector.shape_cast %get3A_249 : vector<1x16xi32> to vector<16xi32>
    %dma_start3A_251 = arith.constant 144 : i32
    %dma_start3A_252 = arith.constant 0 : i32
    %dma_start3A_253 = tpu.memref_slice %arg11[%dma_start3A_251, %dma_start3A_252] : memref<208x64xf32, #tpu.memory_space<vmem>> -> memref<16x64xf32, #tpu.memory_space<vmem>>
    %dma_start3A_254 = arith.constant 0 : i32
    %dma_start3A_255 = arith.constant 0 : i32
    %dma_start3A_256 = tpu.memref_slice %arg5[%dma_start3A_254, %dma_start3A_255] : memref<1000000x64xf32, #tpu.memory_space<hbm>> -> memref<1000000x64xf32, #tpu.memory_space<hbm>>
    tpu.enqueue_indirect_dma source(%dma_start3A_256 : memref<1000000x64xf32, #tpu.memory_space<hbm>>) target(%dma_start3A_253 : memref<16x64xf32, #tpu.memory_space<vmem>>) offsets(%get3A_250 : vector<16xi32>) semaphore(%arg16 : memref<!tpu.dma_semaphore, #tpu.memory_space<semaphore_mem>>)
    %get3A_257 = arith.constant 1 : i32
    %get3A_258 = arith.index_cast %get3A_257 : i32 to index
    %get3A_259 = arith.constant 160 : index
    %get3A_260 = tpu.vector_load %arg7[%get3A_258, %get3A_259] {strides = array<i32>} : memref<128x208xi32, #tpu.memory_space<vmem>>, vector<1x16xi32>,
    %get3A_261 = vector.shape_cast %get3A_260 : vector<1x16xi32> to vector<16xi32>
    %dma_start3A_262 = arith.constant 160 : i32
    %dma_start3A_263 = arith.constant 0 : i32
    %dma_start3A_264 = tpu.memref_slice %arg11[%dma_start3A_262, %dma_start3A_263] : memref<208x64xf32, #tpu.memory_space<vmem>> -> memref<16x64xf32, #tpu.memory_space<vmem>>
    %dma_start3A_265 = arith.constant 0 : i32
    %dma_start3A_266 = arith.constant 0 : i32
    %dma_start3A_267 = tpu.memref_slice %arg5[%dma_start3A_265, %dma_start3A_266] : memref<1000000x64xf32, #tpu.memory_space<hbm>> -> memref<1000000x64xf32, #tpu.memory_space<hbm>>
    tpu.enqueue_indirect_dma source(%dma_start3A_267 : memref<1000000x64xf32, #tpu.memory_space<hbm>>) target(%dma_start3A_264 : memref<16x64xf32, #tpu.memory_space<vmem>>) offsets(%get3A_261 : vector<16xi32>) semaphore(%arg16 : memref<!tpu.dma_semaphore, #tpu.memory_space<semaphore_mem>>)
    %get3A_268 = arith.constant 1 : i32
    %get3A_269 = arith.index_cast %get3A_268 : i32 to index
    %get3A_270 = arith.constant 176 : index
    %get3A_271 = tpu.vector_load %arg7[%get3A_269, %get3A_270] {strides = array<i32>} : memref<128x208xi32, #tpu.memory_space<vmem>>, vector<1x16xi32>,
    %get3A_272 = vector.shape_cast %get3A_271 : vector<1x16xi32> to vector<16xi32>
    %dma_start3A_273 = arith.constant 176 : i32
    %dma_start3A_274 = arith.constant 0 : i32
    %dma_start3A_275 = tpu.memref_slice %arg11[%dma_start3A_273, %dma_start3A_274] : memref<208x64xf32, #tpu.memory_space<vmem>> -> memref<16x64xf32, #tpu.memory_space<vmem>>
    %dma_start3A_276 = arith.constant 0 : i32
    %dma_start3A_277 = arith.constant 0 : i32
    %dma_start3A_278 = tpu.memref_slice %arg5[%dma_start3A_276, %dma_start3A_277] : memref<1000000x64xf32, #tpu.memory_space<hbm>> -> memref<1000000x64xf32, #tpu.memory_space<hbm>>
    tpu.enqueue_indirect_dma source(%dma_start3A_278 : memref<1000000x64xf32, #tpu.memory_space<hbm>>) target(%dma_start3A_275 : memref<16x64xf32, #tpu.memory_space<vmem>>) offsets(%get3A_272 : vector<16xi32>) semaphore(%arg16 : memref<!tpu.dma_semaphore, #tpu.memory_space<semaphore_mem>>)
    %get3A_279 = arith.constant 1 : i32
    %get3A_280 = arith.index_cast %get3A_279 : i32 to index
    %get3A_281 = arith.constant 192 : index
    %get3A_282 = tpu.vector_load %arg7[%get3A_280, %get3A_281] {strides = array<i32>} : memref<128x208xi32, #tpu.memory_space<vmem>>, vector<1x16xi32>,
    %get3A_283 = vector.shape_cast %get3A_282 : vector<1x16xi32> to vector<16xi32>
    %dma_start3A_284 = arith.constant 192 : i32
    %dma_start3A_285 = arith.constant 0 : i32
    %dma_start3A_286 = tpu.memref_slice %arg11[%dma_start3A_284, %dma_start3A_285] : memref<208x64xf32, #tpu.memory_space<vmem>> -> memref<16x64xf32, #tpu.memory_space<vmem>>
    %dma_start3A_287 = arith.constant 0 : i32
    %dma_start3A_288 = arith.constant 0 : i32
    %dma_start3A_289 = tpu.memref_slice %arg5[%dma_start3A_287, %dma_start3A_288] : memref<1000000x64xf32, #tpu.memory_space<hbm>> -> memref<1000000x64xf32, #tpu.memory_space<hbm>>
    tpu.enqueue_indirect_dma source(%dma_start3A_289 : memref<1000000x64xf32, #tpu.memory_space<hbm>>) target(%dma_start3A_286 : memref<16x64xf32, #tpu.memory_space<vmem>>) offsets(%get3A_283 : vector<16xi32>) semaphore(%arg16 : memref<!tpu.dma_semaphore, #tpu.memory_space<semaphore_mem>>)
    %get3A_290 = arith.constant 2 : i32
    %get3A_291 = arith.index_cast %get3A_290 : i32 to index
    %get3A_292 = arith.constant 0 : index
    %get3A_293 = tpu.vector_load %arg7[%get3A_291, %get3A_292] {strides = array<i32>} : memref<128x208xi32, #tpu.memory_space<vmem>>, vector<1x16xi32>,
    %get3A_294 = vector.shape_cast %get3A_293 : vector<1x16xi32> to vector<16xi32>
    %dma_start3A_295 = arith.constant 0 : i32
    %dma_start3A_296 = arith.constant 0 : i32
    %dma_start3A_297 = tpu.memref_slice %arg12[%dma_start3A_295, %dma_start3A_296] : memref<208x64xf32, #tpu.memory_space<vmem>> -> memref<16x64xf32, #tpu.memory_space<vmem>>
    %dma_start3A_298 = arith.constant 0 : i32
    %dma_start3A_299 = arith.constant 0 : i32
    %dma_start3A_300 = tpu.memref_slice %arg5[%dma_start3A_298, %dma_start3A_299] : memref<1000000x64xf32, #tpu.memory_space<hbm>> -> memref<1000000x64xf32, #tpu.memory_space<hbm>>
    tpu.enqueue_indirect_dma source(%dma_start3A_300 : memref<1000000x64xf32, #tpu.memory_space<hbm>>) target(%dma_start3A_297 : memref<16x64xf32, #tpu.memory_space<vmem>>) offsets(%get3A_294 : vector<16xi32>) semaphore(%arg17 : memref<!tpu.dma_semaphore, #tpu.memory_space<semaphore_mem>>)
    %get3A_301 = arith.constant 2 : i32
    %get3A_302 = arith.index_cast %get3A_301 : i32 to index
    %get3A_303 = arith.constant 16 : index
    %get3A_304 = tpu.vector_load %arg7[%get3A_302, %get3A_303] {strides = array<i32>} : memref<128x208xi32, #tpu.memory_space<vmem>>, vector<1x16xi32>,
    %get3A_305 = vector.shape_cast %get3A_304 : vector<1x16xi32> to vector<16xi32>
    %dma_start3A_306 = arith.constant 16 : i32
    %dma_start3A_307 = arith.constant 0 : i32
    %dma_start3A_308 = tpu.memref_slice %arg12[%dma_start3A_306, %dma_start3A_307] : memref<208x64xf32, #tpu.memory_space<vmem>> -> memref<16x64xf32, #tpu.memory_space<vmem>>
    %dma_start3A_309 = arith.constant 0 : i32
    %dma_start3A_310 = arith.constant 0 : i32
    %dma_start3A_311 = tpu.memref_slice %arg5[%dma_start3A_309, %dma_start3A_310] : memref<1000000x64xf32, #tpu.memory_space<hbm>> -> memref<1000000x64xf32, #tpu.memory_space<hbm>>
    tpu.enqueue_indirect_dma source(%dma_start3A_311 : memref<1000000x64xf32, #tpu.memory_space<hbm>>) target(%dma_start3A_308 : memref<16x64xf32, #tpu.memory_space<vmem>>) offsets(%get3A_305 : vector<16xi32>) semaphore(%arg17 : memref<!tpu.dma_semaphore, #tpu.memory_space<semaphore_mem>>)
    %get3A_312 = arith.constant 2 : i32
    %get3A_313 = arith.index_cast %get3A_312 : i32 to index
    %get3A_314 = arith.constant 32 : index
    %get3A_315 = tpu.vector_load %arg7[%get3A_313, %get3A_314] {strides = array<i32>} : memref<128x208xi32, #tpu.memory_space<vmem>>, vector<1x16xi32>,
    %get3A_316 = vector.shape_cast %get3A_315 : vector<1x16xi32> to vector<16xi32>
    %dma_start3A_317 = arith.constant 32 : i32
    %dma_start3A_318 = arith.constant 0 : i32
    %dma_start3A_319 = tpu.memref_slice %arg12[%dma_start3A_317, %dma_start3A_318] : memref<208x64xf32, #tpu.memory_space<vmem>> -> memref<16x64xf32, #tpu.memory_space<vmem>>
    %dma_start3A_320 = arith.constant 0 : i32
    %dma_start3A_321 = arith.constant 0 : i32
    %dma_start3A_322 = tpu.memref_slice %arg5[%dma_start3A_320, %dma_start3A_321] : memref<1000000x64xf32, #tpu.memory_space<hbm>> -> memref<1000000x64xf32, #tpu.memory_space<hbm>>
    tpu.enqueue_indirect_dma source(%dma_start3A_322 : memref<1000000x64xf32, #tpu.memory_space<hbm>>) target(%dma_start3A_319 : memref<16x64xf32, #tpu.memory_space<vmem>>) offsets(%get3A_316 : vector<16xi32>) semaphore(%arg17 : memref<!tpu.dma_semaphore, #tpu.memory_space<semaphore_mem>>)
    %get3A_323 = arith.constant 2 : i32
    %get3A_324 = arith.index_cast %get3A_323 : i32 to index
    %get3A_325 = arith.constant 48 : index
    %get3A_326 = tpu.vector_load %arg7[%get3A_324, %get3A_325] {strides = array<i32>} : memref<128x208xi32, #tpu.memory_space<vmem>>, vector<1x16xi32>,
    %get3A_327 = vector.shape_cast %get3A_326 : vector<1x16xi32> to vector<16xi32>
    %dma_start3A_328 = arith.constant 48 : i32
    %dma_start3A_329 = arith.constant 0 : i32
    %dma_start3A_330 = tpu.memref_slice %arg12[%dma_start3A_328, %dma_start3A_329] : memref<208x64xf32, #tpu.memory_space<vmem>> -> memref<16x64xf32, #tpu.memory_space<vmem>>
    %dma_start3A_331 = arith.constant 0 : i32
    %dma_start3A_332 = arith.constant 0 : i32
    %dma_start3A_333 = tpu.memref_slice %arg5[%dma_start3A_331, %dma_start3A_332] : memref<1000000x64xf32, #tpu.memory_space<hbm>> -> memref<1000000x64xf32, #tpu.memory_space<hbm>>
    tpu.enqueue_indirect_dma source(%dma_start3A_333 : memref<1000000x64xf32, #tpu.memory_space<hbm>>) target(%dma_start3A_330 : memref<16x64xf32, #tpu.memory_space<vmem>>) offsets(%get3A_327 : vector<16xi32>) semaphore(%arg17 : memref<!tpu.dma_semaphore, #tpu.memory_space<semaphore_mem>>)
    %get3A_334 = arith.constant 2 : i32
    %get3A_335 = arith.index_cast %get3A_334 : i32 to index
    %get3A_336 = arith.constant 64 : index
    %get3A_337 = tpu.vector_load %arg7[%get3A_335, %get3A_336] {strides = array<i32>} : memref<128x208xi32, #tpu.memory_space<vmem>>, vector<1x16xi32>,
    %get3A_338 = vector.shape_cast %get3A_337 : vector<1x16xi32> to vector<16xi32>
    %dma_start3A_339 = arith.constant 64 : i32
    %dma_start3A_340 = arith.constant 0 : i32
    %dma_start3A_341 = tpu.memref_slice %arg12[%dma_start3A_339, %dma_start3A_340] : memref<208x64xf32, #tpu.memory_space<vmem>> -> memref<16x64xf32, #tpu.memory_space<vmem>>
    %dma_start3A_342 = arith.constant 0 : i32
    %dma_start3A_343 = arith.constant 0 : i32
    %dma_start3A_344 = tpu.memref_slice %arg5[%dma_start3A_342, %dma_start3A_343] : memref<1000000x64xf32, #tpu.memory_space<hbm>> -> memref<1000000x64xf32, #tpu.memory_space<hbm>>
    tpu.enqueue_indirect_dma source(%dma_start3A_344 : memref<1000000x64xf32, #tpu.memory_space<hbm>>) target(%dma_start3A_341 : memref<16x64xf32, #tpu.memory_space<vmem>>) offsets(%get3A_338 : vector<16xi32>) semaphore(%arg17 : memref<!tpu.dma_semaphore, #tpu.memory_space<semaphore_mem>>)
    %get3A_345 = arith.constant 2 : i32
    %get3A_346 = arith.index_cast %get3A_345 : i32 to index
    %get3A_347 = arith.constant 80 : index
    %get3A_348 = tpu.vector_load %arg7[%get3A_346, %get3A_347] {strides = array<i32>} : memref<128x208xi32, #tpu.memory_space<vmem>>, vector<1x16xi32>,
    %get3A_349 = vector.shape_cast %get3A_348 : vector<1x16xi32> to vector<16xi32>
    %dma_start3A_350 = arith.constant 80 : i32
    %dma_start3A_351 = arith.constant 0 : i32
    %dma_start3A_352 = tpu.memref_slice %arg12[%dma_start3A_350, %dma_start3A_351] : memref<208x64xf32, #tpu.memory_space<vmem>> -> memref<16x64xf32, #tpu.memory_space<vmem>>
    %dma_start3A_353 = arith.constant 0 : i32
    %dma_start3A_354 = arith.constant 0 : i32
    %dma_start3A_355 = tpu.memref_slice %arg5[%dma_start3A_353, %dma_start3A_354] : memref<1000000x64xf32, #tpu.memory_space<hbm>> -> memref<1000000x64xf32, #tpu.memory_space<hbm>>
    tpu.enqueue_indirect_dma source(%dma_start3A_355 : memref<1000000x64xf32, #tpu.memory_space<hbm>>) target(%dma_start3A_352 : memref<16x64xf32, #tpu.memory_space<vmem>>) offsets(%get3A_349 : vector<16xi32>) semaphore(%arg17 : memref<!tpu.dma_semaphore, #tpu.memory_space<semaphore_mem>>)
    %get3A_356 = arith.constant 2 : i32
    %get3A_357 = arith.index_cast %get3A_356 : i32 to index
    %get3A_358 = arith.constant 96 : index
    %get3A_359 = tpu.vector_load %arg7[%get3A_357, %get3A_358] {strides = array<i32>} : memref<128x208xi32, #tpu.memory_space<vmem>>, vector<1x16xi32>,
    %get3A_360 = vector.shape_cast %get3A_359 : vector<1x16xi32> to vector<16xi32>
    %dma_start3A_361 = arith.constant 96 : i32
    %dma_start3A_362 = arith.constant 0 : i32
    %dma_start3A_363 = tpu.memref_slice %arg12[%dma_start3A_361, %dma_start3A_362] : memref<208x64xf32, #tpu.memory_space<vmem>> -> memref<16x64xf32, #tpu.memory_space<vmem>>
    %dma_start3A_364 = arith.constant 0 : i32
    %dma_start3A_365 = arith.constant 0 : i32
    %dma_start3A_366 = tpu.memref_slice %arg5[%dma_start3A_364, %dma_start3A_365] : memref<1000000x64xf32, #tpu.memory_space<hbm>> -> memref<1000000x64xf32, #tpu.memory_space<hbm>>
    tpu.enqueue_indirect_dma source(%dma_start3A_366 : memref<1000000x64xf32, #tpu.memory_space<hbm>>) target(%dma_start3A_363 : memref<16x64xf32, #tpu.memory_space<vmem>>) offsets(%get3A_360 : vector<16xi32>) semaphore(%arg17 : memref<!tpu.dma_semaphore, #tpu.memory_space<semaphore_mem>>)
    %get3A_367 = arith.constant 2 : i32
    %get3A_368 = arith.index_cast %get3A_367 : i32 to index
    %get3A_369 = arith.constant 112 : index
    %get3A_370 = tpu.vector_load %arg7[%get3A_368, %get3A_369] {strides = array<i32>} : memref<128x208xi32, #tpu.memory_space<vmem>>, vector<1x16xi32>,
    %get3A_371 = vector.shape_cast %get3A_370 : vector<1x16xi32> to vector<16xi32>
    %dma_start3A_372 = arith.constant 112 : i32
    %dma_start3A_373 = arith.constant 0 : i32
    %dma_start3A_374 = tpu.memref_slice %arg12[%dma_start3A_372, %dma_start3A_373] : memref<208x64xf32, #tpu.memory_space<vmem>> -> memref<16x64xf32, #tpu.memory_space<vmem>>
    %dma_start3A_375 = arith.constant 0 : i32
    %dma_start3A_376 = arith.constant 0 : i32
    %dma_start3A_377 = tpu.memref_slice %arg5[%dma_start3A_375, %dma_start3A_376] : memref<1000000x64xf32, #tpu.memory_space<hbm>> -> memref<1000000x64xf32, #tpu.memory_space<hbm>>
    tpu.enqueue_indirect_dma source(%dma_start3A_377 : memref<1000000x64xf32, #tpu.memory_space<hbm>>) target(%dma_start3A_374 : memref<16x64xf32, #tpu.memory_space<vmem>>) offsets(%get3A_371 : vector<16xi32>) semaphore(%arg17 : memref<!tpu.dma_semaphore, #tpu.memory_space<semaphore_mem>>)
    %get3A_378 = arith.constant 2 : i32
    %get3A_379 = arith.index_cast %get3A_378 : i32 to index
    %get3A_380 = arith.constant 128 : index
    %get3A_381 = tpu.vector_load %arg7[%get3A_379, %get3A_380] {strides = array<i32>} : memref<128x208xi32, #tpu.memory_space<vmem>>, vector<1x16xi32>,
    %get3A_382 = vector.shape_cast %get3A_381 : vector<1x16xi32> to vector<16xi32>
    %dma_start3A_383 = arith.constant 128 : i32
    %dma_start3A_384 = arith.constant 0 : i32
    %dma_start3A_385 = tpu.memref_slice %arg12[%dma_start3A_383, %dma_start3A_384] : memref<208x64xf32, #tpu.memory_space<vmem>> -> memref<16x64xf32, #tpu.memory_space<vmem>>
    %dma_start3A_386 = arith.constant 0 : i32
    %dma_start3A_387 = arith.constant 0 : i32
    %dma_start3A_388 = tpu.memref_slice %arg5[%dma_start3A_386, %dma_start3A_387] : memref<1000000x64xf32, #tpu.memory_space<hbm>> -> memref<1000000x64xf32, #tpu.memory_space<hbm>>
    tpu.enqueue_indirect_dma source(%dma_start3A_388 : memref<1000000x64xf32, #tpu.memory_space<hbm>>) target(%dma_start3A_385 : memref<16x64xf32, #tpu.memory_space<vmem>>) offsets(%get3A_382 : vector<16xi32>) semaphore(%arg17 : memref<!tpu.dma_semaphore, #tpu.memory_space<semaphore_mem>>)
    %get3A_389 = arith.constant 2 : i32
    %get3A_390 = arith.index_cast %get3A_389 : i32 to index
    %get3A_391 = arith.constant 144 : index
    %get3A_392 = tpu.vector_load %arg7[%get3A_390, %get3A_391] {strides = array<i32>} : memref<128x208xi32, #tpu.memory_space<vmem>>, vector<1x16xi32>,
    %get3A_393 = vector.shape_cast %get3A_392 : vector<1x16xi32> to vector<16xi32>
    %dma_start3A_394 = arith.constant 144 : i32
    %dma_start3A_395 = arith.constant 0 : i32
    %dma_start3A_396 = tpu.memref_slice %arg12[%dma_start3A_394, %dma_start3A_395] : memref<208x64xf32, #tpu.memory_space<vmem>> -> memref<16x64xf32, #tpu.memory_space<vmem>>
    %dma_start3A_397 = arith.constant 0 : i32
    %dma_start3A_398 = arith.constant 0 : i32
    %dma_start3A_399 = tpu.memref_slice %arg5[%dma_start3A_397, %dma_start3A_398] : memref<1000000x64xf32, #tpu.memory_space<hbm>> -> memref<1000000x64xf32, #tpu.memory_space<hbm>>
    tpu.enqueue_indirect_dma source(%dma_start3A_399 : memref<1000000x64xf32, #tpu.memory_space<hbm>>) target(%dma_start3A_396 : memref<16x64xf32, #tpu.memory_space<vmem>>) offsets(%get3A_393 : vector<16xi32>) semaphore(%arg17 : memref<!tpu.dma_semaphore, #tpu.memory_space<semaphore_mem>>)
    %get3A_400 = arith.constant 2 : i32
    %get3A_401 = arith.index_cast %get3A_400 : i32 to index
    %get3A_402 = arith.constant 160 : index
    %get3A_403 = tpu.vector_load %arg7[%get3A_401, %get3A_402] {strides = array<i32>} : memref<128x208xi32, #tpu.memory_space<vmem>>, vector<1x16xi32>,
    %get3A_404 = vector.shape_cast %get3A_403 : vector<1x16xi32> to vector<16xi32>
    %dma_start3A_405 = arith.constant 160 : i32
    %dma_start3A_406 = arith.constant 0 : i32
    %dma_start3A_407 = tpu.memref_slice %arg12[%dma_start3A_405, %dma_start3A_406] : memref<208x64xf32, #tpu.memory_space<vmem>> -> memref<16x64xf32, #tpu.memory_space<vmem>>
    %dma_start3A_408 = arith.constant 0 : i32
    %dma_start3A_409 = arith.constant 0 : i32
    %dma_start3A_410 = tpu.memref_slice %arg5[%dma_start3A_408, %dma_start3A_409] : memref<1000000x64xf32, #tpu.memory_space<hbm>> -> memref<1000000x64xf32, #tpu.memory_space<hbm>>
    tpu.enqueue_indirect_dma source(%dma_start3A_410 : memref<1000000x64xf32, #tpu.memory_space<hbm>>) target(%dma_start3A_407 : memref<16x64xf32, #tpu.memory_space<vmem>>) offsets(%get3A_404 : vector<16xi32>) semaphore(%arg17 : memref<!tpu.dma_semaphore, #tpu.memory_space<semaphore_mem>>)
    %get3A_411 = arith.constant 2 : i32
    %get3A_412 = arith.index_cast %get3A_411 : i32 to index
    %get3A_413 = arith.constant 176 : index
    %get3A_414 = tpu.vector_load %arg7[%get3A_412, %get3A_413] {strides = array<i32>} : memref<128x208xi32, #tpu.memory_space<vmem>>, vector<1x16xi32>,
    %get3A_415 = vector.shape_cast %get3A_414 : vector<1x16xi32> to vector<16xi32>
    %dma_start3A_416 = arith.constant 176 : i32
    %dma_start3A_417 = arith.constant 0 : i32
    %dma_start3A_418 = tpu.memref_slice %arg12[%dma_start3A_416, %dma_start3A_417] : memref<208x64xf32, #tpu.memory_space<vmem>> -> memref<16x64xf32, #tpu.memory_space<vmem>>
    %dma_start3A_419 = arith.constant 0 : i32
    %dma_start3A_420 = arith.constant 0 : i32
    %dma_start3A_421 = tpu.memref_slice %arg5[%dma_start3A_419, %dma_start3A_420] : memref<1000000x64xf32, #tpu.memory_space<hbm>> -> memref<1000000x64xf32, #tpu.memory_space<hbm>>
    tpu.enqueue_indirect_dma source(%dma_start3A_421 : memref<1000000x64xf32, #tpu.memory_space<hbm>>) target(%dma_start3A_418 : memref<16x64xf32, #tpu.memory_space<vmem>>) offsets(%get3A_415 : vector<16xi32>) semaphore(%arg17 : memref<!tpu.dma_semaphore, #tpu.memory_space<semaphore_mem>>)
    %get3A_422 = arith.constant 2 : i32
    %get3A_423 = arith.index_cast %get3A_422 : i32 to index
    %get3A_424 = arith.constant 192 : index
    %get3A_425 = tpu.vector_load %arg7[%get3A_423, %get3A_424] {strides = array<i32>} : memref<128x208xi32, #tpu.memory_space<vmem>>, vector<1x16xi32>,
    %get3A_426 = vector.shape_cast %get3A_425 : vector<1x16xi32> to vector<16xi32>
    %dma_start3A_427 = arith.constant 192 : i32
    %dma_start3A_428 = arith.constant 0 : i32
    %dma_start3A_429 = tpu.memref_slice %arg12[%dma_start3A_427, %dma_start3A_428] : memref<208x64xf32, #tpu.memory_space<vmem>> -> memref<16x64xf32, #tpu.memory_space<vmem>>
    %dma_start3A_430 = arith.constant 0 : i32
    %dma_start3A_431 = arith.constant 0 : i32
    %dma_start3A_432 = tpu.memref_slice %arg5[%dma_start3A_430, %dma_start3A_431] : memref<1000000x64xf32, #tpu.memory_space<hbm>> -> memref<1000000x64xf32, #tpu.memory_space<hbm>>
    tpu.enqueue_indirect_dma source(%dma_start3A_432 : memref<1000000x64xf32, #tpu.memory_space<hbm>>) target(%dma_start3A_429 : memref<16x64xf32, #tpu.memory_space<vmem>>) offsets(%get3A_426 : vector<16xi32>) semaphore(%arg17 : memref<!tpu.dma_semaphore, #tpu.memory_space<semaphore_mem>>)
    %get3A_433 = arith.constant 3 : i32
    %get3A_434 = arith.index_cast %get3A_433 : i32 to index
    %get3A_435 = arith.constant 0 : index
    %get3A_436 = tpu.vector_load %arg7[%get3A_434, %get3A_435] {strides = array<i32>} : memref<128x208xi32, #tpu.memory_space<vmem>>, vector<1x16xi32>,
    %get3A_437 = vector.shape_cast %get3A_436 : vector<1x16xi32> to vector<16xi32>
    %dma_start3A_438 = arith.constant 0 : i32
    %dma_start3A_439 = arith.constant 0 : i32
    %dma_start3A_440 = tpu.memref_slice %arg13[%dma_start3A_438, %dma_start3A_439] : memref<208x64xf32, #tpu.memory_space<vmem>> -> memref<16x64xf32, #tpu.memory_space<vmem>>
    %dma_start3A_441 = arith.constant 0 : i32
    %dma_start3A_442 = arith.constant 0 : i32
    %dma_start3A_443 = tpu.memref_slice %arg5[%dma_start3A_441, %dma_start3A_442] : memref<1000000x64xf32, #tpu.memory_space<hbm>> -> memref<1000000x64xf32, #tpu.memory_space<hbm>>
    tpu.enqueue_indirect_dma source(%dma_start3A_443 : memref<1000000x64xf32, #tpu.memory_space<hbm>>) target(%dma_start3A_440 : memref<16x64xf32, #tpu.memory_space<vmem>>) offsets(%get3A_437 : vector<16xi32>) semaphore(%arg18 : memref<!tpu.dma_semaphore, #tpu.memory_space<semaphore_mem>>)
    %get3A_444 = arith.constant 3 : i32
    %get3A_445 = arith.index_cast %get3A_444 : i32 to index
    %get3A_446 = arith.constant 16 : index
    %get3A_447 = tpu.vector_load %arg7[%get3A_445, %get3A_446] {strides = array<i32>} : memref<128x208xi32, #tpu.memory_space<vmem>>, vector<1x16xi32>,
    %get3A_448 = vector.shape_cast %get3A_447 : vector<1x16xi32> to vector<16xi32>
    %dma_start3A_449 = arith.constant 16 : i32
    %dma_start3A_450 = arith.constant 0 : i32
    %dma_start3A_451 = tpu.memref_slice %arg13[%dma_start3A_449, %dma_start3A_450] : memref<208x64xf32, #tpu.memory_space<vmem>> -> memref<16x64xf32, #tpu.memory_space<vmem>>
    %dma_start3A_452 = arith.constant 0 : i32
    %dma_start3A_453 = arith.constant 0 : i32
    %dma_start3A_454 = tpu.memref_slice %arg5[%dma_start3A_452, %dma_start3A_453] : memref<1000000x64xf32, #tpu.memory_space<hbm>> -> memref<1000000x64xf32, #tpu.memory_space<hbm>>
    tpu.enqueue_indirect_dma source(%dma_start3A_454 : memref<1000000x64xf32, #tpu.memory_space<hbm>>) target(%dma_start3A_451 : memref<16x64xf32, #tpu.memory_space<vmem>>) offsets(%get3A_448 : vector<16xi32>) semaphore(%arg18 : memref<!tpu.dma_semaphore, #tpu.memory_space<semaphore_mem>>)
    %get3A_455 = arith.constant 3 : i32
    %get3A_456 = arith.index_cast %get3A_455 : i32 to index
    %get3A_457 = arith.constant 32 : index
    %get3A_458 = tpu.vector_load %arg7[%get3A_456, %get3A_457] {strides = array<i32>} : memref<128x208xi32, #tpu.memory_space<vmem>>, vector<1x16xi32>,
    %get3A_459 = vector.shape_cast %get3A_458 : vector<1x16xi32> to vector<16xi32>
    %dma_start3A_460 = arith.constant 32 : i32
    %dma_start3A_461 = arith.constant 0 : i32
    %dma_start3A_462 = tpu.memref_slice %arg13[%dma_start3A_460, %dma_start3A_461] : memref<208x64xf32, #tpu.memory_space<vmem>> -> memref<16x64xf32, #tpu.memory_space<vmem>>
    %dma_start3A_463 = arith.constant 0 : i32
    %dma_start3A_464 = arith.constant 0 : i32
    %dma_start3A_465 = tpu.memref_slice %arg5[%dma_start3A_463, %dma_start3A_464] : memref<1000000x64xf32, #tpu.memory_space<hbm>> -> memref<1000000x64xf32, #tpu.memory_space<hbm>>
    tpu.enqueue_indirect_dma source(%dma_start3A_465 : memref<1000000x64xf32, #tpu.memory_space<hbm>>) target(%dma_start3A_462 : memref<16x64xf32, #tpu.memory_space<vmem>>) offsets(%get3A_459 : vector<16xi32>) semaphore(%arg18 : memref<!tpu.dma_semaphore, #tpu.memory_space<semaphore_mem>>)
    %get3A_466 = arith.constant 3 : i32
    %get3A_467 = arith.index_cast %get3A_466 : i32 to index
    %get3A_468 = arith.constant 48 : index
    %get3A_469 = tpu.vector_load %arg7[%get3A_467, %get3A_468] {strides = array<i32>} : memref<128x208xi32, #tpu.memory_space<vmem>>, vector<1x16xi32>,
    %get3A_470 = vector.shape_cast %get3A_469 : vector<1x16xi32> to vector<16xi32>
    %dma_start3A_471 = arith.constant 48 : i32
    %dma_start3A_472 = arith.constant 0 : i32
    %dma_start3A_473 = tpu.memref_slice %arg13[%dma_start3A_471, %dma_start3A_472] : memref<208x64xf32, #tpu.memory_space<vmem>> -> memref<16x64xf32, #tpu.memory_space<vmem>>
    %dma_start3A_474 = arith.constant 0 : i32
    %dma_start3A_475 = arith.constant 0 : i32
    %dma_start3A_476 = tpu.memref_slice %arg5[%dma_start3A_474, %dma_start3A_475] : memref<1000000x64xf32, #tpu.memory_space<hbm>> -> memref<1000000x64xf32, #tpu.memory_space<hbm>>
    tpu.enqueue_indirect_dma source(%dma_start3A_476 : memref<1000000x64xf32, #tpu.memory_space<hbm>>) target(%dma_start3A_473 : memref<16x64xf32, #tpu.memory_space<vmem>>) offsets(%get3A_470 : vector<16xi32>) semaphore(%arg18 : memref<!tpu.dma_semaphore, #tpu.memory_space<semaphore_mem>>)
    %get3A_477 = arith.constant 3 : i32
    %get3A_478 = arith.index_cast %get3A_477 : i32 to index
    %get3A_479 = arith.constant 64 : index
    %get3A_480 = tpu.vector_load %arg7[%get3A_478, %get3A_479] {strides = array<i32>} : memref<128x208xi32, #tpu.memory_space<vmem>>, vector<1x16xi32>,
    %get3A_481 = vector.shape_cast %get3A_480 : vector<1x16xi32> to vector<16xi32>
    %dma_start3A_482 = arith.constant 64 : i32
    %dma_start3A_483 = arith.constant 0 : i32
    %dma_start3A_484 = tpu.memref_slice %arg13[%dma_start3A_482, %dma_start3A_483] : memref<208x64xf32, #tpu.memory_space<vmem>> -> memref<16x64xf32, #tpu.memory_space<vmem>>
    %dma_start3A_485 = arith.constant 0 : i32
    %dma_start3A_486 = arith.constant 0 : i32
    %dma_start3A_487 = tpu.memref_slice %arg5[%dma_start3A_485, %dma_start3A_486] : memref<1000000x64xf32, #tpu.memory_space<hbm>> -> memref<1000000x64xf32, #tpu.memory_space<hbm>>
    tpu.enqueue_indirect_dma source(%dma_start3A_487 : memref<1000000x64xf32, #tpu.memory_space<hbm>>) target(%dma_start3A_484 : memref<16x64xf32, #tpu.memory_space<vmem>>) offsets(%get3A_481 : vector<16xi32>) semaphore(%arg18 : memref<!tpu.dma_semaphore, #tpu.memory_space<semaphore_mem>>)
    %get3A_488 = arith.constant 3 : i32
    %get3A_489 = arith.index_cast %get3A_488 : i32 to index
    %get3A_490 = arith.constant 80 : index
    %get3A_491 = tpu.vector_load %arg7[%get3A_489, %get3A_490] {strides = array<i32>} : memref<128x208xi32, #tpu.memory_space<vmem>>, vector<1x16xi32>,
    %get3A_492 = vector.shape_cast %get3A_491 : vector<1x16xi32> to vector<16xi32>
    %dma_start3A_493 = arith.constant 80 : i32
    %dma_start3A_494 = arith.constant 0 : i32
    %dma_start3A_495 = tpu.memref_slice %arg13[%dma_start3A_493, %dma_start3A_494] : memref<208x64xf32, #tpu.memory_space<vmem>> -> memref<16x64xf32, #tpu.memory_space<vmem>>
    %dma_start3A_496 = arith.constant 0 : i32
    %dma_start3A_497 = arith.constant 0 : i32
    %dma_start3A_498 = tpu.memref_slice %arg5[%dma_start3A_496, %dma_start3A_497] : memref<1000000x64xf32, #tpu.memory_space<hbm>> -> memref<1000000x64xf32, #tpu.memory_space<hbm>>
    tpu.enqueue_indirect_dma source(%dma_start3A_498 : memref<1000000x64xf32, #tpu.memory_space<hbm>>) target(%dma_start3A_495 : memref<16x64xf32, #tpu.memory_space<vmem>>) offsets(%get3A_492 : vector<16xi32>) semaphore(%arg18 : memref<!tpu.dma_semaphore, #tpu.memory_space<semaphore_mem>>)
    %get3A_499 = arith.constant 3 : i32
    %get3A_500 = arith.index_cast %get3A_499 : i32 to index
    %get3A_501 = arith.constant 96 : index
    %get3A_502 = tpu.vector_load %arg7[%get3A_500, %get3A_501] {strides = array<i32>} : memref<128x208xi32, #tpu.memory_space<vmem>>, vector<1x16xi32>,
    %get3A_503 = vector.shape_cast %get3A_502 : vector<1x16xi32> to vector<16xi32>
    %dma_start3A_504 = arith.constant 96 : i32
    %dma_start3A_505 = arith.constant 0 : i32
    %dma_start3A_506 = tpu.memref_slice %arg13[%dma_start3A_504, %dma_start3A_505] : memref<208x64xf32, #tpu.memory_space<vmem>> -> memref<16x64xf32, #tpu.memory_space<vmem>>
    %dma_start3A_507 = arith.constant 0 : i32
    %dma_start3A_508 = arith.constant 0 : i32
    %dma_start3A_509 = tpu.memref_slice %arg5[%dma_start3A_507, %dma_start3A_508] : memref<1000000x64xf32, #tpu.memory_space<hbm>> -> memref<1000000x64xf32, #tpu.memory_space<hbm>>
    tpu.enqueue_indirect_dma source(%dma_start3A_509 : memref<1000000x64xf32, #tpu.memory_space<hbm>>) target(%dma_start3A_506 : memref<16x64xf32, #tpu.memory_space<vmem>>) offsets(%get3A_503 : vector<16xi32>) semaphore(%arg18 : memref<!tpu.dma_semaphore, #tpu.memory_space<semaphore_mem>>)
    %get3A_510 = arith.constant 3 : i32
    %get3A_511 = arith.index_cast %get3A_510 : i32 to index
    %get3A_512 = arith.constant 112 : index
    %get3A_513 = tpu.vector_load %arg7[%get3A_511, %get3A_512] {strides = array<i32>} : memref<128x208xi32, #tpu.memory_space<vmem>>, vector<1x16xi32>,
    %get3A_514 = vector.shape_cast %get3A_513 : vector<1x16xi32> to vector<16xi32>
    %dma_start3A_515 = arith.constant 112 : i32
    %dma_start3A_516 = arith.constant 0 : i32
    %dma_start3A_517 = tpu.memref_slice %arg13[%dma_start3A_515, %dma_start3A_516] : memref<208x64xf32, #tpu.memory_space<vmem>> -> memref<16x64xf32, #tpu.memory_space<vmem>>
    %dma_start3A_518 = arith.constant 0 : i32
    %dma_start3A_519 = arith.constant 0 : i32
    %dma_start3A_520 = tpu.memref_slice %arg5[%dma_start3A_518, %dma_start3A_519] : memref<1000000x64xf32, #tpu.memory_space<hbm>> -> memref<1000000x64xf32, #tpu.memory_space<hbm>>
    tpu.enqueue_indirect_dma source(%dma_start3A_520 : memref<1000000x64xf32, #tpu.memory_space<hbm>>) target(%dma_start3A_517 : memref<16x64xf32, #tpu.memory_space<vmem>>) offsets(%get3A_514 : vector<16xi32>) semaphore(%arg18 : memref<!tpu.dma_semaphore, #tpu.memory_space<semaphore_mem>>)
    %get3A_521 = arith.constant 3 : i32
    %get3A_522 = arith.index_cast %get3A_521 : i32 to index
    %get3A_523 = arith.constant 128 : index
    %get3A_524 = tpu.vector_load %arg7[%get3A_522, %get3A_523] {strides = array<i32>} : memref<128x208xi32, #tpu.memory_space<vmem>>, vector<1x16xi32>,
    %get3A_525 = vector.shape_cast %get3A_524 : vector<1x16xi32> to vector<16xi32>
    %dma_start3A_526 = arith.constant 128 : i32
    %dma_start3A_527 = arith.constant 0 : i32
    %dma_start3A_528 = tpu.memref_slice %arg13[%dma_start3A_526, %dma_start3A_527] : memref<208x64xf32, #tpu.memory_space<vmem>> -> memref<16x64xf32, #tpu.memory_space<vmem>>
    %dma_start3A_529 = arith.constant 0 : i32
    %dma_start3A_530 = arith.constant 0 : i32
    %dma_start3A_531 = tpu.memref_slice %arg5[%dma_start3A_529, %dma_start3A_530] : memref<1000000x64xf32, #tpu.memory_space<hbm>> -> memref<1000000x64xf32, #tpu.memory_space<hbm>>
    tpu.enqueue_indirect_dma source(%dma_start3A_531 : memref<1000000x64xf32, #tpu.memory_space<hbm>>) target(%dma_start3A_528 : memref<16x64xf32, #tpu.memory_space<vmem>>) offsets(%get3A_525 : vector<16xi32>) semaphore(%arg18 : memref<!tpu.dma_semaphore, #tpu.memory_space<semaphore_mem>>)
    %get3A_532 = arith.constant 3 : i32
    %get3A_533 = arith.index_cast %get3A_532 : i32 to index
    %get3A_534 = arith.constant 144 : index
    %get3A_535 = tpu.vector_load %arg7[%get3A_533, %get3A_534] {strides = array<i32>} : memref<128x208xi32, #tpu.memory_space<vmem>>, vector<1x16xi32>,
    %get3A_536 = vector.shape_cast %get3A_535 : vector<1x16xi32> to vector<16xi32>
    %dma_start3A_537 = arith.constant 144 : i32
    %dma_start3A_538 = arith.constant 0 : i32
    %dma_start3A_539 = tpu.memref_slice %arg13[%dma_start3A_537, %dma_start3A_538] : memref<208x64xf32, #tpu.memory_space<vmem>> -> memref<16x64xf32, #tpu.memory_space<vmem>>
    %dma_start3A_540 = arith.constant 0 : i32
    %dma_start3A_541 = arith.constant 0 : i32
    %dma_start3A_542 = tpu.memref_slice %arg5[%dma_start3A_540, %dma_start3A_541] : memref<1000000x64xf32, #tpu.memory_space<hbm>> -> memref<1000000x64xf32, #tpu.memory_space<hbm>>
    tpu.enqueue_indirect_dma source(%dma_start3A_542 : memref<1000000x64xf32, #tpu.memory_space<hbm>>) target(%dma_start3A_539 : memref<16x64xf32, #tpu.memory_space<vmem>>) offsets(%get3A_536 : vector<16xi32>) semaphore(%arg18 : memref<!tpu.dma_semaphore, #tpu.memory_space<semaphore_mem>>)
    %get3A_543 = arith.constant 3 : i32
    %get3A_544 = arith.index_cast %get3A_543 : i32 to index
    %get3A_545 = arith.constant 160 : index
    %get3A_546 = tpu.vector_load %arg7[%get3A_544, %get3A_545] {strides = array<i32>} : memref<128x208xi32, #tpu.memory_space<vmem>>, vector<1x16xi32>,
    %get3A_547 = vector.shape_cast %get3A_546 : vector<1x16xi32> to vector<16xi32>
    %dma_start3A_548 = arith.constant 160 : i32
    %dma_start3A_549 = arith.constant 0 : i32
    %dma_start3A_550 = tpu.memref_slice %arg13[%dma_start3A_548, %dma_start3A_549] : memref<208x64xf32, #tpu.memory_space<vmem>> -> memref<16x64xf32, #tpu.memory_space<vmem>>
    %dma_start3A_551 = arith.constant 0 : i32
    %dma_start3A_552 = arith.constant 0 : i32
    %dma_start3A_553 = tpu.memref_slice %arg5[%dma_start3A_551, %dma_start3A_552] : memref<1000000x64xf32, #tpu.memory_space<hbm>> -> memref<1000000x64xf32, #tpu.memory_space<hbm>>
    tpu.enqueue_indirect_dma source(%dma_start3A_553 : memref<1000000x64xf32, #tpu.memory_space<hbm>>) target(%dma_start3A_550 : memref<16x64xf32, #tpu.memory_space<vmem>>) offsets(%get3A_547 : vector<16xi32>) semaphore(%arg18 : memref<!tpu.dma_semaphore, #tpu.memory_space<semaphore_mem>>)
    %get3A_554 = arith.constant 3 : i32
    %get3A_555 = arith.index_cast %get3A_554 : i32 to index
    %get3A_556 = arith.constant 176 : index
    %get3A_557 = tpu.vector_load %arg7[%get3A_555, %get3A_556] {strides = array<i32>} : memref<128x208xi32, #tpu.memory_space<vmem>>, vector<1x16xi32>,
    %get3A_558 = vector.shape_cast %get3A_557 : vector<1x16xi32> to vector<16xi32>
    %dma_start3A_559 = arith.constant 176 : i32
    %dma_start3A_560 = arith.constant 0 : i32
    %dma_start3A_561 = tpu.memref_slice %arg13[%dma_start3A_559, %dma_start3A_560] : memref<208x64xf32, #tpu.memory_space<vmem>> -> memref<16x64xf32, #tpu.memory_space<vmem>>
    %dma_start3A_562 = arith.constant 0 : i32
    %dma_start3A_563 = arith.constant 0 : i32
    %dma_start3A_564 = tpu.memref_slice %arg5[%dma_start3A_562, %dma_start3A_563] : memref<1000000x64xf32, #tpu.memory_space<hbm>> -> memref<1000000x64xf32, #tpu.memory_space<hbm>>
    tpu.enqueue_indirect_dma source(%dma_start3A_564 : memref<1000000x64xf32, #tpu.memory_space<hbm>>) target(%dma_start3A_561 : memref<16x64xf32, #tpu.memory_space<vmem>>) offsets(%get3A_558 : vector<16xi32>) semaphore(%arg18 : memref<!tpu.dma_semaphore, #tpu.memory_space<semaphore_mem>>)
    %get3A_565 = arith.constant 3 : i32
    %get3A_566 = arith.index_cast %get3A_565 : i32 to index
    %get3A_567 = arith.constant 192 : index
    %get3A_568 = tpu.vector_load %arg7[%get3A_566, %get3A_567] {strides = array<i32>} : memref<128x208xi32, #tpu.memory_space<vmem>>, vector<1x16xi32>,
    %get3A_569 = vector.shape_cast %get3A_568 : vector<1x16xi32> to vector<16xi32>
    %dma_start3A_570 = arith.constant 192 : i32
    %dma_start3A_571 = arith.constant 0 : i32
    %dma_start3A_572 = tpu.memref_slice %arg13[%dma_start3A_570, %dma_start3A_571] : memref<208x64xf32, #tpu.memory_space<vmem>> -> memref<16x64xf32, #tpu.memory_space<vmem>>
    %dma_start3A_573 = arith.constant 0 : i32
    %dma_start3A_574 = arith.constant 0 : i32
    %dma_start3A_575 = tpu.memref_slice %arg5[%dma_start3A_573, %dma_start3A_574] : memref<1000000x64xf32, #tpu.memory_space<hbm>> -> memref<1000000x64xf32, #tpu.memory_space<hbm>>
    tpu.enqueue_indirect_dma source(%dma_start3A_575 : memref<1000000x64xf32, #tpu.memory_space<hbm>>) target(%dma_start3A_572 : memref<16x64xf32, #tpu.memory_space<vmem>>) offsets(%get3A_569 : vector<16xi32>) semaphore(%arg18 : memref<!tpu.dma_semaphore, #tpu.memory_space<semaphore_mem>>)
    %broadcast_in_dim3A = arith.constant 0.000000e+00 : f32
    %broadcast_in_dim3A_576 = vector.broadcast %broadcast_in_dim3A : f32 to vector<16xf32>
    %scan3A = arith.constant 0 : i32
    %scan3A_577 = arith.constant 32 : i32
    %scan3A_578 = arith.addi %scan3A, %scan3A_577 : i32
    %scan3A_579 = arith.constant 1 : i32
    %scan3A_580 = scf.for %scan3A_1153 = %scan3A to %scan3A_578 step %scan3A_579 iter_args(%scan3A_1154 = %broadcast_in_dim3A_576) -> (vector<16xf32>)  : i32 {
      %mul3A_1155 = arith.constant 4 : i32
      %mul3A_1156 = arith.muli %scan3A_1153, %mul3A_1155 : i32
      %add3A_1157 = arith.constant 0 : i32
      %add3A_1158 = arith.addi %mul3A_1156, %add3A_1157 : i32
      %get3A_1159 = arith.index_cast %add3A_1158 : i32 to index
      %get3A_1160 = arith.constant 0 : index
      %get3A_1161 = tpu.vector_load %arg7[%get3A_1159, %get3A_1160] {strides = array<i32>} : memref<128x208xi32, #tpu.memory_space<vmem>>, vector<1x16xi32>,
      %get3A_1162 = vector.shape_cast %get3A_1161 : vector<1x16xi32> to vector<16xi32>
      %dma_wait3A_1163 = arith.constant 0 : i32
      %dma_wait3A_1164 = arith.constant 0 : i32
      %dma_wait3A_1165 = tpu.memref_slice %arg10[%dma_wait3A_1163, %dma_wait3A_1164] : memref<208x64xf32, #tpu.memory_space<vmem>> -> memref<16x64xf32, #tpu.memory_space<vmem>>
      %dma_wait3A_1166 = arith.constant 0 : i32
      %dma_wait3A_1167 = arith.constant 0 : i32
      %dma_wait3A_1168 = tpu.memref_slice %arg5[%dma_wait3A_1166, %dma_wait3A_1167] : memref<1000000x64xf32, #tpu.memory_space<hbm>> -> memref<1000000x64xf32, #tpu.memory_space<hbm>>
      tpu.wait_indirect_dma semaphore(%arg15 : memref<!tpu.dma_semaphore, #tpu.memory_space<semaphore_mem>>) src(%dma_wait3A_1168 : memref<1000000x64xf32, #tpu.memory_space<hbm>>) dst(%dma_wait3A_1165 : memref<16x64xf32, #tpu.memory_space<vmem>>)
      %get3A_1169 = arith.index_cast %add3A_1158 : i32 to index
      %get3A_1170 = arith.constant 16 : index
      %get3A_1171 = tpu.vector_load %arg7[%get3A_1169, %get3A_1170] {strides = array<i32>} : memref<128x208xi32, #tpu.memory_space<vmem>>, vector<1x16xi32>,
      %get3A_1172 = vector.shape_cast %get3A_1171 : vector<1x16xi32> to vector<16xi32>
      %dma_wait3A_1173 = arith.constant 16 : i32
      %dma_wait3A_1174 = arith.constant 0 : i32
      %dma_wait3A_1175 = tpu.memref_slice %arg10[%dma_wait3A_1173, %dma_wait3A_1174] : memref<208x64xf32, #tpu.memory_space<vmem>> -> memref<16x64xf32, #tpu.memory_space<vmem>>
      %dma_wait3A_1176 = arith.constant 0 : i32
      %dma_wait3A_1177 = arith.constant 0 : i32
      %dma_wait3A_1178 = tpu.memref_slice %arg5[%dma_wait3A_1176, %dma_wait3A_1177] : memref<1000000x64xf32, #tpu.memory_space<hbm>> -> memref<1000000x64xf32, #tpu.memory_space<hbm>>
      tpu.wait_indirect_dma semaphore(%arg15 : memref<!tpu.dma_semaphore, #tpu.memory_space<semaphore_mem>>) src(%dma_wait3A_1178 : memref<1000000x64xf32, #tpu.memory_space<hbm>>) dst(%dma_wait3A_1175 : memref<16x64xf32, #tpu.memory_space<vmem>>)
      %get3A_1179 = arith.index_cast %add3A_1158 : i32 to index
      %get3A_1180 = arith.constant 32 : index
      %get3A_1181 = tpu.vector_load %arg7[%get3A_1179, %get3A_1180] {strides = array<i32>} : memref<128x208xi32, #tpu.memory_space<vmem>>, vector<1x16xi32>,
      %get3A_1182 = vector.shape_cast %get3A_1181 : vector<1x16xi32> to vector<16xi32>
      %dma_wait3A_1183 = arith.constant 32 : i32
      %dma_wait3A_1184 = arith.constant 0 : i32
      %dma_wait3A_1185 = tpu.memref_slice %arg10[%dma_wait3A_1183, %dma_wait3A_1184] : memref<208x64xf32, #tpu.memory_space<vmem>> -> memref<16x64xf32, #tpu.memory_space<vmem>>
      %dma_wait3A_1186 = arith.constant 0 : i32
      %dma_wait3A_1187 = arith.constant 0 : i32
      %dma_wait3A_1188 = tpu.memref_slice %arg5[%dma_wait3A_1186, %dma_wait3A_1187] : memref<1000000x64xf32, #tpu.memory_space<hbm>> -> memref<1000000x64xf32, #tpu.memory_space<hbm>>
      tpu.wait_indirect_dma semaphore(%arg15 : memref<!tpu.dma_semaphore, #tpu.memory_space<semaphore_mem>>) src(%dma_wait3A_1188 : memref<1000000x64xf32, #tpu.memory_space<hbm>>) dst(%dma_wait3A_1185 : memref<16x64xf32, #tpu.memory_space<vmem>>)
      %get3A_1189 = arith.index_cast %add3A_1158 : i32 to index
      %get3A_1190 = arith.constant 48 : index
      %get3A_1191 = tpu.vector_load %arg7[%get3A_1189, %get3A_1190] {strides = array<i32>} : memref<128x208xi32, #tpu.memory_space<vmem>>, vector<1x16xi32>,
      %get3A_1192 = vector.shape_cast %get3A_1191 : vector<1x16xi32> to vector<16xi32>
      %dma_wait3A_1193 = arith.constant 48 : i32
      %dma_wait3A_1194 = arith.constant 0 : i32
      %dma_wait3A_1195 = tpu.memref_slice %arg10[%dma_wait3A_1193, %dma_wait3A_1194] : memref<208x64xf32, #tpu.memory_space<vmem>> -> memref<16x64xf32, #tpu.memory_space<vmem>>
      %dma_wait3A_1196 = arith.constant 0 : i32
      %dma_wait3A_1197 = arith.constant 0 : i32
      %dma_wait3A_1198 = tpu.memref_slice %arg5[%dma_wait3A_1196, %dma_wait3A_1197] : memref<1000000x64xf32, #tpu.memory_space<hbm>> -> memref<1000000x64xf32, #tpu.memory_space<hbm>>
      tpu.wait_indirect_dma semaphore(%arg15 : memref<!tpu.dma_semaphore, #tpu.memory_space<semaphore_mem>>) src(%dma_wait3A_1198 : memref<1000000x64xf32, #tpu.memory_space<hbm>>) dst(%dma_wait3A_1195 : memref<16x64xf32, #tpu.memory_space<vmem>>)
      %get3A_1199 = arith.index_cast %add3A_1158 : i32 to index
      %get3A_1200 = arith.constant 64 : index
      %get3A_1201 = tpu.vector_load %arg7[%get3A_1199, %get3A_1200] {strides = array<i32>} : memref<128x208xi32, #tpu.memory_space<vmem>>, vector<1x16xi32>,
      %get3A_1202 = vector.shape_cast %get3A_1201 : vector<1x16xi32> to vector<16xi32>
      %dma_wait3A_1203 = arith.constant 64 : i32
      %dma_wait3A_1204 = arith.constant 0 : i32
      %dma_wait3A_1205 = tpu.memref_slice %arg10[%dma_wait3A_1203, %dma_wait3A_1204] : memref<208x64xf32, #tpu.memory_space<vmem>> -> memref<16x64xf32, #tpu.memory_space<vmem>>
      %dma_wait3A_1206 = arith.constant 0 : i32
      %dma_wait3A_1207 = arith.constant 0 : i32
      %dma_wait3A_1208 = tpu.memref_slice %arg5[%dma_wait3A_1206, %dma_wait3A_1207] : memref<1000000x64xf32, #tpu.memory_space<hbm>> -> memref<1000000x64xf32, #tpu.memory_space<hbm>>
      tpu.wait_indirect_dma semaphore(%arg15 : memref<!tpu.dma_semaphore, #tpu.memory_space<semaphore_mem>>) src(%dma_wait3A_1208 : memref<1000000x64xf32, #tpu.memory_space<hbm>>) dst(%dma_wait3A_1205 : memref<16x64xf32, #tpu.memory_space<vmem>>)
      %get3A_1209 = arith.index_cast %add3A_1158 : i32 to index
      %get3A_1210 = arith.constant 80 : index
      %get3A_1211 = tpu.vector_load %arg7[%get3A_1209, %get3A_1210] {strides = array<i32>} : memref<128x208xi32, #tpu.memory_space<vmem>>, vector<1x16xi32>,
      %get3A_1212 = vector.shape_cast %get3A_1211 : vector<1x16xi32> to vector<16xi32>
      %dma_wait3A_1213 = arith.constant 80 : i32
      %dma_wait3A_1214 = arith.constant 0 : i32
      %dma_wait3A_1215 = tpu.memref_slice %arg10[%dma_wait3A_1213, %dma_wait3A_1214] : memref<208x64xf32, #tpu.memory_space<vmem>> -> memref<16x64xf32, #tpu.memory_space<vmem>>
      %dma_wait3A_1216 = arith.constant 0 : i32
      %dma_wait3A_1217 = arith.constant 0 : i32
      %dma_wait3A_1218 = tpu.memref_slice %arg5[%dma_wait3A_1216, %dma_wait3A_1217] : memref<1000000x64xf32, #tpu.memory_space<hbm>> -> memref<1000000x64xf32, #tpu.memory_space<hbm>>
      tpu.wait_indirect_dma semaphore(%arg15 : memref<!tpu.dma_semaphore, #tpu.memory_space<semaphore_mem>>) src(%dma_wait3A_1218 : memref<1000000x64xf32, #tpu.memory_space<hbm>>) dst(%dma_wait3A_1215 : memref<16x64xf32, #tpu.memory_space<vmem>>)
      %get3A_1219 = arith.index_cast %add3A_1158 : i32 to index
      %get3A_1220 = arith.constant 96 : index
      %get3A_1221 = tpu.vector_load %arg7[%get3A_1219, %get3A_1220] {strides = array<i32>} : memref<128x208xi32, #tpu.memory_space<vmem>>, vector<1x16xi32>,
      %get3A_1222 = vector.shape_cast %get3A_1221 : vector<1x16xi32> to vector<16xi32>
      %dma_wait3A_1223 = arith.constant 96 : i32
      %dma_wait3A_1224 = arith.constant 0 : i32
      %dma_wait3A_1225 = tpu.memref_slice %arg10[%dma_wait3A_1223, %dma_wait3A_1224] : memref<208x64xf32, #tpu.memory_space<vmem>> -> memref<16x64xf32, #tpu.memory_space<vmem>>
      %dma_wait3A_1226 = arith.constant 0 : i32
      %dma_wait3A_1227 = arith.constant 0 : i32
      %dma_wait3A_1228 = tpu.memref_slice %arg5[%dma_wait3A_1226, %dma_wait3A_1227] : memref<1000000x64xf32, #tpu.memory_space<hbm>> -> memref<1000000x64xf32, #tpu.memory_space<hbm>>
      tpu.wait_indirect_dma semaphore(%arg15 : memref<!tpu.dma_semaphore, #tpu.memory_space<semaphore_mem>>) src(%dma_wait3A_1228 : memref<1000000x64xf32, #tpu.memory_space<hbm>>) dst(%dma_wait3A_1225 : memref<16x64xf32, #tpu.memory_space<vmem>>)
      %get3A_1229 = arith.index_cast %add3A_1158 : i32 to index
      %get3A_1230 = arith.constant 112 : index
      %get3A_1231 = tpu.vector_load %arg7[%get3A_1229, %get3A_1230] {strides = array<i32>} : memref<128x208xi32, #tpu.memory_space<vmem>>, vector<1x16xi32>,
      %get3A_1232 = vector.shape_cast %get3A_1231 : vector<1x16xi32> to vector<16xi32>
      %dma_wait3A_1233 = arith.constant 112 : i32
      %dma_wait3A_1234 = arith.constant 0 : i32
      %dma_wait3A_1235 = tpu.memref_slice %arg10[%dma_wait3A_1233, %dma_wait3A_1234] : memref<208x64xf32, #tpu.memory_space<vmem>> -> memref<16x64xf32, #tpu.memory_space<vmem>>
      %dma_wait3A_1236 = arith.constant 0 : i32
      %dma_wait3A_1237 = arith.constant 0 : i32
      %dma_wait3A_1238 = tpu.memref_slice %arg5[%dma_wait3A_1236, %dma_wait3A_1237] : memref<1000000x64xf32, #tpu.memory_space<hbm>> -> memref<1000000x64xf32, #tpu.memory_space<hbm>>
      tpu.wait_indirect_dma semaphore(%arg15 : memref<!tpu.dma_semaphore, #tpu.memory_space<semaphore_mem>>) src(%dma_wait3A_1238 : memref<1000000x64xf32, #tpu.memory_space<hbm>>) dst(%dma_wait3A_1235 : memref<16x64xf32, #tpu.memory_space<vmem>>)
      %get3A_1239 = arith.index_cast %add3A_1158 : i32 to index
      %get3A_1240 = arith.constant 128 : index
      %get3A_1241 = tpu.vector_load %arg7[%get3A_1239, %get3A_1240] {strides = array<i32>} : memref<128x208xi32, #tpu.memory_space<vmem>>, vector<1x16xi32>,
      %get3A_1242 = vector.shape_cast %get3A_1241 : vector<1x16xi32> to vector<16xi32>
      %dma_wait3A_1243 = arith.constant 128 : i32
      %dma_wait3A_1244 = arith.constant 0 : i32
      %dma_wait3A_1245 = tpu.memref_slice %arg10[%dma_wait3A_1243, %dma_wait3A_1244] : memref<208x64xf32, #tpu.memory_space<vmem>> -> memref<16x64xf32, #tpu.memory_space<vmem>>
      %dma_wait3A_1246 = arith.constant 0 : i32
      %dma_wait3A_1247 = arith.constant 0 : i32
      %dma_wait3A_1248 = tpu.memref_slice %arg5[%dma_wait3A_1246, %dma_wait3A_1247] : memref<1000000x64xf32, #tpu.memory_space<hbm>> -> memref<1000000x64xf32, #tpu.memory_space<hbm>>
      tpu.wait_indirect_dma semaphore(%arg15 : memref<!tpu.dma_semaphore, #tpu.memory_space<semaphore_mem>>) src(%dma_wait3A_1248 : memref<1000000x64xf32, #tpu.memory_space<hbm>>) dst(%dma_wait3A_1245 : memref<16x64xf32, #tpu.memory_space<vmem>>)
      %get3A_1249 = arith.index_cast %add3A_1158 : i32 to index
      %get3A_1250 = arith.constant 144 : index
      %get3A_1251 = tpu.vector_load %arg7[%get3A_1249, %get3A_1250] {strides = array<i32>} : memref<128x208xi32, #tpu.memory_space<vmem>>, vector<1x16xi32>,
      %get3A_1252 = vector.shape_cast %get3A_1251 : vector<1x16xi32> to vector<16xi32>
      %dma_wait3A_1253 = arith.constant 144 : i32
      %dma_wait3A_1254 = arith.constant 0 : i32
      %dma_wait3A_1255 = tpu.memref_slice %arg10[%dma_wait3A_1253, %dma_wait3A_1254] : memref<208x64xf32, #tpu.memory_space<vmem>> -> memref<16x64xf32, #tpu.memory_space<vmem>>
      %dma_wait3A_1256 = arith.constant 0 : i32
      %dma_wait3A_1257 = arith.constant 0 : i32
      %dma_wait3A_1258 = tpu.memref_slice %arg5[%dma_wait3A_1256, %dma_wait3A_1257] : memref<1000000x64xf32, #tpu.memory_space<hbm>> -> memref<1000000x64xf32, #tpu.memory_space<hbm>>
      tpu.wait_indirect_dma semaphore(%arg15 : memref<!tpu.dma_semaphore, #tpu.memory_space<semaphore_mem>>) src(%dma_wait3A_1258 : memref<1000000x64xf32, #tpu.memory_space<hbm>>) dst(%dma_wait3A_1255 : memref<16x64xf32, #tpu.memory_space<vmem>>)
      %get3A_1259 = arith.index_cast %add3A_1158 : i32 to index
      %get3A_1260 = arith.constant 160 : index
      %get3A_1261 = tpu.vector_load %arg7[%get3A_1259, %get3A_1260] {strides = array<i32>} : memref<128x208xi32, #tpu.memory_space<vmem>>, vector<1x16xi32>,
      %get3A_1262 = vector.shape_cast %get3A_1261 : vector<1x16xi32> to vector<16xi32>
      %dma_wait3A_1263 = arith.constant 160 : i32
      %dma_wait3A_1264 = arith.constant 0 : i32
      %dma_wait3A_1265 = tpu.memref_slice %arg10[%dma_wait3A_1263, %dma_wait3A_1264] : memref<208x64xf32, #tpu.memory_space<vmem>> -> memref<16x64xf32, #tpu.memory_space<vmem>>
      %dma_wait3A_1266 = arith.constant 0 : i32
      %dma_wait3A_1267 = arith.constant 0 : i32
      %dma_wait3A_1268 = tpu.memref_slice %arg5[%dma_wait3A_1266, %dma_wait3A_1267] : memref<1000000x64xf32, #tpu.memory_space<hbm>> -> memref<1000000x64xf32, #tpu.memory_space<hbm>>
      tpu.wait_indirect_dma semaphore(%arg15 : memref<!tpu.dma_semaphore, #tpu.memory_space<semaphore_mem>>) src(%dma_wait3A_1268 : memref<1000000x64xf32, #tpu.memory_space<hbm>>) dst(%dma_wait3A_1265 : memref<16x64xf32, #tpu.memory_space<vmem>>)
      %get3A_1269 = arith.index_cast %add3A_1158 : i32 to index
      %get3A_1270 = arith.constant 176 : index
      %get3A_1271 = tpu.vector_load %arg7[%get3A_1269, %get3A_1270] {strides = array<i32>} : memref<128x208xi32, #tpu.memory_space<vmem>>, vector<1x16xi32>,
      %get3A_1272 = vector.shape_cast %get3A_1271 : vector<1x16xi32> to vector<16xi32>
      %dma_wait3A_1273 = arith.constant 176 : i32
      %dma_wait3A_1274 = arith.constant 0 : i32
      %dma_wait3A_1275 = tpu.memref_slice %arg10[%dma_wait3A_1273, %dma_wait3A_1274] : memref<208x64xf32, #tpu.memory_space<vmem>> -> memref<16x64xf32, #tpu.memory_space<vmem>>
      %dma_wait3A_1276 = arith.constant 0 : i32
      %dma_wait3A_1277 = arith.constant 0 : i32
      %dma_wait3A_1278 = tpu.memref_slice %arg5[%dma_wait3A_1276, %dma_wait3A_1277] : memref<1000000x64xf32, #tpu.memory_space<hbm>> -> memref<1000000x64xf32, #tpu.memory_space<hbm>>
      tpu.wait_indirect_dma semaphore(%arg15 : memref<!tpu.dma_semaphore, #tpu.memory_space<semaphore_mem>>) src(%dma_wait3A_1278 : memref<1000000x64xf32, #tpu.memory_space<hbm>>) dst(%dma_wait3A_1275 : memref<16x64xf32, #tpu.memory_space<vmem>>)
      %get3A_1279 = arith.index_cast %add3A_1158 : i32 to index
      %get3A_1280 = arith.constant 192 : index
      %get3A_1281 = tpu.vector_load %arg7[%get3A_1279, %get3A_1280] {strides = array<i32>} : memref<128x208xi32, #tpu.memory_space<vmem>>, vector<1x16xi32>,
      %get3A_1282 = vector.shape_cast %get3A_1281 : vector<1x16xi32> to vector<16xi32>
      %dma_wait3A_1283 = arith.constant 192 : i32
      %dma_wait3A_1284 = arith.constant 0 : i32
      %dma_wait3A_1285 = tpu.memref_slice %arg10[%dma_wait3A_1283, %dma_wait3A_1284] : memref<208x64xf32, #tpu.memory_space<vmem>> -> memref<16x64xf32, #tpu.memory_space<vmem>>
      %dma_wait3A_1286 = arith.constant 0 : i32
      %dma_wait3A_1287 = arith.constant 0 : i32
      %dma_wait3A_1288 = tpu.memref_slice %arg5[%dma_wait3A_1286, %dma_wait3A_1287] : memref<1000000x64xf32, #tpu.memory_space<hbm>> -> memref<1000000x64xf32, #tpu.memory_space<hbm>>
      tpu.wait_indirect_dma semaphore(%arg15 : memref<!tpu.dma_semaphore, #tpu.memory_space<semaphore_mem>>) src(%dma_wait3A_1288 : memref<1000000x64xf32, #tpu.memory_space<hbm>>) dst(%dma_wait3A_1285 : memref<16x64xf32, #tpu.memory_space<vmem>>)
      %broadcast_in_dim3A_1289 = arith.constant 0.000000e+00 : f32
      %broadcast_in_dim3A_1290 = vector.broadcast %broadcast_in_dim3A_1289 : f32 to vector<16xf32>
      %broadcast_in_dim3A_1291 = arith.constant 0.000000e+00 : f32
      %broadcast_in_dim3A_1292 = vector.broadcast %broadcast_in_dim3A_1291 : f32 to vector<16xf32>
      %broadcast_in_dim3A_1293 = arith.constant 0.000000e+00 : f32
      %broadcast_in_dim3A_1294 = vector.broadcast %broadcast_in_dim3A_1293 : f32 to vector<16xf32>
      %broadcast_in_dim3A_1295 = arith.constant 0.000000e+00 : f32
      %broadcast_in_dim3A_1296 = vector.broadcast %broadcast_in_dim3A_1295 : f32 to vector<16xf32>
      %scan3A_1297 = arith.constant 0 : i32
      %scan3A_1298 = arith.constant 208 : i32
      %scan3A_1299 = arith.addi %scan3A_1297, %scan3A_1298 : i32
      %scan3A_1300 = arith.constant 1 : i32
      %scan3A_1301:4 = scf.for %scan3A_2490 = %scan3A_1297 to %scan3A_1299 step %scan3A_1300 iter_args(%scan3A_2491 = %broadcast_in_dim3A_1290, %scan3A_2492 = %broadcast_in_dim3A_1292, %scan3A_2493 = %broadcast_in_dim3A_1294, %scan3A_2494 = %broadcast_in_dim3A_1296) -> (vector<16xf32>, vector<16xf32>, vector<16xf32>, vector<16xf32>)  : i32 {
        %get3A_2495 = arith.index_cast %scan3A_2490 : i32 to index
        %get3A_2496 = arith.constant 0 : index
        %get3A_2497 = tpu.vector_load %arg10[%get3A_2495, %get3A_2496] {strides = array<i32>} : memref<208x64xf32, #tpu.memory_space<vmem>>, vector<1x16xf32>,
        %get3A_2498 = vector.shape_cast %get3A_2497 : vector<1x16xf32> to vector<16xf32>
        %get3A_2499 = arith.index_cast %scan3A_2490 : i32 to index
        %get3A_2500 = arith.constant 0 : index
        %get3A_2501 = tpu.vector_load %arg8[%get3A_2499, %get3A_2500] {strides = array<i32>} : memref<208x64xf32, #tpu.memory_space<vmem>>, vector<1x16xf32>,
        %get3A_2502 = vector.shape_cast %get3A_2501 : vector<1x16xf32> to vector<16xf32>
        %mul3A_2503 = arith.mulf %get3A_2498, %get3A_2502 : vector<16xf32>
        %add3A_2504 = arith.addf %scan3A_2491, %mul3A_2503 : vector<16xf32>
        %get3A_2505 = arith.index_cast %scan3A_2490 : i32 to index
        %get3A_2506 = arith.constant 16 : index
        %get3A_2507 = tpu.vector_load %arg10[%get3A_2505, %get3A_2506] {strides = array<i32>} : memref<208x64xf32, #tpu.memory_space<vmem>>, vector<1x16xf32>,
        %get3A_2508 = vector.shape_cast %get3A_2507 : vector<1x16xf32> to vector<16xf32>
        %get3A_2509 = arith.index_cast %scan3A_2490 : i32 to index
        %get3A_2510 = arith.constant 16 : index
        %get3A_2511 = tpu.vector_load %arg8[%get3A_2509, %get3A_2510] {strides = array<i32>} : memref<208x64xf32, #tpu.memory_space<vmem>>, vector<1x16xf32>,
        %get3A_2512 = vector.shape_cast %get3A_2511 : vector<1x16xf32> to vector<16xf32>
        %mul3A_2513 = arith.mulf %get3A_2508, %get3A_2512 : vector<16xf32>
        %add3A_2514 = arith.addf %scan3A_2492, %mul3A_2513 : vector<16xf32>
        %get3A_2515 = arith.index_cast %scan3A_2490 : i32 to index
        %get3A_2516 = arith.constant 32 : index
        %get3A_2517 = tpu.vector_load %arg10[%get3A_2515, %get3A_2516] {strides = array<i32>} : memref<208x64xf32, #tpu.memory_space<vmem>>, vector<1x16xf32>,
        %get3A_2518 = vector.shape_cast %get3A_2517 : vector<1x16xf32> to vector<16xf32>
        %get3A_2519 = arith.index_cast %scan3A_2490 : i32 to index
        %get3A_2520 = arith.constant 32 : index
        %get3A_2521 = tpu.vector_load %arg8[%get3A_2519, %get3A_2520] {strides = array<i32>} : memref<208x64xf32, #tpu.memory_space<vmem>>, vector<1x16xf32>,
        %get3A_2522 = vector.shape_cast %get3A_2521 : vector<1x16xf32> to vector<16xf32>
        %mul3A_2523 = arith.mulf %get3A_2518, %get3A_2522 : vector<16xf32>
        %add3A_2524 = arith.addf %scan3A_2493, %mul3A_2523 : vector<16xf32>
        %get3A_2525 = arith.index_cast %scan3A_2490 : i32 to index
        %get3A_2526 = arith.constant 48 : index
        %get3A_2527 = tpu.vector_load %arg10[%get3A_2525, %get3A_2526] {strides = array<i32>} : memref<208x64xf32, #tpu.memory_space<vmem>>, vector<1x16xf32>,
        %get3A_2528 = vector.shape_cast %get3A_2527 : vector<1x16xf32> to vector<16xf32>
        %get3A_2529 = arith.index_cast %scan3A_2490 : i32 to index
        %get3A_2530 = arith.constant 48 : index
        %get3A_2531 = tpu.vector_load %arg8[%get3A_2529, %get3A_2530] {strides = array<i32>} : memref<208x64xf32, #tpu.memory_space<vmem>>, vector<1x16xf32>,
        %get3A_2532 = vector.shape_cast %get3A_2531 : vector<1x16xf32> to vector<16xf32>
        %mul3A_2533 = arith.mulf %get3A_2528, %get3A_2532 : vector<16xf32>
        %add3A_2534 = arith.addf %scan3A_2494, %mul3A_2533 : vector<16xf32>
        scf.yield %add3A_2504, %add3A_2514, %add3A_2524, %add3A_2534 : vector<16xf32>, vector<16xf32>, vector<16xf32>, vector<16xf32>
      }
      %scan3A_1302 = arith.constant 208 : i32
      %add3A_1303 = arith.addf %scan3A_1301#0, %scan3A_1301#1 : vector<16xf32>
      %add3A_1304 = arith.addf %scan3A_1301#2, %scan3A_1301#3 : vector<16xf32>
      %add3A_1305 = arith.addf %add3A_1303, %add3A_1304 : vector<16xf32>
      %xor3A = arith.constant 1 : i32
      %xor3A_1306 = vector.broadcast %xor3A : i32 to vector<16xi32>
      %xor3A_1307 = arith.xori %iota3A, %xor3A_1306 : vector<16xi32>
      %broadcast_in_dim3A_1308 = vector.shape_cast %xor3A_1307 : vector<16xi32> to vector<16x1xi32>
      %gather3A = vector.shape_cast %broadcast_in_dim3A_1308 : vector<16x1xi32> to vector<16xi32>
      %gather3A_1309 = tpu.dynamic_gather %add3A_1305[%gather3A] in [0] : vector<16xf32>, vector<16xi32> -> vector<16xf32>
      %add3A_1310 = arith.addf %add3A_1305, %gather3A_1309 : vector<16xf32>
      %xor3A_1311 = arith.constant 2 : i32
      %xor3A_1312 = vector.broadcast %xor3A_1311 : i32 to vector<16xi32>
      %xor3A_1313 = arith.xori %iota3A, %xor3A_1312 : vector<16xi32>
      %broadcast_in_dim3A_1314 = vector.shape_cast %xor3A_1313 : vector<16xi32> to vector<16x1xi32>
      %gather3A_1315 = vector.shape_cast %broadcast_in_dim3A_1314 : vector<16x1xi32> to vector<16xi32>
      %gather3A_1316 = tpu.dynamic_gather %add3A_1310[%gather3A_1315] in [0] : vector<16xf32>, vector<16xi32> -> vector<16xf32>
      %add3A_1317 = arith.addf %add3A_1310, %gather3A_1316 : vector<16xf32>
      %xor3A_1318 = arith.constant 4 : i32
      %xor3A_1319 = vector.broadcast %xor3A_1318 : i32 to vector<16xi32>
      %xor3A_1320 = arith.xori %iota3A, %xor3A_1319 : vector<16xi32>
      %broadcast_in_dim3A_1321 = vector.shape_cast %xor3A_1320 : vector<16xi32> to vector<16x1xi32>
      %gather3A_1322 = vector.shape_cast %broadcast_in_dim3A_1321 : vector<16x1xi32> to vector<16xi32>
      %gather3A_1323 = tpu.dynamic_gather %add3A_1317[%gather3A_1322] in [0] : vector<16xf32>, vector<16xi32> -> vector<16xf32>
      %add3A_1324 = arith.addf %add3A_1317, %gather3A_1323 : vector<16xf32>
      %xor3A_1325 = arith.constant 8 : i32
      %xor3A_1326 = vector.broadcast %xor3A_1325 : i32 to vector<16xi32>
      %xor3A_1327 = arith.xori %iota3A, %xor3A_1326 : vector<16xi32>
      %broadcast_in_dim3A_1328 = vector.shape_cast %xor3A_1327 : vector<16xi32> to vector<16x1xi32>
      %gather3A_1329 = vector.shape_cast %broadcast_in_dim3A_1328 : vector<16x1xi32> to vector<16xi32>
      %gather3A_1330 = tpu.dynamic_gather %add3A_1324[%gather3A_1329] in [0] : vector<16xf32>, vector<16xi32> -> vector<16xf32>
      %add3A_1331 = arith.addf %add3A_1324, %gather3A_1330 : vector<16xf32>
      %add3A_1332 = arith.addf %add3A_1331, %get3A_4 : vector<16xf32>
      %add3A_1333 = arith.constant 4 : i32
      %add3A_1334 = arith.addi %add3A_1158, %add3A_1333 : i32
      %min3A = arith.constant 127 : i32
      %min3A_1335 = arith.minsi %add3A_1334, %min3A : i32
      %get3A_1336 = arith.index_cast %min3A_1335 : i32 to index
      %get3A_1337 = arith.constant 0 : index
      %get3A_1338 = tpu.vector_load %arg7[%get3A_1336, %get3A_1337] {strides = array<i32>} : memref<128x208xi32, #tpu.memory_space<vmem>>, vector<1x16xi32>,
      %get3A_1339 = vector.shape_cast %get3A_1338 : vector<1x16xi32> to vector<16xi32>
      %dma_start3A_1340 = arith.constant 0 : i32
      %dma_start3A_1341 = arith.constant 0 : i32
      %dma_start3A_1342 = tpu.memref_slice %arg10[%dma_start3A_1340, %dma_start3A_1341] : memref<208x64xf32, #tpu.memory_space<vmem>> -> memref<16x64xf32, #tpu.memory_space<vmem>>
      %dma_start3A_1343 = arith.constant 0 : i32
      %dma_start3A_1344 = arith.constant 0 : i32
      %dma_start3A_1345 = tpu.memref_slice %arg5[%dma_start3A_1343, %dma_start3A_1344] : memref<1000000x64xf32, #tpu.memory_space<hbm>> -> memref<1000000x64xf32, #tpu.memory_space<hbm>>
      tpu.enqueue_indirect_dma source(%dma_start3A_1345 : memref<1000000x64xf32, #tpu.memory_space<hbm>>) target(%dma_start3A_1342 : memref<16x64xf32, #tpu.memory_space<vmem>>) offsets(%get3A_1339 : vector<16xi32>) semaphore(%arg15 : memref<!tpu.dma_semaphore, #tpu.memory_space<semaphore_mem>>)
      %get3A_1346 = arith.index_cast %min3A_1335 : i32 to index
      %get3A_1347 = arith.constant 16 : index
      %get3A_1348 = tpu.vector_load %arg7[%get3A_1346, %get3A_1347] {strides = array<i32>} : memref<128x208xi32, #tpu.memory_space<vmem>>, vector<1x16xi32>,
      %get3A_1349 = vector.shape_cast %get3A_1348 : vector<1x16xi32> to vector<16xi32>
      %dma_start3A_1350 = arith.constant 16 : i32
      %dma_start3A_1351 = arith.constant 0 : i32
      %dma_start3A_1352 = tpu.memref_slice %arg10[%dma_start3A_1350, %dma_start3A_1351] : memref<208x64xf32, #tpu.memory_space<vmem>> -> memref<16x64xf32, #tpu.memory_space<vmem>>
      %dma_start3A_1353 = arith.constant 0 : i32
      %dma_start3A_1354 = arith.constant 0 : i32
      %dma_start3A_1355 = tpu.memref_slice %arg5[%dma_start3A_1353, %dma_start3A_1354] : memref<1000000x64xf32, #tpu.memory_space<hbm>> -> memref<1000000x64xf32, #tpu.memory_space<hbm>>
      tpu.enqueue_indirect_dma source(%dma_start3A_1355 : memref<1000000x64xf32, #tpu.memory_space<hbm>>) target(%dma_start3A_1352 : memref<16x64xf32, #tpu.memory_space<vmem>>) offsets(%get3A_1349 : vector<16xi32>) semaphore(%arg15 : memref<!tpu.dma_semaphore, #tpu.memory_space<semaphore_mem>>)
      %get3A_1356 = arith.index_cast %min3A_1335 : i32 to index
      %get3A_1357 = arith.constant 32 : index
      %get3A_1358 = tpu.vector_load %arg7[%get3A_1356, %get3A_1357] {strides = array<i32>} : memref<128x208xi32, #tpu.memory_space<vmem>>, vector<1x16xi32>,
      %get3A_1359 = vector.shape_cast %get3A_1358 : vector<1x16xi32> to vector<16xi32>
      %dma_start3A_1360 = arith.constant 32 : i32
      %dma_start3A_1361 = arith.constant 0 : i32
      %dma_start3A_1362 = tpu.memref_slice %arg10[%dma_start3A_1360, %dma_start3A_1361] : memref<208x64xf32, #tpu.memory_space<vmem>> -> memref<16x64xf32, #tpu.memory_space<vmem>>
      %dma_start3A_1363 = arith.constant 0 : i32
      %dma_start3A_1364 = arith.constant 0 : i32
      %dma_start3A_1365 = tpu.memref_slice %arg5[%dma_start3A_1363, %dma_start3A_1364] : memref<1000000x64xf32, #tpu.memory_space<hbm>> -> memref<1000000x64xf32, #tpu.memory_space<hbm>>
      tpu.enqueue_indirect_dma source(%dma_start3A_1365 : memref<1000000x64xf32, #tpu.memory_space<hbm>>) target(%dma_start3A_1362 : memref<16x64xf32, #tpu.memory_space<vmem>>) offsets(%get3A_1359 : vector<16xi32>) semaphore(%arg15 : memref<!tpu.dma_semaphore, #tpu.memory_space<semaphore_mem>>)
      %get3A_1366 = arith.index_cast %min3A_1335 : i32 to index
      %get3A_1367 = arith.constant 48 : index
      %get3A_1368 = tpu.vector_load %arg7[%get3A_1366, %get3A_1367] {strides = array<i32>} : memref<128x208xi32, #tpu.memory_space<vmem>>, vector<1x16xi32>,
      %get3A_1369 = vector.shape_cast %get3A_1368 : vector<1x16xi32> to vector<16xi32>
      %dma_start3A_1370 = arith.constant 48 : i32
      %dma_start3A_1371 = arith.constant 0 : i32
      %dma_start3A_1372 = tpu.memref_slice %arg10[%dma_start3A_1370, %dma_start3A_1371] : memref<208x64xf32, #tpu.memory_space<vmem>> -> memref<16x64xf32, #tpu.memory_space<vmem>>
      %dma_start3A_1373 = arith.constant 0 : i32
      %dma_start3A_1374 = arith.constant 0 : i32
      %dma_start3A_1375 = tpu.memref_slice %arg5[%dma_start3A_1373, %dma_start3A_1374] : memref<1000000x64xf32, #tpu.memory_space<hbm>> -> memref<1000000x64xf32, #tpu.memory_space<hbm>>
      tpu.enqueue_indirect_dma source(%dma_start3A_1375 : memref<1000000x64xf32, #tpu.memory_space<hbm>>) target(%dma_start3A_1372 : memref<16x64xf32, #tpu.memory_space<vmem>>) offsets(%get3A_1369 : vector<16xi32>) semaphore(%arg15 : memref<!tpu.dma_semaphore, #tpu.memory_space<semaphore_mem>>)
      %get3A_1376 = arith.index_cast %min3A_1335 : i32 to index
      %get3A_1377 = arith.constant 64 : index
      %get3A_1378 = tpu.vector_load %arg7[%get3A_1376, %get3A_1377] {strides = array<i32>} : memref<128x208xi32, #tpu.memory_space<vmem>>, vector<1x16xi32>,
      %get3A_1379 = vector.shape_cast %get3A_1378 : vector<1x16xi32> to vector<16xi32>
      %dma_start3A_1380 = arith.constant 64 : i32
      %dma_start3A_1381 = arith.constant 0 : i32
      %dma_start3A_1382 = tpu.memref_slice %arg10[%dma_start3A_1380, %dma_start3A_1381] : memref<208x64xf32, #tpu.memory_space<vmem>> -> memref<16x64xf32, #tpu.memory_space<vmem>>
      %dma_start3A_1383 = arith.constant 0 : i32
      %dma_start3A_1384 = arith.constant 0 : i32
      %dma_start3A_1385 = tpu.memref_slice %arg5[%dma_start3A_1383, %dma_start3A_1384] : memref<1000000x64xf32, #tpu.memory_space<hbm>> -> memref<1000000x64xf32, #tpu.memory_space<hbm>>
      tpu.enqueue_indirect_dma source(%dma_start3A_1385 : memref<1000000x64xf32, #tpu.memory_space<hbm>>) target(%dma_start3A_1382 : memref<16x64xf32, #tpu.memory_space<vmem>>) offsets(%get3A_1379 : vector<16xi32>) semaphore(%arg15 : memref<!tpu.dma_semaphore, #tpu.memory_space<semaphore_mem>>)
      %get3A_1386 = arith.index_cast %min3A_1335 : i32 to index
      %get3A_1387 = arith.constant 80 : index
      %get3A_1388 = tpu.vector_load %arg7[%get3A_1386, %get3A_1387] {strides = array<i32>} : memref<128x208xi32, #tpu.memory_space<vmem>>, vector<1x16xi32>,
      %get3A_1389 = vector.shape_cast %get3A_1388 : vector<1x16xi32> to vector<16xi32>
      %dma_start3A_1390 = arith.constant 80 : i32
      %dma_start3A_1391 = arith.constant 0 : i32
      %dma_start3A_1392 = tpu.memref_slice %arg10[%dma_start3A_1390, %dma_start3A_1391] : memref<208x64xf32, #tpu.memory_space<vmem>> -> memref<16x64xf32, #tpu.memory_space<vmem>>
      %dma_start3A_1393 = arith.constant 0 : i32
      %dma_start3A_1394 = arith.constant 0 : i32
      %dma_start3A_1395 = tpu.memref_slice %arg5[%dma_start3A_1393, %dma_start3A_1394] : memref<1000000x64xf32, #tpu.memory_space<hbm>> -> memref<1000000x64xf32, #tpu.memory_space<hbm>>
      tpu.enqueue_indirect_dma source(%dma_start3A_1395 : memref<1000000x64xf32, #tpu.memory_space<hbm>>) target(%dma_start3A_1392 : memref<16x64xf32, #tpu.memory_space<vmem>>) offsets(%get3A_1389 : vector<16xi32>) semaphore(%arg15 : memref<!tpu.dma_semaphore, #tpu.memory_space<semaphore_mem>>)
      %get3A_1396 = arith.index_cast %min3A_1335 : i32 to index
      %get3A_1397 = arith.constant 96 : index
      %get3A_1398 = tpu.vector_load %arg7[%get3A_1396, %get3A_1397] {strides = array<i32>} : memref<128x208xi32, #tpu.memory_space<vmem>>, vector<1x16xi32>,
      %get3A_1399 = vector.shape_cast %get3A_1398 : vector<1x16xi32> to vector<16xi32>
      %dma_start3A_1400 = arith.constant 96 : i32
      %dma_start3A_1401 = arith.constant 0 : i32
      %dma_start3A_1402 = tpu.memref_slice %arg10[%dma_start3A_1400, %dma_start3A_1401] : memref<208x64xf32, #tpu.memory_space<vmem>> -> memref<16x64xf32, #tpu.memory_space<vmem>>
      %dma_start3A_1403 = arith.constant 0 : i32
      %dma_start3A_1404 = arith.constant 0 : i32
      %dma_start3A_1405 = tpu.memref_slice %arg5[%dma_start3A_1403, %dma_start3A_1404] : memref<1000000x64xf32, #tpu.memory_space<hbm>> -> memref<1000000x64xf32, #tpu.memory_space<hbm>>
      tpu.enqueue_indirect_dma source(%dma_start3A_1405 : memref<1000000x64xf32, #tpu.memory_space<hbm>>) target(%dma_start3A_1402 : memref<16x64xf32, #tpu.memory_space<vmem>>) offsets(%get3A_1399 : vector<16xi32>) semaphore(%arg15 : memref<!tpu.dma_semaphore, #tpu.memory_space<semaphore_mem>>)
      %get3A_1406 = arith.index_cast %min3A_1335 : i32 to index
      %get3A_1407 = arith.constant 112 : index
      %get3A_1408 = tpu.vector_load %arg7[%get3A_1406, %get3A_1407] {strides = array<i32>} : memref<128x208xi32, #tpu.memory_space<vmem>>, vector<1x16xi32>,
      %get3A_1409 = vector.shape_cast %get3A_1408 : vector<1x16xi32> to vector<16xi32>
      %dma_start3A_1410 = arith.constant 112 : i32
      %dma_start3A_1411 = arith.constant 0 : i32
      %dma_start3A_1412 = tpu.memref_slice %arg10[%dma_start3A_1410, %dma_start3A_1411] : memref<208x64xf32, #tpu.memory_space<vmem>> -> memref<16x64xf32, #tpu.memory_space<vmem>>
      %dma_start3A_1413 = arith.constant 0 : i32
      %dma_start3A_1414 = arith.constant 0 : i32
      %dma_start3A_1415 = tpu.memref_slice %arg5[%dma_start3A_1413, %dma_start3A_1414] : memref<1000000x64xf32, #tpu.memory_space<hbm>> -> memref<1000000x64xf32, #tpu.memory_space<hbm>>
      tpu.enqueue_indirect_dma source(%dma_start3A_1415 : memref<1000000x64xf32, #tpu.memory_space<hbm>>) target(%dma_start3A_1412 : memref<16x64xf32, #tpu.memory_space<vmem>>) offsets(%get3A_1409 : vector<16xi32>) semaphore(%arg15 : memref<!tpu.dma_semaphore, #tpu.memory_space<semaphore_mem>>)
      %get3A_1416 = arith.index_cast %min3A_1335 : i32 to index
      %get3A_1417 = arith.constant 128 : index
      %get3A_1418 = tpu.vector_load %arg7[%get3A_1416, %get3A_1417] {strides = array<i32>} : memref<128x208xi32, #tpu.memory_space<vmem>>, vector<1x16xi32>,
      %get3A_1419 = vector.shape_cast %get3A_1418 : vector<1x16xi32> to vector<16xi32>
      %dma_start3A_1420 = arith.constant 128 : i32
      %dma_start3A_1421 = arith.constant 0 : i32
      %dma_start3A_1422 = tpu.memref_slice %arg10[%dma_start3A_1420, %dma_start3A_1421] : memref<208x64xf32, #tpu.memory_space<vmem>> -> memref<16x64xf32, #tpu.memory_space<vmem>>
      %dma_start3A_1423 = arith.constant 0 : i32
      %dma_start3A_1424 = arith.constant 0 : i32
      %dma_start3A_1425 = tpu.memref_slice %arg5[%dma_start3A_1423, %dma_start3A_1424] : memref<1000000x64xf32, #tpu.memory_space<hbm>> -> memref<1000000x64xf32, #tpu.memory_space<hbm>>
      tpu.enqueue_indirect_dma source(%dma_start3A_1425 : memref<1000000x64xf32, #tpu.memory_space<hbm>>) target(%dma_start3A_1422 : memref<16x64xf32, #tpu.memory_space<vmem>>) offsets(%get3A_1419 : vector<16xi32>) semaphore(%arg15 : memref<!tpu.dma_semaphore, #tpu.memory_space<semaphore_mem>>)
      %get3A_1426 = arith.index_cast %min3A_1335 : i32 to index
      %get3A_1427 = arith.constant 144 : index
      %get3A_1428 = tpu.vector_load %arg7[%get3A_1426, %get3A_1427] {strides = array<i32>} : memref<128x208xi32, #tpu.memory_space<vmem>>, vector<1x16xi32>,
      %get3A_1429 = vector.shape_cast %get3A_1428 : vector<1x16xi32> to vector<16xi32>
      %dma_start3A_1430 = arith.constant 144 : i32
      %dma_start3A_1431 = arith.constant 0 : i32
      %dma_start3A_1432 = tpu.memref_slice %arg10[%dma_start3A_1430, %dma_start3A_1431] : memref<208x64xf32, #tpu.memory_space<vmem>> -> memref<16x64xf32, #tpu.memory_space<vmem>>
      %dma_start3A_1433 = arith.constant 0 : i32
      %dma_start3A_1434 = arith.constant 0 : i32
      %dma_start3A_1435 = tpu.memref_slice %arg5[%dma_start3A_1433, %dma_start3A_1434] : memref<1000000x64xf32, #tpu.memory_space<hbm>> -> memref<1000000x64xf32, #tpu.memory_space<hbm>>
      tpu.enqueue_indirect_dma source(%dma_start3A_1435 : memref<1000000x64xf32, #tpu.memory_space<hbm>>) target(%dma_start3A_1432 : memref<16x64xf32, #tpu.memory_space<vmem>>) offsets(%get3A_1429 : vector<16xi32>) semaphore(%arg15 : memref<!tpu.dma_semaphore, #tpu.memory_space<semaphore_mem>>)
      %get3A_1436 = arith.index_cast %min3A_1335 : i32 to index
      %get3A_1437 = arith.constant 160 : index
      %get3A_1438 = tpu.vector_load %arg7[%get3A_1436, %get3A_1437] {strides = array<i32>} : memref<128x208xi32, #tpu.memory_space<vmem>>, vector<1x16xi32>,
      %get3A_1439 = vector.shape_cast %get3A_1438 : vector<1x16xi32> to vector<16xi32>
      %dma_start3A_1440 = arith.constant 160 : i32
      %dma_start3A_1441 = arith.constant 0 : i32
      %dma_start3A_1442 = tpu.memref_slice %arg10[%dma_start3A_1440, %dma_start3A_1441] : memref<208x64xf32, #tpu.memory_space<vmem>> -> memref<16x64xf32, #tpu.memory_space<vmem>>
      %dma_start3A_1443 = arith.constant 0 : i32
      %dma_start3A_1444 = arith.constant 0 : i32
      %dma_start3A_1445 = tpu.memref_slice %arg5[%dma_start3A_1443, %dma_start3A_1444] : memref<1000000x64xf32, #tpu.memory_space<hbm>> -> memref<1000000x64xf32, #tpu.memory_space<hbm>>
      tpu.enqueue_indirect_dma source(%dma_start3A_1445 : memref<1000000x64xf32, #tpu.memory_space<hbm>>) target(%dma_start3A_1442 : memref<16x64xf32, #tpu.memory_space<vmem>>) offsets(%get3A_1439 : vector<16xi32>) semaphore(%arg15 : memref<!tpu.dma_semaphore, #tpu.memory_space<semaphore_mem>>)
      %get3A_1446 = arith.index_cast %min3A_1335 : i32 to index
      %get3A_1447 = arith.constant 176 : index
      %get3A_1448 = tpu.vector_load %arg7[%get3A_1446, %get3A_1447] {strides = array<i32>} : memref<128x208xi32, #tpu.memory_space<vmem>>, vector<1x16xi32>,
      %get3A_1449 = vector.shape_cast %get3A_1448 : vector<1x16xi32> to vector<16xi32>
      %dma_start3A_1450 = arith.constant 176 : i32
      %dma_start3A_1451 = arith.constant 0 : i32
      %dma_start3A_1452 = tpu.memref_slice %arg10[%dma_start3A_1450, %dma_start3A_1451] : memref<208x64xf32, #tpu.memory_space<vmem>> -> memref<16x64xf32, #tpu.memory_space<vmem>>
      %dma_start3A_1453 = arith.constant 0 : i32
      %dma_start3A_1454 = arith.constant 0 : i32
      %dma_start3A_1455 = tpu.memref_slice %arg5[%dma_start3A_1453, %dma_start3A_1454] : memref<1000000x64xf32, #tpu.memory_space<hbm>> -> memref<1000000x64xf32, #tpu.memory_space<hbm>>
      tpu.enqueue_indirect_dma source(%dma_start3A_1455 : memref<1000000x64xf32, #tpu.memory_space<hbm>>) target(%dma_start3A_1452 : memref<16x64xf32, #tpu.memory_space<vmem>>) offsets(%get3A_1449 : vector<16xi32>) semaphore(%arg15 : memref<!tpu.dma_semaphore, #tpu.memory_space<semaphore_mem>>)
      %get3A_1456 = arith.index_cast %min3A_1335 : i32 to index
      %get3A_1457 = arith.constant 192 : index
      %get3A_1458 = tpu.vector_load %arg7[%get3A_1456, %get3A_1457] {strides = array<i32>} : memref<128x208xi32, #tpu.memory_space<vmem>>, vector<1x16xi32>,
      %get3A_1459 = vector.shape_cast %get3A_1458 : vector<1x16xi32> to vector<16xi32>
      %dma_start3A_1460 = arith.constant 192 : i32
      %dma_start3A_1461 = arith.constant 0 : i32
      %dma_start3A_1462 = tpu.memref_slice %arg10[%dma_start3A_1460, %dma_start3A_1461] : memref<208x64xf32, #tpu.memory_space<vmem>> -> memref<16x64xf32, #tpu.memory_space<vmem>>
      %dma_start3A_1463 = arith.constant 0 : i32
      %dma_start3A_1464 = arith.constant 0 : i32
      %dma_start3A_1465 = tpu.memref_slice %arg5[%dma_start3A_1463, %dma_start3A_1464] : memref<1000000x64xf32, #tpu.memory_space<hbm>> -> memref<1000000x64xf32, #tpu.memory_space<hbm>>
      tpu.enqueue_indirect_dma source(%dma_start3A_1465 : memref<1000000x64xf32, #tpu.memory_space<hbm>>) target(%dma_start3A_1462 : memref<16x64xf32, #tpu.memory_space<vmem>>) offsets(%get3A_1459 : vector<16xi32>) semaphore(%arg15 : memref<!tpu.dma_semaphore, #tpu.memory_space<semaphore_mem>>)
      %jit3A = arith.constant 16 : i32
      %eq3A = arith.constant 0 : i32
      %eq3A_1466 = arith.cmpi eq, %jit3A, %eq3A : i32
      %jit3A_1467 = arith.constant 1 : i32
      %select_n3A = arith.select %eq3A_1466, %jit3A_1467, %jit3A : i32
      %rem3A = arith.remsi %add3A_1158, %select_n3A : i32
      %ne3A = arith.constant 0 : i32
      %ne3A_1468 = arith.cmpi ne, %rem3A, %ne3A : i32
      %lt3A = arith.constant 0 : i32
      %lt3A_1469 = arith.cmpi slt, %rem3A, %lt3A : i32
      %lt3A_1470 = arith.constant 0 : i32
      %lt3A_1471 = arith.cmpi slt, %select_n3A, %lt3A_1470 : i32
      %ne3A_1472 = arith.xori %lt3A_1469, %lt3A_1471 : i1
      %and3A = arith.andi %ne3A_1472, %ne3A_1468 : i1
      %add3A_1473 = arith.addi %rem3A, %select_n3A : i32
      %select_n3A_1474 = arith.select %and3A, %add3A_1473, %rem3A : i32
      %eq3A_1475 = vector.broadcast %select_n3A_1474 : i32 to vector<16xi32>
      %eq3A_1476 = arith.cmpi eq, %iota3A, %eq3A_1475 : vector<16xi32>
      %select_n3A_1477 = arith.select %eq3A_1476, %add3A_1332, %scan3A_1154 : vector<16xi1>, vector<16xf32>
      %add3A_1478 = arith.constant 1 : i32
      %add3A_1479 = arith.addi %mul3A_1156, %add3A_1478 : i32
      %get3A_1480 = arith.index_cast %add3A_1479 : i32 to index
      %get3A_1481 = arith.constant 0 : index
      %get3A_1482 = tpu.vector_load %arg7[%get3A_1480, %get3A_1481] {strides = array<i32>} : memref<128x208xi32, #tpu.memory_space<vmem>>, vector<1x16xi32>,
      %get3A_1483 = vector.shape_cast %get3A_1482 : vector<1x16xi32> to vector<16xi32>
      %dma_wait3A_1484 = arith.constant 0 : i32
      %dma_wait3A_1485 = arith.constant 0 : i32
      %dma_wait3A_1486 = tpu.memref_slice %arg11[%dma_wait3A_1484, %dma_wait3A_1485] : memref<208x64xf32, #tpu.memory_space<vmem>> -> memref<16x64xf32, #tpu.memory_space<vmem>>
      %dma_wait3A_1487 = arith.constant 0 : i32
      %dma_wait3A_1488 = arith.constant 0 : i32
      %dma_wait3A_1489 = tpu.memref_slice %arg5[%dma_wait3A_1487, %dma_wait3A_1488] : memref<1000000x64xf32, #tpu.memory_space<hbm>> -> memref<1000000x64xf32, #tpu.memory_space<hbm>>
      tpu.wait_indirect_dma semaphore(%arg16 : memref<!tpu.dma_semaphore, #tpu.memory_space<semaphore_mem>>) src(%dma_wait3A_1489 : memref<1000000x64xf32, #tpu.memory_space<hbm>>) dst(%dma_wait3A_1486 : memref<16x64xf32, #tpu.memory_space<vmem>>)
      %get3A_1490 = arith.index_cast %add3A_1479 : i32 to index
      %get3A_1491 = arith.constant 16 : index
      %get3A_1492 = tpu.vector_load %arg7[%get3A_1490, %get3A_1491] {strides = array<i32>} : memref<128x208xi32, #tpu.memory_space<vmem>>, vector<1x16xi32>,
      %get3A_1493 = vector.shape_cast %get3A_1492 : vector<1x16xi32> to vector<16xi32>
      %dma_wait3A_1494 = arith.constant 16 : i32
      %dma_wait3A_1495 = arith.constant 0 : i32
      %dma_wait3A_1496 = tpu.memref_slice %arg11[%dma_wait3A_1494, %dma_wait3A_1495] : memref<208x64xf32, #tpu.memory_space<vmem>> -> memref<16x64xf32, #tpu.memory_space<vmem>>
      %dma_wait3A_1497 = arith.constant 0 : i32
      %dma_wait3A_1498 = arith.constant 0 : i32
      %dma_wait3A_1499 = tpu.memref_slice %arg5[%dma_wait3A_1497, %dma_wait3A_1498] : memref<1000000x64xf32, #tpu.memory_space<hbm>> -> memref<1000000x64xf32, #tpu.memory_space<hbm>>
      tpu.wait_indirect_dma semaphore(%arg16 : memref<!tpu.dma_semaphore, #tpu.memory_space<semaphore_mem>>) src(%dma_wait3A_1499 : memref<1000000x64xf32, #tpu.memory_space<hbm>>) dst(%dma_wait3A_1496 : memref<16x64xf32, #tpu.memory_space<vmem>>)
      %get3A_1500 = arith.index_cast %add3A_1479 : i32 to index
      %get3A_1501 = arith.constant 32 : index
      %get3A_1502 = tpu.vector_load %arg7[%get3A_1500, %get3A_1501] {strides = array<i32>} : memref<128x208xi32, #tpu.memory_space<vmem>>, vector<1x16xi32>,
      %get3A_1503 = vector.shape_cast %get3A_1502 : vector<1x16xi32> to vector<16xi32>
      %dma_wait3A_1504 = arith.constant 32 : i32
      %dma_wait3A_1505 = arith.constant 0 : i32
      %dma_wait3A_1506 = tpu.memref_slice %arg11[%dma_wait3A_1504, %dma_wait3A_1505] : memref<208x64xf32, #tpu.memory_space<vmem>> -> memref<16x64xf32, #tpu.memory_space<vmem>>
      %dma_wait3A_1507 = arith.constant 0 : i32
      %dma_wait3A_1508 = arith.constant 0 : i32
      %dma_wait3A_1509 = tpu.memref_slice %arg5[%dma_wait3A_1507, %dma_wait3A_1508] : memref<1000000x64xf32, #tpu.memory_space<hbm>> -> memref<1000000x64xf32, #tpu.memory_space<hbm>>
      tpu.wait_indirect_dma semaphore(%arg16 : memref<!tpu.dma_semaphore, #tpu.memory_space<semaphore_mem>>) src(%dma_wait3A_1509 : memref<1000000x64xf32, #tpu.memory_space<hbm>>) dst(%dma_wait3A_1506 : memref<16x64xf32, #tpu.memory_space<vmem>>)
      %get3A_1510 = arith.index_cast %add3A_1479 : i32 to index
      %get3A_1511 = arith.constant 48 : index
      %get3A_1512 = tpu.vector_load %arg7[%get3A_1510, %get3A_1511] {strides = array<i32>} : memref<128x208xi32, #tpu.memory_space<vmem>>, vector<1x16xi32>,
      %get3A_1513 = vector.shape_cast %get3A_1512 : vector<1x16xi32> to vector<16xi32>
      %dma_wait3A_1514 = arith.constant 48 : i32
      %dma_wait3A_1515 = arith.constant 0 : i32
      %dma_wait3A_1516 = tpu.memref_slice %arg11[%dma_wait3A_1514, %dma_wait3A_1515] : memref<208x64xf32, #tpu.memory_space<vmem>> -> memref<16x64xf32, #tpu.memory_space<vmem>>
      %dma_wait3A_1517 = arith.constant 0 : i32
      %dma_wait3A_1518 = arith.constant 0 : i32
      %dma_wait3A_1519 = tpu.memref_slice %arg5[%dma_wait3A_1517, %dma_wait3A_1518] : memref<1000000x64xf32, #tpu.memory_space<hbm>> -> memref<1000000x64xf32, #tpu.memory_space<hbm>>
      tpu.wait_indirect_dma semaphore(%arg16 : memref<!tpu.dma_semaphore, #tpu.memory_space<semaphore_mem>>) src(%dma_wait3A_1519 : memref<1000000x64xf32, #tpu.memory_space<hbm>>) dst(%dma_wait3A_1516 : memref<16x64xf32, #tpu.memory_space<vmem>>)
      %get3A_1520 = arith.index_cast %add3A_1479 : i32 to index
      %get3A_1521 = arith.constant 64 : index
      %get3A_1522 = tpu.vector_load %arg7[%get3A_1520, %get3A_1521] {strides = array<i32>} : memref<128x208xi32, #tpu.memory_space<vmem>>, vector<1x16xi32>,
      %get3A_1523 = vector.shape_cast %get3A_1522 : vector<1x16xi32> to vector<16xi32>
      %dma_wait3A_1524 = arith.constant 64 : i32
      %dma_wait3A_1525 = arith.constant 0 : i32
      %dma_wait3A_1526 = tpu.memref_slice %arg11[%dma_wait3A_1524, %dma_wait3A_1525] : memref<208x64xf32, #tpu.memory_space<vmem>> -> memref<16x64xf32, #tpu.memory_space<vmem>>
      %dma_wait3A_1527 = arith.constant 0 : i32
      %dma_wait3A_1528 = arith.constant 0 : i32
      %dma_wait3A_1529 = tpu.memref_slice %arg5[%dma_wait3A_1527, %dma_wait3A_1528] : memref<1000000x64xf32, #tpu.memory_space<hbm>> -> memref<1000000x64xf32, #tpu.memory_space<hbm>>
      tpu.wait_indirect_dma semaphore(%arg16 : memref<!tpu.dma_semaphore, #tpu.memory_space<semaphore_mem>>) src(%dma_wait3A_1529 : memref<1000000x64xf32, #tpu.memory_space<hbm>>) dst(%dma_wait3A_1526 : memref<16x64xf32, #tpu.memory_space<vmem>>)
      %get3A_1530 = arith.index_cast %add3A_1479 : i32 to index
      %get3A_1531 = arith.constant 80 : index
      %get3A_1532 = tpu.vector_load %arg7[%get3A_1530, %get3A_1531] {strides = array<i32>} : memref<128x208xi32, #tpu.memory_space<vmem>>, vector<1x16xi32>,
      %get3A_1533 = vector.shape_cast %get3A_1532 : vector<1x16xi32> to vector<16xi32>
      %dma_wait3A_1534 = arith.constant 80 : i32
      %dma_wait3A_1535 = arith.constant 0 : i32
      %dma_wait3A_1536 = tpu.memref_slice %arg11[%dma_wait3A_1534, %dma_wait3A_1535] : memref<208x64xf32, #tpu.memory_space<vmem>> -> memref<16x64xf32, #tpu.memory_space<vmem>>
      %dma_wait3A_1537 = arith.constant 0 : i32
      %dma_wait3A_1538 = arith.constant 0 : i32
      %dma_wait3A_1539 = tpu.memref_slice %arg5[%dma_wait3A_1537, %dma_wait3A_1538] : memref<1000000x64xf32, #tpu.memory_space<hbm>> -> memref<1000000x64xf32, #tpu.memory_space<hbm>>
      tpu.wait_indirect_dma semaphore(%arg16 : memref<!tpu.dma_semaphore, #tpu.memory_space<semaphore_mem>>) src(%dma_wait3A_1539 : memref<1000000x64xf32, #tpu.memory_space<hbm>>) dst(%dma_wait3A_1536 : memref<16x64xf32, #tpu.memory_space<vmem>>)
      %get3A_1540 = arith.index_cast %add3A_1479 : i32 to index
      %get3A_1541 = arith.constant 96 : index
      %get3A_1542 = tpu.vector_load %arg7[%get3A_1540, %get3A_1541] {strides = array<i32>} : memref<128x208xi32, #tpu.memory_space<vmem>>, vector<1x16xi32>,
      %get3A_1543 = vector.shape_cast %get3A_1542 : vector<1x16xi32> to vector<16xi32>
      %dma_wait3A_1544 = arith.constant 96 : i32
      %dma_wait3A_1545 = arith.constant 0 : i32
      %dma_wait3A_1546 = tpu.memref_slice %arg11[%dma_wait3A_1544, %dma_wait3A_1545] : memref<208x64xf32, #tpu.memory_space<vmem>> -> memref<16x64xf32, #tpu.memory_space<vmem>>
      %dma_wait3A_1547 = arith.constant 0 : i32
      %dma_wait3A_1548 = arith.constant 0 : i32
      %dma_wait3A_1549 = tpu.memref_slice %arg5[%dma_wait3A_1547, %dma_wait3A_1548] : memref<1000000x64xf32, #tpu.memory_space<hbm>> -> memref<1000000x64xf32, #tpu.memory_space<hbm>>
      tpu.wait_indirect_dma semaphore(%arg16 : memref<!tpu.dma_semaphore, #tpu.memory_space<semaphore_mem>>) src(%dma_wait3A_1549 : memref<1000000x64xf32, #tpu.memory_space<hbm>>) dst(%dma_wait3A_1546 : memref<16x64xf32, #tpu.memory_space<vmem>>)
      %get3A_1550 = arith.index_cast %add3A_1479 : i32 to index
      %get3A_1551 = arith.constant 112 : index
      %get3A_1552 = tpu.vector_load %arg7[%get3A_1550, %get3A_1551] {strides = array<i32>} : memref<128x208xi32, #tpu.memory_space<vmem>>, vector<1x16xi32>,
      %get3A_1553 = vector.shape_cast %get3A_1552 : vector<1x16xi32> to vector<16xi32>
      %dma_wait3A_1554 = arith.constant 112 : i32
      %dma_wait3A_1555 = arith.constant 0 : i32
      %dma_wait3A_1556 = tpu.memref_slice %arg11[%dma_wait3A_1554, %dma_wait3A_1555] : memref<208x64xf32, #tpu.memory_space<vmem>> -> memref<16x64xf32, #tpu.memory_space<vmem>>
      %dma_wait3A_1557 = arith.constant 0 : i32
      %dma_wait3A_1558 = arith.constant 0 : i32
      %dma_wait3A_1559 = tpu.memref_slice %arg5[%dma_wait3A_1557, %dma_wait3A_1558] : memref<1000000x64xf32, #tpu.memory_space<hbm>> -> memref<1000000x64xf32, #tpu.memory_space<hbm>>
      tpu.wait_indirect_dma semaphore(%arg16 : memref<!tpu.dma_semaphore, #tpu.memory_space<semaphore_mem>>) src(%dma_wait3A_1559 : memref<1000000x64xf32, #tpu.memory_space<hbm>>) dst(%dma_wait3A_1556 : memref<16x64xf32, #tpu.memory_space<vmem>>)
      %get3A_1560 = arith.index_cast %add3A_1479 : i32 to index
      %get3A_1561 = arith.constant 128 : index
      %get3A_1562 = tpu.vector_load %arg7[%get3A_1560, %get3A_1561] {strides = array<i32>} : memref<128x208xi32, #tpu.memory_space<vmem>>, vector<1x16xi32>,
      %get3A_1563 = vector.shape_cast %get3A_1562 : vector<1x16xi32> to vector<16xi32>
      %dma_wait3A_1564 = arith.constant 128 : i32
      %dma_wait3A_1565 = arith.constant 0 : i32
      %dma_wait3A_1566 = tpu.memref_slice %arg11[%dma_wait3A_1564, %dma_wait3A_1565] : memref<208x64xf32, #tpu.memory_space<vmem>> -> memref<16x64xf32, #tpu.memory_space<vmem>>
      %dma_wait3A_1567 = arith.constant 0 : i32
      %dma_wait3A_1568 = arith.constant 0 : i32
      %dma_wait3A_1569 = tpu.memref_slice %arg5[%dma_wait3A_1567, %dma_wait3A_1568] : memref<1000000x64xf32, #tpu.memory_space<hbm>> -> memref<1000000x64xf32, #tpu.memory_space<hbm>>
      tpu.wait_indirect_dma semaphore(%arg16 : memref<!tpu.dma_semaphore, #tpu.memory_space<semaphore_mem>>) src(%dma_wait3A_1569 : memref<1000000x64xf32, #tpu.memory_space<hbm>>) dst(%dma_wait3A_1566 : memref<16x64xf32, #tpu.memory_space<vmem>>)
      %get3A_1570 = arith.index_cast %add3A_1479 : i32 to index
      %get3A_1571 = arith.constant 144 : index
      %get3A_1572 = tpu.vector_load %arg7[%get3A_1570, %get3A_1571] {strides = array<i32>} : memref<128x208xi32, #tpu.memory_space<vmem>>, vector<1x16xi32>,
      %get3A_1573 = vector.shape_cast %get3A_1572 : vector<1x16xi32> to vector<16xi32>
      %dma_wait3A_1574 = arith.constant 144 : i32
      %dma_wait3A_1575 = arith.constant 0 : i32
      %dma_wait3A_1576 = tpu.memref_slice %arg11[%dma_wait3A_1574, %dma_wait3A_1575] : memref<208x64xf32, #tpu.memory_space<vmem>> -> memref<16x64xf32, #tpu.memory_space<vmem>>
      %dma_wait3A_1577 = arith.constant 0 : i32
      %dma_wait3A_1578 = arith.constant 0 : i32
      %dma_wait3A_1579 = tpu.memref_slice %arg5[%dma_wait3A_1577, %dma_wait3A_1578] : memref<1000000x64xf32, #tpu.memory_space<hbm>> -> memref<1000000x64xf32, #tpu.memory_space<hbm>>
      tpu.wait_indirect_dma semaphore(%arg16 : memref<!tpu.dma_semaphore, #tpu.memory_space<semaphore_mem>>) src(%dma_wait3A_1579 : memref<1000000x64xf32, #tpu.memory_space<hbm>>) dst(%dma_wait3A_1576 : memref<16x64xf32, #tpu.memory_space<vmem>>)
      %get3A_1580 = arith.index_cast %add3A_1479 : i32 to index
      %get3A_1581 = arith.constant 160 : index
      %get3A_1582 = tpu.vector_load %arg7[%get3A_1580, %get3A_1581] {strides = array<i32>} : memref<128x208xi32, #tpu.memory_space<vmem>>, vector<1x16xi32>,
      %get3A_1583 = vector.shape_cast %get3A_1582 : vector<1x16xi32> to vector<16xi32>
      %dma_wait3A_1584 = arith.constant 160 : i32
      %dma_wait3A_1585 = arith.constant 0 : i32
      %dma_wait3A_1586 = tpu.memref_slice %arg11[%dma_wait3A_1584, %dma_wait3A_1585] : memref<208x64xf32, #tpu.memory_space<vmem>> -> memref<16x64xf32, #tpu.memory_space<vmem>>
      %dma_wait3A_1587 = arith.constant 0 : i32
      %dma_wait3A_1588 = arith.constant 0 : i32
      %dma_wait3A_1589 = tpu.memref_slice %arg5[%dma_wait3A_1587, %dma_wait3A_1588] : memref<1000000x64xf32, #tpu.memory_space<hbm>> -> memref<1000000x64xf32, #tpu.memory_space<hbm>>
      tpu.wait_indirect_dma semaphore(%arg16 : memref<!tpu.dma_semaphore, #tpu.memory_space<semaphore_mem>>) src(%dma_wait3A_1589 : memref<1000000x64xf32, #tpu.memory_space<hbm>>) dst(%dma_wait3A_1586 : memref<16x64xf32, #tpu.memory_space<vmem>>)
      %get3A_1590 = arith.index_cast %add3A_1479 : i32 to index
      %get3A_1591 = arith.constant 176 : index
      %get3A_1592 = tpu.vector_load %arg7[%get3A_1590, %get3A_1591] {strides = array<i32>} : memref<128x208xi32, #tpu.memory_space<vmem>>, vector<1x16xi32>,
      %get3A_1593 = vector.shape_cast %get3A_1592 : vector<1x16xi32> to vector<16xi32>
      %dma_wait3A_1594 = arith.constant 176 : i32
      %dma_wait3A_1595 = arith.constant 0 : i32
      %dma_wait3A_1596 = tpu.memref_slice %arg11[%dma_wait3A_1594, %dma_wait3A_1595] : memref<208x64xf32, #tpu.memory_space<vmem>> -> memref<16x64xf32, #tpu.memory_space<vmem>>
      %dma_wait3A_1597 = arith.constant 0 : i32
      %dma_wait3A_1598 = arith.constant 0 : i32
      %dma_wait3A_1599 = tpu.memref_slice %arg5[%dma_wait3A_1597, %dma_wait3A_1598] : memref<1000000x64xf32, #tpu.memory_space<hbm>> -> memref<1000000x64xf32, #tpu.memory_space<hbm>>
      tpu.wait_indirect_dma semaphore(%arg16 : memref<!tpu.dma_semaphore, #tpu.memory_space<semaphore_mem>>) src(%dma_wait3A_1599 : memref<1000000x64xf32, #tpu.memory_space<hbm>>) dst(%dma_wait3A_1596 : memref<16x64xf32, #tpu.memory_space<vmem>>)
      %get3A_1600 = arith.index_cast %add3A_1479 : i32 to index
      %get3A_1601 = arith.constant 192 : index
      %get3A_1602 = tpu.vector_load %arg7[%get3A_1600, %get3A_1601] {strides = array<i32>} : memref<128x208xi32, #tpu.memory_space<vmem>>, vector<1x16xi32>,
      %get3A_1603 = vector.shape_cast %get3A_1602 : vector<1x16xi32> to vector<16xi32>
      %dma_wait3A_1604 = arith.constant 192 : i32
      %dma_wait3A_1605 = arith.constant 0 : i32
      %dma_wait3A_1606 = tpu.memref_slice %arg11[%dma_wait3A_1604, %dma_wait3A_1605] : memref<208x64xf32, #tpu.memory_space<vmem>> -> memref<16x64xf32, #tpu.memory_space<vmem>>
      %dma_wait3A_1607 = arith.constant 0 : i32
      %dma_wait3A_1608 = arith.constant 0 : i32
      %dma_wait3A_1609 = tpu.memref_slice %arg5[%dma_wait3A_1607, %dma_wait3A_1608] : memref<1000000x64xf32, #tpu.memory_space<hbm>> -> memref<1000000x64xf32, #tpu.memory_space<hbm>>
      tpu.wait_indirect_dma semaphore(%arg16 : memref<!tpu.dma_semaphore, #tpu.memory_space<semaphore_mem>>) src(%dma_wait3A_1609 : memref<1000000x64xf32, #tpu.memory_space<hbm>>) dst(%dma_wait3A_1606 : memref<16x64xf32, #tpu.memory_space<vmem>>)
      %broadcast_in_dim3A_1610 = arith.constant 0.000000e+00 : f32
      %broadcast_in_dim3A_1611 = vector.broadcast %broadcast_in_dim3A_1610 : f32 to vector<16xf32>
      %broadcast_in_dim3A_1612 = arith.constant 0.000000e+00 : f32
      %broadcast_in_dim3A_1613 = vector.broadcast %broadcast_in_dim3A_1612 : f32 to vector<16xf32>
      %broadcast_in_dim3A_1614 = arith.constant 0.000000e+00 : f32
      %broadcast_in_dim3A_1615 = vector.broadcast %broadcast_in_dim3A_1614 : f32 to vector<16xf32>
      %broadcast_in_dim3A_1616 = arith.constant 0.000000e+00 : f32
      %broadcast_in_dim3A_1617 = vector.broadcast %broadcast_in_dim3A_1616 : f32 to vector<16xf32>
      %scan3A_1618 = arith.constant 0 : i32
      %scan3A_1619 = arith.constant 208 : i32
      %scan3A_1620 = arith.addi %scan3A_1618, %scan3A_1619 : i32
      %scan3A_1621 = arith.constant 1 : i32
      %scan3A_1622:4 = scf.for %scan3A_2490 = %scan3A_1618 to %scan3A_1620 step %scan3A_1621 iter_args(%scan3A_2491 = %broadcast_in_dim3A_1611, %scan3A_2492 = %broadcast_in_dim3A_1613, %scan3A_2493 = %broadcast_in_dim3A_1615, %scan3A_2494 = %broadcast_in_dim3A_1617) -> (vector<16xf32>, vector<16xf32>, vector<16xf32>, vector<16xf32>)  : i32 {
        %get3A_2495 = arith.index_cast %scan3A_2490 : i32 to index
        %get3A_2496 = arith.constant 0 : index
        %get3A_2497 = tpu.vector_load %arg11[%get3A_2495, %get3A_2496] {strides = array<i32>} : memref<208x64xf32, #tpu.memory_space<vmem>>, vector<1x16xf32>,
        %get3A_2498 = vector.shape_cast %get3A_2497 : vector<1x16xf32> to vector<16xf32>
        %get3A_2499 = arith.index_cast %scan3A_2490 : i32 to index
        %get3A_2500 = arith.constant 0 : index
        %get3A_2501 = tpu.vector_load %arg8[%get3A_2499, %get3A_2500] {strides = array<i32>} : memref<208x64xf32, #tpu.memory_space<vmem>>, vector<1x16xf32>,
        %get3A_2502 = vector.shape_cast %get3A_2501 : vector<1x16xf32> to vector<16xf32>
        %mul3A_2503 = arith.mulf %get3A_2498, %get3A_2502 : vector<16xf32>
        %add3A_2504 = arith.addf %scan3A_2491, %mul3A_2503 : vector<16xf32>
        %get3A_2505 = arith.index_cast %scan3A_2490 : i32 to index
        %get3A_2506 = arith.constant 16 : index
        %get3A_2507 = tpu.vector_load %arg11[%get3A_2505, %get3A_2506] {strides = array<i32>} : memref<208x64xf32, #tpu.memory_space<vmem>>, vector<1x16xf32>,
        %get3A_2508 = vector.shape_cast %get3A_2507 : vector<1x16xf32> to vector<16xf32>
        %get3A_2509 = arith.index_cast %scan3A_2490 : i32 to index
        %get3A_2510 = arith.constant 16 : index
        %get3A_2511 = tpu.vector_load %arg8[%get3A_2509, %get3A_2510] {strides = array<i32>} : memref<208x64xf32, #tpu.memory_space<vmem>>, vector<1x16xf32>,
        %get3A_2512 = vector.shape_cast %get3A_2511 : vector<1x16xf32> to vector<16xf32>
        %mul3A_2513 = arith.mulf %get3A_2508, %get3A_2512 : vector<16xf32>
        %add3A_2514 = arith.addf %scan3A_2492, %mul3A_2513 : vector<16xf32>
        %get3A_2515 = arith.index_cast %scan3A_2490 : i32 to index
        %get3A_2516 = arith.constant 32 : index
        %get3A_2517 = tpu.vector_load %arg11[%get3A_2515, %get3A_2516] {strides = array<i32>} : memref<208x64xf32, #tpu.memory_space<vmem>>, vector<1x16xf32>,
        %get3A_2518 = vector.shape_cast %get3A_2517 : vector<1x16xf32> to vector<16xf32>
        %get3A_2519 = arith.index_cast %scan3A_2490 : i32 to index
        %get3A_2520 = arith.constant 32 : index
        %get3A_2521 = tpu.vector_load %arg8[%get3A_2519, %get3A_2520] {strides = array<i32>} : memref<208x64xf32, #tpu.memory_space<vmem>>, vector<1x16xf32>,
        %get3A_2522 = vector.shape_cast %get3A_2521 : vector<1x16xf32> to vector<16xf32>
        %mul3A_2523 = arith.mulf %get3A_2518, %get3A_2522 : vector<16xf32>
        %add3A_2524 = arith.addf %scan3A_2493, %mul3A_2523 : vector<16xf32>
        %get3A_2525 = arith.index_cast %scan3A_2490 : i32 to index
        %get3A_2526 = arith.constant 48 : index
        %get3A_2527 = tpu.vector_load %arg11[%get3A_2525, %get3A_2526] {strides = array<i32>} : memref<208x64xf32, #tpu.memory_space<vmem>>, vector<1x16xf32>,
        %get3A_2528 = vector.shape_cast %get3A_2527 : vector<1x16xf32> to vector<16xf32>
        %get3A_2529 = arith.index_cast %scan3A_2490 : i32 to index
        %get3A_2530 = arith.constant 48 : index
        %get3A_2531 = tpu.vector_load %arg8[%get3A_2529, %get3A_2530] {strides = array<i32>} : memref<208x64xf32, #tpu.memory_space<vmem>>, vector<1x16xf32>,
        %get3A_2532 = vector.shape_cast %get3A_2531 : vector<1x16xf32> to vector<16xf32>
        %mul3A_2533 = arith.mulf %get3A_2528, %get3A_2532 : vector<16xf32>
        %add3A_2534 = arith.addf %scan3A_2494, %mul3A_2533 : vector<16xf32>
        scf.yield %add3A_2504, %add3A_2514, %add3A_2524, %add3A_2534 : vector<16xf32>, vector<16xf32>, vector<16xf32>, vector<16xf32>
      }
      %scan3A_1623 = arith.constant 208 : i32
      %add3A_1624 = arith.addf %scan3A_1622#0, %scan3A_1622#1 : vector<16xf32>
      %add3A_1625 = arith.addf %scan3A_1622#2, %scan3A_1622#3 : vector<16xf32>
      %add3A_1626 = arith.addf %add3A_1624, %add3A_1625 : vector<16xf32>
      %xor3A_1627 = arith.constant 1 : i32
      %xor3A_1628 = vector.broadcast %xor3A_1627 : i32 to vector<16xi32>
      %xor3A_1629 = arith.xori %iota3A, %xor3A_1628 : vector<16xi32>
      %broadcast_in_dim3A_1630 = vector.shape_cast %xor3A_1629 : vector<16xi32> to vector<16x1xi32>
      %gather3A_1631 = vector.shape_cast %broadcast_in_dim3A_1630 : vector<16x1xi32> to vector<16xi32>
      %gather3A_1632 = tpu.dynamic_gather %add3A_1626[%gather3A_1631] in [0] : vector<16xf32>, vector<16xi32> -> vector<16xf32>
      %add3A_1633 = arith.addf %add3A_1626, %gather3A_1632 : vector<16xf32>
      %xor3A_1634 = arith.constant 2 : i32
      %xor3A_1635 = vector.broadcast %xor3A_1634 : i32 to vector<16xi32>
      %xor3A_1636 = arith.xori %iota3A, %xor3A_1635 : vector<16xi32>
      %broadcast_in_dim3A_1637 = vector.shape_cast %xor3A_1636 : vector<16xi32> to vector<16x1xi32>
      %gather3A_1638 = vector.shape_cast %broadcast_in_dim3A_1637 : vector<16x1xi32> to vector<16xi32>
      %gather3A_1639 = tpu.dynamic_gather %add3A_1633[%gather3A_1638] in [0] : vector<16xf32>, vector<16xi32> -> vector<16xf32>
      %add3A_1640 = arith.addf %add3A_1633, %gather3A_1639 : vector<16xf32>
      %xor3A_1641 = arith.constant 4 : i32
      %xor3A_1642 = vector.broadcast %xor3A_1641 : i32 to vector<16xi32>
      %xor3A_1643 = arith.xori %iota3A, %xor3A_1642 : vector<16xi32>
      %broadcast_in_dim3A_1644 = vector.shape_cast %xor3A_1643 : vector<16xi32> to vector<16x1xi32>
      %gather3A_1645 = vector.shape_cast %broadcast_in_dim3A_1644 : vector<16x1xi32> to vector<16xi32>
      %gather3A_1646 = tpu.dynamic_gather %add3A_1640[%gather3A_1645] in [0] : vector<16xf32>, vector<16xi32> -> vector<16xf32>
      %add3A_1647 = arith.addf %add3A_1640, %gather3A_1646 : vector<16xf32>
      %xor3A_1648 = arith.constant 8 : i32
      %xor3A_1649 = vector.broadcast %xor3A_1648 : i32 to vector<16xi32>
      %xor3A_1650 = arith.xori %iota3A, %xor3A_1649 : vector<16xi32>
      %broadcast_in_dim3A_1651 = vector.shape_cast %xor3A_1650 : vector<16xi32> to vector<16x1xi32>
      %gather3A_1652 = vector.shape_cast %broadcast_in_dim3A_1651 : vector<16x1xi32> to vector<16xi32>
      %gather3A_1653 = tpu.dynamic_gather %add3A_1647[%gather3A_1652] in [0] : vector<16xf32>, vector<16xi32> -> vector<16xf32>
      %add3A_1654 = arith.addf %add3A_1647, %gather3A_1653 : vector<16xf32>
      %add3A_1655 = arith.addf %add3A_1654, %get3A_4 : vector<16xf32>
      %add3A_1656 = arith.constant 4 : i32
      %add3A_1657 = arith.addi %add3A_1479, %add3A_1656 : i32
      %min3A_1658 = arith.constant 127 : i32
      %min3A_1659 = arith.minsi %add3A_1657, %min3A_1658 : i32
      %get3A_1660 = arith.index_cast %min3A_1659 : i32 to index
      %get3A_1661 = arith.constant 0 : index
      %get3A_1662 = tpu.vector_load %arg7[%get3A_1660, %get3A_1661] {strides = array<i32>} : memref<128x208xi32, #tpu.memory_space<vmem>>, vector<1x16xi32>,
      %get3A_1663 = vector.shape_cast %get3A_1662 : vector<1x16xi32> to vector<16xi32>
      %dma_start3A_1664 = arith.constant 0 : i32
      %dma_start3A_1665 = arith.constant 0 : i32
      %dma_start3A_1666 = tpu.memref_slice %arg11[%dma_start3A_1664, %dma_start3A_1665] : memref<208x64xf32, #tpu.memory_space<vmem>> -> memref<16x64xf32, #tpu.memory_space<vmem>>
      %dma_start3A_1667 = arith.constant 0 : i32
      %dma_start3A_1668 = arith.constant 0 : i32
      %dma_start3A_1669 = tpu.memref_slice %arg5[%dma_start3A_1667, %dma_start3A_1668] : memref<1000000x64xf32, #tpu.memory_space<hbm>> -> memref<1000000x64xf32, #tpu.memory_space<hbm>>
      tpu.enqueue_indirect_dma source(%dma_start3A_1669 : memref<1000000x64xf32, #tpu.memory_space<hbm>>) target(%dma_start3A_1666 : memref<16x64xf32, #tpu.memory_space<vmem>>) offsets(%get3A_1663 : vector<16xi32>) semaphore(%arg16 : memref<!tpu.dma_semaphore, #tpu.memory_space<semaphore_mem>>)
      %get3A_1670 = arith.index_cast %min3A_1659 : i32 to index
      %get3A_1671 = arith.constant 16 : index
      %get3A_1672 = tpu.vector_load %arg7[%get3A_1670, %get3A_1671] {strides = array<i32>} : memref<128x208xi32, #tpu.memory_space<vmem>>, vector<1x16xi32>,
      %get3A_1673 = vector.shape_cast %get3A_1672 : vector<1x16xi32> to vector<16xi32>
      %dma_start3A_1674 = arith.constant 16 : i32
      %dma_start3A_1675 = arith.constant 0 : i32
      %dma_start3A_1676 = tpu.memref_slice %arg11[%dma_start3A_1674, %dma_start3A_1675] : memref<208x64xf32, #tpu.memory_space<vmem>> -> memref<16x64xf32, #tpu.memory_space<vmem>>
      %dma_start3A_1677 = arith.constant 0 : i32
      %dma_start3A_1678 = arith.constant 0 : i32
      %dma_start3A_1679 = tpu.memref_slice %arg5[%dma_start3A_1677, %dma_start3A_1678] : memref<1000000x64xf32, #tpu.memory_space<hbm>> -> memref<1000000x64xf32, #tpu.memory_space<hbm>>
      tpu.enqueue_indirect_dma source(%dma_start3A_1679 : memref<1000000x64xf32, #tpu.memory_space<hbm>>) target(%dma_start3A_1676 : memref<16x64xf32, #tpu.memory_space<vmem>>) offsets(%get3A_1673 : vector<16xi32>) semaphore(%arg16 : memref<!tpu.dma_semaphore, #tpu.memory_space<semaphore_mem>>)
      %get3A_1680 = arith.index_cast %min3A_1659 : i32 to index
      %get3A_1681 = arith.constant 32 : index
      %get3A_1682 = tpu.vector_load %arg7[%get3A_1680, %get3A_1681] {strides = array<i32>} : memref<128x208xi32, #tpu.memory_space<vmem>>, vector<1x16xi32>,
      %get3A_1683 = vector.shape_cast %get3A_1682 : vector<1x16xi32> to vector<16xi32>
      %dma_start3A_1684 = arith.constant 32 : i32
      %dma_start3A_1685 = arith.constant 0 : i32
      %dma_start3A_1686 = tpu.memref_slice %arg11[%dma_start3A_1684, %dma_start3A_1685] : memref<208x64xf32, #tpu.memory_space<vmem>> -> memref<16x64xf32, #tpu.memory_space<vmem>>
      %dma_start3A_1687 = arith.constant 0 : i32
      %dma_start3A_1688 = arith.constant 0 : i32
      %dma_start3A_1689 = tpu.memref_slice %arg5[%dma_start3A_1687, %dma_start3A_1688] : memref<1000000x64xf32, #tpu.memory_space<hbm>> -> memref<1000000x64xf32, #tpu.memory_space<hbm>>
      tpu.enqueue_indirect_dma source(%dma_start3A_1689 : memref<1000000x64xf32, #tpu.memory_space<hbm>>) target(%dma_start3A_1686 : memref<16x64xf32, #tpu.memory_space<vmem>>) offsets(%get3A_1683 : vector<16xi32>) semaphore(%arg16 : memref<!tpu.dma_semaphore, #tpu.memory_space<semaphore_mem>>)
      %get3A_1690 = arith.index_cast %min3A_1659 : i32 to index
      %get3A_1691 = arith.constant 48 : index
      %get3A_1692 = tpu.vector_load %arg7[%get3A_1690, %get3A_1691] {strides = array<i32>} : memref<128x208xi32, #tpu.memory_space<vmem>>, vector<1x16xi32>,
      %get3A_1693 = vector.shape_cast %get3A_1692 : vector<1x16xi32> to vector<16xi32>
      %dma_start3A_1694 = arith.constant 48 : i32
      %dma_start3A_1695 = arith.constant 0 : i32
      %dma_start3A_1696 = tpu.memref_slice %arg11[%dma_start3A_1694, %dma_start3A_1695] : memref<208x64xf32, #tpu.memory_space<vmem>> -> memref<16x64xf32, #tpu.memory_space<vmem>>
      %dma_start3A_1697 = arith.constant 0 : i32
      %dma_start3A_1698 = arith.constant 0 : i32
      %dma_start3A_1699 = tpu.memref_slice %arg5[%dma_start3A_1697, %dma_start3A_1698] : memref<1000000x64xf32, #tpu.memory_space<hbm>> -> memref<1000000x64xf32, #tpu.memory_space<hbm>>
      tpu.enqueue_indirect_dma source(%dma_start3A_1699 : memref<1000000x64xf32, #tpu.memory_space<hbm>>) target(%dma_start3A_1696 : memref<16x64xf32, #tpu.memory_space<vmem>>) offsets(%get3A_1693 : vector<16xi32>) semaphore(%arg16 : memref<!tpu.dma_semaphore, #tpu.memory_space<semaphore_mem>>)
      %get3A_1700 = arith.index_cast %min3A_1659 : i32 to index
      %get3A_1701 = arith.constant 64 : index
      %get3A_1702 = tpu.vector_load %arg7[%get3A_1700, %get3A_1701] {strides = array<i32>} : memref<128x208xi32, #tpu.memory_space<vmem>>, vector<1x16xi32>,
      %get3A_1703 = vector.shape_cast %get3A_1702 : vector<1x16xi32> to vector<16xi32>
      %dma_start3A_1704 = arith.constant 64 : i32
      %dma_start3A_1705 = arith.constant 0 : i32
      %dma_start3A_1706 = tpu.memref_slice %arg11[%dma_start3A_1704, %dma_start3A_1705] : memref<208x64xf32, #tpu.memory_space<vmem>> -> memref<16x64xf32, #tpu.memory_space<vmem>>
      %dma_start3A_1707 = arith.constant 0 : i32
      %dma_start3A_1708 = arith.constant 0 : i32
      %dma_start3A_1709 = tpu.memref_slice %arg5[%dma_start3A_1707, %dma_start3A_1708] : memref<1000000x64xf32, #tpu.memory_space<hbm>> -> memref<1000000x64xf32, #tpu.memory_space<hbm>>
      tpu.enqueue_indirect_dma source(%dma_start3A_1709 : memref<1000000x64xf32, #tpu.memory_space<hbm>>) target(%dma_start3A_1706 : memref<16x64xf32, #tpu.memory_space<vmem>>) offsets(%get3A_1703 : vector<16xi32>) semaphore(%arg16 : memref<!tpu.dma_semaphore, #tpu.memory_space<semaphore_mem>>)
      %get3A_1710 = arith.index_cast %min3A_1659 : i32 to index
      %get3A_1711 = arith.constant 80 : index
      %get3A_1712 = tpu.vector_load %arg7[%get3A_1710, %get3A_1711] {strides = array<i32>} : memref<128x208xi32, #tpu.memory_space<vmem>>, vector<1x16xi32>,
      %get3A_1713 = vector.shape_cast %get3A_1712 : vector<1x16xi32> to vector<16xi32>
      %dma_start3A_1714 = arith.constant 80 : i32
      %dma_start3A_1715 = arith.constant 0 : i32
      %dma_start3A_1716 = tpu.memref_slice %arg11[%dma_start3A_1714, %dma_start3A_1715] : memref<208x64xf32, #tpu.memory_space<vmem>> -> memref<16x64xf32, #tpu.memory_space<vmem>>
      %dma_start3A_1717 = arith.constant 0 : i32
      %dma_start3A_1718 = arith.constant 0 : i32
      %dma_start3A_1719 = tpu.memref_slice %arg5[%dma_start3A_1717, %dma_start3A_1718] : memref<1000000x64xf32, #tpu.memory_space<hbm>> -> memref<1000000x64xf32, #tpu.memory_space<hbm>>
      tpu.enqueue_indirect_dma source(%dma_start3A_1719 : memref<1000000x64xf32, #tpu.memory_space<hbm>>) target(%dma_start3A_1716 : memref<16x64xf32, #tpu.memory_space<vmem>>) offsets(%get3A_1713 : vector<16xi32>) semaphore(%arg16 : memref<!tpu.dma_semaphore, #tpu.memory_space<semaphore_mem>>)
      %get3A_1720 = arith.index_cast %min3A_1659 : i32 to index
      %get3A_1721 = arith.constant 96 : index
      %get3A_1722 = tpu.vector_load %arg7[%get3A_1720, %get3A_1721] {strides = array<i32>} : memref<128x208xi32, #tpu.memory_space<vmem>>, vector<1x16xi32>,
      %get3A_1723 = vector.shape_cast %get3A_1722 : vector<1x16xi32> to vector<16xi32>
      %dma_start3A_1724 = arith.constant 96 : i32
      %dma_start3A_1725 = arith.constant 0 : i32
      %dma_start3A_1726 = tpu.memref_slice %arg11[%dma_start3A_1724, %dma_start3A_1725] : memref<208x64xf32, #tpu.memory_space<vmem>> -> memref<16x64xf32, #tpu.memory_space<vmem>>
      %dma_start3A_1727 = arith.constant 0 : i32
      %dma_start3A_1728 = arith.constant 0 : i32
      %dma_start3A_1729 = tpu.memref_slice %arg5[%dma_start3A_1727, %dma_start3A_1728] : memref<1000000x64xf32, #tpu.memory_space<hbm>> -> memref<1000000x64xf32, #tpu.memory_space<hbm>>
      tpu.enqueue_indirect_dma source(%dma_start3A_1729 : memref<1000000x64xf32, #tpu.memory_space<hbm>>) target(%dma_start3A_1726 : memref<16x64xf32, #tpu.memory_space<vmem>>) offsets(%get3A_1723 : vector<16xi32>) semaphore(%arg16 : memref<!tpu.dma_semaphore, #tpu.memory_space<semaphore_mem>>)
      %get3A_1730 = arith.index_cast %min3A_1659 : i32 to index
      %get3A_1731 = arith.constant 112 : index
      %get3A_1732 = tpu.vector_load %arg7[%get3A_1730, %get3A_1731] {strides = array<i32>} : memref<128x208xi32, #tpu.memory_space<vmem>>, vector<1x16xi32>,
      %get3A_1733 = vector.shape_cast %get3A_1732 : vector<1x16xi32> to vector<16xi32>
      %dma_start3A_1734 = arith.constant 112 : i32
      %dma_start3A_1735 = arith.constant 0 : i32
      %dma_start3A_1736 = tpu.memref_slice %arg11[%dma_start3A_1734, %dma_start3A_1735] : memref<208x64xf32, #tpu.memory_space<vmem>> -> memref<16x64xf32, #tpu.memory_space<vmem>>
      %dma_start3A_1737 = arith.constant 0 : i32
      %dma_start3A_1738 = arith.constant 0 : i32
      %dma_start3A_1739 = tpu.memref_slice %arg5[%dma_start3A_1737, %dma_start3A_1738] : memref<1000000x64xf32, #tpu.memory_space<hbm>> -> memref<1000000x64xf32, #tpu.memory_space<hbm>>
      tpu.enqueue_indirect_dma source(%dma_start3A_1739 : memref<1000000x64xf32, #tpu.memory_space<hbm>>) target(%dma_start3A_1736 : memref<16x64xf32, #tpu.memory_space<vmem>>) offsets(%get3A_1733 : vector<16xi32>) semaphore(%arg16 : memref<!tpu.dma_semaphore, #tpu.memory_space<semaphore_mem>>)
      %get3A_1740 = arith.index_cast %min3A_1659 : i32 to index
      %get3A_1741 = arith.constant 128 : index
      %get3A_1742 = tpu.vector_load %arg7[%get3A_1740, %get3A_1741] {strides = array<i32>} : memref<128x208xi32, #tpu.memory_space<vmem>>, vector<1x16xi32>,
      %get3A_1743 = vector.shape_cast %get3A_1742 : vector<1x16xi32> to vector<16xi32>
      %dma_start3A_1744 = arith.constant 128 : i32
      %dma_start3A_1745 = arith.constant 0 : i32
      %dma_start3A_1746 = tpu.memref_slice %arg11[%dma_start3A_1744, %dma_start3A_1745] : memref<208x64xf32, #tpu.memory_space<vmem>> -> memref<16x64xf32, #tpu.memory_space<vmem>>
      %dma_start3A_1747 = arith.constant 0 : i32
      %dma_start3A_1748 = arith.constant 0 : i32
      %dma_start3A_1749 = tpu.memref_slice %arg5[%dma_start3A_1747, %dma_start3A_1748] : memref<1000000x64xf32, #tpu.memory_space<hbm>> -> memref<1000000x64xf32, #tpu.memory_space<hbm>>
      tpu.enqueue_indirect_dma source(%dma_start3A_1749 : memref<1000000x64xf32, #tpu.memory_space<hbm>>) target(%dma_start3A_1746 : memref<16x64xf32, #tpu.memory_space<vmem>>) offsets(%get3A_1743 : vector<16xi32>) semaphore(%arg16 : memref<!tpu.dma_semaphore, #tpu.memory_space<semaphore_mem>>)
      %get3A_1750 = arith.index_cast %min3A_1659 : i32 to index
      %get3A_1751 = arith.constant 144 : index
      %get3A_1752 = tpu.vector_load %arg7[%get3A_1750, %get3A_1751] {strides = array<i32>} : memref<128x208xi32, #tpu.memory_space<vmem>>, vector<1x16xi32>,
      %get3A_1753 = vector.shape_cast %get3A_1752 : vector<1x16xi32> to vector<16xi32>
      %dma_start3A_1754 = arith.constant 144 : i32
      %dma_start3A_1755 = arith.constant 0 : i32
      %dma_start3A_1756 = tpu.memref_slice %arg11[%dma_start3A_1754, %dma_start3A_1755] : memref<208x64xf32, #tpu.memory_space<vmem>> -> memref<16x64xf32, #tpu.memory_space<vmem>>
      %dma_start3A_1757 = arith.constant 0 : i32
      %dma_start3A_1758 = arith.constant 0 : i32
      %dma_start3A_1759 = tpu.memref_slice %arg5[%dma_start3A_1757, %dma_start3A_1758] : memref<1000000x64xf32, #tpu.memory_space<hbm>> -> memref<1000000x64xf32, #tpu.memory_space<hbm>>
      tpu.enqueue_indirect_dma source(%dma_start3A_1759 : memref<1000000x64xf32, #tpu.memory_space<hbm>>) target(%dma_start3A_1756 : memref<16x64xf32, #tpu.memory_space<vmem>>) offsets(%get3A_1753 : vector<16xi32>) semaphore(%arg16 : memref<!tpu.dma_semaphore, #tpu.memory_space<semaphore_mem>>)
      %get3A_1760 = arith.index_cast %min3A_1659 : i32 to index
      %get3A_1761 = arith.constant 160 : index
      %get3A_1762 = tpu.vector_load %arg7[%get3A_1760, %get3A_1761] {strides = array<i32>} : memref<128x208xi32, #tpu.memory_space<vmem>>, vector<1x16xi32>,
      %get3A_1763 = vector.shape_cast %get3A_1762 : vector<1x16xi32> to vector<16xi32>
      %dma_start3A_1764 = arith.constant 160 : i32
      %dma_start3A_1765 = arith.constant 0 : i32
      %dma_start3A_1766 = tpu.memref_slice %arg11[%dma_start3A_1764, %dma_start3A_1765] : memref<208x64xf32, #tpu.memory_space<vmem>> -> memref<16x64xf32, #tpu.memory_space<vmem>>
      %dma_start3A_1767 = arith.constant 0 : i32
      %dma_start3A_1768 = arith.constant 0 : i32
      %dma_start3A_1769 = tpu.memref_slice %arg5[%dma_start3A_1767, %dma_start3A_1768] : memref<1000000x64xf32, #tpu.memory_space<hbm>> -> memref<1000000x64xf32, #tpu.memory_space<hbm>>
      tpu.enqueue_indirect_dma source(%dma_start3A_1769 : memref<1000000x64xf32, #tpu.memory_space<hbm>>) target(%dma_start3A_1766 : memref<16x64xf32, #tpu.memory_space<vmem>>) offsets(%get3A_1763 : vector<16xi32>) semaphore(%arg16 : memref<!tpu.dma_semaphore, #tpu.memory_space<semaphore_mem>>)
      %get3A_1770 = arith.index_cast %min3A_1659 : i32 to index
      %get3A_1771 = arith.constant 176 : index
      %get3A_1772 = tpu.vector_load %arg7[%get3A_1770, %get3A_1771] {strides = array<i32>} : memref<128x208xi32, #tpu.memory_space<vmem>>, vector<1x16xi32>,
      %get3A_1773 = vector.shape_cast %get3A_1772 : vector<1x16xi32> to vector<16xi32>
      %dma_start3A_1774 = arith.constant 176 : i32
      %dma_start3A_1775 = arith.constant 0 : i32
      %dma_start3A_1776 = tpu.memref_slice %arg11[%dma_start3A_1774, %dma_start3A_1775] : memref<208x64xf32, #tpu.memory_space<vmem>> -> memref<16x64xf32, #tpu.memory_space<vmem>>
      %dma_start3A_1777 = arith.constant 0 : i32
      %dma_start3A_1778 = arith.constant 0 : i32
      %dma_start3A_1779 = tpu.memref_slice %arg5[%dma_start3A_1777, %dma_start3A_1778] : memref<1000000x64xf32, #tpu.memory_space<hbm>> -> memref<1000000x64xf32, #tpu.memory_space<hbm>>
      tpu.enqueue_indirect_dma source(%dma_start3A_1779 : memref<1000000x64xf32, #tpu.memory_space<hbm>>) target(%dma_start3A_1776 : memref<16x64xf32, #tpu.memory_space<vmem>>) offsets(%get3A_1773 : vector<16xi32>) semaphore(%arg16 : memref<!tpu.dma_semaphore, #tpu.memory_space<semaphore_mem>>)
      %get3A_1780 = arith.index_cast %min3A_1659 : i32 to index
      %get3A_1781 = arith.constant 192 : index
      %get3A_1782 = tpu.vector_load %arg7[%get3A_1780, %get3A_1781] {strides = array<i32>} : memref<128x208xi32, #tpu.memory_space<vmem>>, vector<1x16xi32>,
      %get3A_1783 = vector.shape_cast %get3A_1782 : vector<1x16xi32> to vector<16xi32>
      %dma_start3A_1784 = arith.constant 192 : i32
      %dma_start3A_1785 = arith.constant 0 : i32
      %dma_start3A_1786 = tpu.memref_slice %arg11[%dma_start3A_1784, %dma_start3A_1785] : memref<208x64xf32, #tpu.memory_space<vmem>> -> memref<16x64xf32, #tpu.memory_space<vmem>>
      %dma_start3A_1787 = arith.constant 0 : i32
      %dma_start3A_1788 = arith.constant 0 : i32
      %dma_start3A_1789 = tpu.memref_slice %arg5[%dma_start3A_1787, %dma_start3A_1788] : memref<1000000x64xf32, #tpu.memory_space<hbm>> -> memref<1000000x64xf32, #tpu.memory_space<hbm>>
      tpu.enqueue_indirect_dma source(%dma_start3A_1789 : memref<1000000x64xf32, #tpu.memory_space<hbm>>) target(%dma_start3A_1786 : memref<16x64xf32, #tpu.memory_space<vmem>>) offsets(%get3A_1783 : vector<16xi32>) semaphore(%arg16 : memref<!tpu.dma_semaphore, #tpu.memory_space<semaphore_mem>>)
      %jit3A_1790 = arith.constant 16 : i32
      %eq3A_1791 = arith.constant 0 : i32
      %eq3A_1792 = arith.cmpi eq, %jit3A_1790, %eq3A_1791 : i32
      %jit3A_1793 = arith.constant 1 : i32
      %select_n3A_1794 = arith.select %eq3A_1792, %jit3A_1793, %jit3A_1790 : i32
      %rem3A_1795 = arith.remsi %add3A_1479, %select_n3A_1794 : i32
      %ne3A_1796 = arith.constant 0 : i32
      %ne3A_1797 = arith.cmpi ne, %rem3A_1795, %ne3A_1796 : i32
      %lt3A_1798 = arith.constant 0 : i32
      %lt3A_1799 = arith.cmpi slt, %rem3A_1795, %lt3A_1798 : i32
      %lt3A_1800 = arith.constant 0 : i32
      %lt3A_1801 = arith.cmpi slt, %select_n3A_1794, %lt3A_1800 : i32
      %ne3A_1802 = arith.xori %lt3A_1799, %lt3A_1801 : i1
      %and3A_1803 = arith.andi %ne3A_1802, %ne3A_1797 : i1
      %add3A_1804 = arith.addi %rem3A_1795, %select_n3A_1794 : i32
      %select_n3A_1805 = arith.select %and3A_1803, %add3A_1804, %rem3A_1795 : i32
      %eq3A_1806 = vector.broadcast %select_n3A_1805 : i32 to vector<16xi32>
      %eq3A_1807 = arith.cmpi eq, %iota3A, %eq3A_1806 : vector<16xi32>
      %select_n3A_1808 = arith.select %eq3A_1807, %add3A_1655, %select_n3A_1477 : vector<16xi1>, vector<16xf32>
      %add3A_1809 = arith.constant 2 : i32
      %add3A_1810 = arith.addi %mul3A_1156, %add3A_1809 : i32
      %get3A_1811 = arith.index_cast %add3A_1810 : i32 to index
      %get3A_1812 = arith.constant 0 : index
      %get3A_1813 = tpu.vector_load %arg7[%get3A_1811, %get3A_1812] {strides = array<i32>} : memref<128x208xi32, #tpu.memory_space<vmem>>, vector<1x16xi32>,
      %get3A_1814 = vector.shape_cast %get3A_1813 : vector<1x16xi32> to vector<16xi32>
      %dma_wait3A_1815 = arith.constant 0 : i32
      %dma_wait3A_1816 = arith.constant 0 : i32
      %dma_wait3A_1817 = tpu.memref_slice %arg12[%dma_wait3A_1815, %dma_wait3A_1816] : memref<208x64xf32, #tpu.memory_space<vmem>> -> memref<16x64xf32, #tpu.memory_space<vmem>>
      %dma_wait3A_1818 = arith.constant 0 : i32
      %dma_wait3A_1819 = arith.constant 0 : i32
      %dma_wait3A_1820 = tpu.memref_slice %arg5[%dma_wait3A_1818, %dma_wait3A_1819] : memref<1000000x64xf32, #tpu.memory_space<hbm>> -> memref<1000000x64xf32, #tpu.memory_space<hbm>>
      tpu.wait_indirect_dma semaphore(%arg17 : memref<!tpu.dma_semaphore, #tpu.memory_space<semaphore_mem>>) src(%dma_wait3A_1820 : memref<1000000x64xf32, #tpu.memory_space<hbm>>) dst(%dma_wait3A_1817 : memref<16x64xf32, #tpu.memory_space<vmem>>)
      %get3A_1821 = arith.index_cast %add3A_1810 : i32 to index
      %get3A_1822 = arith.constant 16 : index
      %get3A_1823 = tpu.vector_load %arg7[%get3A_1821, %get3A_1822] {strides = array<i32>} : memref<128x208xi32, #tpu.memory_space<vmem>>, vector<1x16xi32>,
      %get3A_1824 = vector.shape_cast %get3A_1823 : vector<1x16xi32> to vector<16xi32>
      %dma_wait3A_1825 = arith.constant 16 : i32
      %dma_wait3A_1826 = arith.constant 0 : i32
      %dma_wait3A_1827 = tpu.memref_slice %arg12[%dma_wait3A_1825, %dma_wait3A_1826] : memref<208x64xf32, #tpu.memory_space<vmem>> -> memref<16x64xf32, #tpu.memory_space<vmem>>
      %dma_wait3A_1828 = arith.constant 0 : i32
      %dma_wait3A_1829 = arith.constant 0 : i32
      %dma_wait3A_1830 = tpu.memref_slice %arg5[%dma_wait3A_1828, %dma_wait3A_1829] : memref<1000000x64xf32, #tpu.memory_space<hbm>> -> memref<1000000x64xf32, #tpu.memory_space<hbm>>
      tpu.wait_indirect_dma semaphore(%arg17 : memref<!tpu.dma_semaphore, #tpu.memory_space<semaphore_mem>>) src(%dma_wait3A_1830 : memref<1000000x64xf32, #tpu.memory_space<hbm>>) dst(%dma_wait3A_1827 : memref<16x64xf32, #tpu.memory_space<vmem>>)
      %get3A_1831 = arith.index_cast %add3A_1810 : i32 to index
      %get3A_1832 = arith.constant 32 : index
      %get3A_1833 = tpu.vector_load %arg7[%get3A_1831, %get3A_1832] {strides = array<i32>} : memref<128x208xi32, #tpu.memory_space<vmem>>, vector<1x16xi32>,
      %get3A_1834 = vector.shape_cast %get3A_1833 : vector<1x16xi32> to vector<16xi32>
      %dma_wait3A_1835 = arith.constant 32 : i32
      %dma_wait3A_1836 = arith.constant 0 : i32
      %dma_wait3A_1837 = tpu.memref_slice %arg12[%dma_wait3A_1835, %dma_wait3A_1836] : memref<208x64xf32, #tpu.memory_space<vmem>> -> memref<16x64xf32, #tpu.memory_space<vmem>>
      %dma_wait3A_1838 = arith.constant 0 : i32
      %dma_wait3A_1839 = arith.constant 0 : i32
      %dma_wait3A_1840 = tpu.memref_slice %arg5[%dma_wait3A_1838, %dma_wait3A_1839] : memref<1000000x64xf32, #tpu.memory_space<hbm>> -> memref<1000000x64xf32, #tpu.memory_space<hbm>>
      tpu.wait_indirect_dma semaphore(%arg17 : memref<!tpu.dma_semaphore, #tpu.memory_space<semaphore_mem>>) src(%dma_wait3A_1840 : memref<1000000x64xf32, #tpu.memory_space<hbm>>) dst(%dma_wait3A_1837 : memref<16x64xf32, #tpu.memory_space<vmem>>)
      %get3A_1841 = arith.index_cast %add3A_1810 : i32 to index
      %get3A_1842 = arith.constant 48 : index
      %get3A_1843 = tpu.vector_load %arg7[%get3A_1841, %get3A_1842] {strides = array<i32>} : memref<128x208xi32, #tpu.memory_space<vmem>>, vector<1x16xi32>,
      %get3A_1844 = vector.shape_cast %get3A_1843 : vector<1x16xi32> to vector<16xi32>
      %dma_wait3A_1845 = arith.constant 48 : i32
      %dma_wait3A_1846 = arith.constant 0 : i32
      %dma_wait3A_1847 = tpu.memref_slice %arg12[%dma_wait3A_1845, %dma_wait3A_1846] : memref<208x64xf32, #tpu.memory_space<vmem>> -> memref<16x64xf32, #tpu.memory_space<vmem>>
      %dma_wait3A_1848 = arith.constant 0 : i32
      %dma_wait3A_1849 = arith.constant 0 : i32
      %dma_wait3A_1850 = tpu.memref_slice %arg5[%dma_wait3A_1848, %dma_wait3A_1849] : memref<1000000x64xf32, #tpu.memory_space<hbm>> -> memref<1000000x64xf32, #tpu.memory_space<hbm>>
      tpu.wait_indirect_dma semaphore(%arg17 : memref<!tpu.dma_semaphore, #tpu.memory_space<semaphore_mem>>) src(%dma_wait3A_1850 : memref<1000000x64xf32, #tpu.memory_space<hbm>>) dst(%dma_wait3A_1847 : memref<16x64xf32, #tpu.memory_space<vmem>>)
      %get3A_1851 = arith.index_cast %add3A_1810 : i32 to index
      %get3A_1852 = arith.constant 64 : index
      %get3A_1853 = tpu.vector_load %arg7[%get3A_1851, %get3A_1852] {strides = array<i32>} : memref<128x208xi32, #tpu.memory_space<vmem>>, vector<1x16xi32>,
      %get3A_1854 = vector.shape_cast %get3A_1853 : vector<1x16xi32> to vector<16xi32>
      %dma_wait3A_1855 = arith.constant 64 : i32
      %dma_wait3A_1856 = arith.constant 0 : i32
      %dma_wait3A_1857 = tpu.memref_slice %arg12[%dma_wait3A_1855, %dma_wait3A_1856] : memref<208x64xf32, #tpu.memory_space<vmem>> -> memref<16x64xf32, #tpu.memory_space<vmem>>
      %dma_wait3A_1858 = arith.constant 0 : i32
      %dma_wait3A_1859 = arith.constant 0 : i32
      %dma_wait3A_1860 = tpu.memref_slice %arg5[%dma_wait3A_1858, %dma_wait3A_1859] : memref<1000000x64xf32, #tpu.memory_space<hbm>> -> memref<1000000x64xf32, #tpu.memory_space<hbm>>
      tpu.wait_indirect_dma semaphore(%arg17 : memref<!tpu.dma_semaphore, #tpu.memory_space<semaphore_mem>>) src(%dma_wait3A_1860 : memref<1000000x64xf32, #tpu.memory_space<hbm>>) dst(%dma_wait3A_1857 : memref<16x64xf32, #tpu.memory_space<vmem>>)
      %get3A_1861 = arith.index_cast %add3A_1810 : i32 to index
      %get3A_1862 = arith.constant 80 : index
      %get3A_1863 = tpu.vector_load %arg7[%get3A_1861, %get3A_1862] {strides = array<i32>} : memref<128x208xi32, #tpu.memory_space<vmem>>, vector<1x16xi32>,
      %get3A_1864 = vector.shape_cast %get3A_1863 : vector<1x16xi32> to vector<16xi32>
      %dma_wait3A_1865 = arith.constant 80 : i32
      %dma_wait3A_1866 = arith.constant 0 : i32
      %dma_wait3A_1867 = tpu.memref_slice %arg12[%dma_wait3A_1865, %dma_wait3A_1866] : memref<208x64xf32, #tpu.memory_space<vmem>> -> memref<16x64xf32, #tpu.memory_space<vmem>>
      %dma_wait3A_1868 = arith.constant 0 : i32
      %dma_wait3A_1869 = arith.constant 0 : i32
      %dma_wait3A_1870 = tpu.memref_slice %arg5[%dma_wait3A_1868, %dma_wait3A_1869] : memref<1000000x64xf32, #tpu.memory_space<hbm>> -> memref<1000000x64xf32, #tpu.memory_space<hbm>>
      tpu.wait_indirect_dma semaphore(%arg17 : memref<!tpu.dma_semaphore, #tpu.memory_space<semaphore_mem>>) src(%dma_wait3A_1870 : memref<1000000x64xf32, #tpu.memory_space<hbm>>) dst(%dma_wait3A_1867 : memref<16x64xf32, #tpu.memory_space<vmem>>)
      %get3A_1871 = arith.index_cast %add3A_1810 : i32 to index
      %get3A_1872 = arith.constant 96 : index
      %get3A_1873 = tpu.vector_load %arg7[%get3A_1871, %get3A_1872] {strides = array<i32>} : memref<128x208xi32, #tpu.memory_space<vmem>>, vector<1x16xi32>,
      %get3A_1874 = vector.shape_cast %get3A_1873 : vector<1x16xi32> to vector<16xi32>
      %dma_wait3A_1875 = arith.constant 96 : i32
      %dma_wait3A_1876 = arith.constant 0 : i32
      %dma_wait3A_1877 = tpu.memref_slice %arg12[%dma_wait3A_1875, %dma_wait3A_1876] : memref<208x64xf32, #tpu.memory_space<vmem>> -> memref<16x64xf32, #tpu.memory_space<vmem>>
      %dma_wait3A_1878 = arith.constant 0 : i32
      %dma_wait3A_1879 = arith.constant 0 : i32
      %dma_wait3A_1880 = tpu.memref_slice %arg5[%dma_wait3A_1878, %dma_wait3A_1879] : memref<1000000x64xf32, #tpu.memory_space<hbm>> -> memref<1000000x64xf32, #tpu.memory_space<hbm>>
      tpu.wait_indirect_dma semaphore(%arg17 : memref<!tpu.dma_semaphore, #tpu.memory_space<semaphore_mem>>) src(%dma_wait3A_1880 : memref<1000000x64xf32, #tpu.memory_space<hbm>>) dst(%dma_wait3A_1877 : memref<16x64xf32, #tpu.memory_space<vmem>>)
      %get3A_1881 = arith.index_cast %add3A_1810 : i32 to index
      %get3A_1882 = arith.constant 112 : index
      %get3A_1883 = tpu.vector_load %arg7[%get3A_1881, %get3A_1882] {strides = array<i32>} : memref<128x208xi32, #tpu.memory_space<vmem>>, vector<1x16xi32>,
      %get3A_1884 = vector.shape_cast %get3A_1883 : vector<1x16xi32> to vector<16xi32>
      %dma_wait3A_1885 = arith.constant 112 : i32
      %dma_wait3A_1886 = arith.constant 0 : i32
      %dma_wait3A_1887 = tpu.memref_slice %arg12[%dma_wait3A_1885, %dma_wait3A_1886] : memref<208x64xf32, #tpu.memory_space<vmem>> -> memref<16x64xf32, #tpu.memory_space<vmem>>
      %dma_wait3A_1888 = arith.constant 0 : i32
      %dma_wait3A_1889 = arith.constant 0 : i32
      %dma_wait3A_1890 = tpu.memref_slice %arg5[%dma_wait3A_1888, %dma_wait3A_1889] : memref<1000000x64xf32, #tpu.memory_space<hbm>> -> memref<1000000x64xf32, #tpu.memory_space<hbm>>
      tpu.wait_indirect_dma semaphore(%arg17 : memref<!tpu.dma_semaphore, #tpu.memory_space<semaphore_mem>>) src(%dma_wait3A_1890 : memref<1000000x64xf32, #tpu.memory_space<hbm>>) dst(%dma_wait3A_1887 : memref<16x64xf32, #tpu.memory_space<vmem>>)
      %get3A_1891 = arith.index_cast %add3A_1810 : i32 to index
      %get3A_1892 = arith.constant 128 : index
      %get3A_1893 = tpu.vector_load %arg7[%get3A_1891, %get3A_1892] {strides = array<i32>} : memref<128x208xi32, #tpu.memory_space<vmem>>, vector<1x16xi32>,
      %get3A_1894 = vector.shape_cast %get3A_1893 : vector<1x16xi32> to vector<16xi32>
      %dma_wait3A_1895 = arith.constant 128 : i32
      %dma_wait3A_1896 = arith.constant 0 : i32
      %dma_wait3A_1897 = tpu.memref_slice %arg12[%dma_wait3A_1895, %dma_wait3A_1896] : memref<208x64xf32, #tpu.memory_space<vmem>> -> memref<16x64xf32, #tpu.memory_space<vmem>>
      %dma_wait3A_1898 = arith.constant 0 : i32
      %dma_wait3A_1899 = arith.constant 0 : i32
      %dma_wait3A_1900 = tpu.memref_slice %arg5[%dma_wait3A_1898, %dma_wait3A_1899] : memref<1000000x64xf32, #tpu.memory_space<hbm>> -> memref<1000000x64xf32, #tpu.memory_space<hbm>>
      tpu.wait_indirect_dma semaphore(%arg17 : memref<!tpu.dma_semaphore, #tpu.memory_space<semaphore_mem>>) src(%dma_wait3A_1900 : memref<1000000x64xf32, #tpu.memory_space<hbm>>) dst(%dma_wait3A_1897 : memref<16x64xf32, #tpu.memory_space<vmem>>)
      %get3A_1901 = arith.index_cast %add3A_1810 : i32 to index
      %get3A_1902 = arith.constant 144 : index
      %get3A_1903 = tpu.vector_load %arg7[%get3A_1901, %get3A_1902] {strides = array<i32>} : memref<128x208xi32, #tpu.memory_space<vmem>>, vector<1x16xi32>,
      %get3A_1904 = vector.shape_cast %get3A_1903 : vector<1x16xi32> to vector<16xi32>
      %dma_wait3A_1905 = arith.constant 144 : i32
      %dma_wait3A_1906 = arith.constant 0 : i32
      %dma_wait3A_1907 = tpu.memref_slice %arg12[%dma_wait3A_1905, %dma_wait3A_1906] : memref<208x64xf32, #tpu.memory_space<vmem>> -> memref<16x64xf32, #tpu.memory_space<vmem>>
      %dma_wait3A_1908 = arith.constant 0 : i32
      %dma_wait3A_1909 = arith.constant 0 : i32
      %dma_wait3A_1910 = tpu.memref_slice %arg5[%dma_wait3A_1908, %dma_wait3A_1909] : memref<1000000x64xf32, #tpu.memory_space<hbm>> -> memref<1000000x64xf32, #tpu.memory_space<hbm>>
      tpu.wait_indirect_dma semaphore(%arg17 : memref<!tpu.dma_semaphore, #tpu.memory_space<semaphore_mem>>) src(%dma_wait3A_1910 : memref<1000000x64xf32, #tpu.memory_space<hbm>>) dst(%dma_wait3A_1907 : memref<16x64xf32, #tpu.memory_space<vmem>>)
      %get3A_1911 = arith.index_cast %add3A_1810 : i32 to index
      %get3A_1912 = arith.constant 160 : index
      %get3A_1913 = tpu.vector_load %arg7[%get3A_1911, %get3A_1912] {strides = array<i32>} : memref<128x208xi32, #tpu.memory_space<vmem>>, vector<1x16xi32>,
      %get3A_1914 = vector.shape_cast %get3A_1913 : vector<1x16xi32> to vector<16xi32>
      %dma_wait3A_1915 = arith.constant 160 : i32
      %dma_wait3A_1916 = arith.constant 0 : i32
      %dma_wait3A_1917 = tpu.memref_slice %arg12[%dma_wait3A_1915, %dma_wait3A_1916] : memref<208x64xf32, #tpu.memory_space<vmem>> -> memref<16x64xf32, #tpu.memory_space<vmem>>
      %dma_wait3A_1918 = arith.constant 0 : i32
      %dma_wait3A_1919 = arith.constant 0 : i32
      %dma_wait3A_1920 = tpu.memref_slice %arg5[%dma_wait3A_1918, %dma_wait3A_1919] : memref<1000000x64xf32, #tpu.memory_space<hbm>> -> memref<1000000x64xf32, #tpu.memory_space<hbm>>
      tpu.wait_indirect_dma semaphore(%arg17 : memref<!tpu.dma_semaphore, #tpu.memory_space<semaphore_mem>>) src(%dma_wait3A_1920 : memref<1000000x64xf32, #tpu.memory_space<hbm>>) dst(%dma_wait3A_1917 : memref<16x64xf32, #tpu.memory_space<vmem>>)
      %get3A_1921 = arith.index_cast %add3A_1810 : i32 to index
      %get3A_1922 = arith.constant 176 : index
      %get3A_1923 = tpu.vector_load %arg7[%get3A_1921, %get3A_1922] {strides = array<i32>} : memref<128x208xi32, #tpu.memory_space<vmem>>, vector<1x16xi32>,
      %get3A_1924 = vector.shape_cast %get3A_1923 : vector<1x16xi32> to vector<16xi32>
      %dma_wait3A_1925 = arith.constant 176 : i32
      %dma_wait3A_1926 = arith.constant 0 : i32
      %dma_wait3A_1927 = tpu.memref_slice %arg12[%dma_wait3A_1925, %dma_wait3A_1926] : memref<208x64xf32, #tpu.memory_space<vmem>> -> memref<16x64xf32, #tpu.memory_space<vmem>>
      %dma_wait3A_1928 = arith.constant 0 : i32
      %dma_wait3A_1929 = arith.constant 0 : i32
      %dma_wait3A_1930 = tpu.memref_slice %arg5[%dma_wait3A_1928, %dma_wait3A_1929] : memref<1000000x64xf32, #tpu.memory_space<hbm>> -> memref<1000000x64xf32, #tpu.memory_space<hbm>>
      tpu.wait_indirect_dma semaphore(%arg17 : memref<!tpu.dma_semaphore, #tpu.memory_space<semaphore_mem>>) src(%dma_wait3A_1930 : memref<1000000x64xf32, #tpu.memory_space<hbm>>) dst(%dma_wait3A_1927 : memref<16x64xf32, #tpu.memory_space<vmem>>)
      %get3A_1931 = arith.index_cast %add3A_1810 : i32 to index
      %get3A_1932 = arith.constant 192 : index
      %get3A_1933 = tpu.vector_load %arg7[%get3A_1931, %get3A_1932] {strides = array<i32>} : memref<128x208xi32, #tpu.memory_space<vmem>>, vector<1x16xi32>,
      %get3A_1934 = vector.shape_cast %get3A_1933 : vector<1x16xi32> to vector<16xi32>
      %dma_wait3A_1935 = arith.constant 192 : i32
      %dma_wait3A_1936 = arith.constant 0 : i32
      %dma_wait3A_1937 = tpu.memref_slice %arg12[%dma_wait3A_1935, %dma_wait3A_1936] : memref<208x64xf32, #tpu.memory_space<vmem>> -> memref<16x64xf32, #tpu.memory_space<vmem>>
      %dma_wait3A_1938 = arith.constant 0 : i32
      %dma_wait3A_1939 = arith.constant 0 : i32
      %dma_wait3A_1940 = tpu.memref_slice %arg5[%dma_wait3A_1938, %dma_wait3A_1939] : memref<1000000x64xf32, #tpu.memory_space<hbm>> -> memref<1000000x64xf32, #tpu.memory_space<hbm>>
      tpu.wait_indirect_dma semaphore(%arg17 : memref<!tpu.dma_semaphore, #tpu.memory_space<semaphore_mem>>) src(%dma_wait3A_1940 : memref<1000000x64xf32, #tpu.memory_space<hbm>>) dst(%dma_wait3A_1937 : memref<16x64xf32, #tpu.memory_space<vmem>>)
      %broadcast_in_dim3A_1941 = arith.constant 0.000000e+00 : f32
      %broadcast_in_dim3A_1942 = vector.broadcast %broadcast_in_dim3A_1941 : f32 to vector<16xf32>
      %broadcast_in_dim3A_1943 = arith.constant 0.000000e+00 : f32
      %broadcast_in_dim3A_1944 = vector.broadcast %broadcast_in_dim3A_1943 : f32 to vector<16xf32>
      %broadcast_in_dim3A_1945 = arith.constant 0.000000e+00 : f32
      %broadcast_in_dim3A_1946 = vector.broadcast %broadcast_in_dim3A_1945 : f32 to vector<16xf32>
      %broadcast_in_dim3A_1947 = arith.constant 0.000000e+00 : f32
      %broadcast_in_dim3A_1948 = vector.broadcast %broadcast_in_dim3A_1947 : f32 to vector<16xf32>
      %scan3A_1949 = arith.constant 0 : i32
      %scan3A_1950 = arith.constant 208 : i32
      %scan3A_1951 = arith.addi %scan3A_1949, %scan3A_1950 : i32
      %scan3A_1952 = arith.constant 1 : i32
      %scan3A_1953:4 = scf.for %scan3A_2490 = %scan3A_1949 to %scan3A_1951 step %scan3A_1952 iter_args(%scan3A_2491 = %broadcast_in_dim3A_1942, %scan3A_2492 = %broadcast_in_dim3A_1944, %scan3A_2493 = %broadcast_in_dim3A_1946, %scan3A_2494 = %broadcast_in_dim3A_1948) -> (vector<16xf32>, vector<16xf32>, vector<16xf32>, vector<16xf32>)  : i32 {
        %get3A_2495 = arith.index_cast %scan3A_2490 : i32 to index
        %get3A_2496 = arith.constant 0 : index
        %get3A_2497 = tpu.vector_load %arg12[%get3A_2495, %get3A_2496] {strides = array<i32>} : memref<208x64xf32, #tpu.memory_space<vmem>>, vector<1x16xf32>,
        %get3A_2498 = vector.shape_cast %get3A_2497 : vector<1x16xf32> to vector<16xf32>
        %get3A_2499 = arith.index_cast %scan3A_2490 : i32 to index
        %get3A_2500 = arith.constant 0 : index
        %get3A_2501 = tpu.vector_load %arg8[%get3A_2499, %get3A_2500] {strides = array<i32>} : memref<208x64xf32, #tpu.memory_space<vmem>>, vector<1x16xf32>,
        %get3A_2502 = vector.shape_cast %get3A_2501 : vector<1x16xf32> to vector<16xf32>
        %mul3A_2503 = arith.mulf %get3A_2498, %get3A_2502 : vector<16xf32>
        %add3A_2504 = arith.addf %scan3A_2491, %mul3A_2503 : vector<16xf32>
        %get3A_2505 = arith.index_cast %scan3A_2490 : i32 to index
        %get3A_2506 = arith.constant 16 : index
        %get3A_2507 = tpu.vector_load %arg12[%get3A_2505, %get3A_2506] {strides = array<i32>} : memref<208x64xf32, #tpu.memory_space<vmem>>, vector<1x16xf32>,
        %get3A_2508 = vector.shape_cast %get3A_2507 : vector<1x16xf32> to vector<16xf32>
        %get3A_2509 = arith.index_cast %scan3A_2490 : i32 to index
        %get3A_2510 = arith.constant 16 : index
        %get3A_2511 = tpu.vector_load %arg8[%get3A_2509, %get3A_2510] {strides = array<i32>} : memref<208x64xf32, #tpu.memory_space<vmem>>, vector<1x16xf32>,
        %get3A_2512 = vector.shape_cast %get3A_2511 : vector<1x16xf32> to vector<16xf32>
        %mul3A_2513 = arith.mulf %get3A_2508, %get3A_2512 : vector<16xf32>
        %add3A_2514 = arith.addf %scan3A_2492, %mul3A_2513 : vector<16xf32>
        %get3A_2515 = arith.index_cast %scan3A_2490 : i32 to index
        %get3A_2516 = arith.constant 32 : index
        %get3A_2517 = tpu.vector_load %arg12[%get3A_2515, %get3A_2516] {strides = array<i32>} : memref<208x64xf32, #tpu.memory_space<vmem>>, vector<1x16xf32>,
        %get3A_2518 = vector.shape_cast %get3A_2517 : vector<1x16xf32> to vector<16xf32>
        %get3A_2519 = arith.index_cast %scan3A_2490 : i32 to index
        %get3A_2520 = arith.constant 32 : index
        %get3A_2521 = tpu.vector_load %arg8[%get3A_2519, %get3A_2520] {strides = array<i32>} : memref<208x64xf32, #tpu.memory_space<vmem>>, vector<1x16xf32>,
        %get3A_2522 = vector.shape_cast %get3A_2521 : vector<1x16xf32> to vector<16xf32>
        %mul3A_2523 = arith.mulf %get3A_2518, %get3A_2522 : vector<16xf32>
        %add3A_2524 = arith.addf %scan3A_2493, %mul3A_2523 : vector<16xf32>
        %get3A_2525 = arith.index_cast %scan3A_2490 : i32 to index
        %get3A_2526 = arith.constant 48 : index
        %get3A_2527 = tpu.vector_load %arg12[%get3A_2525, %get3A_2526] {strides = array<i32>} : memref<208x64xf32, #tpu.memory_space<vmem>>, vector<1x16xf32>,
        %get3A_2528 = vector.shape_cast %get3A_2527 : vector<1x16xf32> to vector<16xf32>
        %get3A_2529 = arith.index_cast %scan3A_2490 : i32 to index
        %get3A_2530 = arith.constant 48 : index
        %get3A_2531 = tpu.vector_load %arg8[%get3A_2529, %get3A_2530] {strides = array<i32>} : memref<208x64xf32, #tpu.memory_space<vmem>>, vector<1x16xf32>,
        %get3A_2532 = vector.shape_cast %get3A_2531 : vector<1x16xf32> to vector<16xf32>
        %mul3A_2533 = arith.mulf %get3A_2528, %get3A_2532 : vector<16xf32>
        %add3A_2534 = arith.addf %scan3A_2494, %mul3A_2533 : vector<16xf32>
        scf.yield %add3A_2504, %add3A_2514, %add3A_2524, %add3A_2534 : vector<16xf32>, vector<16xf32>, vector<16xf32>, vector<16xf32>
      }
      %scan3A_1954 = arith.constant 208 : i32
      %add3A_1955 = arith.addf %scan3A_1953#0, %scan3A_1953#1 : vector<16xf32>
      %add3A_1956 = arith.addf %scan3A_1953#2, %scan3A_1953#3 : vector<16xf32>
      %add3A_1957 = arith.addf %add3A_1955, %add3A_1956 : vector<16xf32>
      %xor3A_1958 = arith.constant 1 : i32
      %xor3A_1959 = vector.broadcast %xor3A_1958 : i32 to vector<16xi32>
      %xor3A_1960 = arith.xori %iota3A, %xor3A_1959 : vector<16xi32>
      %broadcast_in_dim3A_1961 = vector.shape_cast %xor3A_1960 : vector<16xi32> to vector<16x1xi32>
      %gather3A_1962 = vector.shape_cast %broadcast_in_dim3A_1961 : vector<16x1xi32> to vector<16xi32>
      %gather3A_1963 = tpu.dynamic_gather %add3A_1957[%gather3A_1962] in [0] : vector<16xf32>, vector<16xi32> -> vector<16xf32>
      %add3A_1964 = arith.addf %add3A_1957, %gather3A_1963 : vector<16xf32>
      %xor3A_1965 = arith.constant 2 : i32
      %xor3A_1966 = vector.broadcast %xor3A_1965 : i32 to vector<16xi32>
      %xor3A_1967 = arith.xori %iota3A, %xor3A_1966 : vector<16xi32>
      %broadcast_in_dim3A_1968 = vector.shape_cast %xor3A_1967 : vector<16xi32> to vector<16x1xi32>
      %gather3A_1969 = vector.shape_cast %broadcast_in_dim3A_1968 : vector<16x1xi32> to vector<16xi32>
      %gather3A_1970 = tpu.dynamic_gather %add3A_1964[%gather3A_1969] in [0] : vector<16xf32>, vector<16xi32> -> vector<16xf32>
      %add3A_1971 = arith.addf %add3A_1964, %gather3A_1970 : vector<16xf32>
      %xor3A_1972 = arith.constant 4 : i32
      %xor3A_1973 = vector.broadcast %xor3A_1972 : i32 to vector<16xi32>
      %xor3A_1974 = arith.xori %iota3A, %xor3A_1973 : vector<16xi32>
      %broadcast_in_dim3A_1975 = vector.shape_cast %xor3A_1974 : vector<16xi32> to vector<16x1xi32>
      %gather3A_1976 = vector.shape_cast %broadcast_in_dim3A_1975 : vector<16x1xi32> to vector<16xi32>
      %gather3A_1977 = tpu.dynamic_gather %add3A_1971[%gather3A_1976] in [0] : vector<16xf32>, vector<16xi32> -> vector<16xf32>
      %add3A_1978 = arith.addf %add3A_1971, %gather3A_1977 : vector<16xf32>
      %xor3A_1979 = arith.constant 8 : i32
      %xor3A_1980 = vector.broadcast %xor3A_1979 : i32 to vector<16xi32>
      %xor3A_1981 = arith.xori %iota3A, %xor3A_1980 : vector<16xi32>
      %broadcast_in_dim3A_1982 = vector.shape_cast %xor3A_1981 : vector<16xi32> to vector<16x1xi32>
      %gather3A_1983 = vector.shape_cast %broadcast_in_dim3A_1982 : vector<16x1xi32> to vector<16xi32>
      %gather3A_1984 = tpu.dynamic_gather %add3A_1978[%gather3A_1983] in [0] : vector<16xf32>, vector<16xi32> -> vector<16xf32>
      %add3A_1985 = arith.addf %add3A_1978, %gather3A_1984 : vector<16xf32>
      %add3A_1986 = arith.addf %add3A_1985, %get3A_4 : vector<16xf32>
      %add3A_1987 = arith.constant 4 : i32
      %add3A_1988 = arith.addi %add3A_1810, %add3A_1987 : i32
      %min3A_1989 = arith.constant 127 : i32
      %min3A_1990 = arith.minsi %add3A_1988, %min3A_1989 : i32
      %get3A_1991 = arith.index_cast %min3A_1990 : i32 to index
      %get3A_1992 = arith.constant 0 : index
      %get3A_1993 = tpu.vector_load %arg7[%get3A_1991, %get3A_1992] {strides = array<i32>} : memref<128x208xi32, #tpu.memory_space<vmem>>, vector<1x16xi32>,
      %get3A_1994 = vector.shape_cast %get3A_1993 : vector<1x16xi32> to vector<16xi32>
      %dma_start3A_1995 = arith.constant 0 : i32
      %dma_start3A_1996 = arith.constant 0 : i32
      %dma_start3A_1997 = tpu.memref_slice %arg12[%dma_start3A_1995, %dma_start3A_1996] : memref<208x64xf32, #tpu.memory_space<vmem>> -> memref<16x64xf32, #tpu.memory_space<vmem>>
      %dma_start3A_1998 = arith.constant 0 : i32
      %dma_start3A_1999 = arith.constant 0 : i32
      %dma_start3A_2000 = tpu.memref_slice %arg5[%dma_start3A_1998, %dma_start3A_1999] : memref<1000000x64xf32, #tpu.memory_space<hbm>> -> memref<1000000x64xf32, #tpu.memory_space<hbm>>
      tpu.enqueue_indirect_dma source(%dma_start3A_2000 : memref<1000000x64xf32, #tpu.memory_space<hbm>>) target(%dma_start3A_1997 : memref<16x64xf32, #tpu.memory_space<vmem>>) offsets(%get3A_1994 : vector<16xi32>) semaphore(%arg17 : memref<!tpu.dma_semaphore, #tpu.memory_space<semaphore_mem>>)
      %get3A_2001 = arith.index_cast %min3A_1990 : i32 to index
      %get3A_2002 = arith.constant 16 : index
      %get3A_2003 = tpu.vector_load %arg7[%get3A_2001, %get3A_2002] {strides = array<i32>} : memref<128x208xi32, #tpu.memory_space<vmem>>, vector<1x16xi32>,
      %get3A_2004 = vector.shape_cast %get3A_2003 : vector<1x16xi32> to vector<16xi32>
      %dma_start3A_2005 = arith.constant 16 : i32
      %dma_start3A_2006 = arith.constant 0 : i32
      %dma_start3A_2007 = tpu.memref_slice %arg12[%dma_start3A_2005, %dma_start3A_2006] : memref<208x64xf32, #tpu.memory_space<vmem>> -> memref<16x64xf32, #tpu.memory_space<vmem>>
      %dma_start3A_2008 = arith.constant 0 : i32
      %dma_start3A_2009 = arith.constant 0 : i32
      %dma_start3A_2010 = tpu.memref_slice %arg5[%dma_start3A_2008, %dma_start3A_2009] : memref<1000000x64xf32, #tpu.memory_space<hbm>> -> memref<1000000x64xf32, #tpu.memory_space<hbm>>
      tpu.enqueue_indirect_dma source(%dma_start3A_2010 : memref<1000000x64xf32, #tpu.memory_space<hbm>>) target(%dma_start3A_2007 : memref<16x64xf32, #tpu.memory_space<vmem>>) offsets(%get3A_2004 : vector<16xi32>) semaphore(%arg17 : memref<!tpu.dma_semaphore, #tpu.memory_space<semaphore_mem>>)
      %get3A_2011 = arith.index_cast %min3A_1990 : i32 to index
      %get3A_2012 = arith.constant 32 : index
      %get3A_2013 = tpu.vector_load %arg7[%get3A_2011, %get3A_2012] {strides = array<i32>} : memref<128x208xi32, #tpu.memory_space<vmem>>, vector<1x16xi32>,
      %get3A_2014 = vector.shape_cast %get3A_2013 : vector<1x16xi32> to vector<16xi32>
      %dma_start3A_2015 = arith.constant 32 : i32
      %dma_start3A_2016 = arith.constant 0 : i32
      %dma_start3A_2017 = tpu.memref_slice %arg12[%dma_start3A_2015, %dma_start3A_2016] : memref<208x64xf32, #tpu.memory_space<vmem>> -> memref<16x64xf32, #tpu.memory_space<vmem>>
      %dma_start3A_2018 = arith.constant 0 : i32
      %dma_start3A_2019 = arith.constant 0 : i32
      %dma_start3A_2020 = tpu.memref_slice %arg5[%dma_start3A_2018, %dma_start3A_2019] : memref<1000000x64xf32, #tpu.memory_space<hbm>> -> memref<1000000x64xf32, #tpu.memory_space<hbm>>
      tpu.enqueue_indirect_dma source(%dma_start3A_2020 : memref<1000000x64xf32, #tpu.memory_space<hbm>>) target(%dma_start3A_2017 : memref<16x64xf32, #tpu.memory_space<vmem>>) offsets(%get3A_2014 : vector<16xi32>) semaphore(%arg17 : memref<!tpu.dma_semaphore, #tpu.memory_space<semaphore_mem>>)
      %get3A_2021 = arith.index_cast %min3A_1990 : i32 to index
      %get3A_2022 = arith.constant 48 : index
      %get3A_2023 = tpu.vector_load %arg7[%get3A_2021, %get3A_2022] {strides = array<i32>} : memref<128x208xi32, #tpu.memory_space<vmem>>, vector<1x16xi32>,
      %get3A_2024 = vector.shape_cast %get3A_2023 : vector<1x16xi32> to vector<16xi32>
      %dma_start3A_2025 = arith.constant 48 : i32
      %dma_start3A_2026 = arith.constant 0 : i32
      %dma_start3A_2027 = tpu.memref_slice %arg12[%dma_start3A_2025, %dma_start3A_2026] : memref<208x64xf32, #tpu.memory_space<vmem>> -> memref<16x64xf32, #tpu.memory_space<vmem>>
      %dma_start3A_2028 = arith.constant 0 : i32
      %dma_start3A_2029 = arith.constant 0 : i32
      %dma_start3A_2030 = tpu.memref_slice %arg5[%dma_start3A_2028, %dma_start3A_2029] : memref<1000000x64xf32, #tpu.memory_space<hbm>> -> memref<1000000x64xf32, #tpu.memory_space<hbm>>
      tpu.enqueue_indirect_dma source(%dma_start3A_2030 : memref<1000000x64xf32, #tpu.memory_space<hbm>>) target(%dma_start3A_2027 : memref<16x64xf32, #tpu.memory_space<vmem>>) offsets(%get3A_2024 : vector<16xi32>) semaphore(%arg17 : memref<!tpu.dma_semaphore, #tpu.memory_space<semaphore_mem>>)
      %get3A_2031 = arith.index_cast %min3A_1990 : i32 to index
      %get3A_2032 = arith.constant 64 : index
      %get3A_2033 = tpu.vector_load %arg7[%get3A_2031, %get3A_2032] {strides = array<i32>} : memref<128x208xi32, #tpu.memory_space<vmem>>, vector<1x16xi32>,
      %get3A_2034 = vector.shape_cast %get3A_2033 : vector<1x16xi32> to vector<16xi32>
      %dma_start3A_2035 = arith.constant 64 : i32
      %dma_start3A_2036 = arith.constant 0 : i32
      %dma_start3A_2037 = tpu.memref_slice %arg12[%dma_start3A_2035, %dma_start3A_2036] : memref<208x64xf32, #tpu.memory_space<vmem>> -> memref<16x64xf32, #tpu.memory_space<vmem>>
      %dma_start3A_2038 = arith.constant 0 : i32
      %dma_start3A_2039 = arith.constant 0 : i32
      %dma_start3A_2040 = tpu.memref_slice %arg5[%dma_start3A_2038, %dma_start3A_2039] : memref<1000000x64xf32, #tpu.memory_space<hbm>> -> memref<1000000x64xf32, #tpu.memory_space<hbm>>
      tpu.enqueue_indirect_dma source(%dma_start3A_2040 : memref<1000000x64xf32, #tpu.memory_space<hbm>>) target(%dma_start3A_2037 : memref<16x64xf32, #tpu.memory_space<vmem>>) offsets(%get3A_2034 : vector<16xi32>) semaphore(%arg17 : memref<!tpu.dma_semaphore, #tpu.memory_space<semaphore_mem>>)
      %get3A_2041 = arith.index_cast %min3A_1990 : i32 to index
      %get3A_2042 = arith.constant 80 : index
      %get3A_2043 = tpu.vector_load %arg7[%get3A_2041, %get3A_2042] {strides = array<i32>} : memref<128x208xi32, #tpu.memory_space<vmem>>, vector<1x16xi32>,
      %get3A_2044 = vector.shape_cast %get3A_2043 : vector<1x16xi32> to vector<16xi32>
      %dma_start3A_2045 = arith.constant 80 : i32
      %dma_start3A_2046 = arith.constant 0 : i32
      %dma_start3A_2047 = tpu.memref_slice %arg12[%dma_start3A_2045, %dma_start3A_2046] : memref<208x64xf32, #tpu.memory_space<vmem>> -> memref<16x64xf32, #tpu.memory_space<vmem>>
      %dma_start3A_2048 = arith.constant 0 : i32
      %dma_start3A_2049 = arith.constant 0 : i32
      %dma_start3A_2050 = tpu.memref_slice %arg5[%dma_start3A_2048, %dma_start3A_2049] : memref<1000000x64xf32, #tpu.memory_space<hbm>> -> memref<1000000x64xf32, #tpu.memory_space<hbm>>
      tpu.enqueue_indirect_dma source(%dma_start3A_2050 : memref<1000000x64xf32, #tpu.memory_space<hbm>>) target(%dma_start3A_2047 : memref<16x64xf32, #tpu.memory_space<vmem>>) offsets(%get3A_2044 : vector<16xi32>) semaphore(%arg17 : memref<!tpu.dma_semaphore, #tpu.memory_space<semaphore_mem>>)
      %get3A_2051 = arith.index_cast %min3A_1990 : i32 to index
      %get3A_2052 = arith.constant 96 : index
      %get3A_2053 = tpu.vector_load %arg7[%get3A_2051, %get3A_2052] {strides = array<i32>} : memref<128x208xi32, #tpu.memory_space<vmem>>, vector<1x16xi32>,
      %get3A_2054 = vector.shape_cast %get3A_2053 : vector<1x16xi32> to vector<16xi32>
      %dma_start3A_2055 = arith.constant 96 : i32
      %dma_start3A_2056 = arith.constant 0 : i32
      %dma_start3A_2057 = tpu.memref_slice %arg12[%dma_start3A_2055, %dma_start3A_2056] : memref<208x64xf32, #tpu.memory_space<vmem>> -> memref<16x64xf32, #tpu.memory_space<vmem>>
      %dma_start3A_2058 = arith.constant 0 : i32
      %dma_start3A_2059 = arith.constant 0 : i32
      %dma_start3A_2060 = tpu.memref_slice %arg5[%dma_start3A_2058, %dma_start3A_2059] : memref<1000000x64xf32, #tpu.memory_space<hbm>> -> memref<1000000x64xf32, #tpu.memory_space<hbm>>
      tpu.enqueue_indirect_dma source(%dma_start3A_2060 : memref<1000000x64xf32, #tpu.memory_space<hbm>>) target(%dma_start3A_2057 : memref<16x64xf32, #tpu.memory_space<vmem>>) offsets(%get3A_2054 : vector<16xi32>) semaphore(%arg17 : memref<!tpu.dma_semaphore, #tpu.memory_space<semaphore_mem>>)
      %get3A_2061 = arith.index_cast %min3A_1990 : i32 to index
      %get3A_2062 = arith.constant 112 : index
      %get3A_2063 = tpu.vector_load %arg7[%get3A_2061, %get3A_2062] {strides = array<i32>} : memref<128x208xi32, #tpu.memory_space<vmem>>, vector<1x16xi32>,
      %get3A_2064 = vector.shape_cast %get3A_2063 : vector<1x16xi32> to vector<16xi32>
      %dma_start3A_2065 = arith.constant 112 : i32
      %dma_start3A_2066 = arith.constant 0 : i32
      %dma_start3A_2067 = tpu.memref_slice %arg12[%dma_start3A_2065, %dma_start3A_2066] : memref<208x64xf32, #tpu.memory_space<vmem>> -> memref<16x64xf32, #tpu.memory_space<vmem>>
      %dma_start3A_2068 = arith.constant 0 : i32
      %dma_start3A_2069 = arith.constant 0 : i32
      %dma_start3A_2070 = tpu.memref_slice %arg5[%dma_start3A_2068, %dma_start3A_2069] : memref<1000000x64xf32, #tpu.memory_space<hbm>> -> memref<1000000x64xf32, #tpu.memory_space<hbm>>
      tpu.enqueue_indirect_dma source(%dma_start3A_2070 : memref<1000000x64xf32, #tpu.memory_space<hbm>>) target(%dma_start3A_2067 : memref<16x64xf32, #tpu.memory_space<vmem>>) offsets(%get3A_2064 : vector<16xi32>) semaphore(%arg17 : memref<!tpu.dma_semaphore, #tpu.memory_space<semaphore_mem>>)
      %get3A_2071 = arith.index_cast %min3A_1990 : i32 to index
      %get3A_2072 = arith.constant 128 : index
      %get3A_2073 = tpu.vector_load %arg7[%get3A_2071, %get3A_2072] {strides = array<i32>} : memref<128x208xi32, #tpu.memory_space<vmem>>, vector<1x16xi32>,
      %get3A_2074 = vector.shape_cast %get3A_2073 : vector<1x16xi32> to vector<16xi32>
      %dma_start3A_2075 = arith.constant 128 : i32
      %dma_start3A_2076 = arith.constant 0 : i32
      %dma_start3A_2077 = tpu.memref_slice %arg12[%dma_start3A_2075, %dma_start3A_2076] : memref<208x64xf32, #tpu.memory_space<vmem>> -> memref<16x64xf32, #tpu.memory_space<vmem>>
      %dma_start3A_2078 = arith.constant 0 : i32
      %dma_start3A_2079 = arith.constant 0 : i32
      %dma_start3A_2080 = tpu.memref_slice %arg5[%dma_start3A_2078, %dma_start3A_2079] : memref<1000000x64xf32, #tpu.memory_space<hbm>> -> memref<1000000x64xf32, #tpu.memory_space<hbm>>
      tpu.enqueue_indirect_dma source(%dma_start3A_2080 : memref<1000000x64xf32, #tpu.memory_space<hbm>>) target(%dma_start3A_2077 : memref<16x64xf32, #tpu.memory_space<vmem>>) offsets(%get3A_2074 : vector<16xi32>) semaphore(%arg17 : memref<!tpu.dma_semaphore, #tpu.memory_space<semaphore_mem>>)
      %get3A_2081 = arith.index_cast %min3A_1990 : i32 to index
      %get3A_2082 = arith.constant 144 : index
      %get3A_2083 = tpu.vector_load %arg7[%get3A_2081, %get3A_2082] {strides = array<i32>} : memref<128x208xi32, #tpu.memory_space<vmem>>, vector<1x16xi32>,
      %get3A_2084 = vector.shape_cast %get3A_2083 : vector<1x16xi32> to vector<16xi32>
      %dma_start3A_2085 = arith.constant 144 : i32
      %dma_start3A_2086 = arith.constant 0 : i32
      %dma_start3A_2087 = tpu.memref_slice %arg12[%dma_start3A_2085, %dma_start3A_2086] : memref<208x64xf32, #tpu.memory_space<vmem>> -> memref<16x64xf32, #tpu.memory_space<vmem>>
      %dma_start3A_2088 = arith.constant 0 : i32
      %dma_start3A_2089 = arith.constant 0 : i32
      %dma_start3A_2090 = tpu.memref_slice %arg5[%dma_start3A_2088, %dma_start3A_2089] : memref<1000000x64xf32, #tpu.memory_space<hbm>> -> memref<1000000x64xf32, #tpu.memory_space<hbm>>
      tpu.enqueue_indirect_dma source(%dma_start3A_2090 : memref<1000000x64xf32, #tpu.memory_space<hbm>>) target(%dma_start3A_2087 : memref<16x64xf32, #tpu.memory_space<vmem>>) offsets(%get3A_2084 : vector<16xi32>) semaphore(%arg17 : memref<!tpu.dma_semaphore, #tpu.memory_space<semaphore_mem>>)
      %get3A_2091 = arith.index_cast %min3A_1990 : i32 to index
      %get3A_2092 = arith.constant 160 : index
      %get3A_2093 = tpu.vector_load %arg7[%get3A_2091, %get3A_2092] {strides = array<i32>} : memref<128x208xi32, #tpu.memory_space<vmem>>, vector<1x16xi32>,
      %get3A_2094 = vector.shape_cast %get3A_2093 : vector<1x16xi32> to vector<16xi32>
      %dma_start3A_2095 = arith.constant 160 : i32
      %dma_start3A_2096 = arith.constant 0 : i32
      %dma_start3A_2097 = tpu.memref_slice %arg12[%dma_start3A_2095, %dma_start3A_2096] : memref<208x64xf32, #tpu.memory_space<vmem>> -> memref<16x64xf32, #tpu.memory_space<vmem>>
      %dma_start3A_2098 = arith.constant 0 : i32
      %dma_start3A_2099 = arith.constant 0 : i32
      %dma_start3A_2100 = tpu.memref_slice %arg5[%dma_start3A_2098, %dma_start3A_2099] : memref<1000000x64xf32, #tpu.memory_space<hbm>> -> memref<1000000x64xf32, #tpu.memory_space<hbm>>
      tpu.enqueue_indirect_dma source(%dma_start3A_2100 : memref<1000000x64xf32, #tpu.memory_space<hbm>>) target(%dma_start3A_2097 : memref<16x64xf32, #tpu.memory_space<vmem>>) offsets(%get3A_2094 : vector<16xi32>) semaphore(%arg17 : memref<!tpu.dma_semaphore, #tpu.memory_space<semaphore_mem>>)
      %get3A_2101 = arith.index_cast %min3A_1990 : i32 to index
      %get3A_2102 = arith.constant 176 : index
      %get3A_2103 = tpu.vector_load %arg7[%get3A_2101, %get3A_2102] {strides = array<i32>} : memref<128x208xi32, #tpu.memory_space<vmem>>, vector<1x16xi32>,
      %get3A_2104 = vector.shape_cast %get3A_2103 : vector<1x16xi32> to vector<16xi32>
      %dma_start3A_2105 = arith.constant 176 : i32
      %dma_start3A_2106 = arith.constant 0 : i32
      %dma_start3A_2107 = tpu.memref_slice %arg12[%dma_start3A_2105, %dma_start3A_2106] : memref<208x64xf32, #tpu.memory_space<vmem>> -> memref<16x64xf32, #tpu.memory_space<vmem>>
      %dma_start3A_2108 = arith.constant 0 : i32
      %dma_start3A_2109 = arith.constant 0 : i32
      %dma_start3A_2110 = tpu.memref_slice %arg5[%dma_start3A_2108, %dma_start3A_2109] : memref<1000000x64xf32, #tpu.memory_space<hbm>> -> memref<1000000x64xf32, #tpu.memory_space<hbm>>
      tpu.enqueue_indirect_dma source(%dma_start3A_2110 : memref<1000000x64xf32, #tpu.memory_space<hbm>>) target(%dma_start3A_2107 : memref<16x64xf32, #tpu.memory_space<vmem>>) offsets(%get3A_2104 : vector<16xi32>) semaphore(%arg17 : memref<!tpu.dma_semaphore, #tpu.memory_space<semaphore_mem>>)
      %get3A_2111 = arith.index_cast %min3A_1990 : i32 to index
      %get3A_2112 = arith.constant 192 : index
      %get3A_2113 = tpu.vector_load %arg7[%get3A_2111, %get3A_2112] {strides = array<i32>} : memref<128x208xi32, #tpu.memory_space<vmem>>, vector<1x16xi32>,
      %get3A_2114 = vector.shape_cast %get3A_2113 : vector<1x16xi32> to vector<16xi32>
      %dma_start3A_2115 = arith.constant 192 : i32
      %dma_start3A_2116 = arith.constant 0 : i32
      %dma_start3A_2117 = tpu.memref_slice %arg12[%dma_start3A_2115, %dma_start3A_2116] : memref<208x64xf32, #tpu.memory_space<vmem>> -> memref<16x64xf32, #tpu.memory_space<vmem>>
      %dma_start3A_2118 = arith.constant 0 : i32
      %dma_start3A_2119 = arith.constant 0 : i32
      %dma_start3A_2120 = tpu.memref_slice %arg5[%dma_start3A_2118, %dma_start3A_2119] : memref<1000000x64xf32, #tpu.memory_space<hbm>> -> memref<1000000x64xf32, #tpu.memory_space<hbm>>
      tpu.enqueue_indirect_dma source(%dma_start3A_2120 : memref<1000000x64xf32, #tpu.memory_space<hbm>>) target(%dma_start3A_2117 : memref<16x64xf32, #tpu.memory_space<vmem>>) offsets(%get3A_2114 : vector<16xi32>) semaphore(%arg17 : memref<!tpu.dma_semaphore, #tpu.memory_space<semaphore_mem>>)
      %jit3A_2121 = arith.constant 16 : i32
      %eq3A_2122 = arith.constant 0 : i32
      %eq3A_2123 = arith.cmpi eq, %jit3A_2121, %eq3A_2122 : i32
      %jit3A_2124 = arith.constant 1 : i32
      %select_n3A_2125 = arith.select %eq3A_2123, %jit3A_2124, %jit3A_2121 : i32
      %rem3A_2126 = arith.remsi %add3A_1810, %select_n3A_2125 : i32
      %ne3A_2127 = arith.constant 0 : i32
      %ne3A_2128 = arith.cmpi ne, %rem3A_2126, %ne3A_2127 : i32
      %lt3A_2129 = arith.constant 0 : i32
      %lt3A_2130 = arith.cmpi slt, %rem3A_2126, %lt3A_2129 : i32
      %lt3A_2131 = arith.constant 0 : i32
      %lt3A_2132 = arith.cmpi slt, %select_n3A_2125, %lt3A_2131 : i32
      %ne3A_2133 = arith.xori %lt3A_2130, %lt3A_2132 : i1
      %and3A_2134 = arith.andi %ne3A_2133, %ne3A_2128 : i1
      %add3A_2135 = arith.addi %rem3A_2126, %select_n3A_2125 : i32
      %select_n3A_2136 = arith.select %and3A_2134, %add3A_2135, %rem3A_2126 : i32
      %eq3A_2137 = vector.broadcast %select_n3A_2136 : i32 to vector<16xi32>
      %eq3A_2138 = arith.cmpi eq, %iota3A, %eq3A_2137 : vector<16xi32>
      %select_n3A_2139 = arith.select %eq3A_2138, %add3A_1986, %select_n3A_1808 : vector<16xi1>, vector<16xf32>
      %add3A_2140 = arith.constant 3 : i32
      %add3A_2141 = arith.addi %mul3A_1156, %add3A_2140 : i32
      %get3A_2142 = arith.index_cast %add3A_2141 : i32 to index
      %get3A_2143 = arith.constant 0 : index
      %get3A_2144 = tpu.vector_load %arg7[%get3A_2142, %get3A_2143] {strides = array<i32>} : memref<128x208xi32, #tpu.memory_space<vmem>>, vector<1x16xi32>,
      %get3A_2145 = vector.shape_cast %get3A_2144 : vector<1x16xi32> to vector<16xi32>
      %dma_wait3A_2146 = arith.constant 0 : i32
      %dma_wait3A_2147 = arith.constant 0 : i32
      %dma_wait3A_2148 = tpu.memref_slice %arg13[%dma_wait3A_2146, %dma_wait3A_2147] : memref<208x64xf32, #tpu.memory_space<vmem>> -> memref<16x64xf32, #tpu.memory_space<vmem>>
      %dma_wait3A_2149 = arith.constant 0 : i32
      %dma_wait3A_2150 = arith.constant 0 : i32
      %dma_wait3A_2151 = tpu.memref_slice %arg5[%dma_wait3A_2149, %dma_wait3A_2150] : memref<1000000x64xf32, #tpu.memory_space<hbm>> -> memref<1000000x64xf32, #tpu.memory_space<hbm>>
      tpu.wait_indirect_dma semaphore(%arg18 : memref<!tpu.dma_semaphore, #tpu.memory_space<semaphore_mem>>) src(%dma_wait3A_2151 : memref<1000000x64xf32, #tpu.memory_space<hbm>>) dst(%dma_wait3A_2148 : memref<16x64xf32, #tpu.memory_space<vmem>>)
      %get3A_2152 = arith.index_cast %add3A_2141 : i32 to index
      %get3A_2153 = arith.constant 16 : index
      %get3A_2154 = tpu.vector_load %arg7[%get3A_2152, %get3A_2153] {strides = array<i32>} : memref<128x208xi32, #tpu.memory_space<vmem>>, vector<1x16xi32>,
      %get3A_2155 = vector.shape_cast %get3A_2154 : vector<1x16xi32> to vector<16xi32>
      %dma_wait3A_2156 = arith.constant 16 : i32
      %dma_wait3A_2157 = arith.constant 0 : i32
      %dma_wait3A_2158 = tpu.memref_slice %arg13[%dma_wait3A_2156, %dma_wait3A_2157] : memref<208x64xf32, #tpu.memory_space<vmem>> -> memref<16x64xf32, #tpu.memory_space<vmem>>
      %dma_wait3A_2159 = arith.constant 0 : i32
      %dma_wait3A_2160 = arith.constant 0 : i32
      %dma_wait3A_2161 = tpu.memref_slice %arg5[%dma_wait3A_2159, %dma_wait3A_2160] : memref<1000000x64xf32, #tpu.memory_space<hbm>> -> memref<1000000x64xf32, #tpu.memory_space<hbm>>
      tpu.wait_indirect_dma semaphore(%arg18 : memref<!tpu.dma_semaphore, #tpu.memory_space<semaphore_mem>>) src(%dma_wait3A_2161 : memref<1000000x64xf32, #tpu.memory_space<hbm>>) dst(%dma_wait3A_2158 : memref<16x64xf32, #tpu.memory_space<vmem>>)
      %get3A_2162 = arith.index_cast %add3A_2141 : i32 to index
      %get3A_2163 = arith.constant 32 : index
      %get3A_2164 = tpu.vector_load %arg7[%get3A_2162, %get3A_2163] {strides = array<i32>} : memref<128x208xi32, #tpu.memory_space<vmem>>, vector<1x16xi32>,
      %get3A_2165 = vector.shape_cast %get3A_2164 : vector<1x16xi32> to vector<16xi32>
      %dma_wait3A_2166 = arith.constant 32 : i32
      %dma_wait3A_2167 = arith.constant 0 : i32
      %dma_wait3A_2168 = tpu.memref_slice %arg13[%dma_wait3A_2166, %dma_wait3A_2167] : memref<208x64xf32, #tpu.memory_space<vmem>> -> memref<16x64xf32, #tpu.memory_space<vmem>>
      %dma_wait3A_2169 = arith.constant 0 : i32
      %dma_wait3A_2170 = arith.constant 0 : i32
      %dma_wait3A_2171 = tpu.memref_slice %arg5[%dma_wait3A_2169, %dma_wait3A_2170] : memref<1000000x64xf32, #tpu.memory_space<hbm>> -> memref<1000000x64xf32, #tpu.memory_space<hbm>>
      tpu.wait_indirect_dma semaphore(%arg18 : memref<!tpu.dma_semaphore, #tpu.memory_space<semaphore_mem>>) src(%dma_wait3A_2171 : memref<1000000x64xf32, #tpu.memory_space<hbm>>) dst(%dma_wait3A_2168 : memref<16x64xf32, #tpu.memory_space<vmem>>)
      %get3A_2172 = arith.index_cast %add3A_2141 : i32 to index
      %get3A_2173 = arith.constant 48 : index
      %get3A_2174 = tpu.vector_load %arg7[%get3A_2172, %get3A_2173] {strides = array<i32>} : memref<128x208xi32, #tpu.memory_space<vmem>>, vector<1x16xi32>,
      %get3A_2175 = vector.shape_cast %get3A_2174 : vector<1x16xi32> to vector<16xi32>
      %dma_wait3A_2176 = arith.constant 48 : i32
      %dma_wait3A_2177 = arith.constant 0 : i32
      %dma_wait3A_2178 = tpu.memref_slice %arg13[%dma_wait3A_2176, %dma_wait3A_2177] : memref<208x64xf32, #tpu.memory_space<vmem>> -> memref<16x64xf32, #tpu.memory_space<vmem>>
      %dma_wait3A_2179 = arith.constant 0 : i32
      %dma_wait3A_2180 = arith.constant 0 : i32
      %dma_wait3A_2181 = tpu.memref_slice %arg5[%dma_wait3A_2179, %dma_wait3A_2180] : memref<1000000x64xf32, #tpu.memory_space<hbm>> -> memref<1000000x64xf32, #tpu.memory_space<hbm>>
      tpu.wait_indirect_dma semaphore(%arg18 : memref<!tpu.dma_semaphore, #tpu.memory_space<semaphore_mem>>) src(%dma_wait3A_2181 : memref<1000000x64xf32, #tpu.memory_space<hbm>>) dst(%dma_wait3A_2178 : memref<16x64xf32, #tpu.memory_space<vmem>>)
      %get3A_2182 = arith.index_cast %add3A_2141 : i32 to index
      %get3A_2183 = arith.constant 64 : index
      %get3A_2184 = tpu.vector_load %arg7[%get3A_2182, %get3A_2183] {strides = array<i32>} : memref<128x208xi32, #tpu.memory_space<vmem>>, vector<1x16xi32>,
      %get3A_2185 = vector.shape_cast %get3A_2184 : vector<1x16xi32> to vector<16xi32>
      %dma_wait3A_2186 = arith.constant 64 : i32
      %dma_wait3A_2187 = arith.constant 0 : i32
      %dma_wait3A_2188 = tpu.memref_slice %arg13[%dma_wait3A_2186, %dma_wait3A_2187] : memref<208x64xf32, #tpu.memory_space<vmem>> -> memref<16x64xf32, #tpu.memory_space<vmem>>
      %dma_wait3A_2189 = arith.constant 0 : i32
      %dma_wait3A_2190 = arith.constant 0 : i32
      %dma_wait3A_2191 = tpu.memref_slice %arg5[%dma_wait3A_2189, %dma_wait3A_2190] : memref<1000000x64xf32, #tpu.memory_space<hbm>> -> memref<1000000x64xf32, #tpu.memory_space<hbm>>
      tpu.wait_indirect_dma semaphore(%arg18 : memref<!tpu.dma_semaphore, #tpu.memory_space<semaphore_mem>>) src(%dma_wait3A_2191 : memref<1000000x64xf32, #tpu.memory_space<hbm>>) dst(%dma_wait3A_2188 : memref<16x64xf32, #tpu.memory_space<vmem>>)
      %get3A_2192 = arith.index_cast %add3A_2141 : i32 to index
      %get3A_2193 = arith.constant 80 : index
      %get3A_2194 = tpu.vector_load %arg7[%get3A_2192, %get3A_2193] {strides = array<i32>} : memref<128x208xi32, #tpu.memory_space<vmem>>, vector<1x16xi32>,
      %get3A_2195 = vector.shape_cast %get3A_2194 : vector<1x16xi32> to vector<16xi32>
      %dma_wait3A_2196 = arith.constant 80 : i32
      %dma_wait3A_2197 = arith.constant 0 : i32
      %dma_wait3A_2198 = tpu.memref_slice %arg13[%dma_wait3A_2196, %dma_wait3A_2197] : memref<208x64xf32, #tpu.memory_space<vmem>> -> memref<16x64xf32, #tpu.memory_space<vmem>>
      %dma_wait3A_2199 = arith.constant 0 : i32
      %dma_wait3A_2200 = arith.constant 0 : i32
      %dma_wait3A_2201 = tpu.memref_slice %arg5[%dma_wait3A_2199, %dma_wait3A_2200] : memref<1000000x64xf32, #tpu.memory_space<hbm>> -> memref<1000000x64xf32, #tpu.memory_space<hbm>>
      tpu.wait_indirect_dma semaphore(%arg18 : memref<!tpu.dma_semaphore, #tpu.memory_space<semaphore_mem>>) src(%dma_wait3A_2201 : memref<1000000x64xf32, #tpu.memory_space<hbm>>) dst(%dma_wait3A_2198 : memref<16x64xf32, #tpu.memory_space<vmem>>)
      %get3A_2202 = arith.index_cast %add3A_2141 : i32 to index
      %get3A_2203 = arith.constant 96 : index
      %get3A_2204 = tpu.vector_load %arg7[%get3A_2202, %get3A_2203] {strides = array<i32>} : memref<128x208xi32, #tpu.memory_space<vmem>>, vector<1x16xi32>,
      %get3A_2205 = vector.shape_cast %get3A_2204 : vector<1x16xi32> to vector<16xi32>
      %dma_wait3A_2206 = arith.constant 96 : i32
      %dma_wait3A_2207 = arith.constant 0 : i32
      %dma_wait3A_2208 = tpu.memref_slice %arg13[%dma_wait3A_2206, %dma_wait3A_2207] : memref<208x64xf32, #tpu.memory_space<vmem>> -> memref<16x64xf32, #tpu.memory_space<vmem>>
      %dma_wait3A_2209 = arith.constant 0 : i32
      %dma_wait3A_2210 = arith.constant 0 : i32
      %dma_wait3A_2211 = tpu.memref_slice %arg5[%dma_wait3A_2209, %dma_wait3A_2210] : memref<1000000x64xf32, #tpu.memory_space<hbm>> -> memref<1000000x64xf32, #tpu.memory_space<hbm>>
      tpu.wait_indirect_dma semaphore(%arg18 : memref<!tpu.dma_semaphore, #tpu.memory_space<semaphore_mem>>) src(%dma_wait3A_2211 : memref<1000000x64xf32, #tpu.memory_space<hbm>>) dst(%dma_wait3A_2208 : memref<16x64xf32, #tpu.memory_space<vmem>>)
      %get3A_2212 = arith.index_cast %add3A_2141 : i32 to index
      %get3A_2213 = arith.constant 112 : index
      %get3A_2214 = tpu.vector_load %arg7[%get3A_2212, %get3A_2213] {strides = array<i32>} : memref<128x208xi32, #tpu.memory_space<vmem>>, vector<1x16xi32>,
      %get3A_2215 = vector.shape_cast %get3A_2214 : vector<1x16xi32> to vector<16xi32>
      %dma_wait3A_2216 = arith.constant 112 : i32
      %dma_wait3A_2217 = arith.constant 0 : i32
      %dma_wait3A_2218 = tpu.memref_slice %arg13[%dma_wait3A_2216, %dma_wait3A_2217] : memref<208x64xf32, #tpu.memory_space<vmem>> -> memref<16x64xf32, #tpu.memory_space<vmem>>
      %dma_wait3A_2219 = arith.constant 0 : i32
      %dma_wait3A_2220 = arith.constant 0 : i32
      %dma_wait3A_2221 = tpu.memref_slice %arg5[%dma_wait3A_2219, %dma_wait3A_2220] : memref<1000000x64xf32, #tpu.memory_space<hbm>> -> memref<1000000x64xf32, #tpu.memory_space<hbm>>
      tpu.wait_indirect_dma semaphore(%arg18 : memref<!tpu.dma_semaphore, #tpu.memory_space<semaphore_mem>>) src(%dma_wait3A_2221 : memref<1000000x64xf32, #tpu.memory_space<hbm>>) dst(%dma_wait3A_2218 : memref<16x64xf32, #tpu.memory_space<vmem>>)
      %get3A_2222 = arith.index_cast %add3A_2141 : i32 to index
      %get3A_2223 = arith.constant 128 : index
      %get3A_2224 = tpu.vector_load %arg7[%get3A_2222, %get3A_2223] {strides = array<i32>} : memref<128x208xi32, #tpu.memory_space<vmem>>, vector<1x16xi32>,
      %get3A_2225 = vector.shape_cast %get3A_2224 : vector<1x16xi32> to vector<16xi32>
      %dma_wait3A_2226 = arith.constant 128 : i32
      %dma_wait3A_2227 = arith.constant 0 : i32
      %dma_wait3A_2228 = tpu.memref_slice %arg13[%dma_wait3A_2226, %dma_wait3A_2227] : memref<208x64xf32, #tpu.memory_space<vmem>> -> memref<16x64xf32, #tpu.memory_space<vmem>>
      %dma_wait3A_2229 = arith.constant 0 : i32
      %dma_wait3A_2230 = arith.constant 0 : i32
      %dma_wait3A_2231 = tpu.memref_slice %arg5[%dma_wait3A_2229, %dma_wait3A_2230] : memref<1000000x64xf32, #tpu.memory_space<hbm>> -> memref<1000000x64xf32, #tpu.memory_space<hbm>>
      tpu.wait_indirect_dma semaphore(%arg18 : memref<!tpu.dma_semaphore, #tpu.memory_space<semaphore_mem>>) src(%dma_wait3A_2231 : memref<1000000x64xf32, #tpu.memory_space<hbm>>) dst(%dma_wait3A_2228 : memref<16x64xf32, #tpu.memory_space<vmem>>)
      %get3A_2232 = arith.index_cast %add3A_2141 : i32 to index
      %get3A_2233 = arith.constant 144 : index
      %get3A_2234 = tpu.vector_load %arg7[%get3A_2232, %get3A_2233] {strides = array<i32>} : memref<128x208xi32, #tpu.memory_space<vmem>>, vector<1x16xi32>,
      %get3A_2235 = vector.shape_cast %get3A_2234 : vector<1x16xi32> to vector<16xi32>
      %dma_wait3A_2236 = arith.constant 144 : i32
      %dma_wait3A_2237 = arith.constant 0 : i32
      %dma_wait3A_2238 = tpu.memref_slice %arg13[%dma_wait3A_2236, %dma_wait3A_2237] : memref<208x64xf32, #tpu.memory_space<vmem>> -> memref<16x64xf32, #tpu.memory_space<vmem>>
      %dma_wait3A_2239 = arith.constant 0 : i32
      %dma_wait3A_2240 = arith.constant 0 : i32
      %dma_wait3A_2241 = tpu.memref_slice %arg5[%dma_wait3A_2239, %dma_wait3A_2240] : memref<1000000x64xf32, #tpu.memory_space<hbm>> -> memref<1000000x64xf32, #tpu.memory_space<hbm>>
      tpu.wait_indirect_dma semaphore(%arg18 : memref<!tpu.dma_semaphore, #tpu.memory_space<semaphore_mem>>) src(%dma_wait3A_2241 : memref<1000000x64xf32, #tpu.memory_space<hbm>>) dst(%dma_wait3A_2238 : memref<16x64xf32, #tpu.memory_space<vmem>>)
      %get3A_2242 = arith.index_cast %add3A_2141 : i32 to index
      %get3A_2243 = arith.constant 160 : index
      %get3A_2244 = tpu.vector_load %arg7[%get3A_2242, %get3A_2243] {strides = array<i32>} : memref<128x208xi32, #tpu.memory_space<vmem>>, vector<1x16xi32>,
      %get3A_2245 = vector.shape_cast %get3A_2244 : vector<1x16xi32> to vector<16xi32>
      %dma_wait3A_2246 = arith.constant 160 : i32
      %dma_wait3A_2247 = arith.constant 0 : i32
      %dma_wait3A_2248 = tpu.memref_slice %arg13[%dma_wait3A_2246, %dma_wait3A_2247] : memref<208x64xf32, #tpu.memory_space<vmem>> -> memref<16x64xf32, #tpu.memory_space<vmem>>
      %dma_wait3A_2249 = arith.constant 0 : i32
      %dma_wait3A_2250 = arith.constant 0 : i32
      %dma_wait3A_2251 = tpu.memref_slice %arg5[%dma_wait3A_2249, %dma_wait3A_2250] : memref<1000000x64xf32, #tpu.memory_space<hbm>> -> memref<1000000x64xf32, #tpu.memory_space<hbm>>
      tpu.wait_indirect_dma semaphore(%arg18 : memref<!tpu.dma_semaphore, #tpu.memory_space<semaphore_mem>>) src(%dma_wait3A_2251 : memref<1000000x64xf32, #tpu.memory_space<hbm>>) dst(%dma_wait3A_2248 : memref<16x64xf32, #tpu.memory_space<vmem>>)
      %get3A_2252 = arith.index_cast %add3A_2141 : i32 to index
      %get3A_2253 = arith.constant 176 : index
      %get3A_2254 = tpu.vector_load %arg7[%get3A_2252, %get3A_2253] {strides = array<i32>} : memref<128x208xi32, #tpu.memory_space<vmem>>, vector<1x16xi32>,
      %get3A_2255 = vector.shape_cast %get3A_2254 : vector<1x16xi32> to vector<16xi32>
      %dma_wait3A_2256 = arith.constant 176 : i32
      %dma_wait3A_2257 = arith.constant 0 : i32
      %dma_wait3A_2258 = tpu.memref_slice %arg13[%dma_wait3A_2256, %dma_wait3A_2257] : memref<208x64xf32, #tpu.memory_space<vmem>> -> memref<16x64xf32, #tpu.memory_space<vmem>>
      %dma_wait3A_2259 = arith.constant 0 : i32
      %dma_wait3A_2260 = arith.constant 0 : i32
      %dma_wait3A_2261 = tpu.memref_slice %arg5[%dma_wait3A_2259, %dma_wait3A_2260] : memref<1000000x64xf32, #tpu.memory_space<hbm>> -> memref<1000000x64xf32, #tpu.memory_space<hbm>>
      tpu.wait_indirect_dma semaphore(%arg18 : memref<!tpu.dma_semaphore, #tpu.memory_space<semaphore_mem>>) src(%dma_wait3A_2261 : memref<1000000x64xf32, #tpu.memory_space<hbm>>) dst(%dma_wait3A_2258 : memref<16x64xf32, #tpu.memory_space<vmem>>)
      %get3A_2262 = arith.index_cast %add3A_2141 : i32 to index
      %get3A_2263 = arith.constant 192 : index
      %get3A_2264 = tpu.vector_load %arg7[%get3A_2262, %get3A_2263] {strides = array<i32>} : memref<128x208xi32, #tpu.memory_space<vmem>>, vector<1x16xi32>,
      %get3A_2265 = vector.shape_cast %get3A_2264 : vector<1x16xi32> to vector<16xi32>
      %dma_wait3A_2266 = arith.constant 192 : i32
      %dma_wait3A_2267 = arith.constant 0 : i32
      %dma_wait3A_2268 = tpu.memref_slice %arg13[%dma_wait3A_2266, %dma_wait3A_2267] : memref<208x64xf32, #tpu.memory_space<vmem>> -> memref<16x64xf32, #tpu.memory_space<vmem>>
      %dma_wait3A_2269 = arith.constant 0 : i32
      %dma_wait3A_2270 = arith.constant 0 : i32
      %dma_wait3A_2271 = tpu.memref_slice %arg5[%dma_wait3A_2269, %dma_wait3A_2270] : memref<1000000x64xf32, #tpu.memory_space<hbm>> -> memref<1000000x64xf32, #tpu.memory_space<hbm>>
      tpu.wait_indirect_dma semaphore(%arg18 : memref<!tpu.dma_semaphore, #tpu.memory_space<semaphore_mem>>) src(%dma_wait3A_2271 : memref<1000000x64xf32, #tpu.memory_space<hbm>>) dst(%dma_wait3A_2268 : memref<16x64xf32, #tpu.memory_space<vmem>>)
      %broadcast_in_dim3A_2272 = arith.constant 0.000000e+00 : f32
      %broadcast_in_dim3A_2273 = vector.broadcast %broadcast_in_dim3A_2272 : f32 to vector<16xf32>
      %broadcast_in_dim3A_2274 = arith.constant 0.000000e+00 : f32
      %broadcast_in_dim3A_2275 = vector.broadcast %broadcast_in_dim3A_2274 : f32 to vector<16xf32>
      %broadcast_in_dim3A_2276 = arith.constant 0.000000e+00 : f32
      %broadcast_in_dim3A_2277 = vector.broadcast %broadcast_in_dim3A_2276 : f32 to vector<16xf32>
      %broadcast_in_dim3A_2278 = arith.constant 0.000000e+00 : f32
      %broadcast_in_dim3A_2279 = vector.broadcast %broadcast_in_dim3A_2278 : f32 to vector<16xf32>
      %scan3A_2280 = arith.constant 0 : i32
      %scan3A_2281 = arith.constant 208 : i32
      %scan3A_2282 = arith.addi %scan3A_2280, %scan3A_2281 : i32
      %scan3A_2283 = arith.constant 1 : i32
      %scan3A_2284:4 = scf.for %scan3A_2490 = %scan3A_2280 to %scan3A_2282 step %scan3A_2283 iter_args(%scan3A_2491 = %broadcast_in_dim3A_2273, %scan3A_2492 = %broadcast_in_dim3A_2275, %scan3A_2493 = %broadcast_in_dim3A_2277, %scan3A_2494 = %broadcast_in_dim3A_2279) -> (vector<16xf32>, vector<16xf32>, vector<16xf32>, vector<16xf32>)  : i32 {
        %get3A_2495 = arith.index_cast %scan3A_2490 : i32 to index
        %get3A_2496 = arith.constant 0 : index
        %get3A_2497 = tpu.vector_load %arg13[%get3A_2495, %get3A_2496] {strides = array<i32>} : memref<208x64xf32, #tpu.memory_space<vmem>>, vector<1x16xf32>,
        %get3A_2498 = vector.shape_cast %get3A_2497 : vector<1x16xf32> to vector<16xf32>
        %get3A_2499 = arith.index_cast %scan3A_2490 : i32 to index
        %get3A_2500 = arith.constant 0 : index
        %get3A_2501 = tpu.vector_load %arg8[%get3A_2499, %get3A_2500] {strides = array<i32>} : memref<208x64xf32, #tpu.memory_space<vmem>>, vector<1x16xf32>,
        %get3A_2502 = vector.shape_cast %get3A_2501 : vector<1x16xf32> to vector<16xf32>
        %mul3A_2503 = arith.mulf %get3A_2498, %get3A_2502 : vector<16xf32>
        %add3A_2504 = arith.addf %scan3A_2491, %mul3A_2503 : vector<16xf32>
        %get3A_2505 = arith.index_cast %scan3A_2490 : i32 to index
        %get3A_2506 = arith.constant 16 : index
        %get3A_2507 = tpu.vector_load %arg13[%get3A_2505, %get3A_2506] {strides = array<i32>} : memref<208x64xf32, #tpu.memory_space<vmem>>, vector<1x16xf32>,
        %get3A_2508 = vector.shape_cast %get3A_2507 : vector<1x16xf32> to vector<16xf32>
        %get3A_2509 = arith.index_cast %scan3A_2490 : i32 to index
        %get3A_2510 = arith.constant 16 : index
        %get3A_2511 = tpu.vector_load %arg8[%get3A_2509, %get3A_2510] {strides = array<i32>} : memref<208x64xf32, #tpu.memory_space<vmem>>, vector<1x16xf32>,
        %get3A_2512 = vector.shape_cast %get3A_2511 : vector<1x16xf32> to vector<16xf32>
        %mul3A_2513 = arith.mulf %get3A_2508, %get3A_2512 : vector<16xf32>
        %add3A_2514 = arith.addf %scan3A_2492, %mul3A_2513 : vector<16xf32>
        %get3A_2515 = arith.index_cast %scan3A_2490 : i32 to index
        %get3A_2516 = arith.constant 32 : index
        %get3A_2517 = tpu.vector_load %arg13[%get3A_2515, %get3A_2516] {strides = array<i32>} : memref<208x64xf32, #tpu.memory_space<vmem>>, vector<1x16xf32>,
        %get3A_2518 = vector.shape_cast %get3A_2517 : vector<1x16xf32> to vector<16xf32>
        %get3A_2519 = arith.index_cast %scan3A_2490 : i32 to index
        %get3A_2520 = arith.constant 32 : index
        %get3A_2521 = tpu.vector_load %arg8[%get3A_2519, %get3A_2520] {strides = array<i32>} : memref<208x64xf32, #tpu.memory_space<vmem>>, vector<1x16xf32>,
        %get3A_2522 = vector.shape_cast %get3A_2521 : vector<1x16xf32> to vector<16xf32>
        %mul3A_2523 = arith.mulf %get3A_2518, %get3A_2522 : vector<16xf32>
        %add3A_2524 = arith.addf %scan3A_2493, %mul3A_2523 : vector<16xf32>
        %get3A_2525 = arith.index_cast %scan3A_2490 : i32 to index
        %get3A_2526 = arith.constant 48 : index
        %get3A_2527 = tpu.vector_load %arg13[%get3A_2525, %get3A_2526] {strides = array<i32>} : memref<208x64xf32, #tpu.memory_space<vmem>>, vector<1x16xf32>,
        %get3A_2528 = vector.shape_cast %get3A_2527 : vector<1x16xf32> to vector<16xf32>
        %get3A_2529 = arith.index_cast %scan3A_2490 : i32 to index
        %get3A_2530 = arith.constant 48 : index
        %get3A_2531 = tpu.vector_load %arg8[%get3A_2529, %get3A_2530] {strides = array<i32>} : memref<208x64xf32, #tpu.memory_space<vmem>>, vector<1x16xf32>,
        %get3A_2532 = vector.shape_cast %get3A_2531 : vector<1x16xf32> to vector<16xf32>
        %mul3A_2533 = arith.mulf %get3A_2528, %get3A_2532 : vector<16xf32>
        %add3A_2534 = arith.addf %scan3A_2494, %mul3A_2533 : vector<16xf32>
        scf.yield %add3A_2504, %add3A_2514, %add3A_2524, %add3A_2534 : vector<16xf32>, vector<16xf32>, vector<16xf32>, vector<16xf32>
      }
      %scan3A_2285 = arith.constant 208 : i32
      %add3A_2286 = arith.addf %scan3A_2284#0, %scan3A_2284#1 : vector<16xf32>
      %add3A_2287 = arith.addf %scan3A_2284#2, %scan3A_2284#3 : vector<16xf32>
      %add3A_2288 = arith.addf %add3A_2286, %add3A_2287 : vector<16xf32>
      %xor3A_2289 = arith.constant 1 : i32
      %xor3A_2290 = vector.broadcast %xor3A_2289 : i32 to vector<16xi32>
      %xor3A_2291 = arith.xori %iota3A, %xor3A_2290 : vector<16xi32>
      %broadcast_in_dim3A_2292 = vector.shape_cast %xor3A_2291 : vector<16xi32> to vector<16x1xi32>
      %gather3A_2293 = vector.shape_cast %broadcast_in_dim3A_2292 : vector<16x1xi32> to vector<16xi32>
      %gather3A_2294 = tpu.dynamic_gather %add3A_2288[%gather3A_2293] in [0] : vector<16xf32>, vector<16xi32> -> vector<16xf32>
      %add3A_2295 = arith.addf %add3A_2288, %gather3A_2294 : vector<16xf32>
      %xor3A_2296 = arith.constant 2 : i32
      %xor3A_2297 = vector.broadcast %xor3A_2296 : i32 to vector<16xi32>
      %xor3A_2298 = arith.xori %iota3A, %xor3A_2297 : vector<16xi32>
      %broadcast_in_dim3A_2299 = vector.shape_cast %xor3A_2298 : vector<16xi32> to vector<16x1xi32>
      %gather3A_2300 = vector.shape_cast %broadcast_in_dim3A_2299 : vector<16x1xi32> to vector<16xi32>
      %gather3A_2301 = tpu.dynamic_gather %add3A_2295[%gather3A_2300] in [0] : vector<16xf32>, vector<16xi32> -> vector<16xf32>
      %add3A_2302 = arith.addf %add3A_2295, %gather3A_2301 : vector<16xf32>
      %xor3A_2303 = arith.constant 4 : i32
      %xor3A_2304 = vector.broadcast %xor3A_2303 : i32 to vector<16xi32>
      %xor3A_2305 = arith.xori %iota3A, %xor3A_2304 : vector<16xi32>
      %broadcast_in_dim3A_2306 = vector.shape_cast %xor3A_2305 : vector<16xi32> to vector<16x1xi32>
      %gather3A_2307 = vector.shape_cast %broadcast_in_dim3A_2306 : vector<16x1xi32> to vector<16xi32>
      %gather3A_2308 = tpu.dynamic_gather %add3A_2302[%gather3A_2307] in [0] : vector<16xf32>, vector<16xi32> -> vector<16xf32>
      %add3A_2309 = arith.addf %add3A_2302, %gather3A_2308 : vector<16xf32>
      %xor3A_2310 = arith.constant 8 : i32
      %xor3A_2311 = vector.broadcast %xor3A_2310 : i32 to vector<16xi32>
      %xor3A_2312 = arith.xori %iota3A, %xor3A_2311 : vector<16xi32>
      %broadcast_in_dim3A_2313 = vector.shape_cast %xor3A_2312 : vector<16xi32> to vector<16x1xi32>
      %gather3A_2314 = vector.shape_cast %broadcast_in_dim3A_2313 : vector<16x1xi32> to vector<16xi32>
      %gather3A_2315 = tpu.dynamic_gather %add3A_2309[%gather3A_2314] in [0] : vector<16xf32>, vector<16xi32> -> vector<16xf32>
      %add3A_2316 = arith.addf %add3A_2309, %gather3A_2315 : vector<16xf32>
      %add3A_2317 = arith.addf %add3A_2316, %get3A_4 : vector<16xf32>
      %add3A_2318 = arith.constant 4 : i32
      %add3A_2319 = arith.addi %add3A_2141, %add3A_2318 : i32
      %min3A_2320 = arith.constant 127 : i32
      %min3A_2321 = arith.minsi %add3A_2319, %min3A_2320 : i32
      %get3A_2322 = arith.index_cast %min3A_2321 : i32 to index
      %get3A_2323 = arith.constant 0 : index
      %get3A_2324 = tpu.vector_load %arg7[%get3A_2322, %get3A_2323] {strides = array<i32>} : memref<128x208xi32, #tpu.memory_space<vmem>>, vector<1x16xi32>,
      %get3A_2325 = vector.shape_cast %get3A_2324 : vector<1x16xi32> to vector<16xi32>
      %dma_start3A_2326 = arith.constant 0 : i32
      %dma_start3A_2327 = arith.constant 0 : i32
      %dma_start3A_2328 = tpu.memref_slice %arg13[%dma_start3A_2326, %dma_start3A_2327] : memref<208x64xf32, #tpu.memory_space<vmem>> -> memref<16x64xf32, #tpu.memory_space<vmem>>
      %dma_start3A_2329 = arith.constant 0 : i32
      %dma_start3A_2330 = arith.constant 0 : i32
      %dma_start3A_2331 = tpu.memref_slice %arg5[%dma_start3A_2329, %dma_start3A_2330] : memref<1000000x64xf32, #tpu.memory_space<hbm>> -> memref<1000000x64xf32, #tpu.memory_space<hbm>>
      tpu.enqueue_indirect_dma source(%dma_start3A_2331 : memref<1000000x64xf32, #tpu.memory_space<hbm>>) target(%dma_start3A_2328 : memref<16x64xf32, #tpu.memory_space<vmem>>) offsets(%get3A_2325 : vector<16xi32>) semaphore(%arg18 : memref<!tpu.dma_semaphore, #tpu.memory_space<semaphore_mem>>)
      %get3A_2332 = arith.index_cast %min3A_2321 : i32 to index
      %get3A_2333 = arith.constant 16 : index
      %get3A_2334 = tpu.vector_load %arg7[%get3A_2332, %get3A_2333] {strides = array<i32>} : memref<128x208xi32, #tpu.memory_space<vmem>>, vector<1x16xi32>,
      %get3A_2335 = vector.shape_cast %get3A_2334 : vector<1x16xi32> to vector<16xi32>
      %dma_start3A_2336 = arith.constant 16 : i32
      %dma_start3A_2337 = arith.constant 0 : i32
      %dma_start3A_2338 = tpu.memref_slice %arg13[%dma_start3A_2336, %dma_start3A_2337] : memref<208x64xf32, #tpu.memory_space<vmem>> -> memref<16x64xf32, #tpu.memory_space<vmem>>
      %dma_start3A_2339 = arith.constant 0 : i32
      %dma_start3A_2340 = arith.constant 0 : i32
      %dma_start3A_2341 = tpu.memref_slice %arg5[%dma_start3A_2339, %dma_start3A_2340] : memref<1000000x64xf32, #tpu.memory_space<hbm>> -> memref<1000000x64xf32, #tpu.memory_space<hbm>>
      tpu.enqueue_indirect_dma source(%dma_start3A_2341 : memref<1000000x64xf32, #tpu.memory_space<hbm>>) target(%dma_start3A_2338 : memref<16x64xf32, #tpu.memory_space<vmem>>) offsets(%get3A_2335 : vector<16xi32>) semaphore(%arg18 : memref<!tpu.dma_semaphore, #tpu.memory_space<semaphore_mem>>)
      %get3A_2342 = arith.index_cast %min3A_2321 : i32 to index
      %get3A_2343 = arith.constant 32 : index
      %get3A_2344 = tpu.vector_load %arg7[%get3A_2342, %get3A_2343] {strides = array<i32>} : memref<128x208xi32, #tpu.memory_space<vmem>>, vector<1x16xi32>,
      %get3A_2345 = vector.shape_cast %get3A_2344 : vector<1x16xi32> to vector<16xi32>
      %dma_start3A_2346 = arith.constant 32 : i32
      %dma_start3A_2347 = arith.constant 0 : i32
      %dma_start3A_2348 = tpu.memref_slice %arg13[%dma_start3A_2346, %dma_start3A_2347] : memref<208x64xf32, #tpu.memory_space<vmem>> -> memref<16x64xf32, #tpu.memory_space<vmem>>
      %dma_start3A_2349 = arith.constant 0 : i32
      %dma_start3A_2350 = arith.constant 0 : i32
      %dma_start3A_2351 = tpu.memref_slice %arg5[%dma_start3A_2349, %dma_start3A_2350] : memref<1000000x64xf32, #tpu.memory_space<hbm>> -> memref<1000000x64xf32, #tpu.memory_space<hbm>>
      tpu.enqueue_indirect_dma source(%dma_start3A_2351 : memref<1000000x64xf32, #tpu.memory_space<hbm>>) target(%dma_start3A_2348 : memref<16x64xf32, #tpu.memory_space<vmem>>) offsets(%get3A_2345 : vector<16xi32>) semaphore(%arg18 : memref<!tpu.dma_semaphore, #tpu.memory_space<semaphore_mem>>)
      %get3A_2352 = arith.index_cast %min3A_2321 : i32 to index
      %get3A_2353 = arith.constant 48 : index
      %get3A_2354 = tpu.vector_load %arg7[%get3A_2352, %get3A_2353] {strides = array<i32>} : memref<128x208xi32, #tpu.memory_space<vmem>>, vector<1x16xi32>,
      %get3A_2355 = vector.shape_cast %get3A_2354 : vector<1x16xi32> to vector<16xi32>
      %dma_start3A_2356 = arith.constant 48 : i32
      %dma_start3A_2357 = arith.constant 0 : i32
      %dma_start3A_2358 = tpu.memref_slice %arg13[%dma_start3A_2356, %dma_start3A_2357] : memref<208x64xf32, #tpu.memory_space<vmem>> -> memref<16x64xf32, #tpu.memory_space<vmem>>
      %dma_start3A_2359 = arith.constant 0 : i32
      %dma_start3A_2360 = arith.constant 0 : i32
      %dma_start3A_2361 = tpu.memref_slice %arg5[%dma_start3A_2359, %dma_start3A_2360] : memref<1000000x64xf32, #tpu.memory_space<hbm>> -> memref<1000000x64xf32, #tpu.memory_space<hbm>>
      tpu.enqueue_indirect_dma source(%dma_start3A_2361 : memref<1000000x64xf32, #tpu.memory_space<hbm>>) target(%dma_start3A_2358 : memref<16x64xf32, #tpu.memory_space<vmem>>) offsets(%get3A_2355 : vector<16xi32>) semaphore(%arg18 : memref<!tpu.dma_semaphore, #tpu.memory_space<semaphore_mem>>)
      %get3A_2362 = arith.index_cast %min3A_2321 : i32 to index
      %get3A_2363 = arith.constant 64 : index
      %get3A_2364 = tpu.vector_load %arg7[%get3A_2362, %get3A_2363] {strides = array<i32>} : memref<128x208xi32, #tpu.memory_space<vmem>>, vector<1x16xi32>,
      %get3A_2365 = vector.shape_cast %get3A_2364 : vector<1x16xi32> to vector<16xi32>
      %dma_start3A_2366 = arith.constant 64 : i32
      %dma_start3A_2367 = arith.constant 0 : i32
      %dma_start3A_2368 = tpu.memref_slice %arg13[%dma_start3A_2366, %dma_start3A_2367] : memref<208x64xf32, #tpu.memory_space<vmem>> -> memref<16x64xf32, #tpu.memory_space<vmem>>
      %dma_start3A_2369 = arith.constant 0 : i32
      %dma_start3A_2370 = arith.constant 0 : i32
      %dma_start3A_2371 = tpu.memref_slice %arg5[%dma_start3A_2369, %dma_start3A_2370] : memref<1000000x64xf32, #tpu.memory_space<hbm>> -> memref<1000000x64xf32, #tpu.memory_space<hbm>>
      tpu.enqueue_indirect_dma source(%dma_start3A_2371 : memref<1000000x64xf32, #tpu.memory_space<hbm>>) target(%dma_start3A_2368 : memref<16x64xf32, #tpu.memory_space<vmem>>) offsets(%get3A_2365 : vector<16xi32>) semaphore(%arg18 : memref<!tpu.dma_semaphore, #tpu.memory_space<semaphore_mem>>)
      %get3A_2372 = arith.index_cast %min3A_2321 : i32 to index
      %get3A_2373 = arith.constant 80 : index
      %get3A_2374 = tpu.vector_load %arg7[%get3A_2372, %get3A_2373] {strides = array<i32>} : memref<128x208xi32, #tpu.memory_space<vmem>>, vector<1x16xi32>,
      %get3A_2375 = vector.shape_cast %get3A_2374 : vector<1x16xi32> to vector<16xi32>
      %dma_start3A_2376 = arith.constant 80 : i32
      %dma_start3A_2377 = arith.constant 0 : i32
      %dma_start3A_2378 = tpu.memref_slice %arg13[%dma_start3A_2376, %dma_start3A_2377] : memref<208x64xf32, #tpu.memory_space<vmem>> -> memref<16x64xf32, #tpu.memory_space<vmem>>
      %dma_start3A_2379 = arith.constant 0 : i32
      %dma_start3A_2380 = arith.constant 0 : i32
      %dma_start3A_2381 = tpu.memref_slice %arg5[%dma_start3A_2379, %dma_start3A_2380] : memref<1000000x64xf32, #tpu.memory_space<hbm>> -> memref<1000000x64xf32, #tpu.memory_space<hbm>>
      tpu.enqueue_indirect_dma source(%dma_start3A_2381 : memref<1000000x64xf32, #tpu.memory_space<hbm>>) target(%dma_start3A_2378 : memref<16x64xf32, #tpu.memory_space<vmem>>) offsets(%get3A_2375 : vector<16xi32>) semaphore(%arg18 : memref<!tpu.dma_semaphore, #tpu.memory_space<semaphore_mem>>)
      %get3A_2382 = arith.index_cast %min3A_2321 : i32 to index
      %get3A_2383 = arith.constant 96 : index
      %get3A_2384 = tpu.vector_load %arg7[%get3A_2382, %get3A_2383] {strides = array<i32>} : memref<128x208xi32, #tpu.memory_space<vmem>>, vector<1x16xi32>,
      %get3A_2385 = vector.shape_cast %get3A_2384 : vector<1x16xi32> to vector<16xi32>
      %dma_start3A_2386 = arith.constant 96 : i32
      %dma_start3A_2387 = arith.constant 0 : i32
      %dma_start3A_2388 = tpu.memref_slice %arg13[%dma_start3A_2386, %dma_start3A_2387] : memref<208x64xf32, #tpu.memory_space<vmem>> -> memref<16x64xf32, #tpu.memory_space<vmem>>
      %dma_start3A_2389 = arith.constant 0 : i32
      %dma_start3A_2390 = arith.constant 0 : i32
      %dma_start3A_2391 = tpu.memref_slice %arg5[%dma_start3A_2389, %dma_start3A_2390] : memref<1000000x64xf32, #tpu.memory_space<hbm>> -> memref<1000000x64xf32, #tpu.memory_space<hbm>>
      tpu.enqueue_indirect_dma source(%dma_start3A_2391 : memref<1000000x64xf32, #tpu.memory_space<hbm>>) target(%dma_start3A_2388 : memref<16x64xf32, #tpu.memory_space<vmem>>) offsets(%get3A_2385 : vector<16xi32>) semaphore(%arg18 : memref<!tpu.dma_semaphore, #tpu.memory_space<semaphore_mem>>)
      %get3A_2392 = arith.index_cast %min3A_2321 : i32 to index
      %get3A_2393 = arith.constant 112 : index
      %get3A_2394 = tpu.vector_load %arg7[%get3A_2392, %get3A_2393] {strides = array<i32>} : memref<128x208xi32, #tpu.memory_space<vmem>>, vector<1x16xi32>,
      %get3A_2395 = vector.shape_cast %get3A_2394 : vector<1x16xi32> to vector<16xi32>
      %dma_start3A_2396 = arith.constant 112 : i32
      %dma_start3A_2397 = arith.constant 0 : i32
      %dma_start3A_2398 = tpu.memref_slice %arg13[%dma_start3A_2396, %dma_start3A_2397] : memref<208x64xf32, #tpu.memory_space<vmem>> -> memref<16x64xf32, #tpu.memory_space<vmem>>
      %dma_start3A_2399 = arith.constant 0 : i32
      %dma_start3A_2400 = arith.constant 0 : i32
      %dma_start3A_2401 = tpu.memref_slice %arg5[%dma_start3A_2399, %dma_start3A_2400] : memref<1000000x64xf32, #tpu.memory_space<hbm>> -> memref<1000000x64xf32, #tpu.memory_space<hbm>>
      tpu.enqueue_indirect_dma source(%dma_start3A_2401 : memref<1000000x64xf32, #tpu.memory_space<hbm>>) target(%dma_start3A_2398 : memref<16x64xf32, #tpu.memory_space<vmem>>) offsets(%get3A_2395 : vector<16xi32>) semaphore(%arg18 : memref<!tpu.dma_semaphore, #tpu.memory_space<semaphore_mem>>)
      %get3A_2402 = arith.index_cast %min3A_2321 : i32 to index
      %get3A_2403 = arith.constant 128 : index
      %get3A_2404 = tpu.vector_load %arg7[%get3A_2402, %get3A_2403] {strides = array<i32>} : memref<128x208xi32, #tpu.memory_space<vmem>>, vector<1x16xi32>,
      %get3A_2405 = vector.shape_cast %get3A_2404 : vector<1x16xi32> to vector<16xi32>
      %dma_start3A_2406 = arith.constant 128 : i32
      %dma_start3A_2407 = arith.constant 0 : i32
      %dma_start3A_2408 = tpu.memref_slice %arg13[%dma_start3A_2406, %dma_start3A_2407] : memref<208x64xf32, #tpu.memory_space<vmem>> -> memref<16x64xf32, #tpu.memory_space<vmem>>
      %dma_start3A_2409 = arith.constant 0 : i32
      %dma_start3A_2410 = arith.constant 0 : i32
      %dma_start3A_2411 = tpu.memref_slice %arg5[%dma_start3A_2409, %dma_start3A_2410] : memref<1000000x64xf32, #tpu.memory_space<hbm>> -> memref<1000000x64xf32, #tpu.memory_space<hbm>>
      tpu.enqueue_indirect_dma source(%dma_start3A_2411 : memref<1000000x64xf32, #tpu.memory_space<hbm>>) target(%dma_start3A_2408 : memref<16x64xf32, #tpu.memory_space<vmem>>) offsets(%get3A_2405 : vector<16xi32>) semaphore(%arg18 : memref<!tpu.dma_semaphore, #tpu.memory_space<semaphore_mem>>)
      %get3A_2412 = arith.index_cast %min3A_2321 : i32 to index
      %get3A_2413 = arith.constant 144 : index
      %get3A_2414 = tpu.vector_load %arg7[%get3A_2412, %get3A_2413] {strides = array<i32>} : memref<128x208xi32, #tpu.memory_space<vmem>>, vector<1x16xi32>,
      %get3A_2415 = vector.shape_cast %get3A_2414 : vector<1x16xi32> to vector<16xi32>
      %dma_start3A_2416 = arith.constant 144 : i32
      %dma_start3A_2417 = arith.constant 0 : i32
      %dma_start3A_2418 = tpu.memref_slice %arg13[%dma_start3A_2416, %dma_start3A_2417] : memref<208x64xf32, #tpu.memory_space<vmem>> -> memref<16x64xf32, #tpu.memory_space<vmem>>
      %dma_start3A_2419 = arith.constant 0 : i32
      %dma_start3A_2420 = arith.constant 0 : i32
      %dma_start3A_2421 = tpu.memref_slice %arg5[%dma_start3A_2419, %dma_start3A_2420] : memref<1000000x64xf32, #tpu.memory_space<hbm>> -> memref<1000000x64xf32, #tpu.memory_space<hbm>>
      tpu.enqueue_indirect_dma source(%dma_start3A_2421 : memref<1000000x64xf32, #tpu.memory_space<hbm>>) target(%dma_start3A_2418 : memref<16x64xf32, #tpu.memory_space<vmem>>) offsets(%get3A_2415 : vector<16xi32>) semaphore(%arg18 : memref<!tpu.dma_semaphore, #tpu.memory_space<semaphore_mem>>)
      %get3A_2422 = arith.index_cast %min3A_2321 : i32 to index
      %get3A_2423 = arith.constant 160 : index
      %get3A_2424 = tpu.vector_load %arg7[%get3A_2422, %get3A_2423] {strides = array<i32>} : memref<128x208xi32, #tpu.memory_space<vmem>>, vector<1x16xi32>,
      %get3A_2425 = vector.shape_cast %get3A_2424 : vector<1x16xi32> to vector<16xi32>
      %dma_start3A_2426 = arith.constant 160 : i32
      %dma_start3A_2427 = arith.constant 0 : i32
      %dma_start3A_2428 = tpu.memref_slice %arg13[%dma_start3A_2426, %dma_start3A_2427] : memref<208x64xf32, #tpu.memory_space<vmem>> -> memref<16x64xf32, #tpu.memory_space<vmem>>
      %dma_start3A_2429 = arith.constant 0 : i32
      %dma_start3A_2430 = arith.constant 0 : i32
      %dma_start3A_2431 = tpu.memref_slice %arg5[%dma_start3A_2429, %dma_start3A_2430] : memref<1000000x64xf32, #tpu.memory_space<hbm>> -> memref<1000000x64xf32, #tpu.memory_space<hbm>>
      tpu.enqueue_indirect_dma source(%dma_start3A_2431 : memref<1000000x64xf32, #tpu.memory_space<hbm>>) target(%dma_start3A_2428 : memref<16x64xf32, #tpu.memory_space<vmem>>) offsets(%get3A_2425 : vector<16xi32>) semaphore(%arg18 : memref<!tpu.dma_semaphore, #tpu.memory_space<semaphore_mem>>)
      %get3A_2432 = arith.index_cast %min3A_2321 : i32 to index
      %get3A_2433 = arith.constant 176 : index
      %get3A_2434 = tpu.vector_load %arg7[%get3A_2432, %get3A_2433] {strides = array<i32>} : memref<128x208xi32, #tpu.memory_space<vmem>>, vector<1x16xi32>,
      %get3A_2435 = vector.shape_cast %get3A_2434 : vector<1x16xi32> to vector<16xi32>
      %dma_start3A_2436 = arith.constant 176 : i32
      %dma_start3A_2437 = arith.constant 0 : i32
      %dma_start3A_2438 = tpu.memref_slice %arg13[%dma_start3A_2436, %dma_start3A_2437] : memref<208x64xf32, #tpu.memory_space<vmem>> -> memref<16x64xf32, #tpu.memory_space<vmem>>
      %dma_start3A_2439 = arith.constant 0 : i32
      %dma_start3A_2440 = arith.constant 0 : i32
      %dma_start3A_2441 = tpu.memref_slice %arg5[%dma_start3A_2439, %dma_start3A_2440] : memref<1000000x64xf32, #tpu.memory_space<hbm>> -> memref<1000000x64xf32, #tpu.memory_space<hbm>>
      tpu.enqueue_indirect_dma source(%dma_start3A_2441 : memref<1000000x64xf32, #tpu.memory_space<hbm>>) target(%dma_start3A_2438 : memref<16x64xf32, #tpu.memory_space<vmem>>) offsets(%get3A_2435 : vector<16xi32>) semaphore(%arg18 : memref<!tpu.dma_semaphore, #tpu.memory_space<semaphore_mem>>)
      %get3A_2442 = arith.index_cast %min3A_2321 : i32 to index
      %get3A_2443 = arith.constant 192 : index
      %get3A_2444 = tpu.vector_load %arg7[%get3A_2442, %get3A_2443] {strides = array<i32>} : memref<128x208xi32, #tpu.memory_space<vmem>>, vector<1x16xi32>,
      %get3A_2445 = vector.shape_cast %get3A_2444 : vector<1x16xi32> to vector<16xi32>
      %dma_start3A_2446 = arith.constant 192 : i32
      %dma_start3A_2447 = arith.constant 0 : i32
      %dma_start3A_2448 = tpu.memref_slice %arg13[%dma_start3A_2446, %dma_start3A_2447] : memref<208x64xf32, #tpu.memory_space<vmem>> -> memref<16x64xf32, #tpu.memory_space<vmem>>
      %dma_start3A_2449 = arith.constant 0 : i32
      %dma_start3A_2450 = arith.constant 0 : i32
      %dma_start3A_2451 = tpu.memref_slice %arg5[%dma_start3A_2449, %dma_start3A_2450] : memref<1000000x64xf32, #tpu.memory_space<hbm>> -> memref<1000000x64xf32, #tpu.memory_space<hbm>>
      tpu.enqueue_indirect_dma source(%dma_start3A_2451 : memref<1000000x64xf32, #tpu.memory_space<hbm>>) target(%dma_start3A_2448 : memref<16x64xf32, #tpu.memory_space<vmem>>) offsets(%get3A_2445 : vector<16xi32>) semaphore(%arg18 : memref<!tpu.dma_semaphore, #tpu.memory_space<semaphore_mem>>)
      %jit3A_2452 = arith.constant 16 : i32
      %eq3A_2453 = arith.constant 0 : i32
      %eq3A_2454 = arith.cmpi eq, %jit3A_2452, %eq3A_2453 : i32
      %jit3A_2455 = arith.constant 1 : i32
      %select_n3A_2456 = arith.select %eq3A_2454, %jit3A_2455, %jit3A_2452 : i32
      %rem3A_2457 = arith.remsi %add3A_2141, %select_n3A_2456 : i32
      %ne3A_2458 = arith.constant 0 : i32
      %ne3A_2459 = arith.cmpi ne, %rem3A_2457, %ne3A_2458 : i32
      %lt3A_2460 = arith.constant 0 : i32
      %lt3A_2461 = arith.cmpi slt, %rem3A_2457, %lt3A_2460 : i32
      %lt3A_2462 = arith.constant 0 : i32
      %lt3A_2463 = arith.cmpi slt, %select_n3A_2456, %lt3A_2462 : i32
      %ne3A_2464 = arith.xori %lt3A_2461, %lt3A_2463 : i1
      %and3A_2465 = arith.andi %ne3A_2464, %ne3A_2459 : i1
      %add3A_2466 = arith.addi %rem3A_2457, %select_n3A_2456 : i32
      %select_n3A_2467 = arith.select %and3A_2465, %add3A_2466, %rem3A_2457 : i32
      %eq3A_2468 = vector.broadcast %select_n3A_2467 : i32 to vector<16xi32>
      %eq3A_2469 = arith.cmpi eq, %iota3A, %eq3A_2468 : vector<16xi32>
      %select_n3A_2470 = arith.select %eq3A_2469, %add3A_2317, %select_n3A_2139 : vector<16xi1>, vector<16xf32>
      %jit3A_2471 = arith.constant 4 : i32
      %eq3A_2472 = arith.constant 0 : i32
      %eq3A_2473 = arith.cmpi eq, %jit3A_2471, %eq3A_2472 : i32
      %jit3A_2474 = arith.constant 1 : i32
      %select_n3A_2475 = arith.select %eq3A_2473, %jit3A_2474, %jit3A_2471 : i32
      %rem3A_2476 = arith.remsi %scan3A_1153, %select_n3A_2475 : i32
      %ne3A_2477 = arith.constant 0 : i32
      %ne3A_2478 = arith.cmpi ne, %rem3A_2476, %ne3A_2477 : i32
      %lt3A_2479 = arith.constant 0 : i32
      %lt3A_2480 = arith.cmpi slt, %rem3A_2476, %lt3A_2479 : i32
      %lt3A_2481 = arith.constant 0 : i32
      %lt3A_2482 = arith.cmpi slt, %select_n3A_2475, %lt3A_2481 : i32
      %ne3A_2483 = arith.xori %lt3A_2480, %lt3A_2482 : i1
      %and3A_2484 = arith.andi %ne3A_2483, %ne3A_2478 : i1
      %add3A_2485 = arith.addi %rem3A_2476, %select_n3A_2475 : i32
      %select_n3A_2486 = arith.select %and3A_2484, %add3A_2485, %rem3A_2476 : i32
      %eq3A_2487 = arith.constant 3 : i32
      %eq3A_2488 = arith.cmpi eq, %select_n3A_2486, %eq3A_2487 : i32
      %convert_element_type3A = arith.extui %eq3A_2488 : i1 to i32
      %cond3A = arith.constant 0 : i32
      %cond3A_2489 = arith.cmpi ne, %convert_element_type3A, %cond3A : i32
      scf.if %cond3A_2489 {
        %add3A_2490 = arith.constant 4 : i32
        %add3A_2491 = arith.addi %mul3A_1156, %add3A_2490 : i32
        %sub3A = arith.constant 16 : i32
        %sub3A_2492 = arith.subi %add3A_2491, %sub3A : i32
        %swap3A = arith.index_cast %sub3A_2492 : i32 to index
        %swap3A_2493 = tpu.vector_load %arg14[%swap3A] {strides = array<i32>} : memref<128xf32, #tpu.memory_space<vmem>>, vector<16xf32>,
        %swap3A_2494 = vector.shape_cast %swap3A_2493 : vector<16xf32> to vector<16xf32>
        %swap3A_2495 = vector.shape_cast %select_n3A_2470 : vector<16xf32> to vector<16xf32>
        tpu.vector_store %arg14[%swap3A], %swap3A_2495 {strides = array<i32>} : memref<128xf32, #tpu.memory_space<vmem>>, vector<16xf32>,
      } else {
      }
      scf.yield %select_n3A_2470 : vector<16xf32>
    }
    %scan3A_581 = arith.constant 32 : i32
    %get3A_582 = arith.constant 127 : i32
    %get3A_583 = arith.index_cast %get3A_582 : i32 to index
    %get3A_584 = arith.constant 0 : index
    %get3A_585 = tpu.vector_load %arg7[%get3A_583, %get3A_584] {strides = array<i32>} : memref<128x208xi32, #tpu.memory_space<vmem>>, vector<1x16xi32>,
    %get3A_586 = vector.shape_cast %get3A_585 : vector<1x16xi32> to vector<16xi32>
    %dma_wait3A = arith.constant 0 : i32
    %dma_wait3A_587 = arith.constant 0 : i32
    %dma_wait3A_588 = tpu.memref_slice %arg10[%dma_wait3A, %dma_wait3A_587] : memref<208x64xf32, #tpu.memory_space<vmem>> -> memref<16x64xf32, #tpu.memory_space<vmem>>
    %dma_wait3A_589 = arith.constant 0 : i32
    %dma_wait3A_590 = arith.constant 0 : i32
    %dma_wait3A_591 = tpu.memref_slice %arg5[%dma_wait3A_589, %dma_wait3A_590] : memref<1000000x64xf32, #tpu.memory_space<hbm>> -> memref<1000000x64xf32, #tpu.memory_space<hbm>>
    tpu.wait_indirect_dma semaphore(%arg15 : memref<!tpu.dma_semaphore, #tpu.memory_space<semaphore_mem>>) src(%dma_wait3A_591 : memref<1000000x64xf32, #tpu.memory_space<hbm>>) dst(%dma_wait3A_588 : memref<16x64xf32, #tpu.memory_space<vmem>>)
    %get3A_592 = arith.constant 127 : i32
    %get3A_593 = arith.index_cast %get3A_592 : i32 to index
    %get3A_594 = arith.constant 16 : index
    %get3A_595 = tpu.vector_load %arg7[%get3A_593, %get3A_594] {strides = array<i32>} : memref<128x208xi32, #tpu.memory_space<vmem>>, vector<1x16xi32>,
    %get3A_596 = vector.shape_cast %get3A_595 : vector<1x16xi32> to vector<16xi32>
    %dma_wait3A_597 = arith.constant 16 : i32
    %dma_wait3A_598 = arith.constant 0 : i32
    %dma_wait3A_599 = tpu.memref_slice %arg10[%dma_wait3A_597, %dma_wait3A_598] : memref<208x64xf32, #tpu.memory_space<vmem>> -> memref<16x64xf32, #tpu.memory_space<vmem>>
    %dma_wait3A_600 = arith.constant 0 : i32
    %dma_wait3A_601 = arith.constant 0 : i32
    %dma_wait3A_602 = tpu.memref_slice %arg5[%dma_wait3A_600, %dma_wait3A_601] : memref<1000000x64xf32, #tpu.memory_space<hbm>> -> memref<1000000x64xf32, #tpu.memory_space<hbm>>
    tpu.wait_indirect_dma semaphore(%arg15 : memref<!tpu.dma_semaphore, #tpu.memory_space<semaphore_mem>>) src(%dma_wait3A_602 : memref<1000000x64xf32, #tpu.memory_space<hbm>>) dst(%dma_wait3A_599 : memref<16x64xf32, #tpu.memory_space<vmem>>)
    %get3A_603 = arith.constant 127 : i32
    %get3A_604 = arith.index_cast %get3A_603 : i32 to index
    %get3A_605 = arith.constant 32 : index
    %get3A_606 = tpu.vector_load %arg7[%get3A_604, %get3A_605] {strides = array<i32>} : memref<128x208xi32, #tpu.memory_space<vmem>>, vector<1x16xi32>,
    %get3A_607 = vector.shape_cast %get3A_606 : vector<1x16xi32> to vector<16xi32>
    %dma_wait3A_608 = arith.constant 32 : i32
    %dma_wait3A_609 = arith.constant 0 : i32
    %dma_wait3A_610 = tpu.memref_slice %arg10[%dma_wait3A_608, %dma_wait3A_609] : memref<208x64xf32, #tpu.memory_space<vmem>> -> memref<16x64xf32, #tpu.memory_space<vmem>>
    %dma_wait3A_611 = arith.constant 0 : i32
    %dma_wait3A_612 = arith.constant 0 : i32
    %dma_wait3A_613 = tpu.memref_slice %arg5[%dma_wait3A_611, %dma_wait3A_612] : memref<1000000x64xf32, #tpu.memory_space<hbm>> -> memref<1000000x64xf32, #tpu.memory_space<hbm>>
    tpu.wait_indirect_dma semaphore(%arg15 : memref<!tpu.dma_semaphore, #tpu.memory_space<semaphore_mem>>) src(%dma_wait3A_613 : memref<1000000x64xf32, #tpu.memory_space<hbm>>) dst(%dma_wait3A_610 : memref<16x64xf32, #tpu.memory_space<vmem>>)
    %get3A_614 = arith.constant 127 : i32
    %get3A_615 = arith.index_cast %get3A_614 : i32 to index
    %get3A_616 = arith.constant 48 : index
    %get3A_617 = tpu.vector_load %arg7[%get3A_615, %get3A_616] {strides = array<i32>} : memref<128x208xi32, #tpu.memory_space<vmem>>, vector<1x16xi32>,
    %get3A_618 = vector.shape_cast %get3A_617 : vector<1x16xi32> to vector<16xi32>
    %dma_wait3A_619 = arith.constant 48 : i32
    %dma_wait3A_620 = arith.constant 0 : i32
    %dma_wait3A_621 = tpu.memref_slice %arg10[%dma_wait3A_619, %dma_wait3A_620] : memref<208x64xf32, #tpu.memory_space<vmem>> -> memref<16x64xf32, #tpu.memory_space<vmem>>
    %dma_wait3A_622 = arith.constant 0 : i32
    %dma_wait3A_623 = arith.constant 0 : i32
    %dma_wait3A_624 = tpu.memref_slice %arg5[%dma_wait3A_622, %dma_wait3A_623] : memref<1000000x64xf32, #tpu.memory_space<hbm>> -> memref<1000000x64xf32, #tpu.memory_space<hbm>>
    tpu.wait_indirect_dma semaphore(%arg15 : memref<!tpu.dma_semaphore, #tpu.memory_space<semaphore_mem>>) src(%dma_wait3A_624 : memref<1000000x64xf32, #tpu.memory_space<hbm>>) dst(%dma_wait3A_621 : memref<16x64xf32, #tpu.memory_space<vmem>>)
    %get3A_625 = arith.constant 127 : i32
    %get3A_626 = arith.index_cast %get3A_625 : i32 to index
    %get3A_627 = arith.constant 64 : index
    %get3A_628 = tpu.vector_load %arg7[%get3A_626, %get3A_627] {strides = array<i32>} : memref<128x208xi32, #tpu.memory_space<vmem>>, vector<1x16xi32>,
    %get3A_629 = vector.shape_cast %get3A_628 : vector<1x16xi32> to vector<16xi32>
    %dma_wait3A_630 = arith.constant 64 : i32
    %dma_wait3A_631 = arith.constant 0 : i32
    %dma_wait3A_632 = tpu.memref_slice %arg10[%dma_wait3A_630, %dma_wait3A_631] : memref<208x64xf32, #tpu.memory_space<vmem>> -> memref<16x64xf32, #tpu.memory_space<vmem>>
    %dma_wait3A_633 = arith.constant 0 : i32
    %dma_wait3A_634 = arith.constant 0 : i32
    %dma_wait3A_635 = tpu.memref_slice %arg5[%dma_wait3A_633, %dma_wait3A_634] : memref<1000000x64xf32, #tpu.memory_space<hbm>> -> memref<1000000x64xf32, #tpu.memory_space<hbm>>
    tpu.wait_indirect_dma semaphore(%arg15 : memref<!tpu.dma_semaphore, #tpu.memory_space<semaphore_mem>>) src(%dma_wait3A_635 : memref<1000000x64xf32, #tpu.memory_space<hbm>>) dst(%dma_wait3A_632 : memref<16x64xf32, #tpu.memory_space<vmem>>)
    %get3A_636 = arith.constant 127 : i32
    %get3A_637 = arith.index_cast %get3A_636 : i32 to index
    %get3A_638 = arith.constant 80 : index
    %get3A_639 = tpu.vector_load %arg7[%get3A_637, %get3A_638] {strides = array<i32>} : memref<128x208xi32, #tpu.memory_space<vmem>>, vector<1x16xi32>,
    %get3A_640 = vector.shape_cast %get3A_639 : vector<1x16xi32> to vector<16xi32>
    %dma_wait3A_641 = arith.constant 80 : i32
    %dma_wait3A_642 = arith.constant 0 : i32
    %dma_wait3A_643 = tpu.memref_slice %arg10[%dma_wait3A_641, %dma_wait3A_642] : memref<208x64xf32, #tpu.memory_space<vmem>> -> memref<16x64xf32, #tpu.memory_space<vmem>>
    %dma_wait3A_644 = arith.constant 0 : i32
    %dma_wait3A_645 = arith.constant 0 : i32
    %dma_wait3A_646 = tpu.memref_slice %arg5[%dma_wait3A_644, %dma_wait3A_645] : memref<1000000x64xf32, #tpu.memory_space<hbm>> -> memref<1000000x64xf32, #tpu.memory_space<hbm>>
    tpu.wait_indirect_dma semaphore(%arg15 : memref<!tpu.dma_semaphore, #tpu.memory_space<semaphore_mem>>) src(%dma_wait3A_646 : memref<1000000x64xf32, #tpu.memory_space<hbm>>) dst(%dma_wait3A_643 : memref<16x64xf32, #tpu.memory_space<vmem>>)
    %get3A_647 = arith.constant 127 : i32
    %get3A_648 = arith.index_cast %get3A_647 : i32 to index
    %get3A_649 = arith.constant 96 : index
    %get3A_650 = tpu.vector_load %arg7[%get3A_648, %get3A_649] {strides = array<i32>} : memref<128x208xi32, #tpu.memory_space<vmem>>, vector<1x16xi32>,
    %get3A_651 = vector.shape_cast %get3A_650 : vector<1x16xi32> to vector<16xi32>
    %dma_wait3A_652 = arith.constant 96 : i32
    %dma_wait3A_653 = arith.constant 0 : i32
    %dma_wait3A_654 = tpu.memref_slice %arg10[%dma_wait3A_652, %dma_wait3A_653] : memref<208x64xf32, #tpu.memory_space<vmem>> -> memref<16x64xf32, #tpu.memory_space<vmem>>
    %dma_wait3A_655 = arith.constant 0 : i32
    %dma_wait3A_656 = arith.constant 0 : i32
    %dma_wait3A_657 = tpu.memref_slice %arg5[%dma_wait3A_655, %dma_wait3A_656] : memref<1000000x64xf32, #tpu.memory_space<hbm>> -> memref<1000000x64xf32, #tpu.memory_space<hbm>>
    tpu.wait_indirect_dma semaphore(%arg15 : memref<!tpu.dma_semaphore, #tpu.memory_space<semaphore_mem>>) src(%dma_wait3A_657 : memref<1000000x64xf32, #tpu.memory_space<hbm>>) dst(%dma_wait3A_654 : memref<16x64xf32, #tpu.memory_space<vmem>>)
    %get3A_658 = arith.constant 127 : i32
    %get3A_659 = arith.index_cast %get3A_658 : i32 to index
    %get3A_660 = arith.constant 112 : index
    %get3A_661 = tpu.vector_load %arg7[%get3A_659, %get3A_660] {strides = array<i32>} : memref<128x208xi32, #tpu.memory_space<vmem>>, vector<1x16xi32>,
    %get3A_662 = vector.shape_cast %get3A_661 : vector<1x16xi32> to vector<16xi32>
    %dma_wait3A_663 = arith.constant 112 : i32
    %dma_wait3A_664 = arith.constant 0 : i32
    %dma_wait3A_665 = tpu.memref_slice %arg10[%dma_wait3A_663, %dma_wait3A_664] : memref<208x64xf32, #tpu.memory_space<vmem>> -> memref<16x64xf32, #tpu.memory_space<vmem>>
    %dma_wait3A_666 = arith.constant 0 : i32
    %dma_wait3A_667 = arith.constant 0 : i32
    %dma_wait3A_668 = tpu.memref_slice %arg5[%dma_wait3A_666, %dma_wait3A_667] : memref<1000000x64xf32, #tpu.memory_space<hbm>> -> memref<1000000x64xf32, #tpu.memory_space<hbm>>
    tpu.wait_indirect_dma semaphore(%arg15 : memref<!tpu.dma_semaphore, #tpu.memory_space<semaphore_mem>>) src(%dma_wait3A_668 : memref<1000000x64xf32, #tpu.memory_space<hbm>>) dst(%dma_wait3A_665 : memref<16x64xf32, #tpu.memory_space<vmem>>)
    %get3A_669 = arith.constant 127 : i32
    %get3A_670 = arith.index_cast %get3A_669 : i32 to index
    %get3A_671 = arith.constant 128 : index
    %get3A_672 = tpu.vector_load %arg7[%get3A_670, %get3A_671] {strides = array<i32>} : memref<128x208xi32, #tpu.memory_space<vmem>>, vector<1x16xi32>,
    %get3A_673 = vector.shape_cast %get3A_672 : vector<1x16xi32> to vector<16xi32>
    %dma_wait3A_674 = arith.constant 128 : i32
    %dma_wait3A_675 = arith.constant 0 : i32
    %dma_wait3A_676 = tpu.memref_slice %arg10[%dma_wait3A_674, %dma_wait3A_675] : memref<208x64xf32, #tpu.memory_space<vmem>> -> memref<16x64xf32, #tpu.memory_space<vmem>>
    %dma_wait3A_677 = arith.constant 0 : i32
    %dma_wait3A_678 = arith.constant 0 : i32
    %dma_wait3A_679 = tpu.memref_slice %arg5[%dma_wait3A_677, %dma_wait3A_678] : memref<1000000x64xf32, #tpu.memory_space<hbm>> -> memref<1000000x64xf32, #tpu.memory_space<hbm>>
    tpu.wait_indirect_dma semaphore(%arg15 : memref<!tpu.dma_semaphore, #tpu.memory_space<semaphore_mem>>) src(%dma_wait3A_679 : memref<1000000x64xf32, #tpu.memory_space<hbm>>) dst(%dma_wait3A_676 : memref<16x64xf32, #tpu.memory_space<vmem>>)
    %get3A_680 = arith.constant 127 : i32
    %get3A_681 = arith.index_cast %get3A_680 : i32 to index
    %get3A_682 = arith.constant 144 : index
    %get3A_683 = tpu.vector_load %arg7[%get3A_681, %get3A_682] {strides = array<i32>} : memref<128x208xi32, #tpu.memory_space<vmem>>, vector<1x16xi32>,
    %get3A_684 = vector.shape_cast %get3A_683 : vector<1x16xi32> to vector<16xi32>
    %dma_wait3A_685 = arith.constant 144 : i32
    %dma_wait3A_686 = arith.constant 0 : i32
    %dma_wait3A_687 = tpu.memref_slice %arg10[%dma_wait3A_685, %dma_wait3A_686] : memref<208x64xf32, #tpu.memory_space<vmem>> -> memref<16x64xf32, #tpu.memory_space<vmem>>
    %dma_wait3A_688 = arith.constant 0 : i32
    %dma_wait3A_689 = arith.constant 0 : i32
    %dma_wait3A_690 = tpu.memref_slice %arg5[%dma_wait3A_688, %dma_wait3A_689] : memref<1000000x64xf32, #tpu.memory_space<hbm>> -> memref<1000000x64xf32, #tpu.memory_space<hbm>>
    tpu.wait_indirect_dma semaphore(%arg15 : memref<!tpu.dma_semaphore, #tpu.memory_space<semaphore_mem>>) src(%dma_wait3A_690 : memref<1000000x64xf32, #tpu.memory_space<hbm>>) dst(%dma_wait3A_687 : memref<16x64xf32, #tpu.memory_space<vmem>>)
    %get3A_691 = arith.constant 127 : i32
    %get3A_692 = arith.index_cast %get3A_691 : i32 to index
    %get3A_693 = arith.constant 160 : index
    %get3A_694 = tpu.vector_load %arg7[%get3A_692, %get3A_693] {strides = array<i32>} : memref<128x208xi32, #tpu.memory_space<vmem>>, vector<1x16xi32>,
    %get3A_695 = vector.shape_cast %get3A_694 : vector<1x16xi32> to vector<16xi32>
    %dma_wait3A_696 = arith.constant 160 : i32
    %dma_wait3A_697 = arith.constant 0 : i32
    %dma_wait3A_698 = tpu.memref_slice %arg10[%dma_wait3A_696, %dma_wait3A_697] : memref<208x64xf32, #tpu.memory_space<vmem>> -> memref<16x64xf32, #tpu.memory_space<vmem>>
    %dma_wait3A_699 = arith.constant 0 : i32
    %dma_wait3A_700 = arith.constant 0 : i32
    %dma_wait3A_701 = tpu.memref_slice %arg5[%dma_wait3A_699, %dma_wait3A_700] : memref<1000000x64xf32, #tpu.memory_space<hbm>> -> memref<1000000x64xf32, #tpu.memory_space<hbm>>
    tpu.wait_indirect_dma semaphore(%arg15 : memref<!tpu.dma_semaphore, #tpu.memory_space<semaphore_mem>>) src(%dma_wait3A_701 : memref<1000000x64xf32, #tpu.memory_space<hbm>>) dst(%dma_wait3A_698 : memref<16x64xf32, #tpu.memory_space<vmem>>)
    %get3A_702 = arith.constant 127 : i32
    %get3A_703 = arith.index_cast %get3A_702 : i32 to index
    %get3A_704 = arith.constant 176 : index
    %get3A_705 = tpu.vector_load %arg7[%get3A_703, %get3A_704] {strides = array<i32>} : memref<128x208xi32, #tpu.memory_space<vmem>>, vector<1x16xi32>,
    %get3A_706 = vector.shape_cast %get3A_705 : vector<1x16xi32> to vector<16xi32>
    %dma_wait3A_707 = arith.constant 176 : i32
    %dma_wait3A_708 = arith.constant 0 : i32
    %dma_wait3A_709 = tpu.memref_slice %arg10[%dma_wait3A_707, %dma_wait3A_708] : memref<208x64xf32, #tpu.memory_space<vmem>> -> memref<16x64xf32, #tpu.memory_space<vmem>>
    %dma_wait3A_710 = arith.constant 0 : i32
    %dma_wait3A_711 = arith.constant 0 : i32
    %dma_wait3A_712 = tpu.memref_slice %arg5[%dma_wait3A_710, %dma_wait3A_711] : memref<1000000x64xf32, #tpu.memory_space<hbm>> -> memref<1000000x64xf32, #tpu.memory_space<hbm>>
    tpu.wait_indirect_dma semaphore(%arg15 : memref<!tpu.dma_semaphore, #tpu.memory_space<semaphore_mem>>) src(%dma_wait3A_712 : memref<1000000x64xf32, #tpu.memory_space<hbm>>) dst(%dma_wait3A_709 : memref<16x64xf32, #tpu.memory_space<vmem>>)
    %get3A_713 = arith.constant 127 : i32
    %get3A_714 = arith.index_cast %get3A_713 : i32 to index
    %get3A_715 = arith.constant 192 : index
    %get3A_716 = tpu.vector_load %arg7[%get3A_714, %get3A_715] {strides = array<i32>} : memref<128x208xi32, #tpu.memory_space<vmem>>, vector<1x16xi32>,
    %get3A_717 = vector.shape_cast %get3A_716 : vector<1x16xi32> to vector<16xi32>
    %dma_wait3A_718 = arith.constant 192 : i32
    %dma_wait3A_719 = arith.constant 0 : i32
    %dma_wait3A_720 = tpu.memref_slice %arg10[%dma_wait3A_718, %dma_wait3A_719] : memref<208x64xf32, #tpu.memory_space<vmem>> -> memref<16x64xf32, #tpu.memory_space<vmem>>
    %dma_wait3A_721 = arith.constant 0 : i32
    %dma_wait3A_722 = arith.constant 0 : i32
    %dma_wait3A_723 = tpu.memref_slice %arg5[%dma_wait3A_721, %dma_wait3A_722] : memref<1000000x64xf32, #tpu.memory_space<hbm>> -> memref<1000000x64xf32, #tpu.memory_space<hbm>>
    tpu.wait_indirect_dma semaphore(%arg15 : memref<!tpu.dma_semaphore, #tpu.memory_space<semaphore_mem>>) src(%dma_wait3A_723 : memref<1000000x64xf32, #tpu.memory_space<hbm>>) dst(%dma_wait3A_720 : memref<16x64xf32, #tpu.memory_space<vmem>>)
    %get3A_724 = arith.constant 127 : i32
    %get3A_725 = arith.index_cast %get3A_724 : i32 to index
    %get3A_726 = arith.constant 0 : index
    %get3A_727 = tpu.vector_load %arg7[%get3A_725, %get3A_726] {strides = array<i32>} : memref<128x208xi32, #tpu.memory_space<vmem>>, vector<1x16xi32>,
    %get3A_728 = vector.shape_cast %get3A_727 : vector<1x16xi32> to vector<16xi32>
    %dma_wait3A_729 = arith.constant 0 : i32
    %dma_wait3A_730 = arith.constant 0 : i32
    %dma_wait3A_731 = tpu.memref_slice %arg11[%dma_wait3A_729, %dma_wait3A_730] : memref<208x64xf32, #tpu.memory_space<vmem>> -> memref<16x64xf32, #tpu.memory_space<vmem>>
    %dma_wait3A_732 = arith.constant 0 : i32
    %dma_wait3A_733 = arith.constant 0 : i32
    %dma_wait3A_734 = tpu.memref_slice %arg5[%dma_wait3A_732, %dma_wait3A_733] : memref<1000000x64xf32, #tpu.memory_space<hbm>> -> memref<1000000x64xf32, #tpu.memory_space<hbm>>
    tpu.wait_indirect_dma semaphore(%arg16 : memref<!tpu.dma_semaphore, #tpu.memory_space<semaphore_mem>>) src(%dma_wait3A_734 : memref<1000000x64xf32, #tpu.memory_space<hbm>>) dst(%dma_wait3A_731 : memref<16x64xf32, #tpu.memory_space<vmem>>)
    %get3A_735 = arith.constant 127 : i32
    %get3A_736 = arith.index_cast %get3A_735 : i32 to index
    %get3A_737 = arith.constant 16 : index
    %get3A_738 = tpu.vector_load %arg7[%get3A_736, %get3A_737] {strides = array<i32>} : memref<128x208xi32, #tpu.memory_space<vmem>>, vector<1x16xi32>,
    %get3A_739 = vector.shape_cast %get3A_738 : vector<1x16xi32> to vector<16xi32>
    %dma_wait3A_740 = arith.constant 16 : i32
    %dma_wait3A_741 = arith.constant 0 : i32
    %dma_wait3A_742 = tpu.memref_slice %arg11[%dma_wait3A_740, %dma_wait3A_741] : memref<208x64xf32, #tpu.memory_space<vmem>> -> memref<16x64xf32, #tpu.memory_space<vmem>>
    %dma_wait3A_743 = arith.constant 0 : i32
    %dma_wait3A_744 = arith.constant 0 : i32
    %dma_wait3A_745 = tpu.memref_slice %arg5[%dma_wait3A_743, %dma_wait3A_744] : memref<1000000x64xf32, #tpu.memory_space<hbm>> -> memref<1000000x64xf32, #tpu.memory_space<hbm>>
    tpu.wait_indirect_dma semaphore(%arg16 : memref<!tpu.dma_semaphore, #tpu.memory_space<semaphore_mem>>) src(%dma_wait3A_745 : memref<1000000x64xf32, #tpu.memory_space<hbm>>) dst(%dma_wait3A_742 : memref<16x64xf32, #tpu.memory_space<vmem>>)
    %get3A_746 = arith.constant 127 : i32
    %get3A_747 = arith.index_cast %get3A_746 : i32 to index
    %get3A_748 = arith.constant 32 : index
    %get3A_749 = tpu.vector_load %arg7[%get3A_747, %get3A_748] {strides = array<i32>} : memref<128x208xi32, #tpu.memory_space<vmem>>, vector<1x16xi32>,
    %get3A_750 = vector.shape_cast %get3A_749 : vector<1x16xi32> to vector<16xi32>
    %dma_wait3A_751 = arith.constant 32 : i32
    %dma_wait3A_752 = arith.constant 0 : i32
    %dma_wait3A_753 = tpu.memref_slice %arg11[%dma_wait3A_751, %dma_wait3A_752] : memref<208x64xf32, #tpu.memory_space<vmem>> -> memref<16x64xf32, #tpu.memory_space<vmem>>
    %dma_wait3A_754 = arith.constant 0 : i32
    %dma_wait3A_755 = arith.constant 0 : i32
    %dma_wait3A_756 = tpu.memref_slice %arg5[%dma_wait3A_754, %dma_wait3A_755] : memref<1000000x64xf32, #tpu.memory_space<hbm>> -> memref<1000000x64xf32, #tpu.memory_space<hbm>>
    tpu.wait_indirect_dma semaphore(%arg16 : memref<!tpu.dma_semaphore, #tpu.memory_space<semaphore_mem>>) src(%dma_wait3A_756 : memref<1000000x64xf32, #tpu.memory_space<hbm>>) dst(%dma_wait3A_753 : memref<16x64xf32, #tpu.memory_space<vmem>>)
    %get3A_757 = arith.constant 127 : i32
    %get3A_758 = arith.index_cast %get3A_757 : i32 to index
    %get3A_759 = arith.constant 48 : index
    %get3A_760 = tpu.vector_load %arg7[%get3A_758, %get3A_759] {strides = array<i32>} : memref<128x208xi32, #tpu.memory_space<vmem>>, vector<1x16xi32>,
    %get3A_761 = vector.shape_cast %get3A_760 : vector<1x16xi32> to vector<16xi32>
    %dma_wait3A_762 = arith.constant 48 : i32
    %dma_wait3A_763 = arith.constant 0 : i32
    %dma_wait3A_764 = tpu.memref_slice %arg11[%dma_wait3A_762, %dma_wait3A_763] : memref<208x64xf32, #tpu.memory_space<vmem>> -> memref<16x64xf32, #tpu.memory_space<vmem>>
    %dma_wait3A_765 = arith.constant 0 : i32
    %dma_wait3A_766 = arith.constant 0 : i32
    %dma_wait3A_767 = tpu.memref_slice %arg5[%dma_wait3A_765, %dma_wait3A_766] : memref<1000000x64xf32, #tpu.memory_space<hbm>> -> memref<1000000x64xf32, #tpu.memory_space<hbm>>
    tpu.wait_indirect_dma semaphore(%arg16 : memref<!tpu.dma_semaphore, #tpu.memory_space<semaphore_mem>>) src(%dma_wait3A_767 : memref<1000000x64xf32, #tpu.memory_space<hbm>>) dst(%dma_wait3A_764 : memref<16x64xf32, #tpu.memory_space<vmem>>)
    %get3A_768 = arith.constant 127 : i32
    %get3A_769 = arith.index_cast %get3A_768 : i32 to index
    %get3A_770 = arith.constant 64 : index
    %get3A_771 = tpu.vector_load %arg7[%get3A_769, %get3A_770] {strides = array<i32>} : memref<128x208xi32, #tpu.memory_space<vmem>>, vector<1x16xi32>,
    %get3A_772 = vector.shape_cast %get3A_771 : vector<1x16xi32> to vector<16xi32>
    %dma_wait3A_773 = arith.constant 64 : i32
    %dma_wait3A_774 = arith.constant 0 : i32
    %dma_wait3A_775 = tpu.memref_slice %arg11[%dma_wait3A_773, %dma_wait3A_774] : memref<208x64xf32, #tpu.memory_space<vmem>> -> memref<16x64xf32, #tpu.memory_space<vmem>>
    %dma_wait3A_776 = arith.constant 0 : i32
    %dma_wait3A_777 = arith.constant 0 : i32
    %dma_wait3A_778 = tpu.memref_slice %arg5[%dma_wait3A_776, %dma_wait3A_777] : memref<1000000x64xf32, #tpu.memory_space<hbm>> -> memref<1000000x64xf32, #tpu.memory_space<hbm>>
    tpu.wait_indirect_dma semaphore(%arg16 : memref<!tpu.dma_semaphore, #tpu.memory_space<semaphore_mem>>) src(%dma_wait3A_778 : memref<1000000x64xf32, #tpu.memory_space<hbm>>) dst(%dma_wait3A_775 : memref<16x64xf32, #tpu.memory_space<vmem>>)
    %get3A_779 = arith.constant 127 : i32
    %get3A_780 = arith.index_cast %get3A_779 : i32 to index
    %get3A_781 = arith.constant 80 : index
    %get3A_782 = tpu.vector_load %arg7[%get3A_780, %get3A_781] {strides = array<i32>} : memref<128x208xi32, #tpu.memory_space<vmem>>, vector<1x16xi32>,
    %get3A_783 = vector.shape_cast %get3A_782 : vector<1x16xi32> to vector<16xi32>
    %dma_wait3A_784 = arith.constant 80 : i32
    %dma_wait3A_785 = arith.constant 0 : i32
    %dma_wait3A_786 = tpu.memref_slice %arg11[%dma_wait3A_784, %dma_wait3A_785] : memref<208x64xf32, #tpu.memory_space<vmem>> -> memref<16x64xf32, #tpu.memory_space<vmem>>
    %dma_wait3A_787 = arith.constant 0 : i32
    %dma_wait3A_788 = arith.constant 0 : i32
    %dma_wait3A_789 = tpu.memref_slice %arg5[%dma_wait3A_787, %dma_wait3A_788] : memref<1000000x64xf32, #tpu.memory_space<hbm>> -> memref<1000000x64xf32, #tpu.memory_space<hbm>>
    tpu.wait_indirect_dma semaphore(%arg16 : memref<!tpu.dma_semaphore, #tpu.memory_space<semaphore_mem>>) src(%dma_wait3A_789 : memref<1000000x64xf32, #tpu.memory_space<hbm>>) dst(%dma_wait3A_786 : memref<16x64xf32, #tpu.memory_space<vmem>>)
    %get3A_790 = arith.constant 127 : i32
    %get3A_791 = arith.index_cast %get3A_790 : i32 to index
    %get3A_792 = arith.constant 96 : index
    %get3A_793 = tpu.vector_load %arg7[%get3A_791, %get3A_792] {strides = array<i32>} : memref<128x208xi32, #tpu.memory_space<vmem>>, vector<1x16xi32>,
    %get3A_794 = vector.shape_cast %get3A_793 : vector<1x16xi32> to vector<16xi32>
    %dma_wait3A_795 = arith.constant 96 : i32
    %dma_wait3A_796 = arith.constant 0 : i32
    %dma_wait3A_797 = tpu.memref_slice %arg11[%dma_wait3A_795, %dma_wait3A_796] : memref<208x64xf32, #tpu.memory_space<vmem>> -> memref<16x64xf32, #tpu.memory_space<vmem>>
    %dma_wait3A_798 = arith.constant 0 : i32
    %dma_wait3A_799 = arith.constant 0 : i32
    %dma_wait3A_800 = tpu.memref_slice %arg5[%dma_wait3A_798, %dma_wait3A_799] : memref<1000000x64xf32, #tpu.memory_space<hbm>> -> memref<1000000x64xf32, #tpu.memory_space<hbm>>
    tpu.wait_indirect_dma semaphore(%arg16 : memref<!tpu.dma_semaphore, #tpu.memory_space<semaphore_mem>>) src(%dma_wait3A_800 : memref<1000000x64xf32, #tpu.memory_space<hbm>>) dst(%dma_wait3A_797 : memref<16x64xf32, #tpu.memory_space<vmem>>)
    %get3A_801 = arith.constant 127 : i32
    %get3A_802 = arith.index_cast %get3A_801 : i32 to index
    %get3A_803 = arith.constant 112 : index
    %get3A_804 = tpu.vector_load %arg7[%get3A_802, %get3A_803] {strides = array<i32>} : memref<128x208xi32, #tpu.memory_space<vmem>>, vector<1x16xi32>,
    %get3A_805 = vector.shape_cast %get3A_804 : vector<1x16xi32> to vector<16xi32>
    %dma_wait3A_806 = arith.constant 112 : i32
    %dma_wait3A_807 = arith.constant 0 : i32
    %dma_wait3A_808 = tpu.memref_slice %arg11[%dma_wait3A_806, %dma_wait3A_807] : memref<208x64xf32, #tpu.memory_space<vmem>> -> memref<16x64xf32, #tpu.memory_space<vmem>>
    %dma_wait3A_809 = arith.constant 0 : i32
    %dma_wait3A_810 = arith.constant 0 : i32
    %dma_wait3A_811 = tpu.memref_slice %arg5[%dma_wait3A_809, %dma_wait3A_810] : memref<1000000x64xf32, #tpu.memory_space<hbm>> -> memref<1000000x64xf32, #tpu.memory_space<hbm>>
    tpu.wait_indirect_dma semaphore(%arg16 : memref<!tpu.dma_semaphore, #tpu.memory_space<semaphore_mem>>) src(%dma_wait3A_811 : memref<1000000x64xf32, #tpu.memory_space<hbm>>) dst(%dma_wait3A_808 : memref<16x64xf32, #tpu.memory_space<vmem>>)
    %get3A_812 = arith.constant 127 : i32
    %get3A_813 = arith.index_cast %get3A_812 : i32 to index
    %get3A_814 = arith.constant 128 : index
    %get3A_815 = tpu.vector_load %arg7[%get3A_813, %get3A_814] {strides = array<i32>} : memref<128x208xi32, #tpu.memory_space<vmem>>, vector<1x16xi32>,
    %get3A_816 = vector.shape_cast %get3A_815 : vector<1x16xi32> to vector<16xi32>
    %dma_wait3A_817 = arith.constant 128 : i32
    %dma_wait3A_818 = arith.constant 0 : i32
    %dma_wait3A_819 = tpu.memref_slice %arg11[%dma_wait3A_817, %dma_wait3A_818] : memref<208x64xf32, #tpu.memory_space<vmem>> -> memref<16x64xf32, #tpu.memory_space<vmem>>
    %dma_wait3A_820 = arith.constant 0 : i32
    %dma_wait3A_821 = arith.constant 0 : i32
    %dma_wait3A_822 = tpu.memref_slice %arg5[%dma_wait3A_820, %dma_wait3A_821] : memref<1000000x64xf32, #tpu.memory_space<hbm>> -> memref<1000000x64xf32, #tpu.memory_space<hbm>>
    tpu.wait_indirect_dma semaphore(%arg16 : memref<!tpu.dma_semaphore, #tpu.memory_space<semaphore_mem>>) src(%dma_wait3A_822 : memref<1000000x64xf32, #tpu.memory_space<hbm>>) dst(%dma_wait3A_819 : memref<16x64xf32, #tpu.memory_space<vmem>>)
    %get3A_823 = arith.constant 127 : i32
    %get3A_824 = arith.index_cast %get3A_823 : i32 to index
    %get3A_825 = arith.constant 144 : index
    %get3A_826 = tpu.vector_load %arg7[%get3A_824, %get3A_825] {strides = array<i32>} : memref<128x208xi32, #tpu.memory_space<vmem>>, vector<1x16xi32>,
    %get3A_827 = vector.shape_cast %get3A_826 : vector<1x16xi32> to vector<16xi32>
    %dma_wait3A_828 = arith.constant 144 : i32
    %dma_wait3A_829 = arith.constant 0 : i32
    %dma_wait3A_830 = tpu.memref_slice %arg11[%dma_wait3A_828, %dma_wait3A_829] : memref<208x64xf32, #tpu.memory_space<vmem>> -> memref<16x64xf32, #tpu.memory_space<vmem>>
    %dma_wait3A_831 = arith.constant 0 : i32
    %dma_wait3A_832 = arith.constant 0 : i32
    %dma_wait3A_833 = tpu.memref_slice %arg5[%dma_wait3A_831, %dma_wait3A_832] : memref<1000000x64xf32, #tpu.memory_space<hbm>> -> memref<1000000x64xf32, #tpu.memory_space<hbm>>
    tpu.wait_indirect_dma semaphore(%arg16 : memref<!tpu.dma_semaphore, #tpu.memory_space<semaphore_mem>>) src(%dma_wait3A_833 : memref<1000000x64xf32, #tpu.memory_space<hbm>>) dst(%dma_wait3A_830 : memref<16x64xf32, #tpu.memory_space<vmem>>)
    %get3A_834 = arith.constant 127 : i32
    %get3A_835 = arith.index_cast %get3A_834 : i32 to index
    %get3A_836 = arith.constant 160 : index
    %get3A_837 = tpu.vector_load %arg7[%get3A_835, %get3A_836] {strides = array<i32>} : memref<128x208xi32, #tpu.memory_space<vmem>>, vector<1x16xi32>,
    %get3A_838 = vector.shape_cast %get3A_837 : vector<1x16xi32> to vector<16xi32>
    %dma_wait3A_839 = arith.constant 160 : i32
    %dma_wait3A_840 = arith.constant 0 : i32
    %dma_wait3A_841 = tpu.memref_slice %arg11[%dma_wait3A_839, %dma_wait3A_840] : memref<208x64xf32, #tpu.memory_space<vmem>> -> memref<16x64xf32, #tpu.memory_space<vmem>>
    %dma_wait3A_842 = arith.constant 0 : i32
    %dma_wait3A_843 = arith.constant 0 : i32
    %dma_wait3A_844 = tpu.memref_slice %arg5[%dma_wait3A_842, %dma_wait3A_843] : memref<1000000x64xf32, #tpu.memory_space<hbm>> -> memref<1000000x64xf32, #tpu.memory_space<hbm>>
    tpu.wait_indirect_dma semaphore(%arg16 : memref<!tpu.dma_semaphore, #tpu.memory_space<semaphore_mem>>) src(%dma_wait3A_844 : memref<1000000x64xf32, #tpu.memory_space<hbm>>) dst(%dma_wait3A_841 : memref<16x64xf32, #tpu.memory_space<vmem>>)
    %get3A_845 = arith.constant 127 : i32
    %get3A_846 = arith.index_cast %get3A_845 : i32 to index
    %get3A_847 = arith.constant 176 : index
    %get3A_848 = tpu.vector_load %arg7[%get3A_846, %get3A_847] {strides = array<i32>} : memref<128x208xi32, #tpu.memory_space<vmem>>, vector<1x16xi32>,
    %get3A_849 = vector.shape_cast %get3A_848 : vector<1x16xi32> to vector<16xi32>
    %dma_wait3A_850 = arith.constant 176 : i32
    %dma_wait3A_851 = arith.constant 0 : i32
    %dma_wait3A_852 = tpu.memref_slice %arg11[%dma_wait3A_850, %dma_wait3A_851] : memref<208x64xf32, #tpu.memory_space<vmem>> -> memref<16x64xf32, #tpu.memory_space<vmem>>
    %dma_wait3A_853 = arith.constant 0 : i32
    %dma_wait3A_854 = arith.constant 0 : i32
    %dma_wait3A_855 = tpu.memref_slice %arg5[%dma_wait3A_853, %dma_wait3A_854] : memref<1000000x64xf32, #tpu.memory_space<hbm>> -> memref<1000000x64xf32, #tpu.memory_space<hbm>>
    tpu.wait_indirect_dma semaphore(%arg16 : memref<!tpu.dma_semaphore, #tpu.memory_space<semaphore_mem>>) src(%dma_wait3A_855 : memref<1000000x64xf32, #tpu.memory_space<hbm>>) dst(%dma_wait3A_852 : memref<16x64xf32, #tpu.memory_space<vmem>>)
    %get3A_856 = arith.constant 127 : i32
    %get3A_857 = arith.index_cast %get3A_856 : i32 to index
    %get3A_858 = arith.constant 192 : index
    %get3A_859 = tpu.vector_load %arg7[%get3A_857, %get3A_858] {strides = array<i32>} : memref<128x208xi32, #tpu.memory_space<vmem>>, vector<1x16xi32>,
    %get3A_860 = vector.shape_cast %get3A_859 : vector<1x16xi32> to vector<16xi32>
    %dma_wait3A_861 = arith.constant 192 : i32
    %dma_wait3A_862 = arith.constant 0 : i32
    %dma_wait3A_863 = tpu.memref_slice %arg11[%dma_wait3A_861, %dma_wait3A_862] : memref<208x64xf32, #tpu.memory_space<vmem>> -> memref<16x64xf32, #tpu.memory_space<vmem>>
    %dma_wait3A_864 = arith.constant 0 : i32
    %dma_wait3A_865 = arith.constant 0 : i32
    %dma_wait3A_866 = tpu.memref_slice %arg5[%dma_wait3A_864, %dma_wait3A_865] : memref<1000000x64xf32, #tpu.memory_space<hbm>> -> memref<1000000x64xf32, #tpu.memory_space<hbm>>
    tpu.wait_indirect_dma semaphore(%arg16 : memref<!tpu.dma_semaphore, #tpu.memory_space<semaphore_mem>>) src(%dma_wait3A_866 : memref<1000000x64xf32, #tpu.memory_space<hbm>>) dst(%dma_wait3A_863 : memref<16x64xf32, #tpu.memory_space<vmem>>)
    %get3A_867 = arith.constant 127 : i32
    %get3A_868 = arith.index_cast %get3A_867 : i32 to index
    %get3A_869 = arith.constant 0 : index
    %get3A_870 = tpu.vector_load %arg7[%get3A_868, %get3A_869] {strides = array<i32>} : memref<128x208xi32, #tpu.memory_space<vmem>>, vector<1x16xi32>,
    %get3A_871 = vector.shape_cast %get3A_870 : vector<1x16xi32> to vector<16xi32>
    %dma_wait3A_872 = arith.constant 0 : i32
    %dma_wait3A_873 = arith.constant 0 : i32
    %dma_wait3A_874 = tpu.memref_slice %arg12[%dma_wait3A_872, %dma_wait3A_873] : memref<208x64xf32, #tpu.memory_space<vmem>> -> memref<16x64xf32, #tpu.memory_space<vmem>>
    %dma_wait3A_875 = arith.constant 0 : i32
    %dma_wait3A_876 = arith.constant 0 : i32
    %dma_wait3A_877 = tpu.memref_slice %arg5[%dma_wait3A_875, %dma_wait3A_876] : memref<1000000x64xf32, #tpu.memory_space<hbm>> -> memref<1000000x64xf32, #tpu.memory_space<hbm>>
    tpu.wait_indirect_dma semaphore(%arg17 : memref<!tpu.dma_semaphore, #tpu.memory_space<semaphore_mem>>) src(%dma_wait3A_877 : memref<1000000x64xf32, #tpu.memory_space<hbm>>) dst(%dma_wait3A_874 : memref<16x64xf32, #tpu.memory_space<vmem>>)
    %get3A_878 = arith.constant 127 : i32
    %get3A_879 = arith.index_cast %get3A_878 : i32 to index
    %get3A_880 = arith.constant 16 : index
    %get3A_881 = tpu.vector_load %arg7[%get3A_879, %get3A_880] {strides = array<i32>} : memref<128x208xi32, #tpu.memory_space<vmem>>, vector<1x16xi32>,
    %get3A_882 = vector.shape_cast %get3A_881 : vector<1x16xi32> to vector<16xi32>
    %dma_wait3A_883 = arith.constant 16 : i32
    %dma_wait3A_884 = arith.constant 0 : i32
    %dma_wait3A_885 = tpu.memref_slice %arg12[%dma_wait3A_883, %dma_wait3A_884] : memref<208x64xf32, #tpu.memory_space<vmem>> -> memref<16x64xf32, #tpu.memory_space<vmem>>
    %dma_wait3A_886 = arith.constant 0 : i32
    %dma_wait3A_887 = arith.constant 0 : i32
    %dma_wait3A_888 = tpu.memref_slice %arg5[%dma_wait3A_886, %dma_wait3A_887] : memref<1000000x64xf32, #tpu.memory_space<hbm>> -> memref<1000000x64xf32, #tpu.memory_space<hbm>>
    tpu.wait_indirect_dma semaphore(%arg17 : memref<!tpu.dma_semaphore, #tpu.memory_space<semaphore_mem>>) src(%dma_wait3A_888 : memref<1000000x64xf32, #tpu.memory_space<hbm>>) dst(%dma_wait3A_885 : memref<16x64xf32, #tpu.memory_space<vmem>>)
    %get3A_889 = arith.constant 127 : i32
    %get3A_890 = arith.index_cast %get3A_889 : i32 to index
    %get3A_891 = arith.constant 32 : index
    %get3A_892 = tpu.vector_load %arg7[%get3A_890, %get3A_891] {strides = array<i32>} : memref<128x208xi32, #tpu.memory_space<vmem>>, vector<1x16xi32>,
    %get3A_893 = vector.shape_cast %get3A_892 : vector<1x16xi32> to vector<16xi32>
    %dma_wait3A_894 = arith.constant 32 : i32
    %dma_wait3A_895 = arith.constant 0 : i32
    %dma_wait3A_896 = tpu.memref_slice %arg12[%dma_wait3A_894, %dma_wait3A_895] : memref<208x64xf32, #tpu.memory_space<vmem>> -> memref<16x64xf32, #tpu.memory_space<vmem>>
    %dma_wait3A_897 = arith.constant 0 : i32
    %dma_wait3A_898 = arith.constant 0 : i32
    %dma_wait3A_899 = tpu.memref_slice %arg5[%dma_wait3A_897, %dma_wait3A_898] : memref<1000000x64xf32, #tpu.memory_space<hbm>> -> memref<1000000x64xf32, #tpu.memory_space<hbm>>
    tpu.wait_indirect_dma semaphore(%arg17 : memref<!tpu.dma_semaphore, #tpu.memory_space<semaphore_mem>>) src(%dma_wait3A_899 : memref<1000000x64xf32, #tpu.memory_space<hbm>>) dst(%dma_wait3A_896 : memref<16x64xf32, #tpu.memory_space<vmem>>)
    %get3A_900 = arith.constant 127 : i32
    %get3A_901 = arith.index_cast %get3A_900 : i32 to index
    %get3A_902 = arith.constant 48 : index
    %get3A_903 = tpu.vector_load %arg7[%get3A_901, %get3A_902] {strides = array<i32>} : memref<128x208xi32, #tpu.memory_space<vmem>>, vector<1x16xi32>,
    %get3A_904 = vector.shape_cast %get3A_903 : vector<1x16xi32> to vector<16xi32>
    %dma_wait3A_905 = arith.constant 48 : i32
    %dma_wait3A_906 = arith.constant 0 : i32
    %dma_wait3A_907 = tpu.memref_slice %arg12[%dma_wait3A_905, %dma_wait3A_906] : memref<208x64xf32, #tpu.memory_space<vmem>> -> memref<16x64xf32, #tpu.memory_space<vmem>>
    %dma_wait3A_908 = arith.constant 0 : i32
    %dma_wait3A_909 = arith.constant 0 : i32
    %dma_wait3A_910 = tpu.memref_slice %arg5[%dma_wait3A_908, %dma_wait3A_909] : memref<1000000x64xf32, #tpu.memory_space<hbm>> -> memref<1000000x64xf32, #tpu.memory_space<hbm>>
    tpu.wait_indirect_dma semaphore(%arg17 : memref<!tpu.dma_semaphore, #tpu.memory_space<semaphore_mem>>) src(%dma_wait3A_910 : memref<1000000x64xf32, #tpu.memory_space<hbm>>) dst(%dma_wait3A_907 : memref<16x64xf32, #tpu.memory_space<vmem>>)
    %get3A_911 = arith.constant 127 : i32
    %get3A_912 = arith.index_cast %get3A_911 : i32 to index
    %get3A_913 = arith.constant 64 : index
    %get3A_914 = tpu.vector_load %arg7[%get3A_912, %get3A_913] {strides = array<i32>} : memref<128x208xi32, #tpu.memory_space<vmem>>, vector<1x16xi32>,
    %get3A_915 = vector.shape_cast %get3A_914 : vector<1x16xi32> to vector<16xi32>
    %dma_wait3A_916 = arith.constant 64 : i32
    %dma_wait3A_917 = arith.constant 0 : i32
    %dma_wait3A_918 = tpu.memref_slice %arg12[%dma_wait3A_916, %dma_wait3A_917] : memref<208x64xf32, #tpu.memory_space<vmem>> -> memref<16x64xf32, #tpu.memory_space<vmem>>
    %dma_wait3A_919 = arith.constant 0 : i32
    %dma_wait3A_920 = arith.constant 0 : i32
    %dma_wait3A_921 = tpu.memref_slice %arg5[%dma_wait3A_919, %dma_wait3A_920] : memref<1000000x64xf32, #tpu.memory_space<hbm>> -> memref<1000000x64xf32, #tpu.memory_space<hbm>>
    tpu.wait_indirect_dma semaphore(%arg17 : memref<!tpu.dma_semaphore, #tpu.memory_space<semaphore_mem>>) src(%dma_wait3A_921 : memref<1000000x64xf32, #tpu.memory_space<hbm>>) dst(%dma_wait3A_918 : memref<16x64xf32, #tpu.memory_space<vmem>>)
    %get3A_922 = arith.constant 127 : i32
    %get3A_923 = arith.index_cast %get3A_922 : i32 to index
    %get3A_924 = arith.constant 80 : index
    %get3A_925 = tpu.vector_load %arg7[%get3A_923, %get3A_924] {strides = array<i32>} : memref<128x208xi32, #tpu.memory_space<vmem>>, vector<1x16xi32>,
    %get3A_926 = vector.shape_cast %get3A_925 : vector<1x16xi32> to vector<16xi32>
    %dma_wait3A_927 = arith.constant 80 : i32
    %dma_wait3A_928 = arith.constant 0 : i32
    %dma_wait3A_929 = tpu.memref_slice %arg12[%dma_wait3A_927, %dma_wait3A_928] : memref<208x64xf32, #tpu.memory_space<vmem>> -> memref<16x64xf32, #tpu.memory_space<vmem>>
    %dma_wait3A_930 = arith.constant 0 : i32
    %dma_wait3A_931 = arith.constant 0 : i32
    %dma_wait3A_932 = tpu.memref_slice %arg5[%dma_wait3A_930, %dma_wait3A_931] : memref<1000000x64xf32, #tpu.memory_space<hbm>> -> memref<1000000x64xf32, #tpu.memory_space<hbm>>
    tpu.wait_indirect_dma semaphore(%arg17 : memref<!tpu.dma_semaphore, #tpu.memory_space<semaphore_mem>>) src(%dma_wait3A_932 : memref<1000000x64xf32, #tpu.memory_space<hbm>>) dst(%dma_wait3A_929 : memref<16x64xf32, #tpu.memory_space<vmem>>)
    %get3A_933 = arith.constant 127 : i32
    %get3A_934 = arith.index_cast %get3A_933 : i32 to index
    %get3A_935 = arith.constant 96 : index
    %get3A_936 = tpu.vector_load %arg7[%get3A_934, %get3A_935] {strides = array<i32>} : memref<128x208xi32, #tpu.memory_space<vmem>>, vector<1x16xi32>,
    %get3A_937 = vector.shape_cast %get3A_936 : vector<1x16xi32> to vector<16xi32>
    %dma_wait3A_938 = arith.constant 96 : i32
    %dma_wait3A_939 = arith.constant 0 : i32
    %dma_wait3A_940 = tpu.memref_slice %arg12[%dma_wait3A_938, %dma_wait3A_939] : memref<208x64xf32, #tpu.memory_space<vmem>> -> memref<16x64xf32, #tpu.memory_space<vmem>>
    %dma_wait3A_941 = arith.constant 0 : i32
    %dma_wait3A_942 = arith.constant 0 : i32
    %dma_wait3A_943 = tpu.memref_slice %arg5[%dma_wait3A_941, %dma_wait3A_942] : memref<1000000x64xf32, #tpu.memory_space<hbm>> -> memref<1000000x64xf32, #tpu.memory_space<hbm>>
    tpu.wait_indirect_dma semaphore(%arg17 : memref<!tpu.dma_semaphore, #tpu.memory_space<semaphore_mem>>) src(%dma_wait3A_943 : memref<1000000x64xf32, #tpu.memory_space<hbm>>) dst(%dma_wait3A_940 : memref<16x64xf32, #tpu.memory_space<vmem>>)
    %get3A_944 = arith.constant 127 : i32
    %get3A_945 = arith.index_cast %get3A_944 : i32 to index
    %get3A_946 = arith.constant 112 : index
    %get3A_947 = tpu.vector_load %arg7[%get3A_945, %get3A_946] {strides = array<i32>} : memref<128x208xi32, #tpu.memory_space<vmem>>, vector<1x16xi32>,
    %get3A_948 = vector.shape_cast %get3A_947 : vector<1x16xi32> to vector<16xi32>
    %dma_wait3A_949 = arith.constant 112 : i32
    %dma_wait3A_950 = arith.constant 0 : i32
    %dma_wait3A_951 = tpu.memref_slice %arg12[%dma_wait3A_949, %dma_wait3A_950] : memref<208x64xf32, #tpu.memory_space<vmem>> -> memref<16x64xf32, #tpu.memory_space<vmem>>
    %dma_wait3A_952 = arith.constant 0 : i32
    %dma_wait3A_953 = arith.constant 0 : i32
    %dma_wait3A_954 = tpu.memref_slice %arg5[%dma_wait3A_952, %dma_wait3A_953] : memref<1000000x64xf32, #tpu.memory_space<hbm>> -> memref<1000000x64xf32, #tpu.memory_space<hbm>>
    tpu.wait_indirect_dma semaphore(%arg17 : memref<!tpu.dma_semaphore, #tpu.memory_space<semaphore_mem>>) src(%dma_wait3A_954 : memref<1000000x64xf32, #tpu.memory_space<hbm>>) dst(%dma_wait3A_951 : memref<16x64xf32, #tpu.memory_space<vmem>>)
    %get3A_955 = arith.constant 127 : i32
    %get3A_956 = arith.index_cast %get3A_955 : i32 to index
    %get3A_957 = arith.constant 128 : index
    %get3A_958 = tpu.vector_load %arg7[%get3A_956, %get3A_957] {strides = array<i32>} : memref<128x208xi32, #tpu.memory_space<vmem>>, vector<1x16xi32>,
    %get3A_959 = vector.shape_cast %get3A_958 : vector<1x16xi32> to vector<16xi32>
    %dma_wait3A_960 = arith.constant 128 : i32
    %dma_wait3A_961 = arith.constant 0 : i32
    %dma_wait3A_962 = tpu.memref_slice %arg12[%dma_wait3A_960, %dma_wait3A_961] : memref<208x64xf32, #tpu.memory_space<vmem>> -> memref<16x64xf32, #tpu.memory_space<vmem>>
    %dma_wait3A_963 = arith.constant 0 : i32
    %dma_wait3A_964 = arith.constant 0 : i32
    %dma_wait3A_965 = tpu.memref_slice %arg5[%dma_wait3A_963, %dma_wait3A_964] : memref<1000000x64xf32, #tpu.memory_space<hbm>> -> memref<1000000x64xf32, #tpu.memory_space<hbm>>
    tpu.wait_indirect_dma semaphore(%arg17 : memref<!tpu.dma_semaphore, #tpu.memory_space<semaphore_mem>>) src(%dma_wait3A_965 : memref<1000000x64xf32, #tpu.memory_space<hbm>>) dst(%dma_wait3A_962 : memref<16x64xf32, #tpu.memory_space<vmem>>)
    %get3A_966 = arith.constant 127 : i32
    %get3A_967 = arith.index_cast %get3A_966 : i32 to index
    %get3A_968 = arith.constant 144 : index
    %get3A_969 = tpu.vector_load %arg7[%get3A_967, %get3A_968] {strides = array<i32>} : memref<128x208xi32, #tpu.memory_space<vmem>>, vector<1x16xi32>,
    %get3A_970 = vector.shape_cast %get3A_969 : vector<1x16xi32> to vector<16xi32>
    %dma_wait3A_971 = arith.constant 144 : i32
    %dma_wait3A_972 = arith.constant 0 : i32
    %dma_wait3A_973 = tpu.memref_slice %arg12[%dma_wait3A_971, %dma_wait3A_972] : memref<208x64xf32, #tpu.memory_space<vmem>> -> memref<16x64xf32, #tpu.memory_space<vmem>>
    %dma_wait3A_974 = arith.constant 0 : i32
    %dma_wait3A_975 = arith.constant 0 : i32
    %dma_wait3A_976 = tpu.memref_slice %arg5[%dma_wait3A_974, %dma_wait3A_975] : memref<1000000x64xf32, #tpu.memory_space<hbm>> -> memref<1000000x64xf32, #tpu.memory_space<hbm>>
    tpu.wait_indirect_dma semaphore(%arg17 : memref<!tpu.dma_semaphore, #tpu.memory_space<semaphore_mem>>) src(%dma_wait3A_976 : memref<1000000x64xf32, #tpu.memory_space<hbm>>) dst(%dma_wait3A_973 : memref<16x64xf32, #tpu.memory_space<vmem>>)
    %get3A_977 = arith.constant 127 : i32
    %get3A_978 = arith.index_cast %get3A_977 : i32 to index
    %get3A_979 = arith.constant 160 : index
    %get3A_980 = tpu.vector_load %arg7[%get3A_978, %get3A_979] {strides = array<i32>} : memref<128x208xi32, #tpu.memory_space<vmem>>, vector<1x16xi32>,
    %get3A_981 = vector.shape_cast %get3A_980 : vector<1x16xi32> to vector<16xi32>
    %dma_wait3A_982 = arith.constant 160 : i32
    %dma_wait3A_983 = arith.constant 0 : i32
    %dma_wait3A_984 = tpu.memref_slice %arg12[%dma_wait3A_982, %dma_wait3A_983] : memref<208x64xf32, #tpu.memory_space<vmem>> -> memref<16x64xf32, #tpu.memory_space<vmem>>
    %dma_wait3A_985 = arith.constant 0 : i32
    %dma_wait3A_986 = arith.constant 0 : i32
    %dma_wait3A_987 = tpu.memref_slice %arg5[%dma_wait3A_985, %dma_wait3A_986] : memref<1000000x64xf32, #tpu.memory_space<hbm>> -> memref<1000000x64xf32, #tpu.memory_space<hbm>>
    tpu.wait_indirect_dma semaphore(%arg17 : memref<!tpu.dma_semaphore, #tpu.memory_space<semaphore_mem>>) src(%dma_wait3A_987 : memref<1000000x64xf32, #tpu.memory_space<hbm>>) dst(%dma_wait3A_984 : memref<16x64xf32, #tpu.memory_space<vmem>>)
    %get3A_988 = arith.constant 127 : i32
    %get3A_989 = arith.index_cast %get3A_988 : i32 to index
    %get3A_990 = arith.constant 176 : index
    %get3A_991 = tpu.vector_load %arg7[%get3A_989, %get3A_990] {strides = array<i32>} : memref<128x208xi32, #tpu.memory_space<vmem>>, vector<1x16xi32>,
    %get3A_992 = vector.shape_cast %get3A_991 : vector<1x16xi32> to vector<16xi32>
    %dma_wait3A_993 = arith.constant 176 : i32
    %dma_wait3A_994 = arith.constant 0 : i32
    %dma_wait3A_995 = tpu.memref_slice %arg12[%dma_wait3A_993, %dma_wait3A_994] : memref<208x64xf32, #tpu.memory_space<vmem>> -> memref<16x64xf32, #tpu.memory_space<vmem>>
    %dma_wait3A_996 = arith.constant 0 : i32
    %dma_wait3A_997 = arith.constant 0 : i32
    %dma_wait3A_998 = tpu.memref_slice %arg5[%dma_wait3A_996, %dma_wait3A_997] : memref<1000000x64xf32, #tpu.memory_space<hbm>> -> memref<1000000x64xf32, #tpu.memory_space<hbm>>
    tpu.wait_indirect_dma semaphore(%arg17 : memref<!tpu.dma_semaphore, #tpu.memory_space<semaphore_mem>>) src(%dma_wait3A_998 : memref<1000000x64xf32, #tpu.memory_space<hbm>>) dst(%dma_wait3A_995 : memref<16x64xf32, #tpu.memory_space<vmem>>)
    %get3A_999 = arith.constant 127 : i32
    %get3A_1000 = arith.index_cast %get3A_999 : i32 to index
    %get3A_1001 = arith.constant 192 : index
    %get3A_1002 = tpu.vector_load %arg7[%get3A_1000, %get3A_1001] {strides = array<i32>} : memref<128x208xi32, #tpu.memory_space<vmem>>, vector<1x16xi32>,
    %get3A_1003 = vector.shape_cast %get3A_1002 : vector<1x16xi32> to vector<16xi32>
    %dma_wait3A_1004 = arith.constant 192 : i32
    %dma_wait3A_1005 = arith.constant 0 : i32
    %dma_wait3A_1006 = tpu.memref_slice %arg12[%dma_wait3A_1004, %dma_wait3A_1005] : memref<208x64xf32, #tpu.memory_space<vmem>> -> memref<16x64xf32, #tpu.memory_space<vmem>>
    %dma_wait3A_1007 = arith.constant 0 : i32
    %dma_wait3A_1008 = arith.constant 0 : i32
    %dma_wait3A_1009 = tpu.memref_slice %arg5[%dma_wait3A_1007, %dma_wait3A_1008] : memref<1000000x64xf32, #tpu.memory_space<hbm>> -> memref<1000000x64xf32, #tpu.memory_space<hbm>>
    tpu.wait_indirect_dma semaphore(%arg17 : memref<!tpu.dma_semaphore, #tpu.memory_space<semaphore_mem>>) src(%dma_wait3A_1009 : memref<1000000x64xf32, #tpu.memory_space<hbm>>) dst(%dma_wait3A_1006 : memref<16x64xf32, #tpu.memory_space<vmem>>)
    %get3A_1010 = arith.constant 127 : i32
    %get3A_1011 = arith.index_cast %get3A_1010 : i32 to index
    %get3A_1012 = arith.constant 0 : index
    %get3A_1013 = tpu.vector_load %arg7[%get3A_1011, %get3A_1012] {strides = array<i32>} : memref<128x208xi32, #tpu.memory_space<vmem>>, vector<1x16xi32>,
    %get3A_1014 = vector.shape_cast %get3A_1013 : vector<1x16xi32> to vector<16xi32>
    %dma_wait3A_1015 = arith.constant 0 : i32
    %dma_wait3A_1016 = arith.constant 0 : i32
    %dma_wait3A_1017 = tpu.memref_slice %arg13[%dma_wait3A_1015, %dma_wait3A_1016] : memref<208x64xf32, #tpu.memory_space<vmem>> -> memref<16x64xf32, #tpu.memory_space<vmem>>
    %dma_wait3A_1018 = arith.constant 0 : i32
    %dma_wait3A_1019 = arith.constant 0 : i32
    %dma_wait3A_1020 = tpu.memref_slice %arg5[%dma_wait3A_1018, %dma_wait3A_1019] : memref<1000000x64xf32, #tpu.memory_space<hbm>> -> memref<1000000x64xf32, #tpu.memory_space<hbm>>
    tpu.wait_indirect_dma semaphore(%arg18 : memref<!tpu.dma_semaphore, #tpu.memory_space<semaphore_mem>>) src(%dma_wait3A_1020 : memref<1000000x64xf32, #tpu.memory_space<hbm>>) dst(%dma_wait3A_1017 : memref<16x64xf32, #tpu.memory_space<vmem>>)
    %get3A_1021 = arith.constant 127 : i32
    %get3A_1022 = arith.index_cast %get3A_1021 : i32 to index
    %get3A_1023 = arith.constant 16 : index
    %get3A_1024 = tpu.vector_load %arg7[%get3A_1022, %get3A_1023] {strides = array<i32>} : memref<128x208xi32, #tpu.memory_space<vmem>>, vector<1x16xi32>,
    %get3A_1025 = vector.shape_cast %get3A_1024 : vector<1x16xi32> to vector<16xi32>
    %dma_wait3A_1026 = arith.constant 16 : i32
    %dma_wait3A_1027 = arith.constant 0 : i32
    %dma_wait3A_1028 = tpu.memref_slice %arg13[%dma_wait3A_1026, %dma_wait3A_1027] : memref<208x64xf32, #tpu.memory_space<vmem>> -> memref<16x64xf32, #tpu.memory_space<vmem>>
    %dma_wait3A_1029 = arith.constant 0 : i32
    %dma_wait3A_1030 = arith.constant 0 : i32
    %dma_wait3A_1031 = tpu.memref_slice %arg5[%dma_wait3A_1029, %dma_wait3A_1030] : memref<1000000x64xf32, #tpu.memory_space<hbm>> -> memref<1000000x64xf32, #tpu.memory_space<hbm>>
    tpu.wait_indirect_dma semaphore(%arg18 : memref<!tpu.dma_semaphore, #tpu.memory_space<semaphore_mem>>) src(%dma_wait3A_1031 : memref<1000000x64xf32, #tpu.memory_space<hbm>>) dst(%dma_wait3A_1028 : memref<16x64xf32, #tpu.memory_space<vmem>>)
    %get3A_1032 = arith.constant 127 : i32
    %get3A_1033 = arith.index_cast %get3A_1032 : i32 to index
    %get3A_1034 = arith.constant 32 : index
    %get3A_1035 = tpu.vector_load %arg7[%get3A_1033, %get3A_1034] {strides = array<i32>} : memref<128x208xi32, #tpu.memory_space<vmem>>, vector<1x16xi32>,
    %get3A_1036 = vector.shape_cast %get3A_1035 : vector<1x16xi32> to vector<16xi32>
    %dma_wait3A_1037 = arith.constant 32 : i32
    %dma_wait3A_1038 = arith.constant 0 : i32
    %dma_wait3A_1039 = tpu.memref_slice %arg13[%dma_wait3A_1037, %dma_wait3A_1038] : memref<208x64xf32, #tpu.memory_space<vmem>> -> memref<16x64xf32, #tpu.memory_space<vmem>>
    %dma_wait3A_1040 = arith.constant 0 : i32
    %dma_wait3A_1041 = arith.constant 0 : i32
    %dma_wait3A_1042 = tpu.memref_slice %arg5[%dma_wait3A_1040, %dma_wait3A_1041] : memref<1000000x64xf32, #tpu.memory_space<hbm>> -> memref<1000000x64xf32, #tpu.memory_space<hbm>>
    tpu.wait_indirect_dma semaphore(%arg18 : memref<!tpu.dma_semaphore, #tpu.memory_space<semaphore_mem>>) src(%dma_wait3A_1042 : memref<1000000x64xf32, #tpu.memory_space<hbm>>) dst(%dma_wait3A_1039 : memref<16x64xf32, #tpu.memory_space<vmem>>)
    %get3A_1043 = arith.constant 127 : i32
    %get3A_1044 = arith.index_cast %get3A_1043 : i32 to index
    %get3A_1045 = arith.constant 48 : index
    %get3A_1046 = tpu.vector_load %arg7[%get3A_1044, %get3A_1045] {strides = array<i32>} : memref<128x208xi32, #tpu.memory_space<vmem>>, vector<1x16xi32>,
    %get3A_1047 = vector.shape_cast %get3A_1046 : vector<1x16xi32> to vector<16xi32>
    %dma_wait3A_1048 = arith.constant 48 : i32
    %dma_wait3A_1049 = arith.constant 0 : i32
    %dma_wait3A_1050 = tpu.memref_slice %arg13[%dma_wait3A_1048, %dma_wait3A_1049] : memref<208x64xf32, #tpu.memory_space<vmem>> -> memref<16x64xf32, #tpu.memory_space<vmem>>
    %dma_wait3A_1051 = arith.constant 0 : i32
    %dma_wait3A_1052 = arith.constant 0 : i32
    %dma_wait3A_1053 = tpu.memref_slice %arg5[%dma_wait3A_1051, %dma_wait3A_1052] : memref<1000000x64xf32, #tpu.memory_space<hbm>> -> memref<1000000x64xf32, #tpu.memory_space<hbm>>
    tpu.wait_indirect_dma semaphore(%arg18 : memref<!tpu.dma_semaphore, #tpu.memory_space<semaphore_mem>>) src(%dma_wait3A_1053 : memref<1000000x64xf32, #tpu.memory_space<hbm>>) dst(%dma_wait3A_1050 : memref<16x64xf32, #tpu.memory_space<vmem>>)
    %get3A_1054 = arith.constant 127 : i32
    %get3A_1055 = arith.index_cast %get3A_1054 : i32 to index
    %get3A_1056 = arith.constant 64 : index
    %get3A_1057 = tpu.vector_load %arg7[%get3A_1055, %get3A_1056] {strides = array<i32>} : memref<128x208xi32, #tpu.memory_space<vmem>>, vector<1x16xi32>,
    %get3A_1058 = vector.shape_cast %get3A_1057 : vector<1x16xi32> to vector<16xi32>
    %dma_wait3A_1059 = arith.constant 64 : i32
    %dma_wait3A_1060 = arith.constant 0 : i32
    %dma_wait3A_1061 = tpu.memref_slice %arg13[%dma_wait3A_1059, %dma_wait3A_1060] : memref<208x64xf32, #tpu.memory_space<vmem>> -> memref<16x64xf32, #tpu.memory_space<vmem>>
    %dma_wait3A_1062 = arith.constant 0 : i32
    %dma_wait3A_1063 = arith.constant 0 : i32
    %dma_wait3A_1064 = tpu.memref_slice %arg5[%dma_wait3A_1062, %dma_wait3A_1063] : memref<1000000x64xf32, #tpu.memory_space<hbm>> -> memref<1000000x64xf32, #tpu.memory_space<hbm>>
    tpu.wait_indirect_dma semaphore(%arg18 : memref<!tpu.dma_semaphore, #tpu.memory_space<semaphore_mem>>) src(%dma_wait3A_1064 : memref<1000000x64xf32, #tpu.memory_space<hbm>>) dst(%dma_wait3A_1061 : memref<16x64xf32, #tpu.memory_space<vmem>>)
    %get3A_1065 = arith.constant 127 : i32
    %get3A_1066 = arith.index_cast %get3A_1065 : i32 to index
    %get3A_1067 = arith.constant 80 : index
    %get3A_1068 = tpu.vector_load %arg7[%get3A_1066, %get3A_1067] {strides = array<i32>} : memref<128x208xi32, #tpu.memory_space<vmem>>, vector<1x16xi32>,
    %get3A_1069 = vector.shape_cast %get3A_1068 : vector<1x16xi32> to vector<16xi32>
    %dma_wait3A_1070 = arith.constant 80 : i32
    %dma_wait3A_1071 = arith.constant 0 : i32
    %dma_wait3A_1072 = tpu.memref_slice %arg13[%dma_wait3A_1070, %dma_wait3A_1071] : memref<208x64xf32, #tpu.memory_space<vmem>> -> memref<16x64xf32, #tpu.memory_space<vmem>>
    %dma_wait3A_1073 = arith.constant 0 : i32
    %dma_wait3A_1074 = arith.constant 0 : i32
    %dma_wait3A_1075 = tpu.memref_slice %arg5[%dma_wait3A_1073, %dma_wait3A_1074] : memref<1000000x64xf32, #tpu.memory_space<hbm>> -> memref<1000000x64xf32, #tpu.memory_space<hbm>>
    tpu.wait_indirect_dma semaphore(%arg18 : memref<!tpu.dma_semaphore, #tpu.memory_space<semaphore_mem>>) src(%dma_wait3A_1075 : memref<1000000x64xf32, #tpu.memory_space<hbm>>) dst(%dma_wait3A_1072 : memref<16x64xf32, #tpu.memory_space<vmem>>)
    %get3A_1076 = arith.constant 127 : i32
    %get3A_1077 = arith.index_cast %get3A_1076 : i32 to index
    %get3A_1078 = arith.constant 96 : index
    %get3A_1079 = tpu.vector_load %arg7[%get3A_1077, %get3A_1078] {strides = array<i32>} : memref<128x208xi32, #tpu.memory_space<vmem>>, vector<1x16xi32>,
    %get3A_1080 = vector.shape_cast %get3A_1079 : vector<1x16xi32> to vector<16xi32>
    %dma_wait3A_1081 = arith.constant 96 : i32
    %dma_wait3A_1082 = arith.constant 0 : i32
    %dma_wait3A_1083 = tpu.memref_slice %arg13[%dma_wait3A_1081, %dma_wait3A_1082] : memref<208x64xf32, #tpu.memory_space<vmem>> -> memref<16x64xf32, #tpu.memory_space<vmem>>
    %dma_wait3A_1084 = arith.constant 0 : i32
    %dma_wait3A_1085 = arith.constant 0 : i32
    %dma_wait3A_1086 = tpu.memref_slice %arg5[%dma_wait3A_1084, %dma_wait3A_1085] : memref<1000000x64xf32, #tpu.memory_space<hbm>> -> memref<1000000x64xf32, #tpu.memory_space<hbm>>
    tpu.wait_indirect_dma semaphore(%arg18 : memref<!tpu.dma_semaphore, #tpu.memory_space<semaphore_mem>>) src(%dma_wait3A_1086 : memref<1000000x64xf32, #tpu.memory_space<hbm>>) dst(%dma_wait3A_1083 : memref<16x64xf32, #tpu.memory_space<vmem>>)
    %get3A_1087 = arith.constant 127 : i32
    %get3A_1088 = arith.index_cast %get3A_1087 : i32 to index
    %get3A_1089 = arith.constant 112 : index
    %get3A_1090 = tpu.vector_load %arg7[%get3A_1088, %get3A_1089] {strides = array<i32>} : memref<128x208xi32, #tpu.memory_space<vmem>>, vector<1x16xi32>,
    %get3A_1091 = vector.shape_cast %get3A_1090 : vector<1x16xi32> to vector<16xi32>
    %dma_wait3A_1092 = arith.constant 112 : i32
    %dma_wait3A_1093 = arith.constant 0 : i32
    %dma_wait3A_1094 = tpu.memref_slice %arg13[%dma_wait3A_1092, %dma_wait3A_1093] : memref<208x64xf32, #tpu.memory_space<vmem>> -> memref<16x64xf32, #tpu.memory_space<vmem>>
    %dma_wait3A_1095 = arith.constant 0 : i32
    %dma_wait3A_1096 = arith.constant 0 : i32
    %dma_wait3A_1097 = tpu.memref_slice %arg5[%dma_wait3A_1095, %dma_wait3A_1096] : memref<1000000x64xf32, #tpu.memory_space<hbm>> -> memref<1000000x64xf32, #tpu.memory_space<hbm>>
    tpu.wait_indirect_dma semaphore(%arg18 : memref<!tpu.dma_semaphore, #tpu.memory_space<semaphore_mem>>) src(%dma_wait3A_1097 : memref<1000000x64xf32, #tpu.memory_space<hbm>>) dst(%dma_wait3A_1094 : memref<16x64xf32, #tpu.memory_space<vmem>>)
    %get3A_1098 = arith.constant 127 : i32
    %get3A_1099 = arith.index_cast %get3A_1098 : i32 to index
    %get3A_1100 = arith.constant 128 : index
    %get3A_1101 = tpu.vector_load %arg7[%get3A_1099, %get3A_1100] {strides = array<i32>} : memref<128x208xi32, #tpu.memory_space<vmem>>, vector<1x16xi32>,
    %get3A_1102 = vector.shape_cast %get3A_1101 : vector<1x16xi32> to vector<16xi32>
    %dma_wait3A_1103 = arith.constant 128 : i32
    %dma_wait3A_1104 = arith.constant 0 : i32
    %dma_wait3A_1105 = tpu.memref_slice %arg13[%dma_wait3A_1103, %dma_wait3A_1104] : memref<208x64xf32, #tpu.memory_space<vmem>> -> memref<16x64xf32, #tpu.memory_space<vmem>>
    %dma_wait3A_1106 = arith.constant 0 : i32
    %dma_wait3A_1107 = arith.constant 0 : i32
    %dma_wait3A_1108 = tpu.memref_slice %arg5[%dma_wait3A_1106, %dma_wait3A_1107] : memref<1000000x64xf32, #tpu.memory_space<hbm>> -> memref<1000000x64xf32, #tpu.memory_space<hbm>>
    tpu.wait_indirect_dma semaphore(%arg18 : memref<!tpu.dma_semaphore, #tpu.memory_space<semaphore_mem>>) src(%dma_wait3A_1108 : memref<1000000x64xf32, #tpu.memory_space<hbm>>) dst(%dma_wait3A_1105 : memref<16x64xf32, #tpu.memory_space<vmem>>)
    %get3A_1109 = arith.constant 127 : i32
    %get3A_1110 = arith.index_cast %get3A_1109 : i32 to index
    %get3A_1111 = arith.constant 144 : index
    %get3A_1112 = tpu.vector_load %arg7[%get3A_1110, %get3A_1111] {strides = array<i32>} : memref<128x208xi32, #tpu.memory_space<vmem>>, vector<1x16xi32>,
    %get3A_1113 = vector.shape_cast %get3A_1112 : vector<1x16xi32> to vector<16xi32>
    %dma_wait3A_1114 = arith.constant 144 : i32
    %dma_wait3A_1115 = arith.constant 0 : i32
    %dma_wait3A_1116 = tpu.memref_slice %arg13[%dma_wait3A_1114, %dma_wait3A_1115] : memref<208x64xf32, #tpu.memory_space<vmem>> -> memref<16x64xf32, #tpu.memory_space<vmem>>
    %dma_wait3A_1117 = arith.constant 0 : i32
    %dma_wait3A_1118 = arith.constant 0 : i32
    %dma_wait3A_1119 = tpu.memref_slice %arg5[%dma_wait3A_1117, %dma_wait3A_1118] : memref<1000000x64xf32, #tpu.memory_space<hbm>> -> memref<1000000x64xf32, #tpu.memory_space<hbm>>
    tpu.wait_indirect_dma semaphore(%arg18 : memref<!tpu.dma_semaphore, #tpu.memory_space<semaphore_mem>>) src(%dma_wait3A_1119 : memref<1000000x64xf32, #tpu.memory_space<hbm>>) dst(%dma_wait3A_1116 : memref<16x64xf32, #tpu.memory_space<vmem>>)
    %get3A_1120 = arith.constant 127 : i32
    %get3A_1121 = arith.index_cast %get3A_1120 : i32 to index
    %get3A_1122 = arith.constant 160 : index
    %get3A_1123 = tpu.vector_load %arg7[%get3A_1121, %get3A_1122] {strides = array<i32>} : memref<128x208xi32, #tpu.memory_space<vmem>>, vector<1x16xi32>,
    %get3A_1124 = vector.shape_cast %get3A_1123 : vector<1x16xi32> to vector<16xi32>
    %dma_wait3A_1125 = arith.constant 160 : i32
    %dma_wait3A_1126 = arith.constant 0 : i32
    %dma_wait3A_1127 = tpu.memref_slice %arg13[%dma_wait3A_1125, %dma_wait3A_1126] : memref<208x64xf32, #tpu.memory_space<vmem>> -> memref<16x64xf32, #tpu.memory_space<vmem>>
    %dma_wait3A_1128 = arith.constant 0 : i32
    %dma_wait3A_1129 = arith.constant 0 : i32
    %dma_wait3A_1130 = tpu.memref_slice %arg5[%dma_wait3A_1128, %dma_wait3A_1129] : memref<1000000x64xf32, #tpu.memory_space<hbm>> -> memref<1000000x64xf32, #tpu.memory_space<hbm>>
    tpu.wait_indirect_dma semaphore(%arg18 : memref<!tpu.dma_semaphore, #tpu.memory_space<semaphore_mem>>) src(%dma_wait3A_1130 : memref<1000000x64xf32, #tpu.memory_space<hbm>>) dst(%dma_wait3A_1127 : memref<16x64xf32, #tpu.memory_space<vmem>>)
    %get3A_1131 = arith.constant 127 : i32
    %get3A_1132 = arith.index_cast %get3A_1131 : i32 to index
    %get3A_1133 = arith.constant 176 : index
    %get3A_1134 = tpu.vector_load %arg7[%get3A_1132, %get3A_1133] {strides = array<i32>} : memref<128x208xi32, #tpu.memory_space<vmem>>, vector<1x16xi32>,
    %get3A_1135 = vector.shape_cast %get3A_1134 : vector<1x16xi32> to vector<16xi32>
    %dma_wait3A_1136 = arith.constant 176 : i32
    %dma_wait3A_1137 = arith.constant 0 : i32
    %dma_wait3A_1138 = tpu.memref_slice %arg13[%dma_wait3A_1136, %dma_wait3A_1137] : memref<208x64xf32, #tpu.memory_space<vmem>> -> memref<16x64xf32, #tpu.memory_space<vmem>>
    %dma_wait3A_1139 = arith.constant 0 : i32
    %dma_wait3A_1140 = arith.constant 0 : i32
    %dma_wait3A_1141 = tpu.memref_slice %arg5[%dma_wait3A_1139, %dma_wait3A_1140] : memref<1000000x64xf32, #tpu.memory_space<hbm>> -> memref<1000000x64xf32, #tpu.memory_space<hbm>>
    tpu.wait_indirect_dma semaphore(%arg18 : memref<!tpu.dma_semaphore, #tpu.memory_space<semaphore_mem>>) src(%dma_wait3A_1141 : memref<1000000x64xf32, #tpu.memory_space<hbm>>) dst(%dma_wait3A_1138 : memref<16x64xf32, #tpu.memory_space<vmem>>)
    %get3A_1142 = arith.constant 127 : i32
    %get3A_1143 = arith.index_cast %get3A_1142 : i32 to index
    %get3A_1144 = arith.constant 192 : index
    %get3A_1145 = tpu.vector_load %arg7[%get3A_1143, %get3A_1144] {strides = array<i32>} : memref<128x208xi32, #tpu.memory_space<vmem>>, vector<1x16xi32>,
    %get3A_1146 = vector.shape_cast %get3A_1145 : vector<1x16xi32> to vector<16xi32>
    %dma_wait3A_1147 = arith.constant 192 : i32
    %dma_wait3A_1148 = arith.constant 0 : i32
    %dma_wait3A_1149 = tpu.memref_slice %arg13[%dma_wait3A_1147, %dma_wait3A_1148] : memref<208x64xf32, #tpu.memory_space<vmem>> -> memref<16x64xf32, #tpu.memory_space<vmem>>
    %dma_wait3A_1150 = arith.constant 0 : i32
    %dma_wait3A_1151 = arith.constant 0 : i32
    %dma_wait3A_1152 = tpu.memref_slice %arg5[%dma_wait3A_1150, %dma_wait3A_1151] : memref<1000000x64xf32, #tpu.memory_space<hbm>> -> memref<1000000x64xf32, #tpu.memory_space<hbm>>
    tpu.wait_indirect_dma semaphore(%arg18 : memref<!tpu.dma_semaphore, #tpu.memory_space<semaphore_mem>>) src(%dma_wait3A_1152 : memref<1000000x64xf32, #tpu.memory_space<hbm>>) dst(%dma_wait3A_1149 : memref<16x64xf32, #tpu.memory_space<vmem>>)
    "tpu.region"() ({
      %run_scoped3A = tpu.sem_alloc : memref<!tpu.dma_semaphore, #tpu.memory_space<semaphore_mem>>
      %dma_start3A_1153 = tpu.memref_slice %arg6[%mul3A_2] : memref<4096xf32, #tpu.memory_space<hbm>> -> memref<128xf32, #tpu.memory_space<hbm>>
      %dma_start3A_1154 = tpu.memref_slice %arg6[%mul3A_2] : memref<4096xf32, #tpu.memory_space<hbm>> -> memref<128xf32, #tpu.memory_space<hbm>>
      tpu.enqueue_dma source(%arg14 : memref<128xf32, #tpu.memory_space<vmem>>) target(%dma_start3A_1154 : memref<128xf32, #tpu.memory_space<hbm>>) target_semaphore(%run_scoped3A : memref<!tpu.dma_semaphore, #tpu.memory_space<semaphore_mem>>)
      %dma_wait3A_1155 = tpu.memref_slice %arg6[%mul3A_2] : memref<4096xf32, #tpu.memory_space<hbm>> -> memref<128xf32, #tpu.memory_space<hbm>>
      %dma_wait3A_1156 = tpu.memref_slice %arg6[%mul3A_2] : memref<4096xf32, #tpu.memory_space<hbm>> -> memref<128xf32, #tpu.memory_space<hbm>>
      tpu.wait_dma2 semaphore(%run_scoped3A : memref<!tpu.dma_semaphore, #tpu.memory_space<semaphore_mem>>) src(%arg14 : memref<128xf32, #tpu.memory_space<vmem>>) dst(%dma_wait3A_1156 : memref<128xf32, #tpu.memory_space<hbm>>)
      tpu.yield
    }) : () -> ()
    return
  }
}

</mosaic_0001>

<sc_bundles>
// kernel: kernel.3.cloned.1.call-start
scs
__scs_entry_jumppad:
0x0: {  	(pc) =	sbr.rel $0x88, $3  }
0x1: {  	(tag) =	ssettag $0x0;
	lr =	simm.s32 $0x1  }
0x2: {  	[smem:$0x3F9D] =	sst lr;
	_ =	strace $0xD0000000  }
0x3: {  	_ = 	snop  }
0x4: {  	_ = 	snop  }
0x5: {  	_ = 	snop  }
0x6: {  	_ = 	snop  }
0x7: {  	_ = 	snop  }
__scs_overlays_trampoline_lowered:
0x8: {  	[smem:$0x3FAC] =	sst s0  }
0x9: {  	[smem:$0x3FAD] =	sst s1  }
0xa: {  	[smem:$0x3FAE] =	sst s2  }
0xb: {  	[smem:$0x3FAF] =	sst s3  }
0xc: {  	[smem:$0x3FB0] =	sst s4  }
0xd: {  	[smem:$0x3FB1] =	sst s5  }
0xe: {  	[smem:$0x3FB2] =	sst s6  }
0xf: {  	[smem:$0x3FB3] =	sst s7  }
0x10: {  	[smem:$0x3FB4] =	sst s8  }
0x11: {  	[smem:$0x3FB5] =	sst s9;
	s0 =	simm.s32 @!p0 $0x0  }
0x12: {  	s1 =	sld [smem:$0x3F9B];
	s0 =	simm.s32 @p0 $0x1  }
0x13: {  	[smem:$0x3FB6] =	sst s0;
	s0 =	simm.s32 @!p1 $0x0  }
0x14: {  	s2 =	sld [smem:$0x3F9A];
	s0 =	simm.s32 @p1 $0x1  }
0x15: {  	[smem:$0x3FB7] =	sst s0;
	s0 =	simm.s32 @!p2 $0x0  }
0x16: {  	s3 =	sld [smem:$0x3FDB];
	s0 =	simm.s32 @p2 $0x1  }
0x17: {  	s4 =	simm.s32 $0x1BF5;
	[smem:$0x3FB9] =	sst s0  }
0x18: {  	s0 =	sld [smem:$0x3F9C];
	_ =	swait.ge [sflag:s4], $0x0  }
0x19: {  	s7 =	sld [smem:$0x3F9D]  }
0x1a: {  	s8 =	sadd.s32 $0xFFFFE003, lr  }
0x1b: {  	s9 =	sadd.s32 $0xFFFFFEF7, lr;
	s5 =	simm.s32 $0xFFFFFFFF;
	p2 =	slt.u32 s8, $0xFFFFF086  }
0x1c: {  	p1 =	slt.u32 s9, $0xF7A;
	s5 =	simm.s32 @!p2 $0x0  }
0x1d: {  	s5 =	simm.s32 @p1 $0x1;
	p0 =	seq.s32 s7, s2  }
0x1e: {  	s7 =	smul.u32 @!p0 $0xF7A, s2;
	p2 =	seq.s32 @!p0 s5, $0x0  }
0x1f: {  	s9 =	smul.u32 $0xF7A, s1;
	s8 =	simm.s32 @!p0 $0x1BF5;
	p2 =	por !p2, p0  }
0x20: {  	[sflag:s8] =	ssyncset.s32 @!p0 $0xFFFFF086;
	s6 =	sadd.s32 @!p0 s3, s7;
	s7 =	simm.s32 @!p0 $0x108  }
0x21: {  	s3 =	sadd.s32 s3, s9;
	s6 =	sadd.s32 @!p0 $0x88, s6;
	s7 =	simm.s32 @p2 $0x1082  }
0x22: {  	[simem:s7], [sflag:s8] =	dma.local @!p0 [hbm:s6], $0xF7A  }
0x23: {  	s9 =	sor.u32 $0xD0000000, s2;
	s6 =	simm.s32 $0x108;
	_ =	swait.ge @!p0 [sflag:s8], $0x0  }
0x24: {  	s3 =	sadd.s32 $0x88, s3;
	s6 =	simm.s32 @!p1 $0x1082;
	[sflag:s4] =	ssyncset.s32 $0xFFFFF086  }
0x25: {  	[simem:s6], [sflag:s4] =	dma.local [hbm:s3], $0xF7A  }
0x26: {  	[smem:$0x3F9D] =	sst s1;
	(tag) =	ssettag s2;
	_ =	strace s9  }
0x27: {  	s1 =	sld [smem:$0x3FAD]  }
0x28: {  	s2 =	sld [smem:$0x3FAE]  }
0x29: {  	s4 =	sld [smem:$0x3FB0]  }
0x2a: {  	p0 =	seq.s32 s5, $0x0;
	s5 =	sld [smem:$0x3FB1]  }
0x2b: {  	s6 =	sld [smem:$0x3FB2]  }
0x2c: {  	s7 =	sld [smem:$0x3FB3]  }
0x2d: {  	s3 =	simm.s32 $0x108;
	s8 =	sld [smem:$0x3FB4]  }
0x2e: {  	s3 =	simm.s32 @!p0 $0x1082;
	s9 =	sld [smem:$0x3FB5]  }
0x2f: {  	lr =	sadd.s32 s0, s3;
	s0 =	sld [smem:$0x3FAC]  }
0x30: {  	s3 =	sld [smem:$0x3FAF]  }
0x31: {  	[smem:$0x3FB8] =	sst s10  }
0x32: {  	s10 =	sld [smem:$0x3FB6];
	_ =	sdelay $0x3  }
0x33: {  	p0 =	seq.s32 s10, $0x1;
	s10 =	sld [smem:$0x3FB8];
	_ =	sdelay $0x3  }
0x34: {  	[smem:$0x3FB8] =	sst s10  }
0x35: {  	s10 =	sld [smem:$0x3FB7];
	_ =	sdelay $0x3  }
0x36: {  	p1 =	seq.s32 s10, $0x1;
	s10 =	sld [smem:$0x3FB8];
	_ =	sdelay $0x3  }
0x37: {  	[smem:$0x3FB8] =	sst s10  }
0x38: {  	s10 =	sld [smem:$0x3FB9]  }
0x39: {  	_ = 	snop;
	(pc) =	sbr.ind lr, $3  }
0x3a: {  	_ = 	snop  }
0x3b: {  	_ = 	snop  }
0x3c: {  	p2 =	seq.s32 s10, $0x1;
	s10 =	sld [smem:$0x3FB8]  }
0x3d: {  	_ =	shalt  }
0x3e: {  	_ =	shalt  }
0x3f: {  	_ =	shalt  }
0x40: {  	_ =	shalt  }
0x41: {  	_ =	shalt  }
0x42: {  	_ =	shalt  }
0x43: {  	_ =	shalt  }
0x44: {  	_ =	shalt  }
0x45: {  	_ =	shalt  }
0x46: {  	_ =	shalt  }
0x47: {  	_ =	shalt  }
0x48: {  	_ =	shalt  }
0x49: {  	_ =	shalt  }
0x4a: {  	_ =	shalt  }
0x4b: {  	_ =	shalt  }
0x4c: {  	_ =	shalt  }
0x4d: {  	_ =	shalt  }
0x4e: {  	_ =	shalt  }
0x4f: {  	_ =	shalt  }
0x50: {  	_ =	shalt  }
0x51: {  	_ =	shalt  }
0x52: {  	_ =	shalt  }
0x53: {  	_ =	shalt  }
0x54: {  	_ =	shalt  }
0x55: {  	_ =	shalt  }
0x56: {  	_ =	shalt  }
0x57: {  	_ =	shalt  }
0x58: {  	_ =	shalt  }
0x59: {  	_ =	shalt  }
0x5a: {  	_ =	shalt  }
0x5b: {  	_ =	shalt  }
0x5c: {  	_ =	shalt  }
0x5d: {  	_ =	shalt  }
0x5e: {  	_ =	shalt  }
0x5f: {  	_ =	shalt  }
0x60: {  	_ =	shalt  }
0x61: {  	_ =	shalt  }
0x62: {  	_ =	shalt  }
0x63: {  	_ =	shalt  }
0x64: {  	_ =	shalt  }
0x65: {  	_ =	shalt  }
0x66: {  	_ =	shalt  }
0x67: {  	_ =	shalt  }
0x68: {  	_ =	shalt  }
0x69: {  	_ =	shalt  }
0x6a: {  	_ =	shalt  }
0x6b: {  	_ =	shalt  }
0x6c: {  	_ =	shalt  }
0x6d: {  	_ =	shalt  }
0x6e: {  	_ =	shalt  }
0x6f: {  	_ =	shalt  }
0x70: {  	_ =	shalt  }
0x71: {  	_ =	shalt  }
0x72: {  	_ =	shalt  }
0x73: {  	_ =	shalt  }
0x74: {  	_ =	shalt  }
0x75: {  	_ =	shalt  }
0x76: {  	_ =	shalt  }
0x77: {  	_ =	shalt  }
0x78: {  	_ =	shalt  }
0x79: {  	_ =	shalt  }
0x7a: {  	_ =	shalt  }
0x7b: {  	_ =	shalt  }
0x7c: {  	_ =	shalt  }
0x7d: {  	_ =	shalt  }
0x7e: {  	_ =	shalt  }
0x7f: {  	_ =	shalt  }
0x80: {  	_ =	shalt  }
0x81: {  	_ =	shalt  }
0x82: {  	_ =	shalt  }
0x83: {  	_ =	shalt  }
0x84: {  	_ =	shalt  }
0x85: {  	_ =	shalt  }
0x86: {  	_ =	shalt  }
0x87: {  	_ =	shalt  }
.Lfunc_end0:
.L_simem_size_0:
called_computation_lowered:
.L_overlay_start_0:
0x88: {  	s2 =	sld [smem:$0x3FD9]  }
0x89: {  	s3 =	sld [smem:$0x3FFE];
	_ =	sdelay $0x1  }
0x8a: {  	s1 =	srdreg.scid  }
0x8b: {  	s0 =	sand.u32 $0x1, s1  }
0x8c: {  	s17 =	sshll.u32 s0, $0xA;
	s2 =	sadd.s32 s3, s2  }
0x8d: {  	s2 =	sadd.s32 s2, s17  }
0x8e: {  	[smem:$0x3FC4] =	sst s2  }
0x8f: {  	_ = 	snop  }
0x90: {  	s2 =	sld [smem:$0x3FD0];
	(tm) =	ssettm $0x1  }
0x91: {  	s18 =	sld [smem:$0x3FFB];
	_ =	sdelay $0x3  }
0x92: {  	_ =	strace s18  }
0x93: {  	s3 =	sld [smem:$0x3FFC];
	_ =	sdelay $0x3  }
0x94: {  	_ =	strace s3  }
0x95: {  	s3 =	sld [smem:$0x3FFD];
	_ =	sdelay $0x3  }
0x96: {  	_ =	strace s3  }
0x97: {  	_ =	strace $0x8FFFFFFF  }
0x98: {  	s19 =	sld [smem:$0x3FDB];
	_ =	sdelay $0x1  }
0x99: {  	s4 =	simm.s32 $_scs_section_size  }
0x9a: {  	s5 =	simm.s32 $_size__tile_overlayer_lowered;
	s6 =	simm.s32 $_tile_overlayer_lowered  }
0x9b: {  	s22 =	simm.s32 $0x1BFF;
	s21 =	sshll.u32 s6, $0x1;
	s3 =	sadd.s32 s4, s19  }
0x9c: {  	s7 =	simm.s32 $0x0;
	s20 =	sshll.u32 s5, $0x1;
	s5 =	sadd.s32 s21, s3  }
0x9d: {  	[timem:s7], [sflag:s22] =	dma.local [hbm:s5], s20  }
0x9e: {  	_ =	swait.ge [sflag:s22], s20  }
0x9f: {  	s4 =	ssub.s32 $0x0, s20;
	[sflag:s22] =	ssyncset.done $0x0  }
0xa0: {  	[sflag:s22] =	ssyncadd.s32 s4;
	_ =	sdelay $0x1  }
0xa1: {  	s23 =	simm.s32 $0x1B8B  }
0xa2: {  	_ =	swait.ge [sflag:s23], $0x1  }
0xa3: {  	[sflag:s23] =	ssyncset.done $0x0  }
0xa4: {  	s25 =	simm.s32 $0x1B8E;
	s24 =	sld [smem:$0x3FFE];
	[sflag:s23] =	ssyncadd.s32 $0xFFFFFFFF  }
0xa5: {  	s26 =	simm.s32 $execute0_lowered;
	[smem:$0x3FD2] =	sst s25  }
0xa6: {  	s5 =	sshll.u32 s26, $0x1;
	_ =	strace $0x80000046;
	[dreg:$0x1] =	wrdreg $0xFFFFFFFF  }
0xa7: {  	s28 =	simm.s32 $_size_execute0_lowered;
	s3 =	sadd.s32 s3, s5;
	[dreg:$0x0] =	wrdreg $0x0  }
0xa8: {  	s5 =	sshll.u32 s28, $0x1;
	[dreg:$0x2] =	wrdreg s3  }
0xa9: {  	[dreg:$0x3] =	wrdreg s5  }
0xaa: {  	[dreg:$0x4] =	wrdreg $0xC0  }
0xab: {  	_ =	task [dreg:s7], $0x5FFFF  }
0xac: {  	[dreg:$0x1] =	wrdreg $0xFFFFFFFF  }
0xad: {  	[dreg:$0x0] =	wrdreg $0x60  }
0xae: {  	[dreg:$0x2] =	wrdreg s24  }
0xaf: {  	[dreg:$0x3] =	wrdreg s2  }
0xb0: {  	[dreg:$0x4] =	wrdreg $0x9  }
0xb1: {  	_ =	task.clear_ibuf [dreg:s7], $0x5FFFF;
	_ =	strace $0x90000046  }
0xb2: {  	s29 =	simm.s32 $0x9;
	_ =	strace $0x80000048  }
0xb3: {  	_ =	swait.ge [sflag:s29], $0x1  }
0xb4: {  	[sflag:s29] =	ssyncadd.s32 $0xFFFFFFFF  }
0xb5: {  	_ =	strace $0x90000048  }
0xb6: {  	_ =	sfence  }
0xb7: {  	s30 =	sld [smem:$0x0];
	_ =	sdelay $0x2  }
0xb8: {  	s31 =	sshll.u32 s1, $0xD;
	s1 =	sshrl.u32 s1, $0x2  }
0xb9: {  	s3 =	sand.u32 $0x4000, s31;
	s1 =	sadd.s32 s1, s30  }
0xba: {  	s0 =	sor.u32 s3, s0;
	s1 =	sshll.u32 s1, $0x11  }
0xbb: {  	s0 =	sor.u32 s1, s0  }
0xbc: {  	s0 =	sadd.s32 $0x8F2B, s0  }
0xbd: {  	[sflag:s0] =	ssyncadd.remote.s32 $0x1  }
0xbe: {  	_ =	sfence.sel $0xFFFF  }
0xbf: {  	[dreg:$0x0] =	wrdreg $0xFFFFFFFF;
	(pc) =	sbr.abs _section_cstart, $3  }
0xc0: {  	[dreg:$0x1] =	wrdreg $0xFFFFFFFF  }
0xc1: {  	_ =	task.clear_ibuf [dreg:s7], $0x2FFFF;
	_ =	strace $0x9FFFFFFF  }
0xc2: {  	(tm) =	ssettm $0x7FFFFFFF  }
0xc3: {  	_ =	shalt  }
tec
execute0_lowered:
.L_overlay_start_1:
0x0: {  	(tag) =	ssettag $0x1  }
0x1: {  	s0 =	srdreg.scid  }
0x2: {  	s1 =	rddreg [dreg:$0x0];
	s2 =	stileid.u32  }
0x3: {  	s3 =	rddreg [dreg:$0x1];
	s12 =	simm.s32 $0x5;
	s15 =	simm.s32 $0x11C10  }
0x4: {  	s16 =	simm.s32 $0x12010;
	s17 =	simm.s32 $0x12410;
	s18 =	simm.s32 $0x12810  }
0x5: {  	s19 =	simm.s32 $0x12C10;
	s20 =	simm.s32 $0x13010;
	s21 =	simm.s32 $0x13410  }
0x6: {  	s28 =	simm.s32 $0x14C10;
	s29 =	simm.s32 $0x15010;
	s30 =	simm.s32 $0x15410  }
0x7: {  	s31 =	simm.s32 $0x15810;
	s9 =	simm.s32 $0x16410;
	s11 =	simm.s32 $0x16810  }
0x8: {  	v0 =	vimm.s32 $0xEFCDAB89;
	s7 =	simm.s32 $0x4;
	s10 =	simm.s32 $0x0;
	s0 =	sand.u32 $0x1, s0  }
0x9: {  	v1 =	vimm.s32 $0x67452301;
	v2 =	vimm.s32 $0xDCFE98BA;
	s4 =	sshll.u32 s2, $0x8;
	s2 =	simm.s32 $0x0;
	s22 =	sadd.s32 $0x1A400, s1  }
0xa: {  	v3 =	vimm.s32 $0x54761032;
	v4 =	vimm.s32 $0xBA98FEDC;
	s23 =	sadd.s32 $0x1AC00, s1;
	s5 =	sshll.u32 s0, $0x7;
	[smem:$0x7FF] =	sst s2  }
0xb: {  	v5 =	vimm.s32 $0x32107654;
	v6 =	vimm.s32 $0xFEDCBA98;
	s0 =	ssub.s32 $0x2, s0;
	_ =	strace $0x80000047;
	[dreg:$0x3] =	wrdreg s22  }
0xc: {  	v7 =	vimm.s32 $0x76543210;
	vm0 =	vmmov $0xffff;
	v0 =	vunpack.c.l.s4.s8 v0;
	s4 =	sor.u32 s5, s4;
	[dreg:$0x4] =	wrdreg s23;
	s24 =	sshrl.u32 s0, $0x1  }
0xd: {  	v1 =	vunpack.c.l.s4.s8 v1;
	v2 =	vunpack.c.l.s4.s8 v2;
	v3 =	vunpack.c.l.s4.s8 v3;
	s22 =	simm.s32 $0x13810;
	s23 =	simm.s32 $0x13C10;
	s5 =	smul.u32 $0x1A, s4  }
0xe: {  	v4 =	vunpack.c.l.s4.s8 v4;
	v5 =	vunpack.c.l.s4.s8 v5;
	v6 =	vunpack.c.l.s4.s8 v6;
	s0 =	ssub.s32 s0, s24;
	s26 =	sshrl.u32 s4, $0x3;
	s24 =	simm.s32 $0x14010  }
0xf: {  	v7 =	vunpack.c.l.s4.s8 v7;
	v0 =	vunpack.c.0.s8.s32 v0;
	v1 =	vunpack.c.0.s8.s32 v1;
	s4 =	simm.s32 $0x2;
	s0 =	smax.u32 s0, $0x1;
	s6 =	sadd.s32 s5, s1  }
0x10: {  	v2 =	vunpack.c.0.s8.s32 v2;
	v3 =	vunpack.c.0.s8.s32 v3;
	v6 =	vunpack.c.0.s8.s32 v6;
	s5 =	sadd.s32 $0xF42800, s1;
	s1 =	sadd.s32 s3, s26;
	[dreg:$0x7] =	wrdreg s0  }
0x11: {  	v4 =	vunpack.c.0.s8.s32 v4;
	v5 =	vunpack.c.0.s8.s32 v5;
	v7 =	vunpack.c.0.s8.s32 v7;
	s26 =	simm.s32 $0x14810;
	s0 =	simm.s32 $0x16010;
	s3 =	simm.s32 $0x1  }
0x12: {  	v0 =	vcombine.low v1, v0;
	v1 =	vcombine.low v3, v2;
	v3 =	vand.u32 $0xF, v6;
	s25 =	sadd.s32 $0x400, s6;
	[dreg:$0x6] =	wrdreg s1;
	s1 =	simm.s32 $0x15C10  }
0x13: {  	v2 =	vcombine.low v5, v4;
	v4 =	vlaneseq.u32;
	v3 =	vcombine.low v3, v7;
	s6 =	simm.s32 $0x3;
	[dreg:$0x5] =	wrdreg s25;
	s25 =	simm.s32 $0x14410  }
.LBB2_1:
0x14: {  	[dreg:$0x8] =	wrdreg s10  }
0x15: {  	s8 =	rddreg [dreg:$0x3];
	s14 =	simm.s32 $0x6800  }
0x16: {  	[tilespmem:s14], [sflag:$0x5] =	stream.linear.gather [hbm4b:s8+s2], $0x3400, $0x38;
	[tilespmem:$0x16C90] =	vst v63  }
0x17: {  	_ =	swait.ge [sflag:s12], $0x3400  }
0x18: {  	[sflag:s12] =	ssyncset.done $0x0  }
0x19: {  	s13 =	simm.s32 $0x9C00;
	s10 =	rddreg [dreg:$0x4];
	[sflag:s12] =	ssyncadd.s32 $0xFFFFCC00  }
0x1a: {  	[tilespmem:s13], [sflag:$0x5] =	stream.linear.gather [hbm4b:s10+s2], $0x10, $0x38;
	[tilespmem:$0x16C90] =	vst v63  }
0x1b: {  	_ =	swait.ge [sflag:s12], $0x10  }
0x1c: {  	[sflag:s12] =	ssyncset.done $0x0  }
0x1d: {  	s14 =	rddreg [dreg:$0x5];
	[sflag:s12] =	ssyncadd.s32 $0xFFFFFFF0  }
0x1e: {  	[tilespmem:s2], [sflag:$0x5] =	stream.linear.gather [hbm4b:s14+s2], $0x6800, $0x38;
	[tilespmem:$0x16C90] =	vst v63  }
0x1f: {  	_ =	swait.ge [sflag:s12], $0x6800  }
0x20: {  	[sflag:s12] =	ssyncset.done $0x0  }
0x21: {  	[sflag:s12] =	ssyncadd.s32 $0xFFFF9800  }
0x22: {  	v6 =	vld [tilespmem:$0x0];
	_ =	sdelay $0x6  }
0x23: {  	s10 =	simm.s32 $0x9C10  }
0x24: {  	v5 =	vld [tilespmem:$0x9C00];
	[tilespmem:s10], [sflag:$0x1] =	stream.indirect_vreg.gather [hbm4b:s5+s2], $0x40, v6, vm0, $0xb8  }
0x25: {  	v6 =	vld [tilespmem:$0x10];
	_ =	sdelay $0x6  }
0x26: {  	s12 =	simm.s32 $0xA010  }
0x27: {  	[tilespmem:s12], [sflag:$0x1] =	stream.indirect_vreg.gather [hbm4b:s5+s2], $0x40, v6, vm0, $0xb8;
	[tilespmem:$0x16C90] =	vst v63  }
0x28: {  	v6 =	vld [tilespmem:$0x20];
	_ =	sdelay $0x6  }
0x29: {  	s13 =	simm.s32 $0xA410  }
0x2a: {  	[tilespmem:s13], [sflag:$0x1] =	stream.indirect_vreg.gather [hbm4b:s5+s2], $0x40, v6, vm0, $0xb8;
	[tilespmem:$0x16C90] =	vst v63  }
0x2b: {  	v6 =	vld [tilespmem:$0x30];
	_ =	sdelay $0x6  }
0x2c: {  	s14 =	simm.s32 $0xA810  }
0x2d: {  	[tilespmem:s14], [sflag:$0x1] =	stream.indirect_vreg.gather [hbm4b:s5+s2], $0x40, v6, vm0, $0xb8;
	[tilespmem:$0x16C90] =	vst v63  }
0x2e: {  	v6 =	vld [tilespmem:$0x40];
	_ =	sdelay $0x6  }
0x2f: {  	s10 =	simm.s32 $0xAC10  }
0x30: {  	[tilespmem:s10], [sflag:$0x1] =	stream.indirect_vreg.gather [hbm4b:s5+s2], $0x40, v6, vm0, $0xb8;
	[tilespmem:$0x16C90] =	vst v63  }
0x31: {  	v6 =	vld [tilespmem:$0x50];
	_ =	sdelay $0x6  }
0x32: {  	s12 =	simm.s32 $0xB010  }
0x33: {  	[tilespmem:s12], [sflag:$0x1] =	stream.indirect_vreg.gather [hbm4b:s5+s2], $0x40, v6, vm0, $0xb8;
	[tilespmem:$0x16C90] =	vst v63  }
0x34: {  	v6 =	vld [tilespmem:$0x60];
	_ =	sdelay $0x6  }
0x35: {  	s13 =	simm.s32 $0xB410  }
0x36: {  	[tilespmem:s13], [sflag:$0x1] =	stream.indirect_vreg.gather [hbm4b:s5+s2], $0x40, v6, vm0, $0xb8;
	[tilespmem:$0x16C90] =	vst v63  }
0x37: {  	v6 =	vld [tilespmem:$0x70];
	_ =	sdelay $0x6  }
0x38: {  	s14 =	simm.s32 $0xB810  }
0x39: {  	[tilespmem:s14], [sflag:$0x1] =	stream.indirect_vreg.gather [hbm4b:s5+s2], $0x40, v6, vm0, $0xb8;
	[tilespmem:$0x16C90] =	vst v63  }
0x3a: {  	v6 =	vld [tilespmem:$0x80];
	_ =	sdelay $0x6  }
0x3b: {  	s10 =	simm.s32 $0xBC10  }
0x3c: {  	[tilespmem:s10], [sflag:$0x1] =	stream.indirect_vreg.gather [hbm4b:s5+s2], $0x40, v6, vm0, $0xb8;
	[tilespmem:$0x16C90] =	vst v63  }
0x3d: {  	v6 =	vld [tilespmem:$0x90];
	_ =	sdelay $0x6  }
0x3e: {  	s12 =	simm.s32 $0xC010  }
0x3f: {  	[tilespmem:s12], [sflag:$0x1] =	stream.indirect_vreg.gather [hbm4b:s5+s2], $0x40, v6, vm0, $0xb8;
	[tilespmem:$0x16C90] =	vst v63  }
0x40: {  	v6 =	vld [tilespmem:$0xA0];
	_ =	sdelay $0x6  }
0x41: {  	s13 =	simm.s32 $0xC410  }
0x42: {  	[tilespmem:s13], [sflag:$0x1] =	stream.indirect_vreg.gather [hbm4b:s5+s2], $0x40, v6, vm0, $0xb8;
	[tilespmem:$0x16C90] =	vst v63  }
0x43: {  	v6 =	vld [tilespmem:$0xB0];
	_ =	sdelay $0x6  }
0x44: {  	s14 =	simm.s32 $0xC810  }
0x45: {  	[tilespmem:s14], [sflag:$0x1] =	stream.indirect_vreg.gather [hbm4b:s5+s2], $0x40, v6, vm0, $0xb8;
	[tilespmem:$0x16C90] =	vst v63  }
0x46: {  	v6 =	vld [tilespmem:$0xC0];
	_ =	sdelay $0x6  }
0x47: {  	s10 =	simm.s32 $0xCC10  }
0x48: {  	[tilespmem:s10], [sflag:$0x1] =	stream.indirect_vreg.gather [hbm4b:s5+s2], $0x40, v6, vm0, $0xb8;
	[tilespmem:$0x16C90] =	vst v63  }
0x49: {  	v6 =	vld [tilespmem:$0xD0];
	_ =	sdelay $0x6  }
0x4a: {  	s12 =	simm.s32 $0xD010  }
0x4b: {  	[tilespmem:s12], [sflag:$0x2] =	stream.indirect_vreg.gather [hbm4b:s5+s2], $0x40, v6, vm0, $0xb8;
	[tilespmem:$0x16C90] =	vst v63  }
0x4c: {  	v6 =	vld [tilespmem:$0xE0];
	_ =	sdelay $0x6  }
0x4d: {  	s13 =	simm.s32 $0xD410  }
0x4e: {  	[tilespmem:s13], [sflag:$0x2] =	stream.indirect_vreg.gather [hbm4b:s5+s2], $0x40, v6, vm0, $0xb8;
	[tilespmem:$0x16C90] =	vst v63  }
0x4f: {  	v6 =	vld [tilespmem:$0xF0];
	_ =	sdelay $0x6  }
0x50: {  	s14 =	simm.s32 $0xD810  }
0x51: {  	[tilespmem:s14], [sflag:$0x2] =	stream.indirect_vreg.gather [hbm4b:s5+s2], $0x40, v6, vm0, $0xb8;
	[tilespmem:$0x16C90] =	vst v63  }
0x52: {  	v6 =	vld [tilespmem:$0x100];
	_ =	sdelay $0x6  }
0x53: {  	s10 =	simm.s32 $0xDC10  }
0x54: {  	[tilespmem:s10], [sflag:$0x2] =	stream.indirect_vreg.gather [hbm4b:s5+s2], $0x40, v6, vm0, $0xb8;
	[tilespmem:$0x16C90] =	vst v63  }
0x55: {  	v6 =	vld [tilespmem:$0x110];
	_ =	sdelay $0x6  }
0x56: {  	s12 =	simm.s32 $0xE010  }
0x57: {  	[tilespmem:s12], [sflag:$0x2] =	stream.indirect_vreg.gather [hbm4b:s5+s2], $0x40, v6, vm0, $0xb8;
	[tilespmem:$0x16C90] =	vst v63  }
0x58: {  	v6 =	vld [tilespmem:$0x120];
	_ =	sdelay $0x6  }
0x59: {  	s13 =	simm.s32 $0xE410  }
0x5a: {  	[tilespmem:s13], [sflag:$0x2] =	stream.indirect_vreg.gather [hbm4b:s5+s2], $0x40, v6, vm0, $0xb8;
	[tilespmem:$0x16C90] =	vst v63  }
0x5b: {  	v6 =	vld [tilespmem:$0x130];
	_ =	sdelay $0x6  }
0x5c: {  	s14 =	simm.s32 $0xE810  }
0x5d: {  	[tilespmem:s14], [sflag:$0x2] =	stream.indirect_vreg.gather [hbm4b:s5+s2], $0x40, v6, vm0, $0xb8;
	[tilespmem:$0x16C90] =	vst v63  }
0x5e: {  	v6 =	vld [tilespmem:$0x140];
	_ =	sdelay $0x6  }
0x5f: {  	s10 =	simm.s32 $0xEC10  }
0x60: {  	[tilespmem:s10], [sflag:$0x2] =	stream.indirect_vreg.gather [hbm4b:s5+s2], $0x40, v6, vm0, $0xb8;
	[tilespmem:$0x16C90] =	vst v63  }
0x61: {  	v6 =	vld [tilespmem:$0x150];
	_ =	sdelay $0x6  }
0x62: {  	s12 =	simm.s32 $0xF010  }
0x63: {  	[tilespmem:s12], [sflag:$0x2] =	stream.indirect_vreg.gather [hbm4b:s5+s2], $0x40, v6, vm0, $0xb8;
	[tilespmem:$0x16C90] =	vst v63  }
0x64: {  	v6 =	vld [tilespmem:$0x160];
	_ =	sdelay $0x6  }
0x65: {  	s13 =	simm.s32 $0xF410  }
0x66: {  	[tilespmem:s13], [sflag:$0x2] =	stream.indirect_vreg.gather [hbm4b:s5+s2], $0x40, v6, vm0, $0xb8;
	[tilespmem:$0x16C90] =	vst v63  }
0x67: {  	v6 =	vld [tilespmem:$0x170];
	_ =	sdelay $0x6  }
0x68: {  	s14 =	simm.s32 $0xF810  }
0x69: {  	[tilespmem:s14], [sflag:$0x2] =	stream.indirect_vreg.gather [hbm4b:s5+s2], $0x40, v6, vm0, $0xb8;
	[tilespmem:$0x16C90] =	vst v63  }
0x6a: {  	v6 =	vld [tilespmem:$0x180];
	_ =	sdelay $0x6  }
0x6b: {  	s10 =	simm.s32 $0xFC10  }
0x6c: {  	[tilespmem:s10], [sflag:$0x2] =	stream.indirect_vreg.gather [hbm4b:s5+s2], $0x40, v6, vm0, $0xb8;
	[tilespmem:$0x16C90] =	vst v63  }
0x6d: {  	v6 =	vld [tilespmem:$0x190];
	_ =	sdelay $0x6  }
0x6e: {  	s12 =	simm.s32 $0x10010  }
0x6f: {  	[tilespmem:s12], [sflag:$0x2] =	stream.indirect_vreg.gather [hbm4b:s5+s2], $0x40, v6, vm0, $0xb8;
	[tilespmem:$0x16C90] =	vst v63  }
0x70: {  	v6 =	vld [tilespmem:$0x1A0];
	_ =	sdelay $0x6  }
0x71: {  	s13 =	simm.s32 $0x10410  }
0x72: {  	[tilespmem:s13], [sflag:$0x3] =	stream.indirect_vreg.gather [hbm4b:s5+s2], $0x40, v6, vm0, $0xb8;
	[tilespmem:$0x16C90] =	vst v63  }
0x73: {  	v6 =	vld [tilespmem:$0x1B0];
	_ =	sdelay $0x6  }
0x74: {  	s14 =	simm.s32 $0x10810  }
0x75: {  	[tilespmem:s14], [sflag:$0x3] =	stream.indirect_vreg.gather [hbm4b:s5+s2], $0x40, v6, vm0, $0xb8;
	[tilespmem:$0x16C90] =	vst v63  }
0x76: {  	v6 =	vld [tilespmem:$0x1C0];
	_ =	sdelay $0x6  }
0x77: {  	s10 =	simm.s32 $0x10C10  }
0x78: {  	[tilespmem:s10], [sflag:$0x3] =	stream.indirect_vreg.gather [hbm4b:s5+s2], $0x40, v6, vm0, $0xb8;
	[tilespmem:$0x16C90] =	vst v63  }
0x79: {  	v6 =	vld [tilespmem:$0x1D0];
	_ =	sdelay $0x6  }
0x7a: {  	s12 =	simm.s32 $0x11010  }
0x7b: {  	[tilespmem:s12], [sflag:$0x3] =	stream.indirect_vreg.gather [hbm4b:s5+s2], $0x40, v6, vm0, $0xb8;
	[tilespmem:$0x16C90] =	vst v63  }
0x7c: {  	v6 =	vld [tilespmem:$0x1E0];
	_ =	sdelay $0x6  }
0x7d: {  	s13 =	simm.s32 $0x11410  }
0x7e: {  	[tilespmem:s13], [sflag:$0x3] =	stream.indirect_vreg.gather [hbm4b:s5+s2], $0x40, v6, vm0, $0xb8;
	[tilespmem:$0x16C90] =	vst v63  }
0x7f: {  	v6 =	vld [tilespmem:$0x1F0];
	_ =	sdelay $0x6  }
0x80: {  	s14 =	simm.s32 $0x11810  }
0x81: {  	[tilespmem:s14], [sflag:$0x3] =	stream.indirect_vreg.gather [hbm4b:s5+s2], $0x40, v6, vm0, $0xb8;
	[tilespmem:$0x16C90] =	vst v63  }
0x82: {  	v6 =	vld [tilespmem:$0x200];
	_ =	sdelay $0x7  }
0x83: {  	[tilespmem:s15], [sflag:$0x3] =	stream.indirect_vreg.gather [hbm4b:s5+s2], $0x40, v6, vm0, $0xb8;
	[tilespmem:$0x16C90] =	vst v63  }
0x84: {  	v6 =	vld [tilespmem:$0x210];
	_ =	sdelay $0x7  }
0x85: {  	[tilespmem:s16], [sflag:$0x3] =	stream.indirect_vreg.gather [hbm4b:s5+s2], $0x40, v6, vm0, $0xb8;
	[tilespmem:$0x16C90] =	vst v63  }
0x86: {  	v6 =	vld [tilespmem:$0x220];
	_ =	sdelay $0x7  }
0x87: {  	[tilespmem:s17], [sflag:$0x3] =	stream.indirect_vreg.gather [hbm4b:s5+s2], $0x40, v6, vm0, $0xb8;
	[tilespmem:$0x16C90] =	vst v63  }
0x88: {  	v6 =	vld [tilespmem:$0x230];
	_ =	sdelay $0x7  }
0x89: {  	[tilespmem:s18], [sflag:$0x3] =	stream.indirect_vreg.gather [hbm4b:s5+s2], $0x40, v6, vm0, $0xb8;
	[tilespmem:$0x16C90] =	vst v63  }
0x8a: {  	v6 =	vld [tilespmem:$0x240];
	_ =	sdelay $0x7  }
0x8b: {  	[tilespmem:s19], [sflag:$0x3] =	stream.indirect_vreg.gather [hbm4b:s5+s2], $0x40, v6, vm0, $0xb8;
	[tilespmem:$0x16C90] =	vst v63  }
0x8c: {  	v6 =	vld [tilespmem:$0x250];
	_ =	sdelay $0x7  }
0x8d: {  	[tilespmem:s20], [sflag:$0x3] =	stream.indirect_vreg.gather [hbm4b:s5+s2], $0x40, v6, vm0, $0xb8;
	[tilespmem:$0x16C90] =	vst v63  }
0x8e: {  	v6 =	vld [tilespmem:$0x260];
	_ =	sdelay $0x7  }
0x8f: {  	[tilespmem:s21], [sflag:$0x3] =	stream.indirect_vreg.gather [hbm4b:s5+s2], $0x40, v6, vm0, $0xb8;
	[tilespmem:$0x16C90] =	vst v63  }
0x90: {  	v6 =	vld [tilespmem:$0x270];
	_ =	sdelay $0x7  }
0x91: {  	[tilespmem:s22], [sflag:$0x4] =	stream.indirect_vreg.gather [hbm4b:s5+s2], $0x40, v6, vm0, $0xb8;
	[tilespmem:$0x16C90] =	vst v63  }
0x92: {  	v6 =	vld [tilespmem:$0x280];
	_ =	sdelay $0x7  }
0x93: {  	[tilespmem:s23], [sflag:$0x4] =	stream.indirect_vreg.gather [hbm4b:s5+s2], $0x40, v6, vm0, $0xb8;
	[tilespmem:$0x16C90] =	vst v63  }
0x94: {  	v6 =	vld [tilespmem:$0x290];
	_ =	sdelay $0x7  }
0x95: {  	[tilespmem:s24], [sflag:$0x4] =	stream.indirect_vreg.gather [hbm4b:s5+s2], $0x40, v6, vm0, $0xb8;
	[tilespmem:$0x16C90] =	vst v63  }
0x96: {  	v6 =	vld [tilespmem:$0x2A0];
	_ =	sdelay $0x7  }
0x97: {  	[tilespmem:s25], [sflag:$0x4] =	stream.indirect_vreg.gather [hbm4b:s5+s2], $0x40, v6, vm0, $0xb8;
	[tilespmem:$0x16C90] =	vst v63  }
0x98: {  	v6 =	vld [tilespmem:$0x2B0];
	_ =	sdelay $0x7  }
0x99: {  	[tilespmem:s26], [sflag:$0x4] =	stream.indirect_vreg.gather [hbm4b:s5+s2], $0x40, v6, vm0, $0xb8;
	[tilespmem:$0x16C90] =	vst v63  }
0x9a: {  	v6 =	vld [tilespmem:$0x2C0];
	_ =	sdelay $0x7  }
0x9b: {  	[tilespmem:s28], [sflag:$0x4] =	stream.indirect_vreg.gather [hbm4b:s5+s2], $0x40, v6, vm0, $0xb8;
	[tilespmem:$0x16C90] =	vst v63  }
0x9c: {  	v6 =	vld [tilespmem:$0x2D0];
	_ =	sdelay $0x7  }
0x9d: {  	[tilespmem:s29], [sflag:$0x4] =	stream.indirect_vreg.gather [hbm4b:s5+s2], $0x40, v6, vm0, $0xb8;
	[tilespmem:$0x16C90] =	vst v63  }
0x9e: {  	v6 =	vld [tilespmem:$0x2E0];
	_ =	sdelay $0x7  }
0x9f: {  	[tilespmem:s30], [sflag:$0x4] =	stream.indirect_vreg.gather [hbm4b:s5+s2], $0x40, v6, vm0, $0xb8;
	[tilespmem:$0x16C90] =	vst v63  }
0xa0: {  	v6 =	vld [tilespmem:$0x2F0];
	_ =	sdelay $0x7  }
0xa1: {  	[tilespmem:s31], [sflag:$0x4] =	stream.indirect_vreg.gather [hbm4b:s5+s2], $0x40, v6, vm0, $0xb8;
	[tilespmem:$0x16C90] =	vst v63  }
0xa2: {  	v6 =	vld [tilespmem:$0x300];
	_ =	sdelay $0x7  }
0xa3: {  	[tilespmem:s1], [sflag:$0x4] =	stream.indirect_vreg.gather [hbm4b:s5+s2], $0x40, v6, vm0, $0xb8;
	[tilespmem:$0x16C90] =	vst v63  }
0xa4: {  	v6 =	vld [tilespmem:$0x310];
	_ =	sdelay $0x7  }
0xa5: {  	[tilespmem:s0], [sflag:$0x4] =	stream.indirect_vreg.gather [hbm4b:s5+s2], $0x40, v6, vm0, $0xb8;
	[tilespmem:$0x16C90] =	vst v63  }
0xa6: {  	v6 =	vld [tilespmem:$0x320];
	_ =	sdelay $0x7  }
0xa7: {  	[tilespmem:s9], [sflag:$0x4] =	stream.indirect_vreg.gather [hbm4b:s5+s2], $0x40, v6, vm0, $0xb8;
	[tilespmem:$0x16C90] =	vst v63  }
0xa8: {  	v6 =	vld [tilespmem:$0x330];
	_ =	sdelay $0x6  }
0xa9: {  	s8 =	simm.s32 $0x0  }
0xaa: {  	v7 =	vimm.f32 $0.0e+00;
	[tilespmem:s11], [sflag:$0x4] =	stream.indirect_vreg.gather [hbm4b:s5+s2], $0x40, v6, vm0, $0xb8;
	v6 =	vimm.f32 $0.0e+00;
	[tilespmem:$0x16C90] =	vst v63  }
.LBB2_2:
0xab: {  	_ =	swait.ge [sflag:s3], $0x400  }
0xac: {  	[sflag:s3] =	ssyncset.done $0x0  }
0xad: {  	[sflag:s3] =	ssyncadd.s32 $0xFFFFFC00  }
0xae: {  	_ =	swait.ge [sflag:s3], $0x400  }
0xaf: {  	[sflag:s3] =	ssyncset.done $0x0  }
0xb0: {  	[sflag:s3] =	ssyncadd.s32 $0xFFFFFC00  }
0xb1: {  	_ =	swait.ge [sflag:s3], $0x400  }
0xb2: {  	[sflag:s3] =	ssyncset.done $0x0  }
0xb3: {  	[sflag:s3] =	ssyncadd.s32 $0xFFFFFC00  }
0xb4: {  	_ =	swait.ge [sflag:s3], $0x400  }
0xb5: {  	[sflag:s3] =	ssyncset.done $0x0  }
0xb6: {  	[sflag:s3] =	ssyncadd.s32 $0xFFFFFC00  }
0xb7: {  	_ =	swait.ge [sflag:s3], $0x400  }
0xb8: {  	[sflag:s3] =	ssyncset.done $0x0  }
0xb9: {  	[sflag:s3] =	ssyncadd.s32 $0xFFFFFC00  }
0xba: {  	_ =	swait.ge [sflag:s3], $0x400  }
0xbb: {  	[sflag:s3] =	ssyncset.done $0x0  }
0xbc: {  	[sflag:s3] =	ssyncadd.s32 $0xFFFFFC00  }
0xbd: {  	_ =	swait.ge [sflag:s3], $0x400  }
0xbe: {  	[sflag:s3] =	ssyncset.done $0x0  }
0xbf: {  	[sflag:s3] =	ssyncadd.s32 $0xFFFFFC00  }
0xc0: {  	_ =	swait.ge [sflag:s3], $0x400  }
0xc1: {  	[sflag:s3] =	ssyncset.done $0x0  }
0xc2: {  	[sflag:s3] =	ssyncadd.s32 $0xFFFFFC00  }
0xc3: {  	_ =	swait.ge [sflag:s3], $0x400  }
0xc4: {  	[sflag:s3] =	ssyncset.done $0x0  }
0xc5: {  	[sflag:s3] =	ssyncadd.s32 $0xFFFFFC00  }
0xc6: {  	_ =	swait.ge [sflag:s3], $0x400  }
0xc7: {  	[sflag:s3] =	ssyncset.done $0x0  }
0xc8: {  	[sflag:s3] =	ssyncadd.s32 $0xFFFFFC00  }
0xc9: {  	_ =	swait.ge [sflag:s3], $0x400  }
0xca: {  	[sflag:s3] =	ssyncset.done $0x0  }
0xcb: {  	[sflag:s3] =	ssyncadd.s32 $0xFFFFFC00  }
0xcc: {  	_ =	swait.ge [sflag:s3], $0x400  }
0xcd: {  	[sflag:s3] =	ssyncset.done $0x0  }
0xce: {  	[sflag:s3] =	ssyncadd.s32 $0xFFFFFC00  }
0xcf: {  	_ =	swait.ge [sflag:s3], $0x400  }
0xd0: {  	[sflag:s3] =	ssyncset.done $0x0  }
0xd1: {  	s10 =	simm.s32 $0x0;
	[sflag:s3] =	ssyncadd.s32 $0xFFFFFC00  }
0xd2: {  	v8 =	vld [tilespmem:s10+$0x9C40]  }
0xd3: {  	v9 =	vld [tilespmem:s10+$0x6830]  }
0xd4: {  	v12 =	vld [tilespmem:s10+$0x9C10]  }
0xd5: {  	v13 =	vld [tilespmem:s10+$0x6800];
	_ =	sdelay $0x1  }
0xd6: {  	v10 =	vld [tilespmem:s10+$0x9C20]  }
0xd7: {  	v15 =	vld [tilespmem:s10+$0x6810]  }
0xd8: {  	v11 =	vld [tilespmem:s10+$0x9C30];
	v8 =	vmul.f32 v9, v8  }
0xd9: {  	s12 =	simm.s32 $0x40;
	v16 =	vld [tilespmem:s10+$0x6820];
	v17 =	vmul.f32 v13, v12;
	v13 =	vimm.f32 $0.0e+00  }
0xda: {  	v14 =	vld [tilespmem:s12+$0x9C40];
	s10 =	simm.s32 $0x200;
	v12 =	vimm.f32 $0.0e+00;
	v9 =	vimm.f32 $0.0e+00;
	v8 =	vadd.f32 v8, v6  }
.LBB2_3:
0xdb: {  	p0 =	sne.s32 s10, $0xCF00;
	v18 =	vld [tilespmem:s12+$0x6830]  }
0xdc: {  	v19 =	vld [tilespmem:s12+$0x9C10];
	v13 =	vadd.f32 v17, v13;
	v15 =	vmul.f32 v15, v10  }
0xdd: {  	v17 =	vld [tilespmem:s12+$0x6800]  }
.Ltmp0:
0xde: {  	v10 =	vld [tilespmem:s12+$0x9C20];
	v12 =	vadd.f32 v15, v12;
	v16 =	vmul.f32 v16, v11;
	(pc) =	sbr.rel @p0 .LBB2_3-.Ltmp0, $4  }
0xdf: {  	v15 =	vld [tilespmem:s12+$0x6810]  }
0xe0: {  	v11 =	vld [tilespmem:s12+$0x9C30];
	v18 =	vmul.f32 v18, v14;
	v9 =	vadd.f32 v16, v9  }
0xe1: {  	v16 =	vld [tilespmem:s12+$0x6820];
	s12 =	sshra.s32 s10, $0x2  }
0xe2: {  	s10 =	sadd.s32 $0x100, s10;
	v14 =	vld [tilespmem:s12+$0x9C40];
	v17 =	vmul.f32 v17, v19;
	v8 =	vadd.f32 v18, v8  }
0xe3: {  	s10 =	sshll.u32 s8, $0x2  }
0xe4: {  	s13 =	smin.u32 s10, $0x7B  }
0xe5: {  	s13 =	smul.u32 $0x340, s13;
	_ =	sdelay $0x1  }
0xe6: {  	s13 =	sshrl.u32 s13, $0x2  }
0xe7: {  	v18 =	vld [tilespmem:s13+$0x340]  }
0xe8: {  	v19 =	vld [tilespmem:s12+$0x6830]  }
0xe9: {  	v20 =	vld [tilespmem:s12+$0x9C10]  }
0xea: {  	v21 =	vld [tilespmem:s12+$0x6800]  }
0xeb: {  	v22 =	vld [tilespmem:s12+$0x9C20]  }
0xec: {  	v23 =	vld [tilespmem:s12+$0x6810]  }
0xed: {  	v24 =	vld [tilespmem:s12+$0x9C30]  }
0xee: {  	v25 =	vld [tilespmem:s12+$0x6820];
	s12 =	simm.s32 $0x0;
	s14 =	simm.s32 $0x9C10  }
0xef: {  	[tilespmem:s14], [sflag:$0x1] =	stream.indirect_vreg.gather [hbm4b:s5+s12], $0x40, v18, vm0, $0xb8;
	[tilespmem:$0x16C90] =	vst v63  }
0xf0: {  	v18 =	vld [tilespmem:s13+$0x350];
	_ =	sdelay $0x6  }
0xf1: {  	s14 =	simm.s32 $0xA010  }
0xf2: {  	[tilespmem:s14], [sflag:$0x1] =	stream.indirect_vreg.gather [hbm4b:s5+s12], $0x40, v18, vm0, $0xb8;
	[tilespmem:$0x16C90] =	vst v63  }
0xf3: {  	v18 =	vld [tilespmem:s13+$0x360];
	_ =	sdelay $0x6  }
0xf4: {  	s14 =	simm.s32 $0xA410  }
0xf5: {  	[tilespmem:s14], [sflag:$0x1] =	stream.indirect_vreg.gather [hbm4b:s5+s12], $0x40, v18, vm0, $0xb8;
	[tilespmem:$0x16C90] =	vst v63  }
0xf6: {  	v18 =	vld [tilespmem:s13+$0x370];
	_ =	sdelay $0x6  }
0xf7: {  	s14 =	simm.s32 $0xA810  }
0xf8: {  	[tilespmem:s14], [sflag:$0x1] =	stream.indirect_vreg.gather [hbm4b:s5+s12], $0x40, v18, vm0, $0xb8;
	[tilespmem:$0x16C90] =	vst v63  }
0xf9: {  	v18 =	vld [tilespmem:s13+$0x380];
	_ =	sdelay $0x6  }
0xfa: {  	s14 =	simm.s32 $0xAC10  }
0xfb: {  	[tilespmem:s14], [sflag:$0x1] =	stream.indirect_vreg.gather [hbm4b:s5+s12], $0x40, v18, vm0, $0xb8;
	[tilespmem:$0x16C90] =	vst v63  }
0xfc: {  	v18 =	vld [tilespmem:s13+$0x390];
	_ =	sdelay $0x6  }
0xfd: {  	s14 =	simm.s32 $0xB010  }
0xfe: {  	[tilespmem:s14], [sflag:$0x1] =	stream.indirect_vreg.gather [hbm4b:s5+s12], $0x40, v18, vm0, $0xb8;
	[tilespmem:$0x16C90] =	vst v63  }
0xff: {  	v18 =	vld [tilespmem:s13+$0x3A0];
	_ =	sdelay $0x6  }
0x100: {  	s14 =	simm.s32 $0xB410  }
0x101: {  	[tilespmem:s14], [sflag:$0x1] =	stream.indirect_vreg.gather [hbm4b:s5+s12], $0x40, v18, vm0, $0xb8;
	[tilespmem:$0x16C90] =	vst v63  }
0x102: {  	v18 =	vld [tilespmem:s13+$0x3B0];
	_ =	sdelay $0x6  }
0x103: {  	s14 =	simm.s32 $0xB810  }
0x104: {  	[tilespmem:s14], [sflag:$0x1] =	stream.indirect_vreg.gather [hbm4b:s5+s12], $0x40, v18, vm0, $0xb8;
	[tilespmem:$0x16C90] =	vst v63  }
0x105: {  	v18 =	vld [tilespmem:s13+$0x3C0];
	_ =	sdelay $0x6  }
0x106: {  	s14 =	simm.s32 $0xBC10  }
0x107: {  	[tilespmem:s14], [sflag:$0x1] =	stream.indirect_vreg.gather [hbm4b:s5+s12], $0x40, v18, vm0, $0xb8;
	[tilespmem:$0x16C90] =	vst v63  }
0x108: {  	v18 =	vld [tilespmem:s13+$0x3D0];
	_ =	sdelay $0x6  }
0x109: {  	s14 =	simm.s32 $0xC010  }
0x10a: {  	[tilespmem:s14], [sflag:$0x1] =	stream.indirect_vreg.gather [hbm4b:s5+s12], $0x40, v18, vm0, $0xb8;
	[tilespmem:$0x16C90] =	vst v63  }
0x10b: {  	v18 =	vld [tilespmem:s13+$0x3E0];
	_ =	sdelay $0x6  }
0x10c: {  	s14 =	simm.s32 $0xC410  }
0x10d: {  	[tilespmem:s14], [sflag:$0x1] =	stream.indirect_vreg.gather [hbm4b:s5+s12], $0x40, v18, vm0, $0xb8;
	[tilespmem:$0x16C90] =	vst v63  }
0x10e: {  	v18 =	vld [tilespmem:s13+$0x3F0];
	_ =	sdelay $0x6  }
0x10f: {  	s14 =	simm.s32 $0xC810  }
0x110: {  	[tilespmem:s14], [sflag:$0x1] =	stream.indirect_vreg.gather [hbm4b:s5+s12], $0x40, v18, vm0, $0xb8;
	[tilespmem:$0x16C90] =	vst v63  }
0x111: {  	v18 =	vld [tilespmem:s13+$0x400];
	_ =	sdelay $0x6  }
0x112: {  	s14 =	simm.s32 $0xCC10  }
0x113: {  	[tilespmem:s14], [sflag:$0x1] =	stream.indirect_vreg.gather [hbm4b:s5+s12], $0x40, v18, vm0, $0xb8;
	[tilespmem:$0x16C90] =	vst v63  }
0x114: {  	_ =	swait.ge [sflag:s4], $0x400  }
0x115: {  	[sflag:s4] =	ssyncset.done $0x0  }
0x116: {  	[sflag:s4] =	ssyncadd.s32 $0xFFFFFC00  }
0x117: {  	_ =	swait.ge [sflag:s4], $0x400  }
0x118: {  	[sflag:s4] =	ssyncset.done $0x0  }
0x119: {  	[sflag:s4] =	ssyncadd.s32 $0xFFFFFC00  }
0x11a: {  	_ =	swait.ge [sflag:s4], $0x400  }
0x11b: {  	[sflag:s4] =	ssyncset.done $0x0  }
0x11c: {  	[sflag:s4] =	ssyncadd.s32 $0xFFFFFC00  }
0x11d: {  	_ =	swait.ge [sflag:s4], $0x400  }
0x11e: {  	[sflag:s4] =	ssyncset.done $0x0  }
0x11f: {  	[sflag:s4] =	ssyncadd.s32 $0xFFFFFC00  }
0x120: {  	_ =	swait.ge [sflag:s4], $0x400  }
0x121: {  	[sflag:s4] =	ssyncset.done $0x0  }
0x122: {  	[sflag:s4] =	ssyncadd.s32 $0xFFFFFC00  }
0x123: {  	_ =	swait.ge [sflag:s4], $0x400  }
0x124: {  	[sflag:s4] =	ssyncset.done $0x0  }
0x125: {  	[sflag:s4] =	ssyncadd.s32 $0xFFFFFC00  }
0x126: {  	_ =	swait.ge [sflag:s4], $0x400  }
0x127: {  	[sflag:s4] =	ssyncset.done $0x0  }
0x128: {  	[sflag:s4] =	ssyncadd.s32 $0xFFFFFC00  }
0x129: {  	_ =	swait.ge [sflag:s4], $0x400  }
0x12a: {  	[sflag:s4] =	ssyncset.done $0x0  }
0x12b: {  	[sflag:s4] =	ssyncadd.s32 $0xFFFFFC00  }
0x12c: {  	v10 =	vmul.f32 v15, v10;
	_ =	swait.ge [sflag:s4], $0x400  }
0x12d: {  	v13 =	vadd.f32 v17, v13;
	v11 =	vmul.f32 v16, v11;
	[sflag:s4] =	ssyncset.done $0x0  }
0x12e: {  	v10 =	vadd.f32 v10, v12;
	v12 =	vmul.f32 v19, v14;
	v14 =	vmul.f32 v21, v20;
	[sflag:s4] =	ssyncadd.s32 $0xFFFFFC00  }
0x12f: {  	v9 =	vadd.f32 v11, v9;
	v11 =	vmul.f32 v23, v22;
	v15 =	vmul.f32 v25, v24;
	_ =	swait.ge [sflag:s4], $0x400  }
0x130: {  	v8 =	vadd.f32 v12, v8;
	v12 =	vadd.f32 v14, v13;
	[sflag:s4] =	ssyncset.done $0x0  }
0x131: {  	v10 =	vadd.f32 v11, v10;
	v9 =	vadd.f32 v15, v9;
	[sflag:s4] =	ssyncadd.s32 $0xFFFFFC00  }
0x132: {  	_ =	swait.ge [sflag:s4], $0x400  }
0x133: {  	v10 =	vadd.f32 v10, v12;
	v8 =	vadd.f32 v8, v9;
	[sflag:s4] =	ssyncset.done $0x0  }
0x134: {  	[sflag:s4] =	ssyncadd.s32 $0xFFFFFC00  }
0x135: {  	v8 =	vadd.f32 v8, v10;
	_ =	swait.ge [sflag:s4], $0x400  }
0x136: {  	[sflag:s4] =	ssyncset.done $0x0  }
0x137: {  	v9 =	vperm.xlane v8, v0;
	[sflag:s4] =	ssyncadd.s32 $0xFFFFFC00  }
0x138: {  	_ =	swait.ge [sflag:s4], $0x400  }
0x139: {  	v8 =	vadd.f32 v9, v8;
	[sflag:s4] =	ssyncset.done $0x0  }
0x13a: {  	s14 =	simm.s32 $0x0;
	[sflag:s4] =	ssyncadd.s32 $0xFFFFFC00  }
0x13b: {  	v9 =	vperm.xlane v8, v1;
	v10 =	vld [tilespmem:s14+$0xD040]  }
0x13c: {  	v11 =	vld [tilespmem:s14+$0x6830]  }
0x13d: {  	v8 =	vadd.f32 v9, v8;
	v14 =	vld [tilespmem:s14+$0xD010]  }
0x13e: {  	v15 =	vld [tilespmem:s14+$0x6800]  }
0x13f: {  	v9 =	vperm.xlane v8, v2  }
0x140: {  	v12 =	vld [tilespmem:s14+$0xD020]  }
0x141: {  	v8 =	vadd.f32 v9, v8;
	v16 =	vld [tilespmem:s14+$0x6810]  }
0x142: {  	v13 =	vld [tilespmem:s14+$0xD030];
	v10 =	vmul.f32 v11, v10  }
0x143: {  	v9 =	vperm.xlane v8, v3;
	s12 =	simm.s32 $0x40;
	v18 =	vld [tilespmem:s14+$0x6820];
	v11 =	vimm.f32 $0.0e+00;
	v19 =	vmul.f32 v15, v14  }
0x144: {  	s13 =	simm.s32 $0x200;
	v17 =	vld [tilespmem:s12+$0xD040];
	v15 =	vimm.f32 $0.0e+00;
	v14 =	vimm.f32 $0.0e+00;
	v10 =	vadd.f32 v10, v11  }
.LBB2_5:
0x145: {  	p0 =	sne.s32 s13, $0xCF00;
	v20 =	vld [tilespmem:s12+$0x6830]  }
0x146: {  	v21 =	vld [tilespmem:s12+$0xD010];
	v11 =	vadd.f32 v19, v11;
	v16 =	vmul.f32 v16, v12  }
0x147: {  	v19 =	vld [tilespmem:s12+$0x6800]  }
.Ltmp1:
0x148: {  	v12 =	vld [tilespmem:s12+$0xD020];
	v15 =	vadd.f32 v16, v15;
	v18 =	vmul.f32 v18, v13;
	(pc) =	sbr.rel @p0 .LBB2_5-.Ltmp1, $4  }
0x149: {  	v16 =	vld [tilespmem:s12+$0x6810]  }
0x14a: {  	v13 =	vld [tilespmem:s12+$0xD030];
	v20 =	vmul.f32 v20, v17;
	v14 =	vadd.f32 v18, v14  }
0x14b: {  	v18 =	vld [tilespmem:s12+$0x6820];
	s12 =	sshra.s32 s13, $0x2  }
0x14c: {  	s13 =	sadd.s32 $0x100, s13;
	v17 =	vld [tilespmem:s12+$0xD040];
	v19 =	vmul.f32 v19, v21;
	v10 =	vadd.f32 v20, v10  }
0x14d: {  	s13 =	smin.u32 s10, $0x7A  }
0x14e: {  	s13 =	smul.u32 $0x340, s13;
	_ =	sdelay $0x1  }
0x14f: {  	s13 =	sshrl.u32 s13, $0x2  }
0x150: {  	v20 =	vld [tilespmem:s13+$0x410]  }
0x151: {  	v21 =	vld [tilespmem:s12+$0x6830]  }
0x152: {  	v22 =	vld [tilespmem:s12+$0xD010]  }
0x153: {  	v23 =	vld [tilespmem:s12+$0x6800]  }
0x154: {  	v24 =	vld [tilespmem:s12+$0xD020]  }
0x155: {  	v25 =	vld [tilespmem:s12+$0x6810]  }
0x156: {  	v26 =	vld [tilespmem:s12+$0xD030]  }
0x157: {  	v27 =	vld [tilespmem:s12+$0x6820];
	s12 =	simm.s32 $0x0;
	s14 =	simm.s32 $0xD010  }
0x158: {  	[tilespmem:s14], [sflag:$0x2] =	stream.indirect_vreg.gather [hbm4b:s5+s12], $0x40, v20, vm0, $0xb8;
	[tilespmem:$0x16C90] =	vst v63  }
0x159: {  	v20 =	vld [tilespmem:s13+$0x420];
	_ =	sdelay $0x6  }
0x15a: {  	s14 =	simm.s32 $0xD410  }
0x15b: {  	[tilespmem:s14], [sflag:$0x2] =	stream.indirect_vreg.gather [hbm4b:s5+s12], $0x40, v20, vm0, $0xb8;
	[tilespmem:$0x16C90] =	vst v63  }
0x15c: {  	v20 =	vld [tilespmem:s13+$0x430];
	_ =	sdelay $0x6  }
0x15d: {  	s14 =	simm.s32 $0xD810  }
0x15e: {  	[tilespmem:s14], [sflag:$0x2] =	stream.indirect_vreg.gather [hbm4b:s5+s12], $0x40, v20, vm0, $0xb8;
	[tilespmem:$0x16C90] =	vst v63  }
0x15f: {  	v20 =	vld [tilespmem:s13+$0x440];
	_ =	sdelay $0x6  }
0x160: {  	s14 =	simm.s32 $0xDC10  }
0x161: {  	[tilespmem:s14], [sflag:$0x2] =	stream.indirect_vreg.gather [hbm4b:s5+s12], $0x40, v20, vm0, $0xb8;
	[tilespmem:$0x16C90] =	vst v63  }
0x162: {  	v20 =	vld [tilespmem:s13+$0x450];
	_ =	sdelay $0x6  }
0x163: {  	s14 =	simm.s32 $0xE010  }
0x164: {  	[tilespmem:s14], [sflag:$0x2] =	stream.indirect_vreg.gather [hbm4b:s5+s12], $0x40, v20, vm0, $0xb8;
	[tilespmem:$0x16C90] =	vst v63  }
0x165: {  	v20 =	vld [tilespmem:s13+$0x460];
	_ =	sdelay $0x6  }
0x166: {  	s14 =	simm.s32 $0xE410  }
0x167: {  	[tilespmem:s14], [sflag:$0x2] =	stream.indirect_vreg.gather [hbm4b:s5+s12], $0x40, v20, vm0, $0xb8;
	[tilespmem:$0x16C90] =	vst v63  }
0x168: {  	v20 =	vld [tilespmem:s13+$0x470];
	_ =	sdelay $0x6  }
0x169: {  	s14 =	simm.s32 $0xE810  }
0x16a: {  	[tilespmem:s14], [sflag:$0x2] =	stream.indirect_vreg.gather [hbm4b:s5+s12], $0x40, v20, vm0, $0xb8;
	[tilespmem:$0x16C90] =	vst v63  }
0x16b: {  	v20 =	vld [tilespmem:s13+$0x480];
	_ =	sdelay $0x6  }
0x16c: {  	s14 =	simm.s32 $0xEC10  }
0x16d: {  	[tilespmem:s14], [sflag:$0x2] =	stream.indirect_vreg.gather [hbm4b:s5+s12], $0x40, v20, vm0, $0xb8;
	[tilespmem:$0x16C90] =	vst v63  }
0x16e: {  	v20 =	vld [tilespmem:s13+$0x490];
	_ =	sdelay $0x6  }
0x16f: {  	s14 =	simm.s32 $0xF010  }
0x170: {  	[tilespmem:s14], [sflag:$0x2] =	stream.indirect_vreg.gather [hbm4b:s5+s12], $0x40, v20, vm0, $0xb8;
	[tilespmem:$0x16C90] =	vst v63  }
0x171: {  	v20 =	vld [tilespmem:s13+$0x4A0];
	_ =	sdelay $0x6  }
0x172: {  	s14 =	simm.s32 $0xF410  }
0x173: {  	[tilespmem:s14], [sflag:$0x2] =	stream.indirect_vreg.gather [hbm4b:s5+s12], $0x40, v20, vm0, $0xb8;
	[tilespmem:$0x16C90] =	vst v63  }
0x174: {  	v20 =	vld [tilespmem:s13+$0x4B0];
	_ =	sdelay $0x6  }
0x175: {  	s14 =	simm.s32 $0xF810  }
0x176: {  	[tilespmem:s14], [sflag:$0x2] =	stream.indirect_vreg.gather [hbm4b:s5+s12], $0x40, v20, vm0, $0xb8;
	[tilespmem:$0x16C90] =	vst v63  }
0x177: {  	v20 =	vld [tilespmem:s13+$0x4C0];
	_ =	sdelay $0x6  }
0x178: {  	s14 =	simm.s32 $0xFC10  }
0x179: {  	[tilespmem:s14], [sflag:$0x2] =	stream.indirect_vreg.gather [hbm4b:s5+s12], $0x40, v20, vm0, $0xb8;
	[tilespmem:$0x16C90] =	vst v63  }
0x17a: {  	v20 =	vld [tilespmem:s13+$0x4D0];
	_ =	sdelay $0x6  }
0x17b: {  	s14 =	simm.s32 $0x10010  }
0x17c: {  	[tilespmem:s14], [sflag:$0x2] =	stream.indirect_vreg.gather [hbm4b:s5+s12], $0x40, v20, vm0, $0xb8;
	[tilespmem:$0x16C90] =	vst v63  }
0x17d: {  	_ =	swait.ge [sflag:s6], $0x400  }
0x17e: {  	[sflag:s6] =	ssyncset.done $0x0  }
0x17f: {  	[sflag:s6] =	ssyncadd.s32 $0xFFFFFC00  }
0x180: {  	_ =	swait.ge [sflag:s6], $0x400  }
0x181: {  	[sflag:s6] =	ssyncset.done $0x0  }
0x182: {  	[sflag:s6] =	ssyncadd.s32 $0xFFFFFC00  }
0x183: {  	_ =	swait.ge [sflag:s6], $0x400  }
0x184: {  	[sflag:s6] =	ssyncset.done $0x0  }
0x185: {  	[sflag:s6] =	ssyncadd.s32 $0xFFFFFC00  }
0x186: {  	_ =	swait.ge [sflag:s6], $0x400  }
0x187: {  	[sflag:s6] =	ssyncset.done $0x0  }
0x188: {  	[sflag:s6] =	ssyncadd.s32 $0xFFFFFC00  }
0x189: {  	_ =	swait.ge [sflag:s6], $0x400  }
0x18a: {  	[sflag:s6] =	ssyncset.done $0x0  }
0x18b: {  	[sflag:s6] =	ssyncadd.s32 $0xFFFFFC00  }
0x18c: {  	_ =	swait.ge [sflag:s6], $0x400  }
0x18d: {  	[sflag:s6] =	ssyncset.done $0x0  }
0x18e: {  	[sflag:s6] =	ssyncadd.s32 $0xFFFFFC00  }
0x18f: {  	_ =	swait.ge [sflag:s6], $0x400  }
0x190: {  	[sflag:s6] =	ssyncset.done $0x0  }
0x191: {  	[sflag:s6] =	ssyncadd.s32 $0xFFFFFC00  }
0x192: {  	_ =	swait.ge [sflag:s6], $0x400  }
0x193: {  	[sflag:s6] =	ssyncset.done $0x0  }
0x194: {  	[sflag:s6] =	ssyncadd.s32 $0xFFFFFC00  }
0x195: {  	v12 =	vmul.f32 v16, v12;
	_ =	swait.ge [sflag:s6], $0x400  }
0x196: {  	v11 =	vadd.f32 v19, v11;
	v13 =	vmul.f32 v18, v13;
	[sflag:s6] =	ssyncset.done $0x0  }
0x197: {  	v12 =	vadd.f32 v12, v15;
	v15 =	vmul.f32 v21, v17;
	v16 =	vmul.f32 v23, v22;
	[sflag:s6] =	ssyncadd.s32 $0xFFFFFC00  }
0x198: {  	v13 =	vadd.f32 v13, v14;
	v14 =	vmul.f32 v25, v24;
	v17 =	vmul.f32 v27, v26;
	_ =	swait.ge [sflag:s6], $0x400  }
0x199: {  	v10 =	vadd.f32 v15, v10;
	v11 =	vadd.f32 v16, v11;
	[sflag:s6] =	ssyncset.done $0x0  }
0x19a: {  	v12 =	vadd.f32 v14, v12;
	v13 =	vadd.f32 v17, v13;
	[sflag:s6] =	ssyncadd.s32 $0xFFFFFC00  }
0x19b: {  	_ =	swait.ge [sflag:s6], $0x400  }
0x19c: {  	v11 =	vadd.f32 v12, v11;
	v10 =	vadd.f32 v10, v13;
	[sflag:s6] =	ssyncset.done $0x0  }
0x19d: {  	[sflag:s6] =	ssyncadd.s32 $0xFFFFFC00  }
0x19e: {  	v10 =	vadd.f32 v10, v11;
	_ =	swait.ge [sflag:s6], $0x400  }
0x19f: {  	[sflag:s6] =	ssyncset.done $0x0  }
0x1a0: {  	v11 =	vperm.xlane v10, v0;
	[sflag:s6] =	ssyncadd.s32 $0xFFFFFC00  }
0x1a1: {  	_ =	swait.ge [sflag:s6], $0x400  }
0x1a2: {  	v10 =	vadd.f32 v11, v10;
	[sflag:s6] =	ssyncset.done $0x0  }
0x1a3: {  	s14 =	simm.s32 $0x0;
	[sflag:s6] =	ssyncadd.s32 $0xFFFFFC00  }
0x1a4: {  	v11 =	vperm.xlane v10, v1;
	v12 =	vld [tilespmem:s14+$0x10440]  }
0x1a5: {  	v13 =	vld [tilespmem:s14+$0x6830]  }
0x1a6: {  	v10 =	vadd.f32 v11, v10;
	v16 =	vld [tilespmem:s14+$0x10410]  }
0x1a7: {  	v17 =	vld [tilespmem:s14+$0x6800]  }
0x1a8: {  	v11 =	vperm.xlane v10, v2  }
0x1a9: {  	v14 =	vld [tilespmem:s14+$0x10420]  }
0x1aa: {  	v10 =	vadd.f32 v11, v10;
	v18 =	vld [tilespmem:s14+$0x6810]  }
0x1ab: {  	v15 =	vld [tilespmem:s14+$0x10430];
	v12 =	vmul.f32 v13, v12  }
0x1ac: {  	v11 =	vperm.xlane v10, v3;
	s12 =	simm.s32 $0x40;
	v20 =	vld [tilespmem:s14+$0x6820];
	v13 =	vimm.f32 $0.0e+00;
	v21 =	vmul.f32 v17, v16  }
0x1ad: {  	s13 =	simm.s32 $0x200;
	v19 =	vld [tilespmem:s12+$0x10440];
	v17 =	vimm.f32 $0.0e+00;
	v16 =	vimm.f32 $0.0e+00;
	v12 =	vadd.f32 v12, v13  }
.LBB2_7:
0x1ae: {  	p0 =	sne.s32 s13, $0xCF00;
	v22 =	vld [tilespmem:s12+$0x6830]  }
0x1af: {  	v23 =	vld [tilespmem:s12+$0x10410];
	v13 =	vadd.f32 v21, v13;
	v18 =	vmul.f32 v18, v14  }
0x1b0: {  	v21 =	vld [tilespmem:s12+$0x6800]  }
.Ltmp2:
0x1b1: {  	v14 =	vld [tilespmem:s12+$0x10420];
	v17 =	vadd.f32 v18, v17;
	v20 =	vmul.f32 v20, v15;
	(pc) =	sbr.rel @p0 .LBB2_7-.Ltmp2, $4  }
0x1b2: {  	v18 =	vld [tilespmem:s12+$0x6810]  }
0x1b3: {  	v15 =	vld [tilespmem:s12+$0x10430];
	v22 =	vmul.f32 v22, v19;
	v16 =	vadd.f32 v20, v16  }
0x1b4: {  	v20 =	vld [tilespmem:s12+$0x6820];
	s12 =	sshra.s32 s13, $0x2  }
0x1b5: {  	s13 =	sadd.s32 $0x100, s13;
	v19 =	vld [tilespmem:s12+$0x10440];
	v21 =	vmul.f32 v21, v23;
	v12 =	vadd.f32 v22, v12  }
0x1b6: {  	s13 =	smin.u32 s10, $0x79  }
0x1b7: {  	s13 =	smul.u32 $0x340, s13;
	_ =	sdelay $0x1  }
0x1b8: {  	s13 =	sshrl.u32 s13, $0x2  }
0x1b9: {  	v22 =	vld [tilespmem:s13+$0x4E0]  }
0x1ba: {  	v23 =	vld [tilespmem:s12+$0x6830]  }
0x1bb: {  	v24 =	vld [tilespmem:s12+$0x10410]  }
0x1bc: {  	v25 =	vld [tilespmem:s12+$0x6800]  }
0x1bd: {  	v26 =	vld [tilespmem:s12+$0x10420]  }
0x1be: {  	v27 =	vld [tilespmem:s12+$0x6810]  }
0x1bf: {  	v28 =	vld [tilespmem:s12+$0x10430]  }
0x1c0: {  	v29 =	vld [tilespmem:s12+$0x6820];
	s12 =	simm.s32 $0x0;
	s14 =	simm.s32 $0x10410  }
0x1c1: {  	[tilespmem:s14], [sflag:$0x3] =	stream.indirect_vreg.gather [hbm4b:s5+s12], $0x40, v22, vm0, $0xb8;
	[tilespmem:$0x16C90] =	vst v63  }
0x1c2: {  	v22 =	vld [tilespmem:s13+$0x4F0];
	_ =	sdelay $0x6  }
0x1c3: {  	s14 =	simm.s32 $0x10810  }
0x1c4: {  	[tilespmem:s14], [sflag:$0x3] =	stream.indirect_vreg.gather [hbm4b:s5+s12], $0x40, v22, vm0, $0xb8;
	[tilespmem:$0x16C90] =	vst v63  }
0x1c5: {  	v22 =	vld [tilespmem:s13+$0x500];
	_ =	sdelay $0x6  }
0x1c6: {  	s14 =	simm.s32 $0x10C10  }
0x1c7: {  	[tilespmem:s14], [sflag:$0x3] =	stream.indirect_vreg.gather [hbm4b:s5+s12], $0x40, v22, vm0, $0xb8;
	[tilespmem:$0x16C90] =	vst v63  }
0x1c8: {  	v22 =	vld [tilespmem:s13+$0x510];
	_ =	sdelay $0x6  }
0x1c9: {  	s14 =	simm.s32 $0x11010  }
0x1ca: {  	[tilespmem:s14], [sflag:$0x3] =	stream.indirect_vreg.gather [hbm4b:s5+s12], $0x40, v22, vm0, $0xb8;
	[tilespmem:$0x16C90] =	vst v63  }
0x1cb: {  	v22 =	vld [tilespmem:s13+$0x520];
	_ =	sdelay $0x6  }
0x1cc: {  	s14 =	simm.s32 $0x11410  }
0x1cd: {  	[tilespmem:s14], [sflag:$0x3] =	stream.indirect_vreg.gather [hbm4b:s5+s12], $0x40, v22, vm0, $0xb8;
	[tilespmem:$0x16C90] =	vst v63  }
0x1ce: {  	v22 =	vld [tilespmem:s13+$0x530];
	_ =	sdelay $0x6  }
0x1cf: {  	s14 =	simm.s32 $0x11810  }
0x1d0: {  	[tilespmem:s14], [sflag:$0x3] =	stream.indirect_vreg.gather [hbm4b:s5+s12], $0x40, v22, vm0, $0xb8;
	[tilespmem:$0x16C90] =	vst v63  }
0x1d1: {  	v22 =	vld [tilespmem:s13+$0x540];
	_ =	sdelay $0x7  }
0x1d2: {  	[tilespmem:s15], [sflag:$0x3] =	stream.indirect_vreg.gather [hbm4b:s5+s12], $0x40, v22, vm0, $0xb8;
	[tilespmem:$0x16C90] =	vst v63  }
0x1d3: {  	v22 =	vld [tilespmem:s13+$0x550];
	_ =	sdelay $0x7  }
0x1d4: {  	[tilespmem:s16], [sflag:$0x3] =	stream.indirect_vreg.gather [hbm4b:s5+s12], $0x40, v22, vm0, $0xb8;
	[tilespmem:$0x16C90] =	vst v63  }
0x1d5: {  	v22 =	vld [tilespmem:s13+$0x560];
	_ =	sdelay $0x7  }
0x1d6: {  	[tilespmem:s17], [sflag:$0x3] =	stream.indirect_vreg.gather [hbm4b:s5+s12], $0x40, v22, vm0, $0xb8;
	[tilespmem:$0x16C90] =	vst v63  }
0x1d7: {  	v22 =	vld [tilespmem:s13+$0x570];
	_ =	sdelay $0x7  }
0x1d8: {  	[tilespmem:s18], [sflag:$0x3] =	stream.indirect_vreg.gather [hbm4b:s5+s12], $0x40, v22, vm0, $0xb8;
	[tilespmem:$0x16C90] =	vst v63  }
0x1d9: {  	v22 =	vld [tilespmem:s13+$0x580];
	_ =	sdelay $0x7  }
0x1da: {  	[tilespmem:s19], [sflag:$0x3] =	stream.indirect_vreg.gather [hbm4b:s5+s12], $0x40, v22, vm0, $0xb8;
	[tilespmem:$0x16C90] =	vst v63  }
0x1db: {  	v22 =	vld [tilespmem:s13+$0x590];
	_ =	sdelay $0x7  }
0x1dc: {  	[tilespmem:s20], [sflag:$0x3] =	stream.indirect_vreg.gather [hbm4b:s5+s12], $0x40, v22, vm0, $0xb8;
	[tilespmem:$0x16C90] =	vst v63  }
0x1dd: {  	v22 =	vld [tilespmem:s13+$0x5A0];
	_ =	sdelay $0x7  }
0x1de: {  	[tilespmem:s21], [sflag:$0x3] =	stream.indirect_vreg.gather [hbm4b:s5+s12], $0x40, v22, vm0, $0xb8;
	[tilespmem:$0x16C90] =	vst v63  }
0x1df: {  	_ =	swait.ge [sflag:s7], $0x400  }
0x1e0: {  	[sflag:s7] =	ssyncset.done $0x0  }
0x1e1: {  	[sflag:s7] =	ssyncadd.s32 $0xFFFFFC00  }
0x1e2: {  	_ =	swait.ge [sflag:s7], $0x400  }
0x1e3: {  	[sflag:s7] =	ssyncset.done $0x0  }
0x1e4: {  	[sflag:s7] =	ssyncadd.s32 $0xFFFFFC00  }
0x1e5: {  	_ =	swait.ge [sflag:s7], $0x400  }
0x1e6: {  	[sflag:s7] =	ssyncset.done $0x0  }
0x1e7: {  	[sflag:s7] =	ssyncadd.s32 $0xFFFFFC00  }
0x1e8: {  	_ =	swait.ge [sflag:s7], $0x400  }
0x1e9: {  	[sflag:s7] =	ssyncset.done $0x0  }
0x1ea: {  	[sflag:s7] =	ssyncadd.s32 $0xFFFFFC00  }
0x1eb: {  	_ =	swait.ge [sflag:s7], $0x400  }
0x1ec: {  	[sflag:s7] =	ssyncset.done $0x0  }
0x1ed: {  	[sflag:s7] =	ssyncadd.s32 $0xFFFFFC00  }
0x1ee: {  	_ =	swait.ge [sflag:s7], $0x400  }
0x1ef: {  	[sflag:s7] =	ssyncset.done $0x0  }
0x1f0: {  	[sflag:s7] =	ssyncadd.s32 $0xFFFFFC00  }
0x1f1: {  	_ =	swait.ge [sflag:s7], $0x400  }
0x1f2: {  	[sflag:s7] =	ssyncset.done $0x0  }
0x1f3: {  	[sflag:s7] =	ssyncadd.s32 $0xFFFFFC00  }
0x1f4: {  	_ =	swait.ge [sflag:s7], $0x400  }
0x1f5: {  	[sflag:s7] =	ssyncset.done $0x0  }
0x1f6: {  	[sflag:s7] =	ssyncadd.s32 $0xFFFFFC00  }
0x1f7: {  	v14 =	vmul.f32 v18, v14;
	_ =	swait.ge [sflag:s7], $0x400  }
0x1f8: {  	v13 =	vadd.f32 v21, v13;
	v15 =	vmul.f32 v20, v15;
	[sflag:s7] =	ssyncset.done $0x0  }
0x1f9: {  	v14 =	vadd.f32 v14, v17;
	v17 =	vmul.f32 v23, v19;
	v18 =	vmul.f32 v25, v24;
	[sflag:s7] =	ssyncadd.s32 $0xFFFFFC00  }
0x1fa: {  	v15 =	vadd.f32 v15, v16;
	v16 =	vmul.f32 v27, v26;
	v19 =	vmul.f32 v29, v28;
	_ =	swait.ge [sflag:s7], $0x400  }
0x1fb: {  	v12 =	vadd.f32 v17, v12;
	v13 =	vadd.f32 v18, v13;
	[sflag:s7] =	ssyncset.done $0x0  }
0x1fc: {  	v14 =	vadd.f32 v16, v14;
	v15 =	vadd.f32 v19, v15;
	[sflag:s7] =	ssyncadd.s32 $0xFFFFFC00  }
0x1fd: {  	_ =	swait.ge [sflag:s7], $0x400  }
0x1fe: {  	v13 =	vadd.f32 v14, v13;
	v12 =	vadd.f32 v12, v15;
	[sflag:s7] =	ssyncset.done $0x0  }
0x1ff: {  	[sflag:s7] =	ssyncadd.s32 $0xFFFFFC00  }
0x200: {  	v12 =	vadd.f32 v12, v13;
	_ =	swait.ge [sflag:s7], $0x400  }
0x201: {  	[sflag:s7] =	ssyncset.done $0x0  }
0x202: {  	v13 =	vperm.xlane v12, v0;
	[sflag:s7] =	ssyncadd.s32 $0xFFFFFC00  }
0x203: {  	_ =	swait.ge [sflag:s7], $0x400  }
0x204: {  	v12 =	vadd.f32 v13, v12;
	[sflag:s7] =	ssyncset.done $0x0  }
0x205: {  	s14 =	simm.s32 $0x0;
	[sflag:s7] =	ssyncadd.s32 $0xFFFFFC00  }
0x206: {  	v13 =	vperm.xlane v12, v1;
	v14 =	vld [tilespmem:s14+$0x13840]  }
0x207: {  	v16 =	vld [tilespmem:s14+$0x6830]  }
0x208: {  	v12 =	vadd.f32 v13, v12;
	v18 =	vld [tilespmem:s14+$0x13810]  }
0x209: {  	v20 =	vld [tilespmem:s14+$0x6800]  }
0x20a: {  	v13 =	vperm.xlane v12, v2  }
0x20b: {  	v15 =	vld [tilespmem:s14+$0x13820]  }
0x20c: {  	v12 =	vadd.f32 v13, v12;
	v19 =	vld [tilespmem:s14+$0x6810]  }
0x20d: {  	v17 =	vld [tilespmem:s14+$0x13830];
	v14 =	vmul.f32 v16, v14  }
0x20e: {  	v13 =	vperm.xlane v12, v3;
	s12 =	simm.s32 $0x40;
	v22 =	vld [tilespmem:s14+$0x6820];
	v16 =	vimm.f32 $0.0e+00;
	v23 =	vmul.f32 v20, v18  }
0x20f: {  	s13 =	simm.s32 $0x200;
	v21 =	vld [tilespmem:s12+$0x13840];
	v20 =	vimm.f32 $0.0e+00;
	v18 =	vimm.f32 $0.0e+00;
	v14 =	vadd.f32 v14, v16  }
.LBB2_9:
0x210: {  	p0 =	sne.s32 s13, $0xCF00;
	v24 =	vld [tilespmem:s12+$0x6830]  }
0x211: {  	v25 =	vld [tilespmem:s12+$0x13810];
	v16 =	vadd.f32 v23, v16;
	v19 =	vmul.f32 v19, v15  }
0x212: {  	v23 =	vld [tilespmem:s12+$0x6800]  }
.Ltmp3:
0x213: {  	v15 =	vld [tilespmem:s12+$0x13820];
	v20 =	vadd.f32 v19, v20;
	v22 =	vmul.f32 v22, v17;
	(pc) =	sbr.rel @p0 .LBB2_9-.Ltmp3, $4  }
0x214: {  	v19 =	vld [tilespmem:s12+$0x6810]  }
0x215: {  	v17 =	vld [tilespmem:s12+$0x13830];
	v24 =	vmul.f32 v24, v21;
	v18 =	vadd.f32 v22, v18  }
0x216: {  	v22 =	vld [tilespmem:s12+$0x6820];
	s12 =	sshra.s32 s13, $0x2  }
0x217: {  	s13 =	sadd.s32 $0x100, s13;
	v21 =	vld [tilespmem:s12+$0x13840];
	v23 =	vmul.f32 v23, v25;
	v14 =	vadd.f32 v24, v14  }
0x218: {  	s13 =	smin.u32 s10, $0x78  }
0x219: {  	s13 =	smul.u32 $0x340, s13;
	_ =	sdelay $0x1  }
0x21a: {  	s13 =	sshrl.u32 s13, $0x2  }
0x21b: {  	v24 =	vld [tilespmem:s13+$0x5B0];
	_ =	sdelay $0x1  }
0x21c: {  	v25 =	vld [tilespmem:s12+$0x6830]  }
0x21d: {  	v26 =	vld [tilespmem:s12+$0x13810]  }
0x21e: {  	v27 =	vld [tilespmem:s12+$0x6800]  }
0x21f: {  	v28 =	vld [tilespmem:s12+$0x13820]  }
0x220: {  	v29 =	vld [tilespmem:s12+$0x6810]  }
0x221: {  	v30 =	vld [tilespmem:s12+$0x13830]  }
0x222: {  	v31 =	vld [tilespmem:s12+$0x6820];
	[tilespmem:s22], [sflag:$0x4] =	stream.indirect_vreg.gather [hbm4b:s5+s2], $0x40, v24, vm0, $0xb8  }
0x223: {  	v24 =	vld [tilespmem:s13+$0x5C0];
	_ =	sdelay $0x7  }
0x224: {  	[tilespmem:s23], [sflag:$0x4] =	stream.indirect_vreg.gather [hbm4b:s5+s2], $0x40, v24, vm0, $0xb8;
	[tilespmem:$0x16C90] =	vst v63  }
0x225: {  	v24 =	vld [tilespmem:s13+$0x5D0];
	_ =	sdelay $0x7  }
0x226: {  	[tilespmem:s24], [sflag:$0x4] =	stream.indirect_vreg.gather [hbm4b:s5+s2], $0x40, v24, vm0, $0xb8;
	[tilespmem:$0x16C90] =	vst v63  }
0x227: {  	v24 =	vld [tilespmem:s13+$0x5E0];
	_ =	sdelay $0x7  }
0x228: {  	[tilespmem:s25], [sflag:$0x4] =	stream.indirect_vreg.gather [hbm4b:s5+s2], $0x40, v24, vm0, $0xb8;
	[tilespmem:$0x16C90] =	vst v63  }
0x229: {  	v24 =	vld [tilespmem:s13+$0x5F0];
	_ =	sdelay $0x7  }
0x22a: {  	[tilespmem:s26], [sflag:$0x4] =	stream.indirect_vreg.gather [hbm4b:s5+s2], $0x40, v24, vm0, $0xb8;
	[tilespmem:$0x16C90] =	vst v63  }
0x22b: {  	v24 =	vld [tilespmem:s13+$0x600];
	_ =	sdelay $0x7  }
0x22c: {  	[tilespmem:s28], [sflag:$0x4] =	stream.indirect_vreg.gather [hbm4b:s5+s2], $0x40, v24, vm0, $0xb8;
	[tilespmem:$0x16C90] =	vst v63  }
0x22d: {  	v24 =	vld [tilespmem:s13+$0x610];
	_ =	sdelay $0x7  }
0x22e: {  	[tilespmem:s29], [sflag:$0x4] =	stream.indirect_vreg.gather [hbm4b:s5+s2], $0x40, v24, vm0, $0xb8;
	[tilespmem:$0x16C90] =	vst v63  }
0x22f: {  	v24 =	vld [tilespmem:s13+$0x620];
	_ =	sdelay $0x7  }
0x230: {  	[tilespmem:s30], [sflag:$0x4] =	stream.indirect_vreg.gather [hbm4b:s5+s2], $0x40, v24, vm0, $0xb8;
	[tilespmem:$0x16C90] =	vst v63  }
0x231: {  	v24 =	vld [tilespmem:s13+$0x630];
	_ =	sdelay $0x7  }
0x232: {  	[tilespmem:s31], [sflag:$0x4] =	stream.indirect_vreg.gather [hbm4b:s5+s2], $0x40, v24, vm0, $0xb8;
	[tilespmem:$0x16C90] =	vst v63  }
0x233: {  	v24 =	vld [tilespmem:s13+$0x640];
	_ =	sdelay $0x4  }
0x234: {  	v15 =	vmul.f32 v19, v15;
	_ =	sdelay $0x1  }
0x235: {  	v16 =	vadd.f32 v23, v16;
	v17 =	vmul.f32 v22, v17;
	v15 =	vadd.f32 v15, v20  }
0x236: {  	v52 =	vmul.f32 v25, v21;
	v53 =	vmul.f32 v27, v26;
	[tilespmem:s1], [sflag:$0x4] =	stream.indirect_vreg.gather [hbm4b:s5+s2], $0x40, v24, vm0, $0xb8;
	[tilespmem:$0x16C90] =	vst v63  }
0x237: {  	v17 =	vadd.f32 v17, v18;
	v54 =	vmul.f32 v29, v28;
	v55 =	vmul.f32 v31, v30;
	v24 =	vld [tilespmem:s13+$0x650]  }
0x238: {  	v14 =	vadd.f32 v52, v14;
	v16 =	vadd.f32 v53, v16  }
0x239: {  	v15 =	vadd.f32 v54, v15;
	v17 =	vadd.f32 v55, v17;
	_ =	sdelay $0x1  }
0x23a: {  	v15 =	vadd.f32 v15, v16;
	v14 =	vadd.f32 v14, v17;
	_ =	sdelay $0x1  }
0x23b: {  	v14 =	vadd.f32 v14, v15;
	_ =	sdelay $0x1  }
0x23c: {  	v15 =	vperm.xlane v14, v0;
	[tilespmem:s0], [sflag:$0x4] =	stream.indirect_vreg.gather [hbm4b:s5+s2], $0x40, v24, vm0, $0xb8;
	[tilespmem:$0x16C90] =	vst v63  }
0x23d: {  	v56 =	vld [tilespmem:s13+$0x660]  }
0x23e: {  	v14 =	vadd.f32 v15, v14;
	_ =	sdelay $0x1  }
0x23f: {  	v15 =	vperm.xlane v14, v1;
	_ =	sdelay $0x1  }
0x240: {  	v14 =	vadd.f32 v15, v14;
	_ =	sdelay $0x1  }
0x241: {  	v8 =	vadd.f32 v9, v8;
	s12 =	sand.u32 $0xC, s10;
	v58 =	vperm.xlane v14, v2  }
0x242: {  	[tilespmem:s9], [sflag:$0x4] =	stream.indirect_vreg.gather [hbm4b:s5+s2], $0x40, v56, vm0, $0xb8;
	[tilespmem:$0x16C90] =	vst v63  }
0x243: {  	v59 =	vmov s12;
	v8 =	vadd.f32 v8, v5;
	v9 =	vadd.f32 v58, v14;
	v57 =	vld [tilespmem:s13+$0x670]  }
0x244: {  	v10 =	vadd.f32 v11, v10;
	s14 =	sor.u32 $0x1, s12;
	vm1 =	veq.s32 v59, v4  }
0x245: {  	v60 =	vmov s14;
	s14 =	sor.u32 $0x2, s12;
	v7 =	vsel vm1, v8, v7;
	v8 =	vperm.xlane v9, v3  }
0x246: {  	v12 =	vadd.f32 v13, v12;
	v62 =	vmov s14;
	s14 =	sand.u32 $0x3, s8;
	s8 =	sadd.s32 $0x1, s8  }
0x247: {  	v10 =	vadd.f32 v10, v5;
	s12 =	sor.u32 $0x3, s12;
	p1 =	sne.s32 s8, $0x20;
	v8 =	vadd.f32 v8, v9  }
.Ltmp4:
0x248: {  	v61 =	vadd.f32 v12, v5;
	v63 =	vmov s12;
	vm1 =	veq.s32 v60, v4;
	(pc) =	sbr.rel @p1 .LBB2_2-.Ltmp4, $4  }
0x249: {  	v7 =	vsel vm1, v10, v7;
	vm1 =	veq.s32 v62, v4;
	v8 =	vadd.f32 v8, v5  }
0x24a: {  	p0 =	sne.s32 s14, $0x3;
	v7 =	vsel vm1, v61, v7;
	vm1 =	veq.s32 v63, v4  }
0x24b: {  	v7 =	vsel vm1, v8, v7;
	[tilespmem:s11], [sflag:$0x4] =	stream.indirect_vreg.gather [hbm4b:s5+s2], $0x40, v57, vm0, $0xb8;
	[tilespmem:$0x16C90] =	vst v63  }
0x24c: {  	[tilespmem:s10+$0x16C04] =	vst @!p0 v7  }
0x24d: {  	_ =	swait.ge [sflag:s3], $0x400  }
0x24e: {  	[sflag:s3] =	ssyncset.done $0x0  }
0x24f: {  	[sflag:s3] =	ssyncadd.s32 $0xFFFFFC00  }
0x250: {  	_ =	swait.ge [sflag:s3], $0x400  }
0x251: {  	[sflag:s3] =	ssyncset.done $0x0  }
0x252: {  	[sflag:s3] =	ssyncadd.s32 $0xFFFFFC00  }
0x253: {  	_ =	swait.ge [sflag:s3], $0x400  }
0x254: {  	[sflag:s3] =	ssyncset.done $0x0  }
0x255: {  	[sflag:s3] =	ssyncadd.s32 $0xFFFFFC00  }
0x256: {  	_ =	swait.ge [sflag:s3], $0x400  }
0x257: {  	[sflag:s3] =	ssyncset.done $0x0  }
0x258: {  	[sflag:s3] =	ssyncadd.s32 $0xFFFFFC00  }
0x259: {  	_ =	swait.ge [sflag:s3], $0x400  }
0x25a: {  	[sflag:s3] =	ssyncset.done $0x0  }
0x25b: {  	[sflag:s3] =	ssyncadd.s32 $0xFFFFFC00  }
0x25c: {  	_ =	swait.ge [sflag:s3], $0x400  }
0x25d: {  	[sflag:s3] =	ssyncset.done $0x0  }
0x25e: {  	[sflag:s3] =	ssyncadd.s32 $0xFFFFFC00  }
0x25f: {  	_ =	swait.ge [sflag:s3], $0x400  }
0x260: {  	[sflag:s3] =	ssyncset.done $0x0  }
0x261: {  	[sflag:s3] =	ssyncadd.s32 $0xFFFFFC00  }
0x262: {  	_ =	swait.ge [sflag:s3], $0x400  }
0x263: {  	[sflag:s3] =	ssyncset.done $0x0  }
0x264: {  	[sflag:s3] =	ssyncadd.s32 $0xFFFFFC00  }
0x265: {  	_ =	swait.ge [sflag:s3], $0x400  }
0x266: {  	[sflag:s3] =	ssyncset.done $0x0  }
0x267: {  	[sflag:s3] =	ssyncadd.s32 $0xFFFFFC00  }
0x268: {  	_ =	swait.ge [sflag:s3], $0x400  }
0x269: {  	[sflag:s3] =	ssyncset.done $0x0  }
0x26a: {  	[sflag:s3] =	ssyncadd.s32 $0xFFFFFC00  }
0x26b: {  	_ =	swait.ge [sflag:s3], $0x400  }
0x26c: {  	[sflag:s3] =	ssyncset.done $0x0  }
0x26d: {  	[sflag:s3] =	ssyncadd.s32 $0xFFFFFC00  }
0x26e: {  	_ =	swait.ge [sflag:s3], $0x400  }
0x26f: {  	[sflag:s3] =	ssyncset.done $0x0  }
0x270: {  	[sflag:s3] =	ssyncadd.s32 $0xFFFFFC00  }
0x271: {  	_ =	swait.ge [sflag:s3], $0x400  }
0x272: {  	[sflag:s3] =	ssyncset.done $0x0  }
0x273: {  	[sflag:s3] =	ssyncadd.s32 $0xFFFFFC00  }
0x274: {  	_ =	swait.ge [sflag:s4], $0x400  }
0x275: {  	[sflag:s4] =	ssyncset.done $0x0  }
0x276: {  	[sflag:s4] =	ssyncadd.s32 $0xFFFFFC00  }
0x277: {  	_ =	swait.ge [sflag:s4], $0x400  }
0x278: {  	[sflag:s4] =	ssyncset.done $0x0  }
0x279: {  	[sflag:s4] =	ssyncadd.s32 $0xFFFFFC00  }
0x27a: {  	_ =	swait.ge [sflag:s4], $0x400  }
0x27b: {  	[sflag:s4] =	ssyncset.done $0x0  }
0x27c: {  	[sflag:s4] =	ssyncadd.s32 $0xFFFFFC00  }
0x27d: {  	_ =	swait.ge [sflag:s4], $0x400  }
0x27e: {  	[sflag:s4] =	ssyncset.done $0x0  }
0x27f: {  	[sflag:s4] =	ssyncadd.s32 $0xFFFFFC00  }
0x280: {  	_ =	swait.ge [sflag:s4], $0x400  }
0x281: {  	[sflag:s4] =	ssyncset.done $0x0  }
0x282: {  	[sflag:s4] =	ssyncadd.s32 $0xFFFFFC00  }
0x283: {  	_ =	swait.ge [sflag:s4], $0x400  }
0x284: {  	[sflag:s4] =	ssyncset.done $0x0  }
0x285: {  	[sflag:s4] =	ssyncadd.s32 $0xFFFFFC00  }
0x286: {  	_ =	swait.ge [sflag:s4], $0x400  }
0x287: {  	[sflag:s4] =	ssyncset.done $0x0  }
0x288: {  	[sflag:s4] =	ssyncadd.s32 $0xFFFFFC00  }
0x289: {  	_ =	swait.ge [sflag:s4], $0x400  }
0x28a: {  	[sflag:s4] =	ssyncset.done $0x0  }
0x28b: {  	[sflag:s4] =	ssyncadd.s32 $0xFFFFFC00  }
0x28c: {  	_ =	swait.ge [sflag:s4], $0x400  }
0x28d: {  	[sflag:s4] =	ssyncset.done $0x0  }
0x28e: {  	[sflag:s4] =	ssyncadd.s32 $0xFFFFFC00  }
0x28f: {  	_ =	swait.ge [sflag:s4], $0x400  }
0x290: {  	[sflag:s4] =	ssyncset.done $0x0  }
0x291: {  	[sflag:s4] =	ssyncadd.s32 $0xFFFFFC00  }
0x292: {  	_ =	swait.ge [sflag:s4], $0x400  }
0x293: {  	[sflag:s4] =	ssyncset.done $0x0  }
0x294: {  	[sflag:s4] =	ssyncadd.s32 $0xFFFFFC00  }
0x295: {  	_ =	swait.ge [sflag:s4], $0x400  }
0x296: {  	[sflag:s4] =	ssyncset.done $0x0  }
0x297: {  	[sflag:s4] =	ssyncadd.s32 $0xFFFFFC00  }
0x298: {  	_ =	swait.ge [sflag:s4], $0x400  }
0x299: {  	[sflag:s4] =	ssyncset.done $0x0  }
0x29a: {  	[sflag:s4] =	ssyncadd.s32 $0xFFFFFC00  }
0x29b: {  	_ =	swait.ge [sflag:s6], $0x400  }
0x29c: {  	[sflag:s6] =	ssyncset.done $0x0  }
0x29d: {  	[sflag:s6] =	ssyncadd.s32 $0xFFFFFC00  }
0x29e: {  	_ =	swait.ge [sflag:s6], $0x400  }
0x29f: {  	[sflag:s6] =	ssyncset.done $0x0  }
0x2a0: {  	[sflag:s6] =	ssyncadd.s32 $0xFFFFFC00  }
0x2a1: {  	_ =	swait.ge [sflag:s6], $0x400  }
0x2a2: {  	[sflag:s6] =	ssyncset.done $0x0  }
0x2a3: {  	[sflag:s6] =	ssyncadd.s32 $0xFFFFFC00  }
0x2a4: {  	_ =	swait.ge [sflag:s6], $0x400  }
0x2a5: {  	[sflag:s6] =	ssyncset.done $0x0  }
0x2a6: {  	[sflag:s6] =	ssyncadd.s32 $0xFFFFFC00  }
0x2a7: {  	_ =	swait.ge [sflag:s6], $0x400  }
0x2a8: {  	[sflag:s6] =	ssyncset.done $0x0  }
0x2a9: {  	[sflag:s6] =	ssyncadd.s32 $0xFFFFFC00  }
0x2aa: {  	_ =	swait.ge [sflag:s6], $0x400  }
0x2ab: {  	[sflag:s6] =	ssyncset.done $0x0  }
0x2ac: {  	[sflag:s6] =	ssyncadd.s32 $0xFFFFFC00  }
0x2ad: {  	_ =	swait.ge [sflag:s6], $0x400  }
0x2ae: {  	[sflag:s6] =	ssyncset.done $0x0  }
0x2af: {  	[sflag:s6] =	ssyncadd.s32 $0xFFFFFC00  }
0x2b0: {  	_ =	swait.ge [sflag:s6], $0x400  }
0x2b1: {  	[sflag:s6] =	ssyncset.done $0x0  }
0x2b2: {  	[sflag:s6] =	ssyncadd.s32 $0xFFFFFC00  }
0x2b3: {  	_ =	swait.ge [sflag:s6], $0x400  }
0x2b4: {  	[sflag:s6] =	ssyncset.done $0x0  }
0x2b5: {  	[sflag:s6] =	ssyncadd.s32 $0xFFFFFC00  }
0x2b6: {  	_ =	swait.ge [sflag:s6], $0x400  }
0x2b7: {  	[sflag:s6] =	ssyncset.done $0x0  }
0x2b8: {  	[sflag:s6] =	ssyncadd.s32 $0xFFFFFC00  }
0x2b9: {  	_ =	swait.ge [sflag:s6], $0x400  }
0x2ba: {  	[sflag:s6] =	ssyncset.done $0x0  }
0x2bb: {  	[sflag:s6] =	ssyncadd.s32 $0xFFFFFC00  }
0x2bc: {  	_ =	swait.ge [sflag:s6], $0x400  }
0x2bd: {  	[sflag:s6] =	ssyncset.done $0x0  }
0x2be: {  	[sflag:s6] =	ssyncadd.s32 $0xFFFFFC00  }
0x2bf: {  	_ =	swait.ge [sflag:s6], $0x400  }
0x2c0: {  	[sflag:s6] =	ssyncset.done $0x0  }
0x2c1: {  	[sflag:s6] =	ssyncadd.s32 $0xFFFFFC00  }
0x2c2: {  	_ =	swait.ge [sflag:s7], $0x400  }
0x2c3: {  	[sflag:s7] =	ssyncset.done $0x0  }
0x2c4: {  	[sflag:s7] =	ssyncadd.s32 $0xFFFFFC00  }
0x2c5: {  	_ =	swait.ge [sflag:s7], $0x400  }
0x2c6: {  	[sflag:s7] =	ssyncset.done $0x0  }
0x2c7: {  	[sflag:s7] =	ssyncadd.s32 $0xFFFFFC00  }
0x2c8: {  	_ =	swait.ge [sflag:s7], $0x400  }
0x2c9: {  	[sflag:s7] =	ssyncset.done $0x0  }
0x2ca: {  	[sflag:s7] =	ssyncadd.s32 $0xFFFFFC00  }
0x2cb: {  	_ =	swait.ge [sflag:s7], $0x400  }
0x2cc: {  	[sflag:s7] =	ssyncset.done $0x0  }
0x2cd: {  	[sflag:s7] =	ssyncadd.s32 $0xFFFFFC00  }
0x2ce: {  	_ =	swait.ge [sflag:s7], $0x400  }
0x2cf: {  	[sflag:s7] =	ssyncset.done $0x0  }
0x2d0: {  	[sflag:s7] =	ssyncadd.s32 $0xFFFFFC00  }
0x2d1: {  	_ =	swait.ge [sflag:s7], $0x400  }
0x2d2: {  	[sflag:s7] =	ssyncset.done $0x0  }
0x2d3: {  	[sflag:s7] =	ssyncadd.s32 $0xFFFFFC00  }
0x2d4: {  	_ =	swait.ge [sflag:s7], $0x400  }
0x2d5: {  	[sflag:s7] =	ssyncset.done $0x0  }
0x2d6: {  	[sflag:s7] =	ssyncadd.s32 $0xFFFFFC00  }
0x2d7: {  	_ =	swait.ge [sflag:s7], $0x400  }
0x2d8: {  	[sflag:s7] =	ssyncset.done $0x0  }
0x2d9: {  	[sflag:s7] =	ssyncadd.s32 $0xFFFFFC00  }
0x2da: {  	_ =	swait.ge [sflag:s7], $0x400  }
0x2db: {  	[sflag:s7] =	ssyncset.done $0x0  }
0x2dc: {  	[sflag:s7] =	ssyncadd.s32 $0xFFFFFC00  }
0x2dd: {  	_ =	swait.ge [sflag:s7], $0x400  }
0x2de: {  	[sflag:s7] =	ssyncset.done $0x0  }
0x2df: {  	[sflag:s7] =	ssyncadd.s32 $0xFFFFFC00  }
0x2e0: {  	_ =	swait.ge [sflag:s7], $0x400  }
0x2e1: {  	[sflag:s7] =	ssyncset.done $0x0  }
0x2e2: {  	[sflag:s7] =	ssyncadd.s32 $0xFFFFFC00  }
0x2e3: {  	_ =	swait.ge [sflag:s7], $0x400  }
0x2e4: {  	[sflag:s7] =	ssyncset.done $0x0  }
0x2e5: {  	[sflag:s7] =	ssyncadd.s32 $0xFFFFFC00  }
0x2e6: {  	_ =	swait.ge [sflag:s7], $0x400  }
0x2e7: {  	s10 =	simm.s32 $0x16C10;
	[sflag:s7] =	ssyncset.done $0x0  }
0x2e8: {  	s12 =	simm.s32 $0x5;
	s8 =	rddreg [dreg:$0x6];
	[sflag:s7] =	ssyncadd.s32 $0xFFFFFC00  }
0x2e9: {  	[hbm4b:s8+s2] =	stream.linear.scatter [tilespmem:s10], [sflag:$0x5], $0x80, $0x38;
	[tilespmem:$0x16C90] =	vst v63  }
0x2ea: {  	_ =	swait.ge [sflag:s12], $0x80  }
0x2eb: {  	s13 =	rddreg [dreg:$0x8]  }
0x2ec: {  	s14 =	rddreg [dreg:$0x7];
	s10 =	sadd.s32 $0x1, s13  }
0x2ed: {  	p0 =	sne.s32 s10, s14  }
.Ltmp5:
0x2ee: {  	_ = 	snop;
	(pc) =	sbr.rel @p0 .LBB2_1-.Ltmp5, $3  }
0x2ef: {  	_ =	sdelay $0x1  }
0x2f0: {  	[sflag:s12] =	ssyncset.done $0x0  }
0x2f1: {  	[sflag:s12] =	ssyncadd.s32 $0xFFFFFF80  }
0x2f2: {  	_ =	sfence.sel $0x180000  }
0x2f3: {  	[bflag:$0x0] =	sbarrier.arrive $0xFFFF  }
0x2f4: {  	_ =	strace $0x90000047  }
0x2f5: {  	s0 =	stileid.u32;
	[bflag:$0x2] =	sbarrier.arrive $0xFFFF  }
0x2f6: {  	p0 =	sne.s32 s0, $0x0;
	s0 =	rddreg [dreg:$0x2]  }
0x2f7: {  	s0 =	sadd.s32 @!p0 $0x100000, s0  }
0x2f8: {  	[sflag:s0] =	ssyncadd.tile.s32 @!p0 $0x1;
	_ =	shalt  }
.Lfunc_end2:
_tile_overlayer_lowered:
.L_overlay_start_2:
0x2f9: {  	(tag) =	ssettag $0x2  }
0x2fa: {  	s0 =	rddreg [dreg:$0x0];
	s2 =	stileid.u32  }
0x2fb: {  	s1 =	rddreg [dreg:$0x1];
	p0 =	sne.s32 s2, $0x0  }
0x2fc: {  	s3 =	rddreg [dreg:$0x2];
	[bflag:$0x3] =	sbarrier.arrive $0xFFFF;
	s2 =	simm.s32 @!p0 $0x1C05  }
0x2fd: {  	[timem:s3], [sflag:s2] =	dma.local @!p0 [hbm:s0], s1  }
0x2fe: {  	s0 =	simm.s32 @!p0 $0x5  }
0x2ff: {  	_ =	swait.ge @!p0 [sflag:s0], s1  }
0x300: {  	s1 =	ssub.s32 @!p0 $0x0, s1;
	[sflag:s0] =	ssyncset.done @!p0 $0x0  }
0x301: {  	[sflag:s0] =	ssyncadd.s32 @!p0 s1  }
0x302: {  	[bflag:$0x3] =	sbarrier.arrive $0xFFFF  }
0x303: {  	_ =	shalt  }

</sc_bundles>
